<compile_context>
chip_gen: v7x
topology: tpu7x:2x2x1
jax: 0.10.2.dev20260603
libtpu: 0.0.44.dev20260713+nightly
codegen_flags: <defaults>
</compile_context>

<pallas_src>
import functools

import jax
import jax.numpy as jnp
from jax import lax
from jax.experimental import pallas as pl
from jax.experimental.pallas import tpu as pltpu
from jax.experimental.pallas import tpu_sc as plsc

N = 10000
D = 128
E = 320000
CHUNK = 128
NC = 2
NS = 16
NW = NC * NS
SB = 16
NSB = 5
CPT = SB * NSB
NUM_CHUNKS = NW * CPT
E_PAD = NUM_CHUNKS * CHUNK
PAD = E_PAD - E
DEPTH = 2
NPAD = N + 64
RT = 624
RT_LAST = N - (NS - 1) * RT


@functools.cache
def _build_agg():
    mesh = plsc.VectorSubcoreMesh(core_axis_name="c", subcore_axis_name="s")

    def body(h_hbm, src_hbm, dst_hbm, z_hbm, psum_hbm,
             srci, dsti, rows, acc_sh, gsem, ssem):
        cid = lax.axis_index("c")
        sid = lax.axis_index("s")
        gwid = cid * NS + sid

        @pl.when(sid < NS - 1)
        def _():
            pltpu.sync_copy(z_hbm.at[pl.ds(0, RT)],
                            acc_sh.at[pl.ds(sid * RT, RT)])

        @pl.when(sid == NS - 1)
        def _():
            pltpu.sync_copy(z_hbm, acc_sh.at[pl.ds((NS - 1) * RT, RT_LAST)])

        plsc.subcore_barrier()

        def gather_start(j, r):
            pltpu.async_copy(h_hbm.at[srci.at[j]], rows.at[r], gsem.at[r])

        def gather_wait(j, r):
            pltpu.make_async_copy(h_hbm.at[srci.at[j]], rows.at[r],
                                  gsem.at[r]).wait()

        def scat_start(j, r):
            pltpu.async_copy(rows.at[r], acc_sh.at[dsti.at[j]], ssem.at[r],
                             add=True)

        def scat_wait(j, r):
            pltpu.make_async_copy(rows.at[r], acc_sh.at[dsti.at[j]],
                                  ssem.at[r]).wait()

        @pl.loop(0, NSB)
        def _(s):
            pltpu.sync_copy(src_hbm.at[gwid, s], srci)
            pltpu.sync_copy(dst_hbm.at[gwid, s], dsti)
            for j in range(SB):
                r = j % DEPTH
                if j >= DEPTH:
                    scat_wait(j - DEPTH, r)
                gather_start(j, r)
                if j >= 1:
                    rp = (j - 1) % DEPTH
                    gather_wait(j - 1, rp)
                    scat_start(j - 1, rp)
            rl = (SB - 1) % DEPTH
            gather_wait(SB - 1, rl)
            scat_start(SB - 1, rl)
            for j in range(SB - DEPTH, SB):
                scat_wait(j, j % DEPTH)

        plsc.subcore_barrier()

        @pl.when(sid < NS - 1)
        def _():
            b = sid * RT
            pltpu.sync_copy(acc_sh.at[pl.ds(b, RT)],
                            psum_hbm.at[pl.ds(cid * N + b, RT)])

        @pl.when(sid == NS - 1)
        def _():
            b = (NS - 1) * RT
            pltpu.sync_copy(acc_sh.at[pl.ds(b, RT_LAST)],
                            psum_hbm.at[pl.ds(cid * N + b, RT_LAST)])

    return pl.kernel(
        body,
        out_type=jax.ShapeDtypeStruct((NC * N, D), jnp.float32),
        mesh=mesh,
        scratch_types=[
            pltpu.VMEM((SB, CHUNK), jnp.int32),
            pltpu.VMEM((SB, CHUNK), jnp.int32),
            pltpu.VMEM((DEPTH, CHUNK, D), jnp.float32),
            pltpu.VMEM_SHARED((NPAD, D), jnp.float32),
            pltpu.SemaphoreType.DMA((DEPTH,)),
            pltpu.SemaphoreType.DMA((DEPTH,)),
        ],
    )


@functools.cache
def _build_counts():
    mesh = plsc.VectorSubcoreMesh(core_axis_name="c", subcore_axis_name="s")

    def body(dst_hbm, z_hbm, ones_hbm, pcnt_hbm, dsti, ones_v, cnt_sh, sem):
        cid = lax.axis_index("c")
        sid = lax.axis_index("s")
        gwid = cid * NS + sid

        @pl.when(sid < NS - 1)
        def _():
            pltpu.sync_copy(z_hbm.at[pl.ds(0, RT)],
                            cnt_sh.at[pl.ds(sid * RT, RT)])

        @pl.when(sid == NS - 1)
        def _():
            pltpu.sync_copy(z_hbm, cnt_sh.at[pl.ds((NS - 1) * RT, RT_LAST)])

        pltpu.sync_copy(ones_hbm, ones_v)
        plsc.subcore_barrier()

        @pl.loop(0, NSB)
        def _(s):
            pltpu.sync_copy(dst_hbm.at[gwid, s], dsti)
            for j in range(SB):
                pltpu.async_copy(ones_v, cnt_sh.at[dsti.at[j]], sem, add=True)
            for j in range(SB):
                pltpu.make_async_copy(ones_v, cnt_sh.at[dsti.at[j]],
                                      sem).wait()

        plsc.subcore_barrier()

        @pl.when(sid < NS - 1)
        def _():
            b = sid * RT
            pltpu.sync_copy(cnt_sh.at[pl.ds(b, RT)],
                            pcnt_hbm.at[pl.ds(cid * N + b, RT)])

        @pl.when(sid == NS - 1)
        def _():
            b = (NS - 1) * RT
            pltpu.sync_copy(cnt_sh.at[pl.ds(b, RT_LAST)],
                            pcnt_hbm.at[pl.ds(cid * N + b, RT_LAST)])

    return pl.kernel(
        body,
        out_type=jax.ShapeDtypeStruct((NC * N, D), jnp.float32),
        mesh=mesh,
        scratch_types=[
            pltpu.VMEM((SB, CHUNK), jnp.int32),
            pltpu.VMEM((CHUNK, D), jnp.float32),
            pltpu.VMEM_SHARED((NPAD, D), jnp.float32),
            pltpu.SemaphoreType.DMA,
        ],
    )


BN = 2000


@functools.cache
def _build_linear(relu: bool):

    def body(h_ref, ps_ref, pc_ref, wt_ref, b_ref, o_ref):
        sums = ps_ref[0] + ps_ref[1]
        cnt = pc_ref[0][:, 0:1] + pc_ref[1][:, 0:1]
        row0 = pl.program_id(0) * BN
        rows = jax.lax.broadcasted_iota(jnp.int32, (BN, 1), 0) + row0
        cnt = cnt - jnp.where(rows < PAD, 1.0, 0.0)
        h_n = sums / jnp.maximum(cnt, 1.0)
        acc = jnp.dot(h_ref[...], wt_ref[0:D, :],
                      preferred_element_type=jnp.float32)
        acc += jnp.dot(h_n, wt_ref[D:2 * D, :],
                       preferred_element_type=jnp.float32)
        acc += b_ref[...]
        if relu:
            acc = jnp.maximum(acc, 0.0)
        o_ref[...] = acc

    return pl.pallas_call(
        body,
        grid=(N // BN,),
        in_specs=[
            pl.BlockSpec((BN, D), lambda i: (i, 0)),
            pl.BlockSpec((NC, BN, D), lambda i: (0, i, 0)),
            pl.BlockSpec((NC, BN, D), lambda i: (0, i, 0)),
            pl.BlockSpec((2 * D, D), lambda i: (0, 0)),
            pl.BlockSpec((1, D), lambda i: (0, 0)),
        ],
        out_specs=pl.BlockSpec((BN, D), lambda i: (i, 0)),
        out_shape=jax.ShapeDtypeStruct((N, D), jnp.float32),
    )


def kernel(x, edge_index, W1, b1, W2, b2):
    pad_src = N + (jnp.arange(PAD, dtype=jnp.int32) % (NPAD - N))
    pad_dst = jnp.arange(PAD, dtype=jnp.int32)
    src = jnp.concatenate(
        [edge_index[0].reshape(NW, E // NW),
         pad_src.reshape(NW, PAD // NW)], axis=1
    ).reshape(NW, NSB, SB, CHUNK)
    dst = jnp.concatenate(
        [edge_index[1].reshape(NW, E // NW),
         pad_dst.reshape(NW, PAD // NW)], axis=1
    ).reshape(NW, NSB, SB, CHUNK)
    zeros = jnp.zeros((RT_LAST, D), jnp.float32)
    ones = jnp.ones((CHUNK, D), jnp.float32)
    w1t = W1.T
    w2t = W2.T
    b1r = b1.reshape(1, D)
    b2r = b2.reshape(1, D)

    zrow = jnp.zeros((NPAD - N, D), jnp.float32)
    pc = _build_counts()(dst, zeros, ones).reshape(NC, N, D)
    ps1 = _build_agg()(jnp.concatenate([x, zrow]), src, dst,
                       zeros).reshape(NC, N, D)
    h1 = _build_linear(True)(x, ps1, pc, w1t, b1r)
    ps2 = _build_agg()(jnp.concatenate([h1, zrow]), src, dst,
                       zeros).reshape(NC, N, D)
    return _build_linear(False)(h1, ps2, pc, w2t, b2r)

# --- scband reference (transcript-rebuilt; emitter-appended) ---
"""Pipeline reference for scband-model-60327110639807 (READ-ONLY COPY).

The authoritative reference and input builder live on the scoring server;
editing this copy changes nothing except your own understanding.
"""

import jax, jax.numpy as jnp
import numpy as np

N = 10000
E = 320000
D = 128
H = 128
O = 128


def setup_inputs(seed: int = 0) -> dict:
    key = jax.random.key(seed)
    k1, k2, k3, k4, k5, k6 = jax.random.split(key, 6)
    x = jax.random.normal(k1, (N, D), dtype=jnp.float32)
    edge_index = jax.random.randint(k2, (2, E), 0, N, dtype=jnp.int32)
    # Layer 1 linear: in = 2*D, out = H (PyTorch Linear weight layout [out, in])
    W1 = jax.random.normal(k3, (H, 2 * D), dtype=jnp.float32) * (1.0 / np.sqrt(2 * D))
    b1 = jax.random.normal(k4, (H,), dtype=jnp.float32) * 0.01
    # Layer 2 linear: in = 2*H, out = O
    W2 = jax.random.normal(k5, (O, 2 * H), dtype=jnp.float32) * (1.0 / np.sqrt(2 * H))
    b2 = jax.random.normal(k6, (O,), dtype=jnp.float32) * 0.01
    return {"x": x, "edge_index": edge_index, "W1": W1, "b1": b1, "W2": W2, "b2": b2}


def _mean_aggregate(h, src, dst, num_nodes):
    # DGL update_all(copy_u, mean): each dst node averages features of its src neighbors
    msgs = jnp.take(h, src, axis=0)                                  # gather  [E, d]
    sums = jax.ops.segment_sum(msgs, dst, num_segments=num_nodes)    # scatter-add [N, d]
    cnt = jax.ops.segment_sum(jnp.ones((src.shape[0],), h.dtype), dst, num_segments=num_nodes)
    return sums / jnp.maximum(cnt, 1.0)[:, None]


def _sage_conv(h, src, dst, W, b, num_nodes):
    h_N = _mean_aggregate(h, src, dst, num_nodes)
    h_total = jnp.concatenate([h, h_N], axis=1)
    return h_total @ W.T + b


def reference(x, edge_index, W1, b1, W2, b2):
    src = edge_index[0]
    dst = edge_index[1]
    h = _sage_conv(x, src, dst, W1, b1, N)
    h = jax.nn.relu(h)
    out = _sage_conv(h, src, dst, W2, b2, N)
    return out

if __name__ == "__main__":
    import jax
    _d = setup_inputs()
    print(jax.jit(kernel)(*tuple(_d.values())))

</pallas_src>

<mosaic_0001>
#map = affine_map<(d0, d1) -> (0, 0, 0, 0)>
#map1 = affine_map<(d0, d1) -> (0, 0)>
module attributes {stable_mosaic.version = 14 : i64} {
  func.func @body(%arg0: i32, %arg1: i32, %arg2: memref<32x5x16x128xi32, #tpu.memory_space<hbm>>, %arg3: memref<640x128xf32, #tpu.memory_space<hbm>>, %arg4: memref<128x128xf32, #tpu.memory_space<hbm>>, %arg5: memref<20000x128xf32, #tpu.memory_space<hbm>>, %arg6: memref<16x128xi32, #tpu.memory_space<vmem>>, %arg7: memref<128x128xf32, #tpu.memory_space<vmem>>, %arg8: memref<10064x128xf32, #tpu.memory_space<vmem_shared>>, %arg9: memref<!tpu.dma_semaphore, #tpu.memory_space<semaphore_mem>>) attributes {dimension_semantics = [#tpu.dimension_semantics<core_parallel>, #tpu.dimension_semantics<subcore_parallel>], iteration_bounds = array<i64: 2, 16>, scalar_prefetch = 0 : i64, scratch_operands = 4 : i64, tpu.core_type = #tpu.core_type<sc_vector_subcore>, window_params = [{transform_indices = #map}, {transform_indices = #map1}, {transform_indices = #map1}, {transform_indices = #map1}]} {
    %mul3A = arith.constant 16 : i32
    %mul3A_0 = arith.muli %arg0, %mul3A : i32
    %add3A = arith.addi %mul3A_0, %arg1 : i32
    %lt3A = arith.constant 15 : i32
    %lt3A_1 = arith.cmpi slt, %arg1, %lt3A : i32
    %convert_element_type3A = arith.extui %lt3A_1 : i1 to i32
    %cond3A = arith.constant 0 : i32
    %cond3A_2 = arith.cmpi ne, %convert_element_type3A, %cond3A : i32
    scf.if %cond3A_2 {
      %mul3A_22 = arith.constant 624 : i32
      %mul3A_23 = arith.muli %arg1, %mul3A_22 : i32
      "tpu.region"() ({
        %run_scoped3A = tpu.sem_alloc : memref<!tpu.dma_semaphore, #tpu.memory_space<semaphore_mem>>
        %dma_start3A = arith.constant 0 : i32
        %dma_start3A_24 = tpu.memref_slice %arg8[%mul3A_23, %dma_start3A] : memref<10064x128xf32, #tpu.memory_space<vmem_shared>> -> memref<624x128xf32, #tpu.memory_space<vmem_shared>>
        %dma_start3A_25 = arith.constant 0 : i32
        %dma_start3A_26 = arith.constant 0 : i32
        %dma_start3A_27 = tpu.memref_slice %arg3[%dma_start3A_25, %dma_start3A_26] : memref<640x128xf32, #tpu.memory_space<hbm>> -> memref<624x128xf32, #tpu.memory_space<hbm>>
        tpu.enqueue_dma source(%dma_start3A_27 : memref<624x128xf32, #tpu.memory_space<hbm>>) target(%dma_start3A_24 : memref<624x128xf32, #tpu.memory_space<vmem_shared>>) target_semaphore(%run_scoped3A : memref<!tpu.dma_semaphore, #tpu.memory_space<semaphore_mem>>)
        %dma_wait3A = arith.constant 0 : i32
        %dma_wait3A_28 = tpu.memref_slice %arg8[%mul3A_23, %dma_wait3A] : memref<10064x128xf32, #tpu.memory_space<vmem_shared>> -> memref<624x128xf32, #tpu.memory_space<vmem_shared>>
        %dma_wait3A_29 = arith.constant 0 : i32
        %dma_wait3A_30 = arith.constant 0 : i32
        %dma_wait3A_31 = tpu.memref_slice %arg3[%dma_wait3A_29, %dma_wait3A_30] : memref<640x128xf32, #tpu.memory_space<hbm>> -> memref<624x128xf32, #tpu.memory_space<hbm>>
        tpu.wait_dma2 semaphore(%run_scoped3A : memref<!tpu.dma_semaphore, #tpu.memory_space<semaphore_mem>>) src(%dma_wait3A_31 : memref<624x128xf32, #tpu.memory_space<hbm>>) dst(%dma_wait3A_28 : memref<624x128xf32, #tpu.memory_space<vmem_shared>>)
        tpu.yield
      }) : () -> ()
    } else {
    }
    %eq3A = arith.constant 15 : i32
    %eq3A_3 = arith.cmpi eq, %arg1, %eq3A : i32
    %convert_element_type3A_4 = arith.extui %eq3A_3 : i1 to i32
    %cond3A_5 = arith.constant 0 : i32
    %cond3A_6 = arith.cmpi ne, %convert_element_type3A_4, %cond3A_5 : i32
    scf.if %cond3A_6 {
      "tpu.region"() ({
        %run_scoped3A = tpu.sem_alloc : memref<!tpu.dma_semaphore, #tpu.memory_space<semaphore_mem>>
        %dma_start3A = arith.constant 9360 : i32
        %dma_start3A_22 = arith.constant 0 : i32
        %dma_start3A_23 = tpu.memref_slice %arg8[%dma_start3A, %dma_start3A_22] : memref<10064x128xf32, #tpu.memory_space<vmem_shared>> -> memref<640x128xf32, #tpu.memory_space<vmem_shared>>
        tpu.enqueue_dma source(%arg3 : memref<640x128xf32, #tpu.memory_space<hbm>>) target(%dma_start3A_23 : memref<640x128xf32, #tpu.memory_space<vmem_shared>>) target_semaphore(%run_scoped3A : memref<!tpu.dma_semaphore, #tpu.memory_space<semaphore_mem>>)
        %dma_wait3A = arith.constant 9360 : i32
        %dma_wait3A_24 = arith.constant 0 : i32
        %dma_wait3A_25 = tpu.memref_slice %arg8[%dma_wait3A, %dma_wait3A_24] : memref<10064x128xf32, #tpu.memory_space<vmem_shared>> -> memref<640x128xf32, #tpu.memory_space<vmem_shared>>
        tpu.wait_dma2 semaphore(%run_scoped3A : memref<!tpu.dma_semaphore, #tpu.memory_space<semaphore_mem>>) src(%arg3 : memref<640x128xf32, #tpu.memory_space<hbm>>) dst(%dma_wait3A_25 : memref<640x128xf32, #tpu.memory_space<vmem_shared>>)
        tpu.yield
      }) : () -> ()
    } else {
    }
    "tpu.region"() ({
      %run_scoped3A = tpu.sem_alloc : memref<!tpu.dma_semaphore, #tpu.memory_space<semaphore_mem>>
      tpu.enqueue_dma source(%arg4 : memref<128x128xf32, #tpu.memory_space<hbm>>) target(%arg7 : memref<128x128xf32, #tpu.memory_space<vmem>>) target_semaphore(%run_scoped3A : memref<!tpu.dma_semaphore, #tpu.memory_space<semaphore_mem>>)
      tpu.wait_dma2 semaphore(%run_scoped3A : memref<!tpu.dma_semaphore, #tpu.memory_space<semaphore_mem>>) src(%arg4 : memref<128x128xf32, #tpu.memory_space<hbm>>) dst(%arg7 : memref<128x128xf32, #tpu.memory_space<vmem>>)
      tpu.yield
    }) : () -> ()
    %barrier3A = arith.constant 0 : index
    tpu.barrier barrier_id(%barrier3A)
    %scan3A = arith.constant 0 : i32
    %scan3A_7 = arith.constant 5 : i32
    %scan3A_8 = arith.addi %scan3A, %scan3A_7 : i32
    %scan3A_9 = arith.constant 1 : i32
    scf.for %scan3A_22 = %scan3A to %scan3A_8 step %scan3A_9  : i32 {
      %mul3A_23 = arith.constant 1 : i32
      %mul3A_24 = arith.muli %scan3A_22, %mul3A_23 : i32
      %add3A_25 = arith.constant 0 : i32
      %add3A_26 = arith.addi %add3A_25, %mul3A_24 : i32
      "tpu.region"() ({
        %run_scoped3A = tpu.sem_alloc : memref<!tpu.dma_semaphore, #tpu.memory_space<semaphore_mem>>
        %dma_start3A_249 = arith.constant 0 : i32
        %dma_start3A_250 = arith.constant 0 : i32
        %dma_start3A_251 = tpu.memref_slice %arg2[%add3A, %add3A_26, %dma_start3A_249, %dma_start3A_250] : memref<32x5x16x128xi32, #tpu.memory_space<hbm>> -> memref<1x1x16x128xi32, #tpu.memory_space<hbm>>
        %dma_start3A_252 = tpu.memref_squeeze %dma_start3A_251 : memref<1x1x16x128xi32, #tpu.memory_space<hbm>> -> memref<16x128xi32, #tpu.memory_space<hbm>>
        %dma_start3A_253 = arith.constant 0 : i32
        %dma_start3A_254 = arith.constant 0 : i32
        %dma_start3A_255 = tpu.memref_slice %arg2[%add3A, %add3A_26, %dma_start3A_253, %dma_start3A_254] : memref<32x5x16x128xi32, #tpu.memory_space<hbm>> -> memref<1x1x16x128xi32, #tpu.memory_space<hbm>>
        %dma_start3A_256 = tpu.memref_squeeze %dma_start3A_255 : memref<1x1x16x128xi32, #tpu.memory_space<hbm>> -> memref<16x128xi32, #tpu.memory_space<hbm>>
        tpu.enqueue_dma source(%dma_start3A_256 : memref<16x128xi32, #tpu.memory_space<hbm>>) target(%arg6 : memref<16x128xi32, #tpu.memory_space<vmem>>) target_semaphore(%run_scoped3A : memref<!tpu.dma_semaphore, #tpu.memory_space<semaphore_mem>>)
        %dma_wait3A_257 = arith.constant 0 : i32
        %dma_wait3A_258 = arith.constant 0 : i32
        %dma_wait3A_259 = tpu.memref_slice %arg2[%add3A, %add3A_26, %dma_wait3A_257, %dma_wait3A_258] : memref<32x5x16x128xi32, #tpu.memory_space<hbm>> -> memref<1x1x16x128xi32, #tpu.memory_space<hbm>>
        %dma_wait3A_260 = tpu.memref_squeeze %dma_wait3A_259 : memref<1x1x16x128xi32, #tpu.memory_space<hbm>> -> memref<16x128xi32, #tpu.memory_space<hbm>>
        %dma_wait3A_261 = arith.constant 0 : i32
        %dma_wait3A_262 = arith.constant 0 : i32
        %dma_wait3A_263 = tpu.memref_slice %arg2[%add3A, %add3A_26, %dma_wait3A_261, %dma_wait3A_262] : memref<32x5x16x128xi32, #tpu.memory_space<hbm>> -> memref<1x1x16x128xi32, #tpu.memory_space<hbm>>
        %dma_wait3A_264 = tpu.memref_squeeze %dma_wait3A_263 : memref<1x1x16x128xi32, #tpu.memory_space<hbm>> -> memref<16x128xi32, #tpu.memory_space<hbm>>
        tpu.wait_dma2 semaphore(%run_scoped3A : memref<!tpu.dma_semaphore, #tpu.memory_space<semaphore_mem>>) src(%dma_wait3A_264 : memref<16x128xi32, #tpu.memory_space<hbm>>) dst(%arg6 : memref<16x128xi32, #tpu.memory_space<vmem>>)
        tpu.yield
      }) : () -> ()
      %dma_start3A = arith.constant 0 : i32
      %dma_start3A_27 = arith.constant 0 : i32
      %dma_start3A_28 = tpu.memref_slice %arg6[%dma_start3A, %dma_start3A_27] : memref<16x128xi32, #tpu.memory_space<vmem>> -> memref<1x128xi32, #tpu.memory_space<vmem>>
      %dma_start3A_29 = tpu.memref_squeeze %dma_start3A_28 : memref<1x128xi32, #tpu.memory_space<vmem>> -> memref<128xi32, #tpu.memory_space<vmem>>
      %dma_start3A_30 = arith.constant 0 : i32
      %dma_start3A_31 = arith.constant 0 : i32
      %dma_start3A_32 = tpu.memref_slice %arg8[%dma_start3A_30, %dma_start3A_31] : memref<10064x128xf32, #tpu.memory_space<vmem_shared>> -> memref<10064x128xf32, #tpu.memory_space<vmem_shared>>
      tpu.enqueue_indirect_dma source(%arg7 : memref<128x128xf32, #tpu.memory_space<vmem>>) target(%dma_start3A_32 : memref<10064x128xf32, #tpu.memory_space<vmem_shared>>) offsets(%dma_start3A_29 : memref<128xi32, #tpu.memory_space<vmem>>) semaphore(%arg9 : memref<!tpu.dma_semaphore, #tpu.memory_space<semaphore_mem>>) {add = true}
      %dma_start3A_33 = arith.constant 1 : i32
      %dma_start3A_34 = arith.constant 0 : i32
      %dma_start3A_35 = tpu.memref_slice %arg6[%dma_start3A_33, %dma_start3A_34] : memref<16x128xi32, #tpu.memory_space<vmem>> -> memref<1x128xi32, #tpu.memory_space<vmem>>
      %dma_start3A_36 = tpu.memref_squeeze %dma_start3A_35 : memref<1x128xi32, #tpu.memory_space<vmem>> -> memref<128xi32, #tpu.memory_space<vmem>>
      %dma_start3A_37 = arith.constant 0 : i32
      %dma_start3A_38 = arith.constant 0 : i32
      %dma_start3A_39 = tpu.memref_slice %arg8[%dma_start3A_37, %dma_start3A_38] : memref<10064x128xf32, #tpu.memory_space<vmem_shared>> -> memref<10064x128xf32, #tpu.memory_space<vmem_shared>>
      tpu.enqueue_indirect_dma source(%arg7 : memref<128x128xf32, #tpu.memory_space<vmem>>) target(%dma_start3A_39 : memref<10064x128xf32, #tpu.memory_space<vmem_shared>>) offsets(%dma_start3A_36 : memref<128xi32, #tpu.memory_space<vmem>>) semaphore(%arg9 : memref<!tpu.dma_semaphore, #tpu.memory_space<semaphore_mem>>) {add = true}
      %dma_start3A_40 = arith.constant 2 : i32
      %dma_start3A_41 = arith.constant 0 : i32
      %dma_start3A_42 = tpu.memref_slice %arg6[%dma_start3A_40, %dma_start3A_41] : memref<16x128xi32, #tpu.memory_space<vmem>> -> memref<1x128xi32, #tpu.memory_space<vmem>>
      %dma_start3A_43 = tpu.memref_squeeze %dma_start3A_42 : memref<1x128xi32, #tpu.memory_space<vmem>> -> memref<128xi32, #tpu.memory_space<vmem>>
      %dma_start3A_44 = arith.constant 0 : i32
      %dma_start3A_45 = arith.constant 0 : i32
      %dma_start3A_46 = tpu.memref_slice %arg8[%dma_start3A_44, %dma_start3A_45] : memref<10064x128xf32, #tpu.memory_space<vmem_shared>> -> memref<10064x128xf32, #tpu.memory_space<vmem_shared>>
      tpu.enqueue_indirect_dma source(%arg7 : memref<128x128xf32, #tpu.memory_space<vmem>>) target(%dma_start3A_46 : memref<10064x128xf32, #tpu.memory_space<vmem_shared>>) offsets(%dma_start3A_43 : memref<128xi32, #tpu.memory_space<vmem>>) semaphore(%arg9 : memref<!tpu.dma_semaphore, #tpu.memory_space<semaphore_mem>>) {add = true}
      %dma_start3A_47 = arith.constant 3 : i32
      %dma_start3A_48 = arith.constant 0 : i32
      %dma_start3A_49 = tpu.memref_slice %arg6[%dma_start3A_47, %dma_start3A_48] : memref<16x128xi32, #tpu.memory_space<vmem>> -> memref<1x128xi32, #tpu.memory_space<vmem>>
      %dma_start3A_50 = tpu.memref_squeeze %dma_start3A_49 : memref<1x128xi32, #tpu.memory_space<vmem>> -> memref<128xi32, #tpu.memory_space<vmem>>
      %dma_start3A_51 = arith.constant 0 : i32
      %dma_start3A_52 = arith.constant 0 : i32
      %dma_start3A_53 = tpu.memref_slice %arg8[%dma_start3A_51, %dma_start3A_52] : memref<10064x128xf32, #tpu.memory_space<vmem_shared>> -> memref<10064x128xf32, #tpu.memory_space<vmem_shared>>
      tpu.enqueue_indirect_dma source(%arg7 : memref<128x128xf32, #tpu.memory_space<vmem>>) target(%dma_start3A_53 : memref<10064x128xf32, #tpu.memory_space<vmem_shared>>) offsets(%dma_start3A_50 : memref<128xi32, #tpu.memory_space<vmem>>) semaphore(%arg9 : memref<!tpu.dma_semaphore, #tpu.memory_space<semaphore_mem>>) {add = true}
      %dma_start3A_54 = arith.constant 4 : i32
      %dma_start3A_55 = arith.constant 0 : i32
      %dma_start3A_56 = tpu.memref_slice %arg6[%dma_start3A_54, %dma_start3A_55] : memref<16x128xi32, #tpu.memory_space<vmem>> -> memref<1x128xi32, #tpu.memory_space<vmem>>
      %dma_start3A_57 = tpu.memref_squeeze %dma_start3A_56 : memref<1x128xi32, #tpu.memory_space<vmem>> -> memref<128xi32, #tpu.memory_space<vmem>>
      %dma_start3A_58 = arith.constant 0 : i32
      %dma_start3A_59 = arith.constant 0 : i32
      %dma_start3A_60 = tpu.memref_slice %arg8[%dma_start3A_58, %dma_start3A_59] : memref<10064x128xf32, #tpu.memory_space<vmem_shared>> -> memref<10064x128xf32, #tpu.memory_space<vmem_shared>>
      tpu.enqueue_indirect_dma source(%arg7 : memref<128x128xf32, #tpu.memory_space<vmem>>) target(%dma_start3A_60 : memref<10064x128xf32, #tpu.memory_space<vmem_shared>>) offsets(%dma_start3A_57 : memref<128xi32, #tpu.memory_space<vmem>>) semaphore(%arg9 : memref<!tpu.dma_semaphore, #tpu.memory_space<semaphore_mem>>) {add = true}
      %dma_start3A_61 = arith.constant 5 : i32
      %dma_start3A_62 = arith.constant 0 : i32
      %dma_start3A_63 = tpu.memref_slice %arg6[%dma_start3A_61, %dma_start3A_62] : memref<16x128xi32, #tpu.memory_space<vmem>> -> memref<1x128xi32, #tpu.memory_space<vmem>>
      %dma_start3A_64 = tpu.memref_squeeze %dma_start3A_63 : memref<1x128xi32, #tpu.memory_space<vmem>> -> memref<128xi32, #tpu.memory_space<vmem>>
      %dma_start3A_65 = arith.constant 0 : i32
      %dma_start3A_66 = arith.constant 0 : i32
      %dma_start3A_67 = tpu.memref_slice %arg8[%dma_start3A_65, %dma_start3A_66] : memref<10064x128xf32, #tpu.memory_space<vmem_shared>> -> memref<10064x128xf32, #tpu.memory_space<vmem_shared>>
      tpu.enqueue_indirect_dma source(%arg7 : memref<128x128xf32, #tpu.memory_space<vmem>>) target(%dma_start3A_67 : memref<10064x128xf32, #tpu.memory_space<vmem_shared>>) offsets(%dma_start3A_64 : memref<128xi32, #tpu.memory_space<vmem>>) semaphore(%arg9 : memref<!tpu.dma_semaphore, #tpu.memory_space<semaphore_mem>>) {add = true}
      %dma_start3A_68 = arith.constant 6 : i32
      %dma_start3A_69 = arith.constant 0 : i32
      %dma_start3A_70 = tpu.memref_slice %arg6[%dma_start3A_68, %dma_start3A_69] : memref<16x128xi32, #tpu.memory_space<vmem>> -> memref<1x128xi32, #tpu.memory_space<vmem>>
      %dma_start3A_71 = tpu.memref_squeeze %dma_start3A_70 : memref<1x128xi32, #tpu.memory_space<vmem>> -> memref<128xi32, #tpu.memory_space<vmem>>
      %dma_start3A_72 = arith.constant 0 : i32
      %dma_start3A_73 = arith.constant 0 : i32
      %dma_start3A_74 = tpu.memref_slice %arg8[%dma_start3A_72, %dma_start3A_73] : memref<10064x128xf32, #tpu.memory_space<vmem_shared>> -> memref<10064x128xf32, #tpu.memory_space<vmem_shared>>
      tpu.enqueue_indirect_dma source(%arg7 : memref<128x128xf32, #tpu.memory_space<vmem>>) target(%dma_start3A_74 : memref<10064x128xf32, #tpu.memory_space<vmem_shared>>) offsets(%dma_start3A_71 : memref<128xi32, #tpu.memory_space<vmem>>) semaphore(%arg9 : memref<!tpu.dma_semaphore, #tpu.memory_space<semaphore_mem>>) {add = true}
      %dma_start3A_75 = arith.constant 7 : i32
      %dma_start3A_76 = arith.constant 0 : i32
      %dma_start3A_77 = tpu.memref_slice %arg6[%dma_start3A_75, %dma_start3A_76] : memref<16x128xi32, #tpu.memory_space<vmem>> -> memref<1x128xi32, #tpu.memory_space<vmem>>
      %dma_start3A_78 = tpu.memref_squeeze %dma_start3A_77 : memref<1x128xi32, #tpu.memory_space<vmem>> -> memref<128xi32, #tpu.memory_space<vmem>>
      %dma_start3A_79 = arith.constant 0 : i32
      %dma_start3A_80 = arith.constant 0 : i32
      %dma_start3A_81 = tpu.memref_slice %arg8[%dma_start3A_79, %dma_start3A_80] : memref<10064x128xf32, #tpu.memory_space<vmem_shared>> -> memref<10064x128xf32, #tpu.memory_space<vmem_shared>>
      tpu.enqueue_indirect_dma source(%arg7 : memref<128x128xf32, #tpu.memory_space<vmem>>) target(%dma_start3A_81 : memref<10064x128xf32, #tpu.memory_space<vmem_shared>>) offsets(%dma_start3A_78 : memref<128xi32, #tpu.memory_space<vmem>>) semaphore(%arg9 : memref<!tpu.dma_semaphore, #tpu.memory_space<semaphore_mem>>) {add = true}
      %dma_start3A_82 = arith.constant 8 : i32
      %dma_start3A_83 = arith.constant 0 : i32
      %dma_start3A_84 = tpu.memref_slice %arg6[%dma_start3A_82, %dma_start3A_83] : memref<16x128xi32, #tpu.memory_space<vmem>> -> memref<1x128xi32, #tpu.memory_space<vmem>>
      %dma_start3A_85 = tpu.memref_squeeze %dma_start3A_84 : memref<1x128xi32, #tpu.memory_space<vmem>> -> memref<128xi32, #tpu.memory_space<vmem>>
      %dma_start3A_86 = arith.constant 0 : i32
      %dma_start3A_87 = arith.constant 0 : i32
      %dma_start3A_88 = tpu.memref_slice %arg8[%dma_start3A_86, %dma_start3A_87] : memref<10064x128xf32, #tpu.memory_space<vmem_shared>> -> memref<10064x128xf32, #tpu.memory_space<vmem_shared>>
      tpu.enqueue_indirect_dma source(%arg7 : memref<128x128xf32, #tpu.memory_space<vmem>>) target(%dma_start3A_88 : memref<10064x128xf32, #tpu.memory_space<vmem_shared>>) offsets(%dma_start3A_85 : memref<128xi32, #tpu.memory_space<vmem>>) semaphore(%arg9 : memref<!tpu.dma_semaphore, #tpu.memory_space<semaphore_mem>>) {add = true}
      %dma_start3A_89 = arith.constant 9 : i32
      %dma_start3A_90 = arith.constant 0 : i32
      %dma_start3A_91 = tpu.memref_slice %arg6[%dma_start3A_89, %dma_start3A_90] : memref<16x128xi32, #tpu.memory_space<vmem>> -> memref<1x128xi32, #tpu.memory_space<vmem>>
      %dma_start3A_92 = tpu.memref_squeeze %dma_start3A_91 : memref<1x128xi32, #tpu.memory_space<vmem>> -> memref<128xi32, #tpu.memory_space<vmem>>
      %dma_start3A_93 = arith.constant 0 : i32
      %dma_start3A_94 = arith.constant 0 : i32
      %dma_start3A_95 = tpu.memref_slice %arg8[%dma_start3A_93, %dma_start3A_94] : memref<10064x128xf32, #tpu.memory_space<vmem_shared>> -> memref<10064x128xf32, #tpu.memory_space<vmem_shared>>
      tpu.enqueue_indirect_dma source(%arg7 : memref<128x128xf32, #tpu.memory_space<vmem>>) target(%dma_start3A_95 : memref<10064x128xf32, #tpu.memory_space<vmem_shared>>) offsets(%dma_start3A_92 : memref<128xi32, #tpu.memory_space<vmem>>) semaphore(%arg9 : memref<!tpu.dma_semaphore, #tpu.memory_space<semaphore_mem>>) {add = true}
      %dma_start3A_96 = arith.constant 10 : i32
      %dma_start3A_97 = arith.constant 0 : i32
      %dma_start3A_98 = tpu.memref_slice %arg6[%dma_start3A_96, %dma_start3A_97] : memref<16x128xi32, #tpu.memory_space<vmem>> -> memref<1x128xi32, #tpu.memory_space<vmem>>
      %dma_start3A_99 = tpu.memref_squeeze %dma_start3A_98 : memref<1x128xi32, #tpu.memory_space<vmem>> -> memref<128xi32, #tpu.memory_space<vmem>>
      %dma_start3A_100 = arith.constant 0 : i32
      %dma_start3A_101 = arith.constant 0 : i32
      %dma_start3A_102 = tpu.memref_slice %arg8[%dma_start3A_100, %dma_start3A_101] : memref<10064x128xf32, #tpu.memory_space<vmem_shared>> -> memref<10064x128xf32, #tpu.memory_space<vmem_shared>>
      tpu.enqueue_indirect_dma source(%arg7 : memref<128x128xf32, #tpu.memory_space<vmem>>) target(%dma_start3A_102 : memref<10064x128xf32, #tpu.memory_space<vmem_shared>>) offsets(%dma_start3A_99 : memref<128xi32, #tpu.memory_space<vmem>>) semaphore(%arg9 : memref<!tpu.dma_semaphore, #tpu.memory_space<semaphore_mem>>) {add = true}
      %dma_start3A_103 = arith.constant 11 : i32
      %dma_start3A_104 = arith.constant 0 : i32
      %dma_start3A_105 = tpu.memref_slice %arg6[%dma_start3A_103, %dma_start3A_104] : memref<16x128xi32, #tpu.memory_space<vmem>> -> memref<1x128xi32, #tpu.memory_space<vmem>>
      %dma_start3A_106 = tpu.memref_squeeze %dma_start3A_105 : memref<1x128xi32, #tpu.memory_space<vmem>> -> memref<128xi32, #tpu.memory_space<vmem>>
      %dma_start3A_107 = arith.constant 0 : i32
      %dma_start3A_108 = arith.constant 0 : i32
      %dma_start3A_109 = tpu.memref_slice %arg8[%dma_start3A_107, %dma_start3A_108] : memref<10064x128xf32, #tpu.memory_space<vmem_shared>> -> memref<10064x128xf32, #tpu.memory_space<vmem_shared>>
      tpu.enqueue_indirect_dma source(%arg7 : memref<128x128xf32, #tpu.memory_space<vmem>>) target(%dma_start3A_109 : memref<10064x128xf32, #tpu.memory_space<vmem_shared>>) offsets(%dma_start3A_106 : memref<128xi32, #tpu.memory_space<vmem>>) semaphore(%arg9 : memref<!tpu.dma_semaphore, #tpu.memory_space<semaphore_mem>>) {add = true}
      %dma_start3A_110 = arith.constant 12 : i32
      %dma_start3A_111 = arith.constant 0 : i32
      %dma_start3A_112 = tpu.memref_slice %arg6[%dma_start3A_110, %dma_start3A_111] : memref<16x128xi32, #tpu.memory_space<vmem>> -> memref<1x128xi32, #tpu.memory_space<vmem>>
      %dma_start3A_113 = tpu.memref_squeeze %dma_start3A_112 : memref<1x128xi32, #tpu.memory_space<vmem>> -> memref<128xi32, #tpu.memory_space<vmem>>
      %dma_start3A_114 = arith.constant 0 : i32
      %dma_start3A_115 = arith.constant 0 : i32
      %dma_start3A_116 = tpu.memref_slice %arg8[%dma_start3A_114, %dma_start3A_115] : memref<10064x128xf32, #tpu.memory_space<vmem_shared>> -> memref<10064x128xf32, #tpu.memory_space<vmem_shared>>
      tpu.enqueue_indirect_dma source(%arg7 : memref<128x128xf32, #tpu.memory_space<vmem>>) target(%dma_start3A_116 : memref<10064x128xf32, #tpu.memory_space<vmem_shared>>) offsets(%dma_start3A_113 : memref<128xi32, #tpu.memory_space<vmem>>) semaphore(%arg9 : memref<!tpu.dma_semaphore, #tpu.memory_space<semaphore_mem>>) {add = true}
      %dma_start3A_117 = arith.constant 13 : i32
      %dma_start3A_118 = arith.constant 0 : i32
      %dma_start3A_119 = tpu.memref_slice %arg6[%dma_start3A_117, %dma_start3A_118] : memref<16x128xi32, #tpu.memory_space<vmem>> -> memref<1x128xi32, #tpu.memory_space<vmem>>
      %dma_start3A_120 = tpu.memref_squeeze %dma_start3A_119 : memref<1x128xi32, #tpu.memory_space<vmem>> -> memref<128xi32, #tpu.memory_space<vmem>>
      %dma_start3A_121 = arith.constant 0 : i32
      %dma_start3A_122 = arith.constant 0 : i32
      %dma_start3A_123 = tpu.memref_slice %arg8[%dma_start3A_121, %dma_start3A_122] : memref<10064x128xf32, #tpu.memory_space<vmem_shared>> -> memref<10064x128xf32, #tpu.memory_space<vmem_shared>>
      tpu.enqueue_indirect_dma source(%arg7 : memref<128x128xf32, #tpu.memory_space<vmem>>) target(%dma_start3A_123 : memref<10064x128xf32, #tpu.memory_space<vmem_shared>>) offsets(%dma_start3A_120 : memref<128xi32, #tpu.memory_space<vmem>>) semaphore(%arg9 : memref<!tpu.dma_semaphore, #tpu.memory_space<semaphore_mem>>) {add = true}
      %dma_start3A_124 = arith.constant 14 : i32
      %dma_start3A_125 = arith.constant 0 : i32
      %dma_start3A_126 = tpu.memref_slice %arg6[%dma_start3A_124, %dma_start3A_125] : memref<16x128xi32, #tpu.memory_space<vmem>> -> memref<1x128xi32, #tpu.memory_space<vmem>>
      %dma_start3A_127 = tpu.memref_squeeze %dma_start3A_126 : memref<1x128xi32, #tpu.memory_space<vmem>> -> memref<128xi32, #tpu.memory_space<vmem>>
      %dma_start3A_128 = arith.constant 0 : i32
      %dma_start3A_129 = arith.constant 0 : i32
      %dma_start3A_130 = tpu.memref_slice %arg8[%dma_start3A_128, %dma_start3A_129] : memref<10064x128xf32, #tpu.memory_space<vmem_shared>> -> memref<10064x128xf32, #tpu.memory_space<vmem_shared>>
      tpu.enqueue_indirect_dma source(%arg7 : memref<128x128xf32, #tpu.memory_space<vmem>>) target(%dma_start3A_130 : memref<10064x128xf32, #tpu.memory_space<vmem_shared>>) offsets(%dma_start3A_127 : memref<128xi32, #tpu.memory_space<vmem>>) semaphore(%arg9 : memref<!tpu.dma_semaphore, #tpu.memory_space<semaphore_mem>>) {add = true}
      %dma_start3A_131 = arith.constant 15 : i32
      %dma_start3A_132 = arith.constant 0 : i32
      %dma_start3A_133 = tpu.memref_slice %arg6[%dma_start3A_131, %dma_start3A_132] : memref<16x128xi32, #tpu.memory_space<vmem>> -> memref<1x128xi32, #tpu.memory_space<vmem>>
      %dma_start3A_134 = tpu.memref_squeeze %dma_start3A_133 : memref<1x128xi32, #tpu.memory_space<vmem>> -> memref<128xi32, #tpu.memory_space<vmem>>
      %dma_start3A_135 = arith.constant 0 : i32
      %dma_start3A_136 = arith.constant 0 : i32
      %dma_start3A_137 = tpu.memref_slice %arg8[%dma_start3A_135, %dma_start3A_136] : memref<10064x128xf32, #tpu.memory_space<vmem_shared>> -> memref<10064x128xf32, #tpu.memory_space<vmem_shared>>
      tpu.enqueue_indirect_dma source(%arg7 : memref<128x128xf32, #tpu.memory_space<vmem>>) target(%dma_start3A_137 : memref<10064x128xf32, #tpu.memory_space<vmem_shared>>) offsets(%dma_start3A_134 : memref<128xi32, #tpu.memory_space<vmem>>) semaphore(%arg9 : memref<!tpu.dma_semaphore, #tpu.memory_space<semaphore_mem>>) {add = true}
      %dma_wait3A = arith.constant 0 : i32
      %dma_wait3A_138 = arith.constant 0 : i32
      %dma_wait3A_139 = tpu.memref_slice %arg6[%dma_wait3A, %dma_wait3A_138] : memref<16x128xi32, #tpu.memory_space<vmem>> -> memref<1x128xi32, #tpu.memory_space<vmem>>
      %dma_wait3A_140 = tpu.memref_squeeze %dma_wait3A_139 : memref<1x128xi32, #tpu.memory_space<vmem>> -> memref<128xi32, #tpu.memory_space<vmem>>
      %dma_wait3A_141 = arith.constant 0 : i32
      %dma_wait3A_142 = arith.constant 0 : i32
      %dma_wait3A_143 = tpu.memref_slice %arg8[%dma_wait3A_141, %dma_wait3A_142] : memref<10064x128xf32, #tpu.memory_space<vmem_shared>> -> memref<10064x128xf32, #tpu.memory_space<vmem_shared>>
      tpu.wait_indirect_dma semaphore(%arg9 : memref<!tpu.dma_semaphore, #tpu.memory_space<semaphore_mem>>) src(%arg7 : memref<128x128xf32, #tpu.memory_space<vmem>>) dst(%dma_wait3A_143 : memref<10064x128xf32, #tpu.memory_space<vmem_shared>>)
      %dma_wait3A_144 = arith.constant 1 : i32
      %dma_wait3A_145 = arith.constant 0 : i32
      %dma_wait3A_146 = tpu.memref_slice %arg6[%dma_wait3A_144, %dma_wait3A_145] : memref<16x128xi32, #tpu.memory_space<vmem>> -> memref<1x128xi32, #tpu.memory_space<vmem>>
      %dma_wait3A_147 = tpu.memref_squeeze %dma_wait3A_146 : memref<1x128xi32, #tpu.memory_space<vmem>> -> memref<128xi32, #tpu.memory_space<vmem>>
      %dma_wait3A_148 = arith.constant 0 : i32
      %dma_wait3A_149 = arith.constant 0 : i32
      %dma_wait3A_150 = tpu.memref_slice %arg8[%dma_wait3A_148, %dma_wait3A_149] : memref<10064x128xf32, #tpu.memory_space<vmem_shared>> -> memref<10064x128xf32, #tpu.memory_space<vmem_shared>>
      tpu.wait_indirect_dma semaphore(%arg9 : memref<!tpu.dma_semaphore, #tpu.memory_space<semaphore_mem>>) src(%arg7 : memref<128x128xf32, #tpu.memory_space<vmem>>) dst(%dma_wait3A_150 : memref<10064x128xf32, #tpu.memory_space<vmem_shared>>)
      %dma_wait3A_151 = arith.constant 2 : i32
      %dma_wait3A_152 = arith.constant 0 : i32
      %dma_wait3A_153 = tpu.memref_slice %arg6[%dma_wait3A_151, %dma_wait3A_152] : memref<16x128xi32, #tpu.memory_space<vmem>> -> memref<1x128xi32, #tpu.memory_space<vmem>>
      %dma_wait3A_154 = tpu.memref_squeeze %dma_wait3A_153 : memref<1x128xi32, #tpu.memory_space<vmem>> -> memref<128xi32, #tpu.memory_space<vmem>>
      %dma_wait3A_155 = arith.constant 0 : i32
      %dma_wait3A_156 = arith.constant 0 : i32
      %dma_wait3A_157 = tpu.memref_slice %arg8[%dma_wait3A_155, %dma_wait3A_156] : memref<10064x128xf32, #tpu.memory_space<vmem_shared>> -> memref<10064x128xf32, #tpu.memory_space<vmem_shared>>
      tpu.wait_indirect_dma semaphore(%arg9 : memref<!tpu.dma_semaphore, #tpu.memory_space<semaphore_mem>>) src(%arg7 : memref<128x128xf32, #tpu.memory_space<vmem>>) dst(%dma_wait3A_157 : memref<10064x128xf32, #tpu.memory_space<vmem_shared>>)
      %dma_wait3A_158 = arith.constant 3 : i32
      %dma_wait3A_159 = arith.constant 0 : i32
      %dma_wait3A_160 = tpu.memref_slice %arg6[%dma_wait3A_158, %dma_wait3A_159] : memref<16x128xi32, #tpu.memory_space<vmem>> -> memref<1x128xi32, #tpu.memory_space<vmem>>
      %dma_wait3A_161 = tpu.memref_squeeze %dma_wait3A_160 : memref<1x128xi32, #tpu.memory_space<vmem>> -> memref<128xi32, #tpu.memory_space<vmem>>
      %dma_wait3A_162 = arith.constant 0 : i32
      %dma_wait3A_163 = arith.constant 0 : i32
      %dma_wait3A_164 = tpu.memref_slice %arg8[%dma_wait3A_162, %dma_wait3A_163] : memref<10064x128xf32, #tpu.memory_space<vmem_shared>> -> memref<10064x128xf32, #tpu.memory_space<vmem_shared>>
      tpu.wait_indirect_dma semaphore(%arg9 : memref<!tpu.dma_semaphore, #tpu.memory_space<semaphore_mem>>) src(%arg7 : memref<128x128xf32, #tpu.memory_space<vmem>>) dst(%dma_wait3A_164 : memref<10064x128xf32, #tpu.memory_space<vmem_shared>>)
      %dma_wait3A_165 = arith.constant 4 : i32
      %dma_wait3A_166 = arith.constant 0 : i32
      %dma_wait3A_167 = tpu.memref_slice %arg6[%dma_wait3A_165, %dma_wait3A_166] : memref<16x128xi32, #tpu.memory_space<vmem>> -> memref<1x128xi32, #tpu.memory_space<vmem>>
      %dma_wait3A_168 = tpu.memref_squeeze %dma_wait3A_167 : memref<1x128xi32, #tpu.memory_space<vmem>> -> memref<128xi32, #tpu.memory_space<vmem>>
      %dma_wait3A_169 = arith.constant 0 : i32
      %dma_wait3A_170 = arith.constant 0 : i32
      %dma_wait3A_171 = tpu.memref_slice %arg8[%dma_wait3A_169, %dma_wait3A_170] : memref<10064x128xf32, #tpu.memory_space<vmem_shared>> -> memref<10064x128xf32, #tpu.memory_space<vmem_shared>>
      tpu.wait_indirect_dma semaphore(%arg9 : memref<!tpu.dma_semaphore, #tpu.memory_space<semaphore_mem>>) src(%arg7 : memref<128x128xf32, #tpu.memory_space<vmem>>) dst(%dma_wait3A_171 : memref<10064x128xf32, #tpu.memory_space<vmem_shared>>)
      %dma_wait3A_172 = arith.constant 5 : i32
      %dma_wait3A_173 = arith.constant 0 : i32
      %dma_wait3A_174 = tpu.memref_slice %arg6[%dma_wait3A_172, %dma_wait3A_173] : memref<16x128xi32, #tpu.memory_space<vmem>> -> memref<1x128xi32, #tpu.memory_space<vmem>>
      %dma_wait3A_175 = tpu.memref_squeeze %dma_wait3A_174 : memref<1x128xi32, #tpu.memory_space<vmem>> -> memref<128xi32, #tpu.memory_space<vmem>>
      %dma_wait3A_176 = arith.constant 0 : i32
      %dma_wait3A_177 = arith.constant 0 : i32
      %dma_wait3A_178 = tpu.memref_slice %arg8[%dma_wait3A_176, %dma_wait3A_177] : memref<10064x128xf32, #tpu.memory_space<vmem_shared>> -> memref<10064x128xf32, #tpu.memory_space<vmem_shared>>
      tpu.wait_indirect_dma semaphore(%arg9 : memref<!tpu.dma_semaphore, #tpu.memory_space<semaphore_mem>>) src(%arg7 : memref<128x128xf32, #tpu.memory_space<vmem>>) dst(%dma_wait3A_178 : memref<10064x128xf32, #tpu.memory_space<vmem_shared>>)
      %dma_wait3A_179 = arith.constant 6 : i32
      %dma_wait3A_180 = arith.constant 0 : i32
      %dma_wait3A_181 = tpu.memref_slice %arg6[%dma_wait3A_179, %dma_wait3A_180] : memref<16x128xi32, #tpu.memory_space<vmem>> -> memref<1x128xi32, #tpu.memory_space<vmem>>
      %dma_wait3A_182 = tpu.memref_squeeze %dma_wait3A_181 : memref<1x128xi32, #tpu.memory_space<vmem>> -> memref<128xi32, #tpu.memory_space<vmem>>
      %dma_wait3A_183 = arith.constant 0 : i32
      %dma_wait3A_184 = arith.constant 0 : i32
      %dma_wait3A_185 = tpu.memref_slice %arg8[%dma_wait3A_183, %dma_wait3A_184] : memref<10064x128xf32, #tpu.memory_space<vmem_shared>> -> memref<10064x128xf32, #tpu.memory_space<vmem_shared>>
      tpu.wait_indirect_dma semaphore(%arg9 : memref<!tpu.dma_semaphore, #tpu.memory_space<semaphore_mem>>) src(%arg7 : memref<128x128xf32, #tpu.memory_space<vmem>>) dst(%dma_wait3A_185 : memref<10064x128xf32, #tpu.memory_space<vmem_shared>>)
      %dma_wait3A_186 = arith.constant 7 : i32
      %dma_wait3A_187 = arith.constant 0 : i32
      %dma_wait3A_188 = tpu.memref_slice %arg6[%dma_wait3A_186, %dma_wait3A_187] : memref<16x128xi32, #tpu.memory_space<vmem>> -> memref<1x128xi32, #tpu.memory_space<vmem>>
      %dma_wait3A_189 = tpu.memref_squeeze %dma_wait3A_188 : memref<1x128xi32, #tpu.memory_space<vmem>> -> memref<128xi32, #tpu.memory_space<vmem>>
      %dma_wait3A_190 = arith.constant 0 : i32
      %dma_wait3A_191 = arith.constant 0 : i32
      %dma_wait3A_192 = tpu.memref_slice %arg8[%dma_wait3A_190, %dma_wait3A_191] : memref<10064x128xf32, #tpu.memory_space<vmem_shared>> -> memref<10064x128xf32, #tpu.memory_space<vmem_shared>>
      tpu.wait_indirect_dma semaphore(%arg9 : memref<!tpu.dma_semaphore, #tpu.memory_space<semaphore_mem>>) src(%arg7 : memref<128x128xf32, #tpu.memory_space<vmem>>) dst(%dma_wait3A_192 : memref<10064x128xf32, #tpu.memory_space<vmem_shared>>)
      %dma_wait3A_193 = arith.constant 8 : i32
      %dma_wait3A_194 = arith.constant 0 : i32
      %dma_wait3A_195 = tpu.memref_slice %arg6[%dma_wait3A_193, %dma_wait3A_194] : memref<16x128xi32, #tpu.memory_space<vmem>> -> memref<1x128xi32, #tpu.memory_space<vmem>>
      %dma_wait3A_196 = tpu.memref_squeeze %dma_wait3A_195 : memref<1x128xi32, #tpu.memory_space<vmem>> -> memref<128xi32, #tpu.memory_space<vmem>>
      %dma_wait3A_197 = arith.constant 0 : i32
      %dma_wait3A_198 = arith.constant 0 : i32
      %dma_wait3A_199 = tpu.memref_slice %arg8[%dma_wait3A_197, %dma_wait3A_198] : memref<10064x128xf32, #tpu.memory_space<vmem_shared>> -> memref<10064x128xf32, #tpu.memory_space<vmem_shared>>
      tpu.wait_indirect_dma semaphore(%arg9 : memref<!tpu.dma_semaphore, #tpu.memory_space<semaphore_mem>>) src(%arg7 : memref<128x128xf32, #tpu.memory_space<vmem>>) dst(%dma_wait3A_199 : memref<10064x128xf32, #tpu.memory_space<vmem_shared>>)
      %dma_wait3A_200 = arith.constant 9 : i32
      %dma_wait3A_201 = arith.constant 0 : i32
      %dma_wait3A_202 = tpu.memref_slice %arg6[%dma_wait3A_200, %dma_wait3A_201] : memref<16x128xi32, #tpu.memory_space<vmem>> -> memref<1x128xi32, #tpu.memory_space<vmem>>
      %dma_wait3A_203 = tpu.memref_squeeze %dma_wait3A_202 : memref<1x128xi32, #tpu.memory_space<vmem>> -> memref<128xi32, #tpu.memory_space<vmem>>
      %dma_wait3A_204 = arith.constant 0 : i32
      %dma_wait3A_205 = arith.constant 0 : i32
      %dma_wait3A_206 = tpu.memref_slice %arg8[%dma_wait3A_204, %dma_wait3A_205] : memref<10064x128xf32, #tpu.memory_space<vmem_shared>> -> memref<10064x128xf32, #tpu.memory_space<vmem_shared>>
      tpu.wait_indirect_dma semaphore(%arg9 : memref<!tpu.dma_semaphore, #tpu.memory_space<semaphore_mem>>) src(%arg7 : memref<128x128xf32, #tpu.memory_space<vmem>>) dst(%dma_wait3A_206 : memref<10064x128xf32, #tpu.memory_space<vmem_shared>>)
      %dma_wait3A_207 = arith.constant 10 : i32
      %dma_wait3A_208 = arith.constant 0 : i32
      %dma_wait3A_209 = tpu.memref_slice %arg6[%dma_wait3A_207, %dma_wait3A_208] : memref<16x128xi32, #tpu.memory_space<vmem>> -> memref<1x128xi32, #tpu.memory_space<vmem>>
      %dma_wait3A_210 = tpu.memref_squeeze %dma_wait3A_209 : memref<1x128xi32, #tpu.memory_space<vmem>> -> memref<128xi32, #tpu.memory_space<vmem>>
      %dma_wait3A_211 = arith.constant 0 : i32
      %dma_wait3A_212 = arith.constant 0 : i32
      %dma_wait3A_213 = tpu.memref_slice %arg8[%dma_wait3A_211, %dma_wait3A_212] : memref<10064x128xf32, #tpu.memory_space<vmem_shared>> -> memref<10064x128xf32, #tpu.memory_space<vmem_shared>>
      tpu.wait_indirect_dma semaphore(%arg9 : memref<!tpu.dma_semaphore, #tpu.memory_space<semaphore_mem>>) src(%arg7 : memref<128x128xf32, #tpu.memory_space<vmem>>) dst(%dma_wait3A_213 : memref<10064x128xf32, #tpu.memory_space<vmem_shared>>)
      %dma_wait3A_214 = arith.constant 11 : i32
      %dma_wait3A_215 = arith.constant 0 : i32
      %dma_wait3A_216 = tpu.memref_slice %arg6[%dma_wait3A_214, %dma_wait3A_215] : memref<16x128xi32, #tpu.memory_space<vmem>> -> memref<1x128xi32, #tpu.memory_space<vmem>>
      %dma_wait3A_217 = tpu.memref_squeeze %dma_wait3A_216 : memref<1x128xi32, #tpu.memory_space<vmem>> -> memref<128xi32, #tpu.memory_space<vmem>>
      %dma_wait3A_218 = arith.constant 0 : i32
      %dma_wait3A_219 = arith.constant 0 : i32
      %dma_wait3A_220 = tpu.memref_slice %arg8[%dma_wait3A_218, %dma_wait3A_219] : memref<10064x128xf32, #tpu.memory_space<vmem_shared>> -> memref<10064x128xf32, #tpu.memory_space<vmem_shared>>
      tpu.wait_indirect_dma semaphore(%arg9 : memref<!tpu.dma_semaphore, #tpu.memory_space<semaphore_mem>>) src(%arg7 : memref<128x128xf32, #tpu.memory_space<vmem>>) dst(%dma_wait3A_220 : memref<10064x128xf32, #tpu.memory_space<vmem_shared>>)
      %dma_wait3A_221 = arith.constant 12 : i32
      %dma_wait3A_222 = arith.constant 0 : i32
      %dma_wait3A_223 = tpu.memref_slice %arg6[%dma_wait3A_221, %dma_wait3A_222] : memref<16x128xi32, #tpu.memory_space<vmem>> -> memref<1x128xi32, #tpu.memory_space<vmem>>
      %dma_wait3A_224 = tpu.memref_squeeze %dma_wait3A_223 : memref<1x128xi32, #tpu.memory_space<vmem>> -> memref<128xi32, #tpu.memory_space<vmem>>
      %dma_wait3A_225 = arith.constant 0 : i32
      %dma_wait3A_226 = arith.constant 0 : i32
      %dma_wait3A_227 = tpu.memref_slice %arg8[%dma_wait3A_225, %dma_wait3A_226] : memref<10064x128xf32, #tpu.memory_space<vmem_shared>> -> memref<10064x128xf32, #tpu.memory_space<vmem_shared>>
      tpu.wait_indirect_dma semaphore(%arg9 : memref<!tpu.dma_semaphore, #tpu.memory_space<semaphore_mem>>) src(%arg7 : memref<128x128xf32, #tpu.memory_space<vmem>>) dst(%dma_wait3A_227 : memref<10064x128xf32, #tpu.memory_space<vmem_shared>>)
      %dma_wait3A_228 = arith.constant 13 : i32
      %dma_wait3A_229 = arith.constant 0 : i32
      %dma_wait3A_230 = tpu.memref_slice %arg6[%dma_wait3A_228, %dma_wait3A_229] : memref<16x128xi32, #tpu.memory_space<vmem>> -> memref<1x128xi32, #tpu.memory_space<vmem>>
      %dma_wait3A_231 = tpu.memref_squeeze %dma_wait3A_230 : memref<1x128xi32, #tpu.memory_space<vmem>> -> memref<128xi32, #tpu.memory_space<vmem>>
      %dma_wait3A_232 = arith.constant 0 : i32
      %dma_wait3A_233 = arith.constant 0 : i32
      %dma_wait3A_234 = tpu.memref_slice %arg8[%dma_wait3A_232, %dma_wait3A_233] : memref<10064x128xf32, #tpu.memory_space<vmem_shared>> -> memref<10064x128xf32, #tpu.memory_space<vmem_shared>>
      tpu.wait_indirect_dma semaphore(%arg9 : memref<!tpu.dma_semaphore, #tpu.memory_space<semaphore_mem>>) src(%arg7 : memref<128x128xf32, #tpu.memory_space<vmem>>) dst(%dma_wait3A_234 : memref<10064x128xf32, #tpu.memory_space<vmem_shared>>)
      %dma_wait3A_235 = arith.constant 14 : i32
      %dma_wait3A_236 = arith.constant 0 : i32
      %dma_wait3A_237 = tpu.memref_slice %arg6[%dma_wait3A_235, %dma_wait3A_236] : memref<16x128xi32, #tpu.memory_space<vmem>> -> memref<1x128xi32, #tpu.memory_space<vmem>>
      %dma_wait3A_238 = tpu.memref_squeeze %dma_wait3A_237 : memref<1x128xi32, #tpu.memory_space<vmem>> -> memref<128xi32, #tpu.memory_space<vmem>>
      %dma_wait3A_239 = arith.constant 0 : i32
      %dma_wait3A_240 = arith.constant 0 : i32
      %dma_wait3A_241 = tpu.memref_slice %arg8[%dma_wait3A_239, %dma_wait3A_240] : memref<10064x128xf32, #tpu.memory_space<vmem_shared>> -> memref<10064x128xf32, #tpu.memory_space<vmem_shared>>
      tpu.wait_indirect_dma semaphore(%arg9 : memref<!tpu.dma_semaphore, #tpu.memory_space<semaphore_mem>>) src(%arg7 : memref<128x128xf32, #tpu.memory_space<vmem>>) dst(%dma_wait3A_241 : memref<10064x128xf32, #tpu.memory_space<vmem_shared>>)
      %dma_wait3A_242 = arith.constant 15 : i32
      %dma_wait3A_243 = arith.constant 0 : i32
      %dma_wait3A_244 = tpu.memref_slice %arg6[%dma_wait3A_242, %dma_wait3A_243] : memref<16x128xi32, #tpu.memory_space<vmem>> -> memref<1x128xi32, #tpu.memory_space<vmem>>
      %dma_wait3A_245 = tpu.memref_squeeze %dma_wait3A_244 : memref<1x128xi32, #tpu.memory_space<vmem>> -> memref<128xi32, #tpu.memory_space<vmem>>
      %dma_wait3A_246 = arith.constant 0 : i32
      %dma_wait3A_247 = arith.constant 0 : i32
      %dma_wait3A_248 = tpu.memref_slice %arg8[%dma_wait3A_246, %dma_wait3A_247] : memref<10064x128xf32, #tpu.memory_space<vmem_shared>> -> memref<10064x128xf32, #tpu.memory_space<vmem_shared>>
      tpu.wait_indirect_dma semaphore(%arg9 : memref<!tpu.dma_semaphore, #tpu.memory_space<semaphore_mem>>) src(%arg7 : memref<128x128xf32, #tpu.memory_space<vmem>>) dst(%dma_wait3A_248 : memref<10064x128xf32, #tpu.memory_space<vmem_shared>>)
    }
    %scan3A_10 = arith.constant 5 : i32
    %barrier3A_11 = arith.constant 0 : index
    tpu.barrier barrier_id(%barrier3A_11)
    %lt3A_12 = arith.constant 15 : i32
    %lt3A_13 = arith.cmpi slt, %arg1, %lt3A_12 : i32
    %convert_element_type3A_14 = arith.extui %lt3A_13 : i1 to i32
    %cond3A_15 = arith.constant 0 : i32
    %cond3A_16 = arith.cmpi ne, %convert_element_type3A_14, %cond3A_15 : i32
    scf.if %cond3A_16 {
      %mul3A_22 = arith.constant 624 : i32
      %mul3A_23 = arith.muli %arg1, %mul3A_22 : i32
      %mul3A_24 = arith.constant 10000 : i32
      %mul3A_25 = arith.muli %arg0, %mul3A_24 : i32
      %add3A_26 = arith.addi %mul3A_25, %mul3A_23 : i32
      "tpu.region"() ({
        %run_scoped3A = tpu.sem_alloc : memref<!tpu.dma_semaphore, #tpu.memory_space<semaphore_mem>>
        %dma_start3A = arith.constant 0 : i32
        %dma_start3A_27 = tpu.memref_slice %arg5[%add3A_26, %dma_start3A] : memref<20000x128xf32, #tpu.memory_space<hbm>> -> memref<624x128xf32, #tpu.memory_space<hbm>>
        %dma_start3A_28 = arith.constant 0 : i32
        %dma_start3A_29 = tpu.memref_slice %arg8[%mul3A_23, %dma_start3A_28] : memref<10064x128xf32, #tpu.memory_space<vmem_shared>> -> memref<624x128xf32, #tpu.memory_space<vmem_shared>>
        tpu.enqueue_dma source(%dma_start3A_29 : memref<624x128xf32, #tpu.memory_space<vmem_shared>>) target(%dma_start3A_27 : memref<624x128xf32, #tpu.memory_space<hbm>>) target_semaphore(%run_scoped3A : memref<!tpu.dma_semaphore, #tpu.memory_space<semaphore_mem>>)
        %dma_wait3A = arith.constant 0 : i32
        %dma_wait3A_30 = tpu.memref_slice %arg5[%add3A_26, %dma_wait3A] : memref<20000x128xf32, #tpu.memory_space<hbm>> -> memref<624x128xf32, #tpu.memory_space<hbm>>
        %dma_wait3A_31 = arith.constant 0 : i32
        %dma_wait3A_32 = tpu.memref_slice %arg8[%mul3A_23, %dma_wait3A_31] : memref<10064x128xf32, #tpu.memory_space<vmem_shared>> -> memref<624x128xf32, #tpu.memory_space<vmem_shared>>
        tpu.wait_dma2 semaphore(%run_scoped3A : memref<!tpu.dma_semaphore, #tpu.memory_space<semaphore_mem>>) src(%dma_wait3A_32 : memref<624x128xf32, #tpu.memory_space<vmem_shared>>) dst(%dma_wait3A_30 : memref<624x128xf32, #tpu.memory_space<hbm>>)
        tpu.yield
      }) : () -> ()
    } else {
    }
    %eq3A_17 = arith.constant 15 : i32
    %eq3A_18 = arith.cmpi eq, %arg1, %eq3A_17 : i32
    %convert_element_type3A_19 = arith.extui %eq3A_18 : i1 to i32
    %cond3A_20 = arith.constant 0 : i32
    %cond3A_21 = arith.cmpi ne, %convert_element_type3A_19, %cond3A_20 : i32
    scf.if %cond3A_21 {
      %mul3A_22 = arith.constant 10000 : i32
      %mul3A_23 = arith.muli %arg0, %mul3A_22 : i32
      %add3A_24 = arith.constant 9360 : i32
      %add3A_25 = arith.addi %mul3A_23, %add3A_24 : i32
      "tpu.region"() ({
        %run_scoped3A = tpu.sem_alloc : memref<!tpu.dma_semaphore, #tpu.memory_space<semaphore_mem>>
        %dma_start3A = arith.constant 0 : i32
        %dma_start3A_26 = tpu.memref_slice %arg5[%add3A_25, %dma_start3A] : memref<20000x128xf32, #tpu.memory_space<hbm>> -> memref<640x128xf32, #tpu.memory_space<hbm>>
        %dma_start3A_27 = arith.constant 9360 : i32
        %dma_start3A_28 = arith.constant 0 : i32
        %dma_start3A_29 = tpu.memref_slice %arg8[%dma_start3A_27, %dma_start3A_28] : memref<10064x128xf32, #tpu.memory_space<vmem_shared>> -> memref<640x128xf32, #tpu.memory_space<vmem_shared>>
        tpu.enqueue_dma source(%dma_start3A_29 : memref<640x128xf32, #tpu.memory_space<vmem_shared>>) target(%dma_start3A_26 : memref<640x128xf32, #tpu.memory_space<hbm>>) target_semaphore(%run_scoped3A : memref<!tpu.dma_semaphore, #tpu.memory_space<semaphore_mem>>)
        %dma_wait3A = arith.constant 0 : i32
        %dma_wait3A_30 = tpu.memref_slice %arg5[%add3A_25, %dma_wait3A] : memref<20000x128xf32, #tpu.memory_space<hbm>> -> memref<640x128xf32, #tpu.memory_space<hbm>>
        %dma_wait3A_31 = arith.constant 9360 : i32
        %dma_wait3A_32 = arith.constant 0 : i32
        %dma_wait3A_33 = tpu.memref_slice %arg8[%dma_wait3A_31, %dma_wait3A_32] : memref<10064x128xf32, #tpu.memory_space<vmem_shared>> -> memref<640x128xf32, #tpu.memory_space<vmem_shared>>
        tpu.wait_dma2 semaphore(%run_scoped3A : memref<!tpu.dma_semaphore, #tpu.memory_space<semaphore_mem>>) src(%dma_wait3A_33 : memref<640x128xf32, #tpu.memory_space<vmem_shared>>) dst(%dma_wait3A_30 : memref<640x128xf32, #tpu.memory_space<hbm>>)
        tpu.yield
      }) : () -> ()
    } else {
    }
    return
  }
}

#map = affine_map<(d0, d1) -> (0, 0)>
#map1 = affine_map<(d0, d1) -> (0, 0, 0, 0)>
module attributes {stable_mosaic.version = 14 : i64} {
  func.func @body(%arg0: i32, %arg1: i32, %arg2: memref<10064x128xf32, #tpu.memory_space<hbm>>, %arg3: memref<32x5x16x128xi32, #tpu.memory_space<hbm>>, %arg4: memref<32x5x16x128xi32, #tpu.memory_space<hbm>>, %arg5: memref<640x128xf32, #tpu.memory_space<hbm>>, %arg6: memref<20000x128xf32, #tpu.memory_space<hbm>>, %arg7: memref<16x128xi32, #tpu.memory_space<vmem>>, %arg8: memref<16x128xi32, #tpu.memory_space<vmem>>, %arg9: memref<2x128x128xf32, #tpu.memory_space<vmem>>, %arg10: memref<10064x128xf32, #tpu.memory_space<vmem_shared>>, %arg11: memref<2x!tpu.dma_semaphore, #tpu.memory_space<semaphore_mem>>, %arg12: memref<2x!tpu.dma_semaphore, #tpu.memory_space<semaphore_mem>>) attributes {dimension_semantics = [#tpu.dimension_semantics<core_parallel>, #tpu.dimension_semantics<subcore_parallel>], iteration_bounds = array<i64: 2, 16>, scalar_prefetch = 0 : i64, scratch_operands = 6 : i64, tpu.core_type = #tpu.core_type<sc_vector_subcore>, window_params = [{transform_indices = #map}, {transform_indices = #map1}, {transform_indices = #map1}, {transform_indices = #map}, {transform_indices = #map}]} {
    %mul3A = arith.constant 16 : i32
    %mul3A_0 = arith.muli %arg0, %mul3A : i32
    %add3A = arith.addi %mul3A_0, %arg1 : i32
    %lt3A = arith.constant 15 : i32
    %lt3A_1 = arith.cmpi slt, %arg1, %lt3A : i32
    %convert_element_type3A = arith.extui %lt3A_1 : i1 to i32
    %cond3A = arith.constant 0 : i32
    %cond3A_2 = arith.cmpi ne, %convert_element_type3A, %cond3A : i32
    scf.if %cond3A_2 {
      %mul3A_22 = arith.constant 624 : i32
      %mul3A_23 = arith.muli %arg1, %mul3A_22 : i32
      "tpu.region"() ({
        %run_scoped3A = tpu.sem_alloc : memref<!tpu.dma_semaphore, #tpu.memory_space<semaphore_mem>>
        %dma_start3A = arith.constant 0 : i32
        %dma_start3A_24 = tpu.memref_slice %arg10[%mul3A_23, %dma_start3A] : memref<10064x128xf32, #tpu.memory_space<vmem_shared>> -> memref<624x128xf32, #tpu.memory_space<vmem_shared>>
        %dma_start3A_25 = arith.constant 0 : i32
        %dma_start3A_26 = arith.constant 0 : i32
        %dma_start3A_27 = tpu.memref_slice %arg5[%dma_start3A_25, %dma_start3A_26] : memref<640x128xf32, #tpu.memory_space<hbm>> -> memref<624x128xf32, #tpu.memory_space<hbm>>
        tpu.enqueue_dma source(%dma_start3A_27 : memref<624x128xf32, #tpu.memory_space<hbm>>) target(%dma_start3A_24 : memref<624x128xf32, #tpu.memory_space<vmem_shared>>) target_semaphore(%run_scoped3A : memref<!tpu.dma_semaphore, #tpu.memory_space<semaphore_mem>>)
        %dma_wait3A = arith.constant 0 : i32
        %dma_wait3A_28 = tpu.memref_slice %arg10[%mul3A_23, %dma_wait3A] : memref<10064x128xf32, #tpu.memory_space<vmem_shared>> -> memref<624x128xf32, #tpu.memory_space<vmem_shared>>
        %dma_wait3A_29 = arith.constant 0 : i32
        %dma_wait3A_30 = arith.constant 0 : i32
        %dma_wait3A_31 = tpu.memref_slice %arg5[%dma_wait3A_29, %dma_wait3A_30] : memref<640x128xf32, #tpu.memory_space<hbm>> -> memref<624x128xf32, #tpu.memory_space<hbm>>
        tpu.wait_dma2 semaphore(%run_scoped3A : memref<!tpu.dma_semaphore, #tpu.memory_space<semaphore_mem>>) src(%dma_wait3A_31 : memref<624x128xf32, #tpu.memory_space<hbm>>) dst(%dma_wait3A_28 : memref<624x128xf32, #tpu.memory_space<vmem_shared>>)
        tpu.yield
      }) : () -> ()
    } else {
    }
    %eq3A = arith.constant 15 : i32
    %eq3A_3 = arith.cmpi eq, %arg1, %eq3A : i32
    %convert_element_type3A_4 = arith.extui %eq3A_3 : i1 to i32
    %cond3A_5 = arith.constant 0 : i32
    %cond3A_6 = arith.cmpi ne, %convert_element_type3A_4, %cond3A_5 : i32
    scf.if %cond3A_6 {
      "tpu.region"() ({
        %run_scoped3A = tpu.sem_alloc : memref<!tpu.dma_semaphore, #tpu.memory_space<semaphore_mem>>
        %dma_start3A = arith.constant 9360 : i32
        %dma_start3A_22 = arith.constant 0 : i32
        %dma_start3A_23 = tpu.memref_slice %arg10[%dma_start3A, %dma_start3A_22] : memref<10064x128xf32, #tpu.memory_space<vmem_shared>> -> memref<640x128xf32, #tpu.memory_space<vmem_shared>>
        tpu.enqueue_dma source(%arg5 : memref<640x128xf32, #tpu.memory_space<hbm>>) target(%dma_start3A_23 : memref<640x128xf32, #tpu.memory_space<vmem_shared>>) target_semaphore(%run_scoped3A : memref<!tpu.dma_semaphore, #tpu.memory_space<semaphore_mem>>)
        %dma_wait3A = arith.constant 9360 : i32
        %dma_wait3A_24 = arith.constant 0 : i32
        %dma_wait3A_25 = tpu.memref_slice %arg10[%dma_wait3A, %dma_wait3A_24] : memref<10064x128xf32, #tpu.memory_space<vmem_shared>> -> memref<640x128xf32, #tpu.memory_space<vmem_shared>>
        tpu.wait_dma2 semaphore(%run_scoped3A : memref<!tpu.dma_semaphore, #tpu.memory_space<semaphore_mem>>) src(%arg5 : memref<640x128xf32, #tpu.memory_space<hbm>>) dst(%dma_wait3A_25 : memref<640x128xf32, #tpu.memory_space<vmem_shared>>)
        tpu.yield
      }) : () -> ()
    } else {
    }
    %barrier3A = arith.constant 0 : index
    tpu.barrier barrier_id(%barrier3A)
    %scan3A = arith.constant 0 : i32
    %scan3A_7 = arith.constant 5 : i32
    %scan3A_8 = arith.addi %scan3A, %scan3A_7 : i32
    %scan3A_9 = arith.constant 1 : i32
    scf.for %scan3A_22 = %scan3A to %scan3A_8 step %scan3A_9  : i32 {
      %mul3A_23 = arith.constant 1 : i32
      %mul3A_24 = arith.muli %scan3A_22, %mul3A_23 : i32
      %add3A_25 = arith.constant 0 : i32
      %add3A_26 = arith.addi %add3A_25, %mul3A_24 : i32
      "tpu.region"() ({
        %run_scoped3A = tpu.sem_alloc : memref<!tpu.dma_semaphore, #tpu.memory_space<semaphore_mem>>
        %dma_start3A_985 = arith.constant 0 : i32
        %dma_start3A_986 = arith.constant 0 : i32
        %dma_start3A_987 = tpu.memref_slice %arg3[%add3A, %add3A_26, %dma_start3A_985, %dma_start3A_986] : memref<32x5x16x128xi32, #tpu.memory_space<hbm>> -> memref<1x1x16x128xi32, #tpu.memory_space<hbm>>
        %dma_start3A_988 = tpu.memref_squeeze %dma_start3A_987 : memref<1x1x16x128xi32, #tpu.memory_space<hbm>> -> memref<16x128xi32, #tpu.memory_space<hbm>>
        %dma_start3A_989 = arith.constant 0 : i32
        %dma_start3A_990 = arith.constant 0 : i32
        %dma_start3A_991 = tpu.memref_slice %arg3[%add3A, %add3A_26, %dma_start3A_989, %dma_start3A_990] : memref<32x5x16x128xi32, #tpu.memory_space<hbm>> -> memref<1x1x16x128xi32, #tpu.memory_space<hbm>>
        %dma_start3A_992 = tpu.memref_squeeze %dma_start3A_991 : memref<1x1x16x128xi32, #tpu.memory_space<hbm>> -> memref<16x128xi32, #tpu.memory_space<hbm>>
        tpu.enqueue_dma source(%dma_start3A_992 : memref<16x128xi32, #tpu.memory_space<hbm>>) target(%arg7 : memref<16x128xi32, #tpu.memory_space<vmem>>) target_semaphore(%run_scoped3A : memref<!tpu.dma_semaphore, #tpu.memory_space<semaphore_mem>>)
        %dma_wait3A_993 = arith.constant 0 : i32
        %dma_wait3A_994 = arith.constant 0 : i32
        %dma_wait3A_995 = tpu.memref_slice %arg3[%add3A, %add3A_26, %dma_wait3A_993, %dma_wait3A_994] : memref<32x5x16x128xi32, #tpu.memory_space<hbm>> -> memref<1x1x16x128xi32, #tpu.memory_space<hbm>>
        %dma_wait3A_996 = tpu.memref_squeeze %dma_wait3A_995 : memref<1x1x16x128xi32, #tpu.memory_space<hbm>> -> memref<16x128xi32, #tpu.memory_space<hbm>>
        %dma_wait3A_997 = arith.constant 0 : i32
        %dma_wait3A_998 = arith.constant 0 : i32
        %dma_wait3A_999 = tpu.memref_slice %arg3[%add3A, %add3A_26, %dma_wait3A_997, %dma_wait3A_998] : memref<32x5x16x128xi32, #tpu.memory_space<hbm>> -> memref<1x1x16x128xi32, #tpu.memory_space<hbm>>
        %dma_wait3A_1000 = tpu.memref_squeeze %dma_wait3A_999 : memref<1x1x16x128xi32, #tpu.memory_space<hbm>> -> memref<16x128xi32, #tpu.memory_space<hbm>>
        tpu.wait_dma2 semaphore(%run_scoped3A : memref<!tpu.dma_semaphore, #tpu.memory_space<semaphore_mem>>) src(%dma_wait3A_1000 : memref<16x128xi32, #tpu.memory_space<hbm>>) dst(%arg7 : memref<16x128xi32, #tpu.memory_space<vmem>>)
        tpu.yield
      }) : () -> ()
      "tpu.region"() ({
        %run_scoped3A = tpu.sem_alloc : memref<!tpu.dma_semaphore, #tpu.memory_space<semaphore_mem>>
        %dma_start3A_985 = arith.constant 0 : i32
        %dma_start3A_986 = arith.constant 0 : i32
        %dma_start3A_987 = tpu.memref_slice %arg4[%add3A, %add3A_26, %dma_start3A_985, %dma_start3A_986] : memref<32x5x16x128xi32, #tpu.memory_space<hbm>> -> memref<1x1x16x128xi32, #tpu.memory_space<hbm>>
        %dma_start3A_988 = tpu.memref_squeeze %dma_start3A_987 : memref<1x1x16x128xi32, #tpu.memory_space<hbm>> -> memref<16x128xi32, #tpu.memory_space<hbm>>
        %dma_start3A_989 = arith.constant 0 : i32
        %dma_start3A_990 = arith.constant 0 : i32
        %dma_start3A_991 = tpu.memref_slice %arg4[%add3A, %add3A_26, %dma_start3A_989, %dma_start3A_990] : memref<32x5x16x128xi32, #tpu.memory_space<hbm>> -> memref<1x1x16x128xi32, #tpu.memory_space<hbm>>
        %dma_start3A_992 = tpu.memref_squeeze %dma_start3A_991 : memref<1x1x16x128xi32, #tpu.memory_space<hbm>> -> memref<16x128xi32, #tpu.memory_space<hbm>>
        tpu.enqueue_dma source(%dma_start3A_992 : memref<16x128xi32, #tpu.memory_space<hbm>>) target(%arg8 : memref<16x128xi32, #tpu.memory_space<vmem>>) target_semaphore(%run_scoped3A : memref<!tpu.dma_semaphore, #tpu.memory_space<semaphore_mem>>)
        %dma_wait3A_993 = arith.constant 0 : i32
        %dma_wait3A_994 = arith.constant 0 : i32
        %dma_wait3A_995 = tpu.memref_slice %arg4[%add3A, %add3A_26, %dma_wait3A_993, %dma_wait3A_994] : memref<32x5x16x128xi32, #tpu.memory_space<hbm>> -> memref<1x1x16x128xi32, #tpu.memory_space<hbm>>
        %dma_wait3A_996 = tpu.memref_squeeze %dma_wait3A_995 : memref<1x1x16x128xi32, #tpu.memory_space<hbm>> -> memref<16x128xi32, #tpu.memory_space<hbm>>
        %dma_wait3A_997 = arith.constant 0 : i32
        %dma_wait3A_998 = arith.constant 0 : i32
        %dma_wait3A_999 = tpu.memref_slice %arg4[%add3A, %add3A_26, %dma_wait3A_997, %dma_wait3A_998] : memref<32x5x16x128xi32, #tpu.memory_space<hbm>> -> memref<1x1x16x128xi32, #tpu.memory_space<hbm>>
        %dma_wait3A_1000 = tpu.memref_squeeze %dma_wait3A_999 : memref<1x1x16x128xi32, #tpu.memory_space<hbm>> -> memref<16x128xi32, #tpu.memory_space<hbm>>
        tpu.wait_dma2 semaphore(%run_scoped3A : memref<!tpu.dma_semaphore, #tpu.memory_space<semaphore_mem>>) src(%dma_wait3A_1000 : memref<16x128xi32, #tpu.memory_space<hbm>>) dst(%arg8 : memref<16x128xi32, #tpu.memory_space<vmem>>)
        tpu.yield
      }) : () -> ()
      %dma_start3A = arith.constant 0 : i32
      %dma_start3A_27 = arith.constant 0 : i32
      %dma_start3A_28 = arith.constant 0 : i32
      %dma_start3A_29 = arith.constant 0 : i32
      %dma_start3A_30 = arith.constant 0 : i32
      %dma_start3A_31 = tpu.memref_slice %arg9[%dma_start3A_27, %dma_start3A_29, %dma_start3A_30] : memref<2x128x128xf32, #tpu.memory_space<vmem>> -> memref<1x128x128xf32, #tpu.memory_space<vmem>>
      %dma_start3A_32 = tpu.memref_squeeze %dma_start3A_31 : memref<1x128x128xf32, #tpu.memory_space<vmem>> -> memref<128x128xf32, #tpu.memory_space<vmem>>
      %dma_start3A_33 = arith.constant 0 : i32
      %dma_start3A_34 = tpu.memref_slice %arg7[%dma_start3A, %dma_start3A_33] : memref<16x128xi32, #tpu.memory_space<vmem>> -> memref<1x128xi32, #tpu.memory_space<vmem>>
      %dma_start3A_35 = tpu.memref_squeeze %dma_start3A_34 : memref<1x128xi32, #tpu.memory_space<vmem>> -> memref<128xi32, #tpu.memory_space<vmem>>
      %dma_start3A_36 = arith.constant 0 : i32
      %dma_start3A_37 = arith.constant 0 : i32
      %dma_start3A_38 = tpu.memref_slice %arg2[%dma_start3A_36, %dma_start3A_37] : memref<10064x128xf32, #tpu.memory_space<hbm>> -> memref<10064x128xf32, #tpu.memory_space<hbm>>
      %dma_start3A_39 = tpu.memref_slice %arg11[%dma_start3A_28] : memref<2x!tpu.dma_semaphore, #tpu.memory_space<semaphore_mem>> -> memref<1x!tpu.dma_semaphore, #tpu.memory_space<semaphore_mem>>
      %dma_start3A_40 = tpu.memref_squeeze %dma_start3A_39 : memref<1x!tpu.dma_semaphore, #tpu.memory_space<semaphore_mem>> -> memref<!tpu.dma_semaphore, #tpu.memory_space<semaphore_mem>>
      tpu.enqueue_indirect_dma source(%dma_start3A_38 : memref<10064x128xf32, #tpu.memory_space<hbm>>) target(%dma_start3A_32 : memref<128x128xf32, #tpu.memory_space<vmem>>) offsets(%dma_start3A_35 : memref<128xi32, #tpu.memory_space<vmem>>) semaphore(%dma_start3A_40 : memref<!tpu.dma_semaphore, #tpu.memory_space<semaphore_mem>>)
      %dma_start3A_41 = arith.constant 1 : i32
      %dma_start3A_42 = arith.constant 1 : i32
      %dma_start3A_43 = arith.constant 1 : i32
      %dma_start3A_44 = arith.constant 0 : i32
      %dma_start3A_45 = arith.constant 0 : i32
      %dma_start3A_46 = tpu.memref_slice %arg9[%dma_start3A_42, %dma_start3A_44, %dma_start3A_45] : memref<2x128x128xf32, #tpu.memory_space<vmem>> -> memref<1x128x128xf32, #tpu.memory_space<vmem>>
      %dma_start3A_47 = tpu.memref_squeeze %dma_start3A_46 : memref<1x128x128xf32, #tpu.memory_space<vmem>> -> memref<128x128xf32, #tpu.memory_space<vmem>>
      %dma_start3A_48 = arith.constant 0 : i32
      %dma_start3A_49 = tpu.memref_slice %arg7[%dma_start3A_41, %dma_start3A_48] : memref<16x128xi32, #tpu.memory_space<vmem>> -> memref<1x128xi32, #tpu.memory_space<vmem>>
      %dma_start3A_50 = tpu.memref_squeeze %dma_start3A_49 : memref<1x128xi32, #tpu.memory_space<vmem>> -> memref<128xi32, #tpu.memory_space<vmem>>
      %dma_start3A_51 = arith.constant 0 : i32
      %dma_start3A_52 = arith.constant 0 : i32
      %dma_start3A_53 = tpu.memref_slice %arg2[%dma_start3A_51, %dma_start3A_52] : memref<10064x128xf32, #tpu.memory_space<hbm>> -> memref<10064x128xf32, #tpu.memory_space<hbm>>
      %dma_start3A_54 = tpu.memref_slice %arg11[%dma_start3A_43] : memref<2x!tpu.dma_semaphore, #tpu.memory_space<semaphore_mem>> -> memref<1x!tpu.dma_semaphore, #tpu.memory_space<semaphore_mem>>
      %dma_start3A_55 = tpu.memref_squeeze %dma_start3A_54 : memref<1x!tpu.dma_semaphore, #tpu.memory_space<semaphore_mem>> -> memref<!tpu.dma_semaphore, #tpu.memory_space<semaphore_mem>>
      tpu.enqueue_indirect_dma source(%dma_start3A_53 : memref<10064x128xf32, #tpu.memory_space<hbm>>) target(%dma_start3A_47 : memref<128x128xf32, #tpu.memory_space<vmem>>) offsets(%dma_start3A_50 : memref<128xi32, #tpu.memory_space<vmem>>) semaphore(%dma_start3A_55 : memref<!tpu.dma_semaphore, #tpu.memory_space<semaphore_mem>>)
      %dma_wait3A = arith.constant 0 : i32
      %dma_wait3A_56 = arith.constant 0 : i32
      %dma_wait3A_57 = arith.constant 0 : i32
      %dma_wait3A_58 = arith.constant 0 : i32
      %dma_wait3A_59 = arith.constant 0 : i32
      %dma_wait3A_60 = tpu.memref_slice %arg9[%dma_wait3A_56, %dma_wait3A_58, %dma_wait3A_59] : memref<2x128x128xf32, #tpu.memory_space<vmem>> -> memref<1x128x128xf32, #tpu.memory_space<vmem>>
      %dma_wait3A_61 = tpu.memref_squeeze %dma_wait3A_60 : memref<1x128x128xf32, #tpu.memory_space<vmem>> -> memref<128x128xf32, #tpu.memory_space<vmem>>
      %dma_wait3A_62 = arith.constant 0 : i32
      %dma_wait3A_63 = tpu.memref_slice %arg7[%dma_wait3A, %dma_wait3A_62] : memref<16x128xi32, #tpu.memory_space<vmem>> -> memref<1x128xi32, #tpu.memory_space<vmem>>
      %dma_wait3A_64 = tpu.memref_squeeze %dma_wait3A_63 : memref<1x128xi32, #tpu.memory_space<vmem>> -> memref<128xi32, #tpu.memory_space<vmem>>
      %dma_wait3A_65 = arith.constant 0 : i32
      %dma_wait3A_66 = arith.constant 0 : i32
      %dma_wait3A_67 = tpu.memref_slice %arg2[%dma_wait3A_65, %dma_wait3A_66] : memref<10064x128xf32, #tpu.memory_space<hbm>> -> memref<10064x128xf32, #tpu.memory_space<hbm>>
      %dma_wait3A_68 = tpu.memref_slice %arg11[%dma_wait3A_57] : memref<2x!tpu.dma_semaphore, #tpu.memory_space<semaphore_mem>> -> memref<1x!tpu.dma_semaphore, #tpu.memory_space<semaphore_mem>>
      %dma_wait3A_69 = tpu.memref_squeeze %dma_wait3A_68 : memref<1x!tpu.dma_semaphore, #tpu.memory_space<semaphore_mem>> -> memref<!tpu.dma_semaphore, #tpu.memory_space<semaphore_mem>>
      tpu.wait_indirect_dma semaphore(%dma_wait3A_69 : memref<!tpu.dma_semaphore, #tpu.memory_space<semaphore_mem>>) src(%dma_wait3A_67 : memref<10064x128xf32, #tpu.memory_space<hbm>>) dst(%dma_wait3A_61 : memref<128x128xf32, #tpu.memory_space<vmem>>)
      %dma_start3A_70 = arith.constant 0 : i32
      %dma_start3A_71 = arith.constant 0 : i32
      %dma_start3A_72 = arith.constant 0 : i32
      %dma_start3A_73 = arith.constant 0 : i32
      %dma_start3A_74 = arith.constant 0 : i32
      %dma_start3A_75 = tpu.memref_slice %arg9[%dma_start3A_70, %dma_start3A_73, %dma_start3A_74] : memref<2x128x128xf32, #tpu.memory_space<vmem>> -> memref<1x128x128xf32, #tpu.memory_space<vmem>>
      %dma_start3A_76 = tpu.memref_squeeze %dma_start3A_75 : memref<1x128x128xf32, #tpu.memory_space<vmem>> -> memref<128x128xf32, #tpu.memory_space<vmem>>
      %dma_start3A_77 = arith.constant 0 : i32
      %dma_start3A_78 = tpu.memref_slice %arg8[%dma_start3A_71, %dma_start3A_77] : memref<16x128xi32, #tpu.memory_space<vmem>> -> memref<1x128xi32, #tpu.memory_space<vmem>>
      %dma_start3A_79 = tpu.memref_squeeze %dma_start3A_78 : memref<1x128xi32, #tpu.memory_space<vmem>> -> memref<128xi32, #tpu.memory_space<vmem>>
      %dma_start3A_80 = arith.constant 0 : i32
      %dma_start3A_81 = arith.constant 0 : i32
      %dma_start3A_82 = tpu.memref_slice %arg10[%dma_start3A_80, %dma_start3A_81] : memref<10064x128xf32, #tpu.memory_space<vmem_shared>> -> memref<10064x128xf32, #tpu.memory_space<vmem_shared>>
      %dma_start3A_83 = tpu.memref_slice %arg12[%dma_start3A_72] : memref<2x!tpu.dma_semaphore, #tpu.memory_space<semaphore_mem>> -> memref<1x!tpu.dma_semaphore, #tpu.memory_space<semaphore_mem>>
      %dma_start3A_84 = tpu.memref_squeeze %dma_start3A_83 : memref<1x!tpu.dma_semaphore, #tpu.memory_space<semaphore_mem>> -> memref<!tpu.dma_semaphore, #tpu.memory_space<semaphore_mem>>
      tpu.enqueue_indirect_dma source(%dma_start3A_76 : memref<128x128xf32, #tpu.memory_space<vmem>>) target(%dma_start3A_82 : memref<10064x128xf32, #tpu.memory_space<vmem_shared>>) offsets(%dma_start3A_79 : memref<128xi32, #tpu.memory_space<vmem>>) semaphore(%dma_start3A_84 : memref<!tpu.dma_semaphore, #tpu.memory_space<semaphore_mem>>) {add = true}
      %dma_wait3A_85 = arith.constant 0 : i32
      %dma_wait3A_86 = arith.constant 0 : i32
      %dma_wait3A_87 = arith.constant 0 : i32
      %dma_wait3A_88 = arith.constant 0 : i32
      %dma_wait3A_89 = arith.constant 0 : i32
      %dma_wait3A_90 = tpu.memref_slice %arg9[%dma_wait3A_85, %dma_wait3A_88, %dma_wait3A_89] : memref<2x128x128xf32, #tpu.memory_space<vmem>> -> memref<1x128x128xf32, #tpu.memory_space<vmem>>
      %dma_wait3A_91 = tpu.memref_squeeze %dma_wait3A_90 : memref<1x128x128xf32, #tpu.memory_space<vmem>> -> memref<128x128xf32, #tpu.memory_space<vmem>>
      %dma_wait3A_92 = arith.constant 0 : i32
      %dma_wait3A_93 = tpu.memref_slice %arg8[%dma_wait3A_86, %dma_wait3A_92] : memref<16x128xi32, #tpu.memory_space<vmem>> -> memref<1x128xi32, #tpu.memory_space<vmem>>
      %dma_wait3A_94 = tpu.memref_squeeze %dma_wait3A_93 : memref<1x128xi32, #tpu.memory_space<vmem>> -> memref<128xi32, #tpu.memory_space<vmem>>
      %dma_wait3A_95 = arith.constant 0 : i32
      %dma_wait3A_96 = arith.constant 0 : i32
      %dma_wait3A_97 = tpu.memref_slice %arg10[%dma_wait3A_95, %dma_wait3A_96] : memref<10064x128xf32, #tpu.memory_space<vmem_shared>> -> memref<10064x128xf32, #tpu.memory_space<vmem_shared>>
      %dma_wait3A_98 = tpu.memref_slice %arg12[%dma_wait3A_87] : memref<2x!tpu.dma_semaphore, #tpu.memory_space<semaphore_mem>> -> memref<1x!tpu.dma_semaphore, #tpu.memory_space<semaphore_mem>>
      %dma_wait3A_99 = tpu.memref_squeeze %dma_wait3A_98 : memref<1x!tpu.dma_semaphore, #tpu.memory_space<semaphore_mem>> -> memref<!tpu.dma_semaphore, #tpu.memory_space<semaphore_mem>>
      tpu.wait_indirect_dma semaphore(%dma_wait3A_99 : memref<!tpu.dma_semaphore, #tpu.memory_space<semaphore_mem>>) src(%dma_wait3A_91 : memref<128x128xf32, #tpu.memory_space<vmem>>) dst(%dma_wait3A_97 : memref<10064x128xf32, #tpu.memory_space<vmem_shared>>)
      %dma_start3A_100 = arith.constant 2 : i32
      %dma_start3A_101 = arith.constant 0 : i32
      %dma_start3A_102 = arith.constant 0 : i32
      %dma_start3A_103 = arith.constant 0 : i32
      %dma_start3A_104 = arith.constant 0 : i32
      %dma_start3A_105 = tpu.memref_slice %arg9[%dma_start3A_101, %dma_start3A_103, %dma_start3A_104] : memref<2x128x128xf32, #tpu.memory_space<vmem>> -> memref<1x128x128xf32, #tpu.memory_space<vmem>>
      %dma_start3A_106 = tpu.memref_squeeze %dma_start3A_105 : memref<1x128x128xf32, #tpu.memory_space<vmem>> -> memref<128x128xf32, #tpu.memory_space<vmem>>
      %dma_start3A_107 = arith.constant 0 : i32
      %dma_start3A_108 = tpu.memref_slice %arg7[%dma_start3A_100, %dma_start3A_107] : memref<16x128xi32, #tpu.memory_space<vmem>> -> memref<1x128xi32, #tpu.memory_space<vmem>>
      %dma_start3A_109 = tpu.memref_squeeze %dma_start3A_108 : memref<1x128xi32, #tpu.memory_space<vmem>> -> memref<128xi32, #tpu.memory_space<vmem>>
      %dma_start3A_110 = arith.constant 0 : i32
      %dma_start3A_111 = arith.constant 0 : i32
      %dma_start3A_112 = tpu.memref_slice %arg2[%dma_start3A_110, %dma_start3A_111] : memref<10064x128xf32, #tpu.memory_space<hbm>> -> memref<10064x128xf32, #tpu.memory_space<hbm>>
      %dma_start3A_113 = tpu.memref_slice %arg11[%dma_start3A_102] : memref<2x!tpu.dma_semaphore, #tpu.memory_space<semaphore_mem>> -> memref<1x!tpu.dma_semaphore, #tpu.memory_space<semaphore_mem>>
      %dma_start3A_114 = tpu.memref_squeeze %dma_start3A_113 : memref<1x!tpu.dma_semaphore, #tpu.memory_space<semaphore_mem>> -> memref<!tpu.dma_semaphore, #tpu.memory_space<semaphore_mem>>
      tpu.enqueue_indirect_dma source(%dma_start3A_112 : memref<10064x128xf32, #tpu.memory_space<hbm>>) target(%dma_start3A_106 : memref<128x128xf32, #tpu.memory_space<vmem>>) offsets(%dma_start3A_109 : memref<128xi32, #tpu.memory_space<vmem>>) semaphore(%dma_start3A_114 : memref<!tpu.dma_semaphore, #tpu.memory_space<semaphore_mem>>)
      %dma_wait3A_115 = arith.constant 1 : i32
      %dma_wait3A_116 = arith.constant 1 : i32
      %dma_wait3A_117 = arith.constant 1 : i32
      %dma_wait3A_118 = arith.constant 0 : i32
      %dma_wait3A_119 = arith.constant 0 : i32
      %dma_wait3A_120 = tpu.memref_slice %arg9[%dma_wait3A_116, %dma_wait3A_118, %dma_wait3A_119] : memref<2x128x128xf32, #tpu.memory_space<vmem>> -> memref<1x128x128xf32, #tpu.memory_space<vmem>>
      %dma_wait3A_121 = tpu.memref_squeeze %dma_wait3A_120 : memref<1x128x128xf32, #tpu.memory_space<vmem>> -> memref<128x128xf32, #tpu.memory_space<vmem>>
      %dma_wait3A_122 = arith.constant 0 : i32
      %dma_wait3A_123 = tpu.memref_slice %arg7[%dma_wait3A_115, %dma_wait3A_122] : memref<16x128xi32, #tpu.memory_space<vmem>> -> memref<1x128xi32, #tpu.memory_space<vmem>>
      %dma_wait3A_124 = tpu.memref_squeeze %dma_wait3A_123 : memref<1x128xi32, #tpu.memory_space<vmem>> -> memref<128xi32, #tpu.memory_space<vmem>>
      %dma_wait3A_125 = arith.constant 0 : i32
      %dma_wait3A_126 = arith.constant 0 : i32
      %dma_wait3A_127 = tpu.memref_slice %arg2[%dma_wait3A_125, %dma_wait3A_126] : memref<10064x128xf32, #tpu.memory_space<hbm>> -> memref<10064x128xf32, #tpu.memory_space<hbm>>
      %dma_wait3A_128 = tpu.memref_slice %arg11[%dma_wait3A_117] : memref<2x!tpu.dma_semaphore, #tpu.memory_space<semaphore_mem>> -> memref<1x!tpu.dma_semaphore, #tpu.memory_space<semaphore_mem>>
      %dma_wait3A_129 = tpu.memref_squeeze %dma_wait3A_128 : memref<1x!tpu.dma_semaphore, #tpu.memory_space<semaphore_mem>> -> memref<!tpu.dma_semaphore, #tpu.memory_space<semaphore_mem>>
      tpu.wait_indirect_dma semaphore(%dma_wait3A_129 : memref<!tpu.dma_semaphore, #tpu.memory_space<semaphore_mem>>) src(%dma_wait3A_127 : memref<10064x128xf32, #tpu.memory_space<hbm>>) dst(%dma_wait3A_121 : memref<128x128xf32, #tpu.memory_space<vmem>>)
      %dma_start3A_130 = arith.constant 1 : i32
      %dma_start3A_131 = arith.constant 1 : i32
      %dma_start3A_132 = arith.constant 1 : i32
      %dma_start3A_133 = arith.constant 0 : i32
      %dma_start3A_134 = arith.constant 0 : i32
      %dma_start3A_135 = tpu.memref_slice %arg9[%dma_start3A_130, %dma_start3A_133, %dma_start3A_134] : memref<2x128x128xf32, #tpu.memory_space<vmem>> -> memref<1x128x128xf32, #tpu.memory_space<vmem>>
      %dma_start3A_136 = tpu.memref_squeeze %dma_start3A_135 : memref<1x128x128xf32, #tpu.memory_space<vmem>> -> memref<128x128xf32, #tpu.memory_space<vmem>>
      %dma_start3A_137 = arith.constant 0 : i32
      %dma_start3A_138 = tpu.memref_slice %arg8[%dma_start3A_131, %dma_start3A_137] : memref<16x128xi32, #tpu.memory_space<vmem>> -> memref<1x128xi32, #tpu.memory_space<vmem>>
      %dma_start3A_139 = tpu.memref_squeeze %dma_start3A_138 : memref<1x128xi32, #tpu.memory_space<vmem>> -> memref<128xi32, #tpu.memory_space<vmem>>
      %dma_start3A_140 = arith.constant 0 : i32
      %dma_start3A_141 = arith.constant 0 : i32
      %dma_start3A_142 = tpu.memref_slice %arg10[%dma_start3A_140, %dma_start3A_141] : memref<10064x128xf32, #tpu.memory_space<vmem_shared>> -> memref<10064x128xf32, #tpu.memory_space<vmem_shared>>
      %dma_start3A_143 = tpu.memref_slice %arg12[%dma_start3A_132] : memref<2x!tpu.dma_semaphore, #tpu.memory_space<semaphore_mem>> -> memref<1x!tpu.dma_semaphore, #tpu.memory_space<semaphore_mem>>
      %dma_start3A_144 = tpu.memref_squeeze %dma_start3A_143 : memref<1x!tpu.dma_semaphore, #tpu.memory_space<semaphore_mem>> -> memref<!tpu.dma_semaphore, #tpu.memory_space<semaphore_mem>>
      tpu.enqueue_indirect_dma source(%dma_start3A_136 : memref<128x128xf32, #tpu.memory_space<vmem>>) target(%dma_start3A_142 : memref<10064x128xf32, #tpu.memory_space<vmem_shared>>) offsets(%dma_start3A_139 : memref<128xi32, #tpu.memory_space<vmem>>) semaphore(%dma_start3A_144 : memref<!tpu.dma_semaphore, #tpu.memory_space<semaphore_mem>>) {add = true}
      %dma_wait3A_145 = arith.constant 1 : i32
      %dma_wait3A_146 = arith.constant 1 : i32
      %dma_wait3A_147 = arith.constant 1 : i32
      %dma_wait3A_148 = arith.constant 0 : i32
      %dma_wait3A_149 = arith.constant 0 : i32
      %dma_wait3A_150 = tpu.memref_slice %arg9[%dma_wait3A_145, %dma_wait3A_148, %dma_wait3A_149] : memref<2x128x128xf32, #tpu.memory_space<vmem>> -> memref<1x128x128xf32, #tpu.memory_space<vmem>>
      %dma_wait3A_151 = tpu.memref_squeeze %dma_wait3A_150 : memref<1x128x128xf32, #tpu.memory_space<vmem>> -> memref<128x128xf32, #tpu.memory_space<vmem>>
      %dma_wait3A_152 = arith.constant 0 : i32
      %dma_wait3A_153 = tpu.memref_slice %arg8[%dma_wait3A_146, %dma_wait3A_152] : memref<16x128xi32, #tpu.memory_space<vmem>> -> memref<1x128xi32, #tpu.memory_space<vmem>>
      %dma_wait3A_154 = tpu.memref_squeeze %dma_wait3A_153 : memref<1x128xi32, #tpu.memory_space<vmem>> -> memref<128xi32, #tpu.memory_space<vmem>>
      %dma_wait3A_155 = arith.constant 0 : i32
      %dma_wait3A_156 = arith.constant 0 : i32
      %dma_wait3A_157 = tpu.memref_slice %arg10[%dma_wait3A_155, %dma_wait3A_156] : memref<10064x128xf32, #tpu.memory_space<vmem_shared>> -> memref<10064x128xf32, #tpu.memory_space<vmem_shared>>
      %dma_wait3A_158 = tpu.memref_slice %arg12[%dma_wait3A_147] : memref<2x!tpu.dma_semaphore, #tpu.memory_space<semaphore_mem>> -> memref<1x!tpu.dma_semaphore, #tpu.memory_space<semaphore_mem>>
      %dma_wait3A_159 = tpu.memref_squeeze %dma_wait3A_158 : memref<1x!tpu.dma_semaphore, #tpu.memory_space<semaphore_mem>> -> memref<!tpu.dma_semaphore, #tpu.memory_space<semaphore_mem>>
      tpu.wait_indirect_dma semaphore(%dma_wait3A_159 : memref<!tpu.dma_semaphore, #tpu.memory_space<semaphore_mem>>) src(%dma_wait3A_151 : memref<128x128xf32, #tpu.memory_space<vmem>>) dst(%dma_wait3A_157 : memref<10064x128xf32, #tpu.memory_space<vmem_shared>>)
      %dma_start3A_160 = arith.constant 3 : i32
      %dma_start3A_161 = arith.constant 1 : i32
      %dma_start3A_162 = arith.constant 1 : i32
      %dma_start3A_163 = arith.constant 0 : i32
      %dma_start3A_164 = arith.constant 0 : i32
      %dma_start3A_165 = tpu.memref_slice %arg9[%dma_start3A_161, %dma_start3A_163, %dma_start3A_164] : memref<2x128x128xf32, #tpu.memory_space<vmem>> -> memref<1x128x128xf32, #tpu.memory_space<vmem>>
      %dma_start3A_166 = tpu.memref_squeeze %dma_start3A_165 : memref<1x128x128xf32, #tpu.memory_space<vmem>> -> memref<128x128xf32, #tpu.memory_space<vmem>>
      %dma_start3A_167 = arith.constant 0 : i32
      %dma_start3A_168 = tpu.memref_slice %arg7[%dma_start3A_160, %dma_start3A_167] : memref<16x128xi32, #tpu.memory_space<vmem>> -> memref<1x128xi32, #tpu.memory_space<vmem>>
      %dma_start3A_169 = tpu.memref_squeeze %dma_start3A_168 : memref<1x128xi32, #tpu.memory_space<vmem>> -> memref<128xi32, #tpu.memory_space<vmem>>
      %dma_start3A_170 = arith.constant 0 : i32
      %dma_start3A_171 = arith.constant 0 : i32
      %dma_start3A_172 = tpu.memref_slice %arg2[%dma_start3A_170, %dma_start3A_171] : memref<10064x128xf32, #tpu.memory_space<hbm>> -> memref<10064x128xf32, #tpu.memory_space<hbm>>
      %dma_start3A_173 = tpu.memref_slice %arg11[%dma_start3A_162] : memref<2x!tpu.dma_semaphore, #tpu.memory_space<semaphore_mem>> -> memref<1x!tpu.dma_semaphore, #tpu.memory_space<semaphore_mem>>
      %dma_start3A_174 = tpu.memref_squeeze %dma_start3A_173 : memref<1x!tpu.dma_semaphore, #tpu.memory_space<semaphore_mem>> -> memref<!tpu.dma_semaphore, #tpu.memory_space<semaphore_mem>>
      tpu.enqueue_indirect_dma source(%dma_start3A_172 : memref<10064x128xf32, #tpu.memory_space<hbm>>) target(%dma_start3A_166 : memref<128x128xf32, #tpu.memory_space<vmem>>) offsets(%dma_start3A_169 : memref<128xi32, #tpu.memory_space<vmem>>) semaphore(%dma_start3A_174 : memref<!tpu.dma_semaphore, #tpu.memory_space<semaphore_mem>>)
      %dma_wait3A_175 = arith.constant 2 : i32
      %dma_wait3A_176 = arith.constant 0 : i32
      %dma_wait3A_177 = arith.constant 0 : i32
      %dma_wait3A_178 = arith.constant 0 : i32
      %dma_wait3A_179 = arith.constant 0 : i32
      %dma_wait3A_180 = tpu.memref_slice %arg9[%dma_wait3A_176, %dma_wait3A_178, %dma_wait3A_179] : memref<2x128x128xf32, #tpu.memory_space<vmem>> -> memref<1x128x128xf32, #tpu.memory_space<vmem>>
      %dma_wait3A_181 = tpu.memref_squeeze %dma_wait3A_180 : memref<1x128x128xf32, #tpu.memory_space<vmem>> -> memref<128x128xf32, #tpu.memory_space<vmem>>
      %dma_wait3A_182 = arith.constant 0 : i32
      %dma_wait3A_183 = tpu.memref_slice %arg7[%dma_wait3A_175, %dma_wait3A_182] : memref<16x128xi32, #tpu.memory_space<vmem>> -> memref<1x128xi32, #tpu.memory_space<vmem>>
      %dma_wait3A_184 = tpu.memref_squeeze %dma_wait3A_183 : memref<1x128xi32, #tpu.memory_space<vmem>> -> memref<128xi32, #tpu.memory_space<vmem>>
      %dma_wait3A_185 = arith.constant 0 : i32
      %dma_wait3A_186 = arith.constant 0 : i32
      %dma_wait3A_187 = tpu.memref_slice %arg2[%dma_wait3A_185, %dma_wait3A_186] : memref<10064x128xf32, #tpu.memory_space<hbm>> -> memref<10064x128xf32, #tpu.memory_space<hbm>>
      %dma_wait3A_188 = tpu.memref_slice %arg11[%dma_wait3A_177] : memref<2x!tpu.dma_semaphore, #tpu.memory_space<semaphore_mem>> -> memref<1x!tpu.dma_semaphore, #tpu.memory_space<semaphore_mem>>
      %dma_wait3A_189 = tpu.memref_squeeze %dma_wait3A_188 : memref<1x!tpu.dma_semaphore, #tpu.memory_space<semaphore_mem>> -> memref<!tpu.dma_semaphore, #tpu.memory_space<semaphore_mem>>
      tpu.wait_indirect_dma semaphore(%dma_wait3A_189 : memref<!tpu.dma_semaphore, #tpu.memory_space<semaphore_mem>>) src(%dma_wait3A_187 : memref<10064x128xf32, #tpu.memory_space<hbm>>) dst(%dma_wait3A_181 : memref<128x128xf32, #tpu.memory_space<vmem>>)
      %dma_start3A_190 = arith.constant 0 : i32
      %dma_start3A_191 = arith.constant 2 : i32
      %dma_start3A_192 = arith.constant 0 : i32
      %dma_start3A_193 = arith.constant 0 : i32
      %dma_start3A_194 = arith.constant 0 : i32
      %dma_start3A_195 = tpu.memref_slice %arg9[%dma_start3A_190, %dma_start3A_193, %dma_start3A_194] : memref<2x128x128xf32, #tpu.memory_space<vmem>> -> memref<1x128x128xf32, #tpu.memory_space<vmem>>
      %dma_start3A_196 = tpu.memref_squeeze %dma_start3A_195 : memref<1x128x128xf32, #tpu.memory_space<vmem>> -> memref<128x128xf32, #tpu.memory_space<vmem>>
      %dma_start3A_197 = arith.constant 0 : i32
      %dma_start3A_198 = tpu.memref_slice %arg8[%dma_start3A_191, %dma_start3A_197] : memref<16x128xi32, #tpu.memory_space<vmem>> -> memref<1x128xi32, #tpu.memory_space<vmem>>
      %dma_start3A_199 = tpu.memref_squeeze %dma_start3A_198 : memref<1x128xi32, #tpu.memory_space<vmem>> -> memref<128xi32, #tpu.memory_space<vmem>>
      %dma_start3A_200 = arith.constant 0 : i32
      %dma_start3A_201 = arith.constant 0 : i32
      %dma_start3A_202 = tpu.memref_slice %arg10[%dma_start3A_200, %dma_start3A_201] : memref<10064x128xf32, #tpu.memory_space<vmem_shared>> -> memref<10064x128xf32, #tpu.memory_space<vmem_shared>>
      %dma_start3A_203 = tpu.memref_slice %arg12[%dma_start3A_192] : memref<2x!tpu.dma_semaphore, #tpu.memory_space<semaphore_mem>> -> memref<1x!tpu.dma_semaphore, #tpu.memory_space<semaphore_mem>>
      %dma_start3A_204 = tpu.memref_squeeze %dma_start3A_203 : memref<1x!tpu.dma_semaphore, #tpu.memory_space<semaphore_mem>> -> memref<!tpu.dma_semaphore, #tpu.memory_space<semaphore_mem>>
      tpu.enqueue_indirect_dma source(%dma_start3A_196 : memref<128x128xf32, #tpu.memory_space<vmem>>) target(%dma_start3A_202 : memref<10064x128xf32, #tpu.memory_space<vmem_shared>>) offsets(%dma_start3A_199 : memref<128xi32, #tpu.memory_space<vmem>>) semaphore(%dma_start3A_204 : memref<!tpu.dma_semaphore, #tpu.memory_space<semaphore_mem>>) {add = true}
      %dma_wait3A_205 = arith.constant 0 : i32
      %dma_wait3A_206 = arith.constant 2 : i32
      %dma_wait3A_207 = arith.constant 0 : i32
      %dma_wait3A_208 = arith.constant 0 : i32
      %dma_wait3A_209 = arith.constant 0 : i32
      %dma_wait3A_210 = tpu.memref_slice %arg9[%dma_wait3A_205, %dma_wait3A_208, %dma_wait3A_209] : memref<2x128x128xf32, #tpu.memory_space<vmem>> -> memref<1x128x128xf32, #tpu.memory_space<vmem>>
      %dma_wait3A_211 = tpu.memref_squeeze %dma_wait3A_210 : memref<1x128x128xf32, #tpu.memory_space<vmem>> -> memref<128x128xf32, #tpu.memory_space<vmem>>
      %dma_wait3A_212 = arith.constant 0 : i32
      %dma_wait3A_213 = tpu.memref_slice %arg8[%dma_wait3A_206, %dma_wait3A_212] : memref<16x128xi32, #tpu.memory_space<vmem>> -> memref<1x128xi32, #tpu.memory_space<vmem>>
      %dma_wait3A_214 = tpu.memref_squeeze %dma_wait3A_213 : memref<1x128xi32, #tpu.memory_space<vmem>> -> memref<128xi32, #tpu.memory_space<vmem>>
      %dma_wait3A_215 = arith.constant 0 : i32
      %dma_wait3A_216 = arith.constant 0 : i32
      %dma_wait3A_217 = tpu.memref_slice %arg10[%dma_wait3A_215, %dma_wait3A_216] : memref<10064x128xf32, #tpu.memory_space<vmem_shared>> -> memref<10064x128xf32, #tpu.memory_space<vmem_shared>>
      %dma_wait3A_218 = tpu.memref_slice %arg12[%dma_wait3A_207] : memref<2x!tpu.dma_semaphore, #tpu.memory_space<semaphore_mem>> -> memref<1x!tpu.dma_semaphore, #tpu.memory_space<semaphore_mem>>
      %dma_wait3A_219 = tpu.memref_squeeze %dma_wait3A_218 : memref<1x!tpu.dma_semaphore, #tpu.memory_space<semaphore_mem>> -> memref<!tpu.dma_semaphore, #tpu.memory_space<semaphore_mem>>
      tpu.wait_indirect_dma semaphore(%dma_wait3A_219 : memref<!tpu.dma_semaphore, #tpu.memory_space<semaphore_mem>>) src(%dma_wait3A_211 : memref<128x128xf32, #tpu.memory_space<vmem>>) dst(%dma_wait3A_217 : memref<10064x128xf32, #tpu.memory_space<vmem_shared>>)
      %dma_start3A_220 = arith.constant 4 : i32
      %dma_start3A_221 = arith.constant 0 : i32
      %dma_start3A_222 = arith.constant 0 : i32
      %dma_start3A_223 = arith.constant 0 : i32
      %dma_start3A_224 = arith.constant 0 : i32
      %dma_start3A_225 = tpu.memref_slice %arg9[%dma_start3A_221, %dma_start3A_223, %dma_start3A_224] : memref<2x128x128xf32, #tpu.memory_space<vmem>> -> memref<1x128x128xf32, #tpu.memory_space<vmem>>
      %dma_start3A_226 = tpu.memref_squeeze %dma_start3A_225 : memref<1x128x128xf32, #tpu.memory_space<vmem>> -> memref<128x128xf32, #tpu.memory_space<vmem>>
      %dma_start3A_227 = arith.constant 0 : i32
      %dma_start3A_228 = tpu.memref_slice %arg7[%dma_start3A_220, %dma_start3A_227] : memref<16x128xi32, #tpu.memory_space<vmem>> -> memref<1x128xi32, #tpu.memory_space<vmem>>
      %dma_start3A_229 = tpu.memref_squeeze %dma_start3A_228 : memref<1x128xi32, #tpu.memory_space<vmem>> -> memref<128xi32, #tpu.memory_space<vmem>>
      %dma_start3A_230 = arith.constant 0 : i32
      %dma_start3A_231 = arith.constant 0 : i32
      %dma_start3A_232 = tpu.memref_slice %arg2[%dma_start3A_230, %dma_start3A_231] : memref<10064x128xf32, #tpu.memory_space<hbm>> -> memref<10064x128xf32, #tpu.memory_space<hbm>>
      %dma_start3A_233 = tpu.memref_slice %arg11[%dma_start3A_222] : memref<2x!tpu.dma_semaphore, #tpu.memory_space<semaphore_mem>> -> memref<1x!tpu.dma_semaphore, #tpu.memory_space<semaphore_mem>>
      %dma_start3A_234 = tpu.memref_squeeze %dma_start3A_233 : memref<1x!tpu.dma_semaphore, #tpu.memory_space<semaphore_mem>> -> memref<!tpu.dma_semaphore, #tpu.memory_space<semaphore_mem>>
      tpu.enqueue_indirect_dma source(%dma_start3A_232 : memref<10064x128xf32, #tpu.memory_space<hbm>>) target(%dma_start3A_226 : memref<128x128xf32, #tpu.memory_space<vmem>>) offsets(%dma_start3A_229 : memref<128xi32, #tpu.memory_space<vmem>>) semaphore(%dma_start3A_234 : memref<!tpu.dma_semaphore, #tpu.memory_space<semaphore_mem>>)
      %dma_wait3A_235 = arith.constant 3 : i32
      %dma_wait3A_236 = arith.constant 1 : i32
      %dma_wait3A_237 = arith.constant 1 : i32
      %dma_wait3A_238 = arith.constant 0 : i32
      %dma_wait3A_239 = arith.constant 0 : i32
      %dma_wait3A_240 = tpu.memref_slice %arg9[%dma_wait3A_236, %dma_wait3A_238, %dma_wait3A_239] : memref<2x128x128xf32, #tpu.memory_space<vmem>> -> memref<1x128x128xf32, #tpu.memory_space<vmem>>
      %dma_wait3A_241 = tpu.memref_squeeze %dma_wait3A_240 : memref<1x128x128xf32, #tpu.memory_space<vmem>> -> memref<128x128xf32, #tpu.memory_space<vmem>>
      %dma_wait3A_242 = arith.constant 0 : i32
      %dma_wait3A_243 = tpu.memref_slice %arg7[%dma_wait3A_235, %dma_wait3A_242] : memref<16x128xi32, #tpu.memory_space<vmem>> -> memref<1x128xi32, #tpu.memory_space<vmem>>
      %dma_wait3A_244 = tpu.memref_squeeze %dma_wait3A_243 : memref<1x128xi32, #tpu.memory_space<vmem>> -> memref<128xi32, #tpu.memory_space<vmem>>
      %dma_wait3A_245 = arith.constant 0 : i32
      %dma_wait3A_246 = arith.constant 0 : i32
      %dma_wait3A_247 = tpu.memref_slice %arg2[%dma_wait3A_245, %dma_wait3A_246] : memref<10064x128xf32, #tpu.memory_space<hbm>> -> memref<10064x128xf32, #tpu.memory_space<hbm>>
      %dma_wait3A_248 = tpu.memref_slice %arg11[%dma_wait3A_237] : memref<2x!tpu.dma_semaphore, #tpu.memory_space<semaphore_mem>> -> memref<1x!tpu.dma_semaphore, #tpu.memory_space<semaphore_mem>>
      %dma_wait3A_249 = tpu.memref_squeeze %dma_wait3A_248 : memref<1x!tpu.dma_semaphore, #tpu.memory_space<semaphore_mem>> -> memref<!tpu.dma_semaphore, #tpu.memory_space<semaphore_mem>>
      tpu.wait_indirect_dma semaphore(%dma_wait3A_249 : memref<!tpu.dma_semaphore, #tpu.memory_space<semaphore_mem>>) src(%dma_wait3A_247 : memref<10064x128xf32, #tpu.memory_space<hbm>>) dst(%dma_wait3A_241 : memref<128x128xf32, #tpu.memory_space<vmem>>)
      %dma_start3A_250 = arith.constant 1 : i32
      %dma_start3A_251 = arith.constant 3 : i32
      %dma_start3A_252 = arith.constant 1 : i32
      %dma_start3A_253 = arith.constant 0 : i32
      %dma_start3A_254 = arith.constant 0 : i32
      %dma_start3A_255 = tpu.memref_slice %arg9[%dma_start3A_250, %dma_start3A_253, %dma_start3A_254] : memref<2x128x128xf32, #tpu.memory_space<vmem>> -> memref<1x128x128xf32, #tpu.memory_space<vmem>>
      %dma_start3A_256 = tpu.memref_squeeze %dma_start3A_255 : memref<1x128x128xf32, #tpu.memory_space<vmem>> -> memref<128x128xf32, #tpu.memory_space<vmem>>
      %dma_start3A_257 = arith.constant 0 : i32
      %dma_start3A_258 = tpu.memref_slice %arg8[%dma_start3A_251, %dma_start3A_257] : memref<16x128xi32, #tpu.memory_space<vmem>> -> memref<1x128xi32, #tpu.memory_space<vmem>>
      %dma_start3A_259 = tpu.memref_squeeze %dma_start3A_258 : memref<1x128xi32, #tpu.memory_space<vmem>> -> memref<128xi32, #tpu.memory_space<vmem>>
      %dma_start3A_260 = arith.constant 0 : i32
      %dma_start3A_261 = arith.constant 0 : i32
      %dma_start3A_262 = tpu.memref_slice %arg10[%dma_start3A_260, %dma_start3A_261] : memref<10064x128xf32, #tpu.memory_space<vmem_shared>> -> memref<10064x128xf32, #tpu.memory_space<vmem_shared>>
      %dma_start3A_263 = tpu.memref_slice %arg12[%dma_start3A_252] : memref<2x!tpu.dma_semaphore, #tpu.memory_space<semaphore_mem>> -> memref<1x!tpu.dma_semaphore, #tpu.memory_space<semaphore_mem>>
      %dma_start3A_264 = tpu.memref_squeeze %dma_start3A_263 : memref<1x!tpu.dma_semaphore, #tpu.memory_space<semaphore_mem>> -> memref<!tpu.dma_semaphore, #tpu.memory_space<semaphore_mem>>
      tpu.enqueue_indirect_dma source(%dma_start3A_256 : memref<128x128xf32, #tpu.memory_space<vmem>>) target(%dma_start3A_262 : memref<10064x128xf32, #tpu.memory_space<vmem_shared>>) offsets(%dma_start3A_259 : memref<128xi32, #tpu.memory_space<vmem>>) semaphore(%dma_start3A_264 : memref<!tpu.dma_semaphore, #tpu.memory_space<semaphore_mem>>) {add = true}
      %dma_wait3A_265 = arith.constant 1 : i32
      %dma_wait3A_266 = arith.constant 3 : i32
      %dma_wait3A_267 = arith.constant 1 : i32
      %dma_wait3A_268 = arith.constant 0 : i32
      %dma_wait3A_269 = arith.constant 0 : i32
      %dma_wait3A_270 = tpu.memref_slice %arg9[%dma_wait3A_265, %dma_wait3A_268, %dma_wait3A_269] : memref<2x128x128xf32, #tpu.memory_space<vmem>> -> memref<1x128x128xf32, #tpu.memory_space<vmem>>
      %dma_wait3A_271 = tpu.memref_squeeze %dma_wait3A_270 : memref<1x128x128xf32, #tpu.memory_space<vmem>> -> memref<128x128xf32, #tpu.memory_space<vmem>>
      %dma_wait3A_272 = arith.constant 0 : i32
      %dma_wait3A_273 = tpu.memref_slice %arg8[%dma_wait3A_266, %dma_wait3A_272] : memref<16x128xi32, #tpu.memory_space<vmem>> -> memref<1x128xi32, #tpu.memory_space<vmem>>
      %dma_wait3A_274 = tpu.memref_squeeze %dma_wait3A_273 : memref<1x128xi32, #tpu.memory_space<vmem>> -> memref<128xi32, #tpu.memory_space<vmem>>
      %dma_wait3A_275 = arith.constant 0 : i32
      %dma_wait3A_276 = arith.constant 0 : i32
      %dma_wait3A_277 = tpu.memref_slice %arg10[%dma_wait3A_275, %dma_wait3A_276] : memref<10064x128xf32, #tpu.memory_space<vmem_shared>> -> memref<10064x128xf32, #tpu.memory_space<vmem_shared>>
      %dma_wait3A_278 = tpu.memref_slice %arg12[%dma_wait3A_267] : memref<2x!tpu.dma_semaphore, #tpu.memory_space<semaphore_mem>> -> memref<1x!tpu.dma_semaphore, #tpu.memory_space<semaphore_mem>>
      %dma_wait3A_279 = tpu.memref_squeeze %dma_wait3A_278 : memref<1x!tpu.dma_semaphore, #tpu.memory_space<semaphore_mem>> -> memref<!tpu.dma_semaphore, #tpu.memory_space<semaphore_mem>>
      tpu.wait_indirect_dma semaphore(%dma_wait3A_279 : memref<!tpu.dma_semaphore, #tpu.memory_space<semaphore_mem>>) src(%dma_wait3A_271 : memref<128x128xf32, #tpu.memory_space<vmem>>) dst(%dma_wait3A_277 : memref<10064x128xf32, #tpu.memory_space<vmem_shared>>)
      %dma_start3A_280 = arith.constant 5 : i32
      %dma_start3A_281 = arith.constant 1 : i32
      %dma_start3A_282 = arith.constant 1 : i32
      %dma_start3A_283 = arith.constant 0 : i32
      %dma_start3A_284 = arith.constant 0 : i32
      %dma_start3A_285 = tpu.memref_slice %arg9[%dma_start3A_281, %dma_start3A_283, %dma_start3A_284] : memref<2x128x128xf32, #tpu.memory_space<vmem>> -> memref<1x128x128xf32, #tpu.memory_space<vmem>>
      %dma_start3A_286 = tpu.memref_squeeze %dma_start3A_285 : memref<1x128x128xf32, #tpu.memory_space<vmem>> -> memref<128x128xf32, #tpu.memory_space<vmem>>
      %dma_start3A_287 = arith.constant 0 : i32
      %dma_start3A_288 = tpu.memref_slice %arg7[%dma_start3A_280, %dma_start3A_287] : memref<16x128xi32, #tpu.memory_space<vmem>> -> memref<1x128xi32, #tpu.memory_space<vmem>>
      %dma_start3A_289 = tpu.memref_squeeze %dma_start3A_288 : memref<1x128xi32, #tpu.memory_space<vmem>> -> memref<128xi32, #tpu.memory_space<vmem>>
      %dma_start3A_290 = arith.constant 0 : i32
      %dma_start3A_291 = arith.constant 0 : i32
      %dma_start3A_292 = tpu.memref_slice %arg2[%dma_start3A_290, %dma_start3A_291] : memref<10064x128xf32, #tpu.memory_space<hbm>> -> memref<10064x128xf32, #tpu.memory_space<hbm>>
      %dma_start3A_293 = tpu.memref_slice %arg11[%dma_start3A_282] : memref<2x!tpu.dma_semaphore, #tpu.memory_space<semaphore_mem>> -> memref<1x!tpu.dma_semaphore, #tpu.memory_space<semaphore_mem>>
      %dma_start3A_294 = tpu.memref_squeeze %dma_start3A_293 : memref<1x!tpu.dma_semaphore, #tpu.memory_space<semaphore_mem>> -> memref<!tpu.dma_semaphore, #tpu.memory_space<semaphore_mem>>
      tpu.enqueue_indirect_dma source(%dma_start3A_292 : memref<10064x128xf32, #tpu.memory_space<hbm>>) target(%dma_start3A_286 : memref<128x128xf32, #tpu.memory_space<vmem>>) offsets(%dma_start3A_289 : memref<128xi32, #tpu.memory_space<vmem>>) semaphore(%dma_start3A_294 : memref<!tpu.dma_semaphore, #tpu.memory_space<semaphore_mem>>)
      %dma_wait3A_295 = arith.constant 4 : i32
      %dma_wait3A_296 = arith.constant 0 : i32
      %dma_wait3A_297 = arith.constant 0 : i32
      %dma_wait3A_298 = arith.constant 0 : i32
      %dma_wait3A_299 = arith.constant 0 : i32
      %dma_wait3A_300 = tpu.memref_slice %arg9[%dma_wait3A_296, %dma_wait3A_298, %dma_wait3A_299] : memref<2x128x128xf32, #tpu.memory_space<vmem>> -> memref<1x128x128xf32, #tpu.memory_space<vmem>>
      %dma_wait3A_301 = tpu.memref_squeeze %dma_wait3A_300 : memref<1x128x128xf32, #tpu.memory_space<vmem>> -> memref<128x128xf32, #tpu.memory_space<vmem>>
      %dma_wait3A_302 = arith.constant 0 : i32
      %dma_wait3A_303 = tpu.memref_slice %arg7[%dma_wait3A_295, %dma_wait3A_302] : memref<16x128xi32, #tpu.memory_space<vmem>> -> memref<1x128xi32, #tpu.memory_space<vmem>>
      %dma_wait3A_304 = tpu.memref_squeeze %dma_wait3A_303 : memref<1x128xi32, #tpu.memory_space<vmem>> -> memref<128xi32, #tpu.memory_space<vmem>>
      %dma_wait3A_305 = arith.constant 0 : i32
      %dma_wait3A_306 = arith.constant 0 : i32
      %dma_wait3A_307 = tpu.memref_slice %arg2[%dma_wait3A_305, %dma_wait3A_306] : memref<10064x128xf32, #tpu.memory_space<hbm>> -> memref<10064x128xf32, #tpu.memory_space<hbm>>
      %dma_wait3A_308 = tpu.memref_slice %arg11[%dma_wait3A_297] : memref<2x!tpu.dma_semaphore, #tpu.memory_space<semaphore_mem>> -> memref<1x!tpu.dma_semaphore, #tpu.memory_space<semaphore_mem>>
      %dma_wait3A_309 = tpu.memref_squeeze %dma_wait3A_308 : memref<1x!tpu.dma_semaphore, #tpu.memory_space<semaphore_mem>> -> memref<!tpu.dma_semaphore, #tpu.memory_space<semaphore_mem>>
      tpu.wait_indirect_dma semaphore(%dma_wait3A_309 : memref<!tpu.dma_semaphore, #tpu.memory_space<semaphore_mem>>) src(%dma_wait3A_307 : memref<10064x128xf32, #tpu.memory_space<hbm>>) dst(%dma_wait3A_301 : memref<128x128xf32, #tpu.memory_space<vmem>>)
      %dma_start3A_310 = arith.constant 0 : i32
      %dma_start3A_311 = arith.constant 4 : i32
      %dma_start3A_312 = arith.constant 0 : i32
      %dma_start3A_313 = arith.constant 0 : i32
      %dma_start3A_314 = arith.constant 0 : i32
      %dma_start3A_315 = tpu.memref_slice %arg9[%dma_start3A_310, %dma_start3A_313, %dma_start3A_314] : memref<2x128x128xf32, #tpu.memory_space<vmem>> -> memref<1x128x128xf32, #tpu.memory_space<vmem>>
      %dma_start3A_316 = tpu.memref_squeeze %dma_start3A_315 : memref<1x128x128xf32, #tpu.memory_space<vmem>> -> memref<128x128xf32, #tpu.memory_space<vmem>>
      %dma_start3A_317 = arith.constant 0 : i32
      %dma_start3A_318 = tpu.memref_slice %arg8[%dma_start3A_311, %dma_start3A_317] : memref<16x128xi32, #tpu.memory_space<vmem>> -> memref<1x128xi32, #tpu.memory_space<vmem>>
      %dma_start3A_319 = tpu.memref_squeeze %dma_start3A_318 : memref<1x128xi32, #tpu.memory_space<vmem>> -> memref<128xi32, #tpu.memory_space<vmem>>
      %dma_start3A_320 = arith.constant 0 : i32
      %dma_start3A_321 = arith.constant 0 : i32
      %dma_start3A_322 = tpu.memref_slice %arg10[%dma_start3A_320, %dma_start3A_321] : memref<10064x128xf32, #tpu.memory_space<vmem_shared>> -> memref<10064x128xf32, #tpu.memory_space<vmem_shared>>
      %dma_start3A_323 = tpu.memref_slice %arg12[%dma_start3A_312] : memref<2x!tpu.dma_semaphore, #tpu.memory_space<semaphore_mem>> -> memref<1x!tpu.dma_semaphore, #tpu.memory_space<semaphore_mem>>
      %dma_start3A_324 = tpu.memref_squeeze %dma_start3A_323 : memref<1x!tpu.dma_semaphore, #tpu.memory_space<semaphore_mem>> -> memref<!tpu.dma_semaphore, #tpu.memory_space<semaphore_mem>>
      tpu.enqueue_indirect_dma source(%dma_start3A_316 : memref<128x128xf32, #tpu.memory_space<vmem>>) target(%dma_start3A_322 : memref<10064x128xf32, #tpu.memory_space<vmem_shared>>) offsets(%dma_start3A_319 : memref<128xi32, #tpu.memory_space<vmem>>) semaphore(%dma_start3A_324 : memref<!tpu.dma_semaphore, #tpu.memory_space<semaphore_mem>>) {add = true}
      %dma_wait3A_325 = arith.constant 0 : i32
      %dma_wait3A_326 = arith.constant 4 : i32
      %dma_wait3A_327 = arith.constant 0 : i32
      %dma_wait3A_328 = arith.constant 0 : i32
      %dma_wait3A_329 = arith.constant 0 : i32
      %dma_wait3A_330 = tpu.memref_slice %arg9[%dma_wait3A_325, %dma_wait3A_328, %dma_wait3A_329] : memref<2x128x128xf32, #tpu.memory_space<vmem>> -> memref<1x128x128xf32, #tpu.memory_space<vmem>>
      %dma_wait3A_331 = tpu.memref_squeeze %dma_wait3A_330 : memref<1x128x128xf32, #tpu.memory_space<vmem>> -> memref<128x128xf32, #tpu.memory_space<vmem>>
      %dma_wait3A_332 = arith.constant 0 : i32
      %dma_wait3A_333 = tpu.memref_slice %arg8[%dma_wait3A_326, %dma_wait3A_332] : memref<16x128xi32, #tpu.memory_space<vmem>> -> memref<1x128xi32, #tpu.memory_space<vmem>>
      %dma_wait3A_334 = tpu.memref_squeeze %dma_wait3A_333 : memref<1x128xi32, #tpu.memory_space<vmem>> -> memref<128xi32, #tpu.memory_space<vmem>>
      %dma_wait3A_335 = arith.constant 0 : i32
      %dma_wait3A_336 = arith.constant 0 : i32
      %dma_wait3A_337 = tpu.memref_slice %arg10[%dma_wait3A_335, %dma_wait3A_336] : memref<10064x128xf32, #tpu.memory_space<vmem_shared>> -> memref<10064x128xf32, #tpu.memory_space<vmem_shared>>
      %dma_wait3A_338 = tpu.memref_slice %arg12[%dma_wait3A_327] : memref<2x!tpu.dma_semaphore, #tpu.memory_space<semaphore_mem>> -> memref<1x!tpu.dma_semaphore, #tpu.memory_space<semaphore_mem>>
      %dma_wait3A_339 = tpu.memref_squeeze %dma_wait3A_338 : memref<1x!tpu.dma_semaphore, #tpu.memory_space<semaphore_mem>> -> memref<!tpu.dma_semaphore, #tpu.memory_space<semaphore_mem>>
      tpu.wait_indirect_dma semaphore(%dma_wait3A_339 : memref<!tpu.dma_semaphore, #tpu.memory_space<semaphore_mem>>) src(%dma_wait3A_331 : memref<128x128xf32, #tpu.memory_space<vmem>>) dst(%dma_wait3A_337 : memref<10064x128xf32, #tpu.memory_space<vmem_shared>>)
      %dma_start3A_340 = arith.constant 6 : i32
      %dma_start3A_341 = arith.constant 0 : i32
      %dma_start3A_342 = arith.constant 0 : i32
      %dma_start3A_343 = arith.constant 0 : i32
      %dma_start3A_344 = arith.constant 0 : i32
      %dma_start3A_345 = tpu.memref_slice %arg9[%dma_start3A_341, %dma_start3A_343, %dma_start3A_344] : memref<2x128x128xf32, #tpu.memory_space<vmem>> -> memref<1x128x128xf32, #tpu.memory_space<vmem>>
      %dma_start3A_346 = tpu.memref_squeeze %dma_start3A_345 : memref<1x128x128xf32, #tpu.memory_space<vmem>> -> memref<128x128xf32, #tpu.memory_space<vmem>>
      %dma_start3A_347 = arith.constant 0 : i32
      %dma_start3A_348 = tpu.memref_slice %arg7[%dma_start3A_340, %dma_start3A_347] : memref<16x128xi32, #tpu.memory_space<vmem>> -> memref<1x128xi32, #tpu.memory_space<vmem>>
      %dma_start3A_349 = tpu.memref_squeeze %dma_start3A_348 : memref<1x128xi32, #tpu.memory_space<vmem>> -> memref<128xi32, #tpu.memory_space<vmem>>
      %dma_start3A_350 = arith.constant 0 : i32
      %dma_start3A_351 = arith.constant 0 : i32
      %dma_start3A_352 = tpu.memref_slice %arg2[%dma_start3A_350, %dma_start3A_351] : memref<10064x128xf32, #tpu.memory_space<hbm>> -> memref<10064x128xf32, #tpu.memory_space<hbm>>
      %dma_start3A_353 = tpu.memref_slice %arg11[%dma_start3A_342] : memref<2x!tpu.dma_semaphore, #tpu.memory_space<semaphore_mem>> -> memref<1x!tpu.dma_semaphore, #tpu.memory_space<semaphore_mem>>
      %dma_start3A_354 = tpu.memref_squeeze %dma_start3A_353 : memref<1x!tpu.dma_semaphore, #tpu.memory_space<semaphore_mem>> -> memref<!tpu.dma_semaphore, #tpu.memory_space<semaphore_mem>>
      tpu.enqueue_indirect_dma source(%dma_start3A_352 : memref<10064x128xf32, #tpu.memory_space<hbm>>) target(%dma_start3A_346 : memref<128x128xf32, #tpu.memory_space<vmem>>) offsets(%dma_start3A_349 : memref<128xi32, #tpu.memory_space<vmem>>) semaphore(%dma_start3A_354 : memref<!tpu.dma_semaphore, #tpu.memory_space<semaphore_mem>>)
      %dma_wait3A_355 = arith.constant 5 : i32
      %dma_wait3A_356 = arith.constant 1 : i32
      %dma_wait3A_357 = arith.constant 1 : i32
      %dma_wait3A_358 = arith.constant 0 : i32
      %dma_wait3A_359 = arith.constant 0 : i32
      %dma_wait3A_360 = tpu.memref_slice %arg9[%dma_wait3A_356, %dma_wait3A_358, %dma_wait3A_359] : memref<2x128x128xf32, #tpu.memory_space<vmem>> -> memref<1x128x128xf32, #tpu.memory_space<vmem>>
      %dma_wait3A_361 = tpu.memref_squeeze %dma_wait3A_360 : memref<1x128x128xf32, #tpu.memory_space<vmem>> -> memref<128x128xf32, #tpu.memory_space<vmem>>
      %dma_wait3A_362 = arith.constant 0 : i32
      %dma_wait3A_363 = tpu.memref_slice %arg7[%dma_wait3A_355, %dma_wait3A_362] : memref<16x128xi32, #tpu.memory_space<vmem>> -> memref<1x128xi32, #tpu.memory_space<vmem>>
      %dma_wait3A_364 = tpu.memref_squeeze %dma_wait3A_363 : memref<1x128xi32, #tpu.memory_space<vmem>> -> memref<128xi32, #tpu.memory_space<vmem>>
      %dma_wait3A_365 = arith.constant 0 : i32
      %dma_wait3A_366 = arith.constant 0 : i32
      %dma_wait3A_367 = tpu.memref_slice %arg2[%dma_wait3A_365, %dma_wait3A_366] : memref<10064x128xf32, #tpu.memory_space<hbm>> -> memref<10064x128xf32, #tpu.memory_space<hbm>>
      %dma_wait3A_368 = tpu.memref_slice %arg11[%dma_wait3A_357] : memref<2x!tpu.dma_semaphore, #tpu.memory_space<semaphore_mem>> -> memref<1x!tpu.dma_semaphore, #tpu.memory_space<semaphore_mem>>
      %dma_wait3A_369 = tpu.memref_squeeze %dma_wait3A_368 : memref<1x!tpu.dma_semaphore, #tpu.memory_space<semaphore_mem>> -> memref<!tpu.dma_semaphore, #tpu.memory_space<semaphore_mem>>
      tpu.wait_indirect_dma semaphore(%dma_wait3A_369 : memref<!tpu.dma_semaphore, #tpu.memory_space<semaphore_mem>>) src(%dma_wait3A_367 : memref<10064x128xf32, #tpu.memory_space<hbm>>) dst(%dma_wait3A_361 : memref<128x128xf32, #tpu.memory_space<vmem>>)
      %dma_start3A_370 = arith.constant 1 : i32
      %dma_start3A_371 = arith.constant 5 : i32
      %dma_start3A_372 = arith.constant 1 : i32
      %dma_start3A_373 = arith.constant 0 : i32
      %dma_start3A_374 = arith.constant 0 : i32
      %dma_start3A_375 = tpu.memref_slice %arg9[%dma_start3A_370, %dma_start3A_373, %dma_start3A_374] : memref<2x128x128xf32, #tpu.memory_space<vmem>> -> memref<1x128x128xf32, #tpu.memory_space<vmem>>
      %dma_start3A_376 = tpu.memref_squeeze %dma_start3A_375 : memref<1x128x128xf32, #tpu.memory_space<vmem>> -> memref<128x128xf32, #tpu.memory_space<vmem>>
      %dma_start3A_377 = arith.constant 0 : i32
      %dma_start3A_378 = tpu.memref_slice %arg8[%dma_start3A_371, %dma_start3A_377] : memref<16x128xi32, #tpu.memory_space<vmem>> -> memref<1x128xi32, #tpu.memory_space<vmem>>
      %dma_start3A_379 = tpu.memref_squeeze %dma_start3A_378 : memref<1x128xi32, #tpu.memory_space<vmem>> -> memref<128xi32, #tpu.memory_space<vmem>>
      %dma_start3A_380 = arith.constant 0 : i32
      %dma_start3A_381 = arith.constant 0 : i32
      %dma_start3A_382 = tpu.memref_slice %arg10[%dma_start3A_380, %dma_start3A_381] : memref<10064x128xf32, #tpu.memory_space<vmem_shared>> -> memref<10064x128xf32, #tpu.memory_space<vmem_shared>>
      %dma_start3A_383 = tpu.memref_slice %arg12[%dma_start3A_372] : memref<2x!tpu.dma_semaphore, #tpu.memory_space<semaphore_mem>> -> memref<1x!tpu.dma_semaphore, #tpu.memory_space<semaphore_mem>>
      %dma_start3A_384 = tpu.memref_squeeze %dma_start3A_383 : memref<1x!tpu.dma_semaphore, #tpu.memory_space<semaphore_mem>> -> memref<!tpu.dma_semaphore, #tpu.memory_space<semaphore_mem>>
      tpu.enqueue_indirect_dma source(%dma_start3A_376 : memref<128x128xf32, #tpu.memory_space<vmem>>) target(%dma_start3A_382 : memref<10064x128xf32, #tpu.memory_space<vmem_shared>>) offsets(%dma_start3A_379 : memref<128xi32, #tpu.memory_space<vmem>>) semaphore(%dma_start3A_384 : memref<!tpu.dma_semaphore, #tpu.memory_space<semaphore_mem>>) {add = true}
      %dma_wait3A_385 = arith.constant 1 : i32
      %dma_wait3A_386 = arith.constant 5 : i32
      %dma_wait3A_387 = arith.constant 1 : i32
      %dma_wait3A_388 = arith.constant 0 : i32
      %dma_wait3A_389 = arith.constant 0 : i32
      %dma_wait3A_390 = tpu.memref_slice %arg9[%dma_wait3A_385, %dma_wait3A_388, %dma_wait3A_389] : memref<2x128x128xf32, #tpu.memory_space<vmem>> -> memref<1x128x128xf32, #tpu.memory_space<vmem>>
      %dma_wait3A_391 = tpu.memref_squeeze %dma_wait3A_390 : memref<1x128x128xf32, #tpu.memory_space<vmem>> -> memref<128x128xf32, #tpu.memory_space<vmem>>
      %dma_wait3A_392 = arith.constant 0 : i32
      %dma_wait3A_393 = tpu.memref_slice %arg8[%dma_wait3A_386, %dma_wait3A_392] : memref<16x128xi32, #tpu.memory_space<vmem>> -> memref<1x128xi32, #tpu.memory_space<vmem>>
      %dma_wait3A_394 = tpu.memref_squeeze %dma_wait3A_393 : memref<1x128xi32, #tpu.memory_space<vmem>> -> memref<128xi32, #tpu.memory_space<vmem>>
      %dma_wait3A_395 = arith.constant 0 : i32
      %dma_wait3A_396 = arith.constant 0 : i32
      %dma_wait3A_397 = tpu.memref_slice %arg10[%dma_wait3A_395, %dma_wait3A_396] : memref<10064x128xf32, #tpu.memory_space<vmem_shared>> -> memref<10064x128xf32, #tpu.memory_space<vmem_shared>>
      %dma_wait3A_398 = tpu.memref_slice %arg12[%dma_wait3A_387] : memref<2x!tpu.dma_semaphore, #tpu.memory_space<semaphore_mem>> -> memref<1x!tpu.dma_semaphore, #tpu.memory_space<semaphore_mem>>
      %dma_wait3A_399 = tpu.memref_squeeze %dma_wait3A_398 : memref<1x!tpu.dma_semaphore, #tpu.memory_space<semaphore_mem>> -> memref<!tpu.dma_semaphore, #tpu.memory_space<semaphore_mem>>
      tpu.wait_indirect_dma semaphore(%dma_wait3A_399 : memref<!tpu.dma_semaphore, #tpu.memory_space<semaphore_mem>>) src(%dma_wait3A_391 : memref<128x128xf32, #tpu.memory_space<vmem>>) dst(%dma_wait3A_397 : memref<10064x128xf32, #tpu.memory_space<vmem_shared>>)
      %dma_start3A_400 = arith.constant 7 : i32
      %dma_start3A_401 = arith.constant 1 : i32
      %dma_start3A_402 = arith.constant 1 : i32
      %dma_start3A_403 = arith.constant 0 : i32
      %dma_start3A_404 = arith.constant 0 : i32
      %dma_start3A_405 = tpu.memref_slice %arg9[%dma_start3A_401, %dma_start3A_403, %dma_start3A_404] : memref<2x128x128xf32, #tpu.memory_space<vmem>> -> memref<1x128x128xf32, #tpu.memory_space<vmem>>
      %dma_start3A_406 = tpu.memref_squeeze %dma_start3A_405 : memref<1x128x128xf32, #tpu.memory_space<vmem>> -> memref<128x128xf32, #tpu.memory_space<vmem>>
      %dma_start3A_407 = arith.constant 0 : i32
      %dma_start3A_408 = tpu.memref_slice %arg7[%dma_start3A_400, %dma_start3A_407] : memref<16x128xi32, #tpu.memory_space<vmem>> -> memref<1x128xi32, #tpu.memory_space<vmem>>
      %dma_start3A_409 = tpu.memref_squeeze %dma_start3A_408 : memref<1x128xi32, #tpu.memory_space<vmem>> -> memref<128xi32, #tpu.memory_space<vmem>>
      %dma_start3A_410 = arith.constant 0 : i32
      %dma_start3A_411 = arith.constant 0 : i32
      %dma_start3A_412 = tpu.memref_slice %arg2[%dma_start3A_410, %dma_start3A_411] : memref<10064x128xf32, #tpu.memory_space<hbm>> -> memref<10064x128xf32, #tpu.memory_space<hbm>>
      %dma_start3A_413 = tpu.memref_slice %arg11[%dma_start3A_402] : memref<2x!tpu.dma_semaphore, #tpu.memory_space<semaphore_mem>> -> memref<1x!tpu.dma_semaphore, #tpu.memory_space<semaphore_mem>>
      %dma_start3A_414 = tpu.memref_squeeze %dma_start3A_413 : memref<1x!tpu.dma_semaphore, #tpu.memory_space<semaphore_mem>> -> memref<!tpu.dma_semaphore, #tpu.memory_space<semaphore_mem>>
      tpu.enqueue_indirect_dma source(%dma_start3A_412 : memref<10064x128xf32, #tpu.memory_space<hbm>>) target(%dma_start3A_406 : memref<128x128xf32, #tpu.memory_space<vmem>>) offsets(%dma_start3A_409 : memref<128xi32, #tpu.memory_space<vmem>>) semaphore(%dma_start3A_414 : memref<!tpu.dma_semaphore, #tpu.memory_space<semaphore_mem>>)
      %dma_wait3A_415 = arith.constant 6 : i32
      %dma_wait3A_416 = arith.constant 0 : i32
      %dma_wait3A_417 = arith.constant 0 : i32
      %dma_wait3A_418 = arith.constant 0 : i32
      %dma_wait3A_419 = arith.constant 0 : i32
      %dma_wait3A_420 = tpu.memref_slice %arg9[%dma_wait3A_416, %dma_wait3A_418, %dma_wait3A_419] : memref<2x128x128xf32, #tpu.memory_space<vmem>> -> memref<1x128x128xf32, #tpu.memory_space<vmem>>
      %dma_wait3A_421 = tpu.memref_squeeze %dma_wait3A_420 : memref<1x128x128xf32, #tpu.memory_space<vmem>> -> memref<128x128xf32, #tpu.memory_space<vmem>>
      %dma_wait3A_422 = arith.constant 0 : i32
      %dma_wait3A_423 = tpu.memref_slice %arg7[%dma_wait3A_415, %dma_wait3A_422] : memref<16x128xi32, #tpu.memory_space<vmem>> -> memref<1x128xi32, #tpu.memory_space<vmem>>
      %dma_wait3A_424 = tpu.memref_squeeze %dma_wait3A_423 : memref<1x128xi32, #tpu.memory_space<vmem>> -> memref<128xi32, #tpu.memory_space<vmem>>
      %dma_wait3A_425 = arith.constant 0 : i32
      %dma_wait3A_426 = arith.constant 0 : i32
      %dma_wait3A_427 = tpu.memref_slice %arg2[%dma_wait3A_425, %dma_wait3A_426] : memref<10064x128xf32, #tpu.memory_space<hbm>> -> memref<10064x128xf32, #tpu.memory_space<hbm>>
      %dma_wait3A_428 = tpu.memref_slice %arg11[%dma_wait3A_417] : memref<2x!tpu.dma_semaphore, #tpu.memory_space<semaphore_mem>> -> memref<1x!tpu.dma_semaphore, #tpu.memory_space<semaphore_mem>>
      %dma_wait3A_429 = tpu.memref_squeeze %dma_wait3A_428 : memref<1x!tpu.dma_semaphore, #tpu.memory_space<semaphore_mem>> -> memref<!tpu.dma_semaphore, #tpu.memory_space<semaphore_mem>>
      tpu.wait_indirect_dma semaphore(%dma_wait3A_429 : memref<!tpu.dma_semaphore, #tpu.memory_space<semaphore_mem>>) src(%dma_wait3A_427 : memref<10064x128xf32, #tpu.memory_space<hbm>>) dst(%dma_wait3A_421 : memref<128x128xf32, #tpu.memory_space<vmem>>)
      %dma_start3A_430 = arith.constant 0 : i32
      %dma_start3A_431 = arith.constant 6 : i32
      %dma_start3A_432 = arith.constant 0 : i32
      %dma_start3A_433 = arith.constant 0 : i32
      %dma_start3A_434 = arith.constant 0 : i32
      %dma_start3A_435 = tpu.memref_slice %arg9[%dma_start3A_430, %dma_start3A_433, %dma_start3A_434] : memref<2x128x128xf32, #tpu.memory_space<vmem>> -> memref<1x128x128xf32, #tpu.memory_space<vmem>>
      %dma_start3A_436 = tpu.memref_squeeze %dma_start3A_435 : memref<1x128x128xf32, #tpu.memory_space<vmem>> -> memref<128x128xf32, #tpu.memory_space<vmem>>
      %dma_start3A_437 = arith.constant 0 : i32
      %dma_start3A_438 = tpu.memref_slice %arg8[%dma_start3A_431, %dma_start3A_437] : memref<16x128xi32, #tpu.memory_space<vmem>> -> memref<1x128xi32, #tpu.memory_space<vmem>>
      %dma_start3A_439 = tpu.memref_squeeze %dma_start3A_438 : memref<1x128xi32, #tpu.memory_space<vmem>> -> memref<128xi32, #tpu.memory_space<vmem>>
      %dma_start3A_440 = arith.constant 0 : i32
      %dma_start3A_441 = arith.constant 0 : i32
      %dma_start3A_442 = tpu.memref_slice %arg10[%dma_start3A_440, %dma_start3A_441] : memref<10064x128xf32, #tpu.memory_space<vmem_shared>> -> memref<10064x128xf32, #tpu.memory_space<vmem_shared>>
      %dma_start3A_443 = tpu.memref_slice %arg12[%dma_start3A_432] : memref<2x!tpu.dma_semaphore, #tpu.memory_space<semaphore_mem>> -> memref<1x!tpu.dma_semaphore, #tpu.memory_space<semaphore_mem>>
      %dma_start3A_444 = tpu.memref_squeeze %dma_start3A_443 : memref<1x!tpu.dma_semaphore, #tpu.memory_space<semaphore_mem>> -> memref<!tpu.dma_semaphore, #tpu.memory_space<semaphore_mem>>
      tpu.enqueue_indirect_dma source(%dma_start3A_436 : memref<128x128xf32, #tpu.memory_space<vmem>>) target(%dma_start3A_442 : memref<10064x128xf32, #tpu.memory_space<vmem_shared>>) offsets(%dma_start3A_439 : memref<128xi32, #tpu.memory_space<vmem>>) semaphore(%dma_start3A_444 : memref<!tpu.dma_semaphore, #tpu.memory_space<semaphore_mem>>) {add = true}
      %dma_wait3A_445 = arith.constant 0 : i32
      %dma_wait3A_446 = arith.constant 6 : i32
      %dma_wait3A_447 = arith.constant 0 : i32
      %dma_wait3A_448 = arith.constant 0 : i32
      %dma_wait3A_449 = arith.constant 0 : i32
      %dma_wait3A_450 = tpu.memref_slice %arg9[%dma_wait3A_445, %dma_wait3A_448, %dma_wait3A_449] : memref<2x128x128xf32, #tpu.memory_space<vmem>> -> memref<1x128x128xf32, #tpu.memory_space<vmem>>
      %dma_wait3A_451 = tpu.memref_squeeze %dma_wait3A_450 : memref<1x128x128xf32, #tpu.memory_space<vmem>> -> memref<128x128xf32, #tpu.memory_space<vmem>>
      %dma_wait3A_452 = arith.constant 0 : i32
      %dma_wait3A_453 = tpu.memref_slice %arg8[%dma_wait3A_446, %dma_wait3A_452] : memref<16x128xi32, #tpu.memory_space<vmem>> -> memref<1x128xi32, #tpu.memory_space<vmem>>
      %dma_wait3A_454 = tpu.memref_squeeze %dma_wait3A_453 : memref<1x128xi32, #tpu.memory_space<vmem>> -> memref<128xi32, #tpu.memory_space<vmem>>
      %dma_wait3A_455 = arith.constant 0 : i32
      %dma_wait3A_456 = arith.constant 0 : i32
      %dma_wait3A_457 = tpu.memref_slice %arg10[%dma_wait3A_455, %dma_wait3A_456] : memref<10064x128xf32, #tpu.memory_space<vmem_shared>> -> memref<10064x128xf32, #tpu.memory_space<vmem_shared>>
      %dma_wait3A_458 = tpu.memref_slice %arg12[%dma_wait3A_447] : memref<2x!tpu.dma_semaphore, #tpu.memory_space<semaphore_mem>> -> memref<1x!tpu.dma_semaphore, #tpu.memory_space<semaphore_mem>>
      %dma_wait3A_459 = tpu.memref_squeeze %dma_wait3A_458 : memref<1x!tpu.dma_semaphore, #tpu.memory_space<semaphore_mem>> -> memref<!tpu.dma_semaphore, #tpu.memory_space<semaphore_mem>>
      tpu.wait_indirect_dma semaphore(%dma_wait3A_459 : memref<!tpu.dma_semaphore, #tpu.memory_space<semaphore_mem>>) src(%dma_wait3A_451 : memref<128x128xf32, #tpu.memory_space<vmem>>) dst(%dma_wait3A_457 : memref<10064x128xf32, #tpu.memory_space<vmem_shared>>)
      %dma_start3A_460 = arith.constant 8 : i32
      %dma_start3A_461 = arith.constant 0 : i32
      %dma_start3A_462 = arith.constant 0 : i32
      %dma_start3A_463 = arith.constant 0 : i32
      %dma_start3A_464 = arith.constant 0 : i32
      %dma_start3A_465 = tpu.memref_slice %arg9[%dma_start3A_461, %dma_start3A_463, %dma_start3A_464] : memref<2x128x128xf32, #tpu.memory_space<vmem>> -> memref<1x128x128xf32, #tpu.memory_space<vmem>>
      %dma_start3A_466 = tpu.memref_squeeze %dma_start3A_465 : memref<1x128x128xf32, #tpu.memory_space<vmem>> -> memref<128x128xf32, #tpu.memory_space<vmem>>
      %dma_start3A_467 = arith.constant 0 : i32
      %dma_start3A_468 = tpu.memref_slice %arg7[%dma_start3A_460, %dma_start3A_467] : memref<16x128xi32, #tpu.memory_space<vmem>> -> memref<1x128xi32, #tpu.memory_space<vmem>>
      %dma_start3A_469 = tpu.memref_squeeze %dma_start3A_468 : memref<1x128xi32, #tpu.memory_space<vmem>> -> memref<128xi32, #tpu.memory_space<vmem>>
      %dma_start3A_470 = arith.constant 0 : i32
      %dma_start3A_471 = arith.constant 0 : i32
      %dma_start3A_472 = tpu.memref_slice %arg2[%dma_start3A_470, %dma_start3A_471] : memref<10064x128xf32, #tpu.memory_space<hbm>> -> memref<10064x128xf32, #tpu.memory_space<hbm>>
      %dma_start3A_473 = tpu.memref_slice %arg11[%dma_start3A_462] : memref<2x!tpu.dma_semaphore, #tpu.memory_space<semaphore_mem>> -> memref<1x!tpu.dma_semaphore, #tpu.memory_space<semaphore_mem>>
      %dma_start3A_474 = tpu.memref_squeeze %dma_start3A_473 : memref<1x!tpu.dma_semaphore, #tpu.memory_space<semaphore_mem>> -> memref<!tpu.dma_semaphore, #tpu.memory_space<semaphore_mem>>
      tpu.enqueue_indirect_dma source(%dma_start3A_472 : memref<10064x128xf32, #tpu.memory_space<hbm>>) target(%dma_start3A_466 : memref<128x128xf32, #tpu.memory_space<vmem>>) offsets(%dma_start3A_469 : memref<128xi32, #tpu.memory_space<vmem>>) semaphore(%dma_start3A_474 : memref<!tpu.dma_semaphore, #tpu.memory_space<semaphore_mem>>)
      %dma_wait3A_475 = arith.constant 7 : i32
      %dma_wait3A_476 = arith.constant 1 : i32
      %dma_wait3A_477 = arith.constant 1 : i32
      %dma_wait3A_478 = arith.constant 0 : i32
      %dma_wait3A_479 = arith.constant 0 : i32
      %dma_wait3A_480 = tpu.memref_slice %arg9[%dma_wait3A_476, %dma_wait3A_478, %dma_wait3A_479] : memref<2x128x128xf32, #tpu.memory_space<vmem>> -> memref<1x128x128xf32, #tpu.memory_space<vmem>>
      %dma_wait3A_481 = tpu.memref_squeeze %dma_wait3A_480 : memref<1x128x128xf32, #tpu.memory_space<vmem>> -> memref<128x128xf32, #tpu.memory_space<vmem>>
      %dma_wait3A_482 = arith.constant 0 : i32
      %dma_wait3A_483 = tpu.memref_slice %arg7[%dma_wait3A_475, %dma_wait3A_482] : memref<16x128xi32, #tpu.memory_space<vmem>> -> memref<1x128xi32, #tpu.memory_space<vmem>>
      %dma_wait3A_484 = tpu.memref_squeeze %dma_wait3A_483 : memref<1x128xi32, #tpu.memory_space<vmem>> -> memref<128xi32, #tpu.memory_space<vmem>>
      %dma_wait3A_485 = arith.constant 0 : i32
      %dma_wait3A_486 = arith.constant 0 : i32
      %dma_wait3A_487 = tpu.memref_slice %arg2[%dma_wait3A_485, %dma_wait3A_486] : memref<10064x128xf32, #tpu.memory_space<hbm>> -> memref<10064x128xf32, #tpu.memory_space<hbm>>
      %dma_wait3A_488 = tpu.memref_slice %arg11[%dma_wait3A_477] : memref<2x!tpu.dma_semaphore, #tpu.memory_space<semaphore_mem>> -> memref<1x!tpu.dma_semaphore, #tpu.memory_space<semaphore_mem>>
      %dma_wait3A_489 = tpu.memref_squeeze %dma_wait3A_488 : memref<1x!tpu.dma_semaphore, #tpu.memory_space<semaphore_mem>> -> memref<!tpu.dma_semaphore, #tpu.memory_space<semaphore_mem>>
      tpu.wait_indirect_dma semaphore(%dma_wait3A_489 : memref<!tpu.dma_semaphore, #tpu.memory_space<semaphore_mem>>) src(%dma_wait3A_487 : memref<10064x128xf32, #tpu.memory_space<hbm>>) dst(%dma_wait3A_481 : memref<128x128xf32, #tpu.memory_space<vmem>>)
      %dma_start3A_490 = arith.constant 1 : i32
      %dma_start3A_491 = arith.constant 7 : i32
      %dma_start3A_492 = arith.constant 1 : i32
      %dma_start3A_493 = arith.constant 0 : i32
      %dma_start3A_494 = arith.constant 0 : i32
      %dma_start3A_495 = tpu.memref_slice %arg9[%dma_start3A_490, %dma_start3A_493, %dma_start3A_494] : memref<2x128x128xf32, #tpu.memory_space<vmem>> -> memref<1x128x128xf32, #tpu.memory_space<vmem>>
      %dma_start3A_496 = tpu.memref_squeeze %dma_start3A_495 : memref<1x128x128xf32, #tpu.memory_space<vmem>> -> memref<128x128xf32, #tpu.memory_space<vmem>>
      %dma_start3A_497 = arith.constant 0 : i32
      %dma_start3A_498 = tpu.memref_slice %arg8[%dma_start3A_491, %dma_start3A_497] : memref<16x128xi32, #tpu.memory_space<vmem>> -> memref<1x128xi32, #tpu.memory_space<vmem>>
      %dma_start3A_499 = tpu.memref_squeeze %dma_start3A_498 : memref<1x128xi32, #tpu.memory_space<vmem>> -> memref<128xi32, #tpu.memory_space<vmem>>
      %dma_start3A_500 = arith.constant 0 : i32
      %dma_start3A_501 = arith.constant 0 : i32
      %dma_start3A_502 = tpu.memref_slice %arg10[%dma_start3A_500, %dma_start3A_501] : memref<10064x128xf32, #tpu.memory_space<vmem_shared>> -> memref<10064x128xf32, #tpu.memory_space<vmem_shared>>
      %dma_start3A_503 = tpu.memref_slice %arg12[%dma_start3A_492] : memref<2x!tpu.dma_semaphore, #tpu.memory_space<semaphore_mem>> -> memref<1x!tpu.dma_semaphore, #tpu.memory_space<semaphore_mem>>
      %dma_start3A_504 = tpu.memref_squeeze %dma_start3A_503 : memref<1x!tpu.dma_semaphore, #tpu.memory_space<semaphore_mem>> -> memref<!tpu.dma_semaphore, #tpu.memory_space<semaphore_mem>>
      tpu.enqueue_indirect_dma source(%dma_start3A_496 : memref<128x128xf32, #tpu.memory_space<vmem>>) target(%dma_start3A_502 : memref<10064x128xf32, #tpu.memory_space<vmem_shared>>) offsets(%dma_start3A_499 : memref<128xi32, #tpu.memory_space<vmem>>) semaphore(%dma_start3A_504 : memref<!tpu.dma_semaphore, #tpu.memory_space<semaphore_mem>>) {add = true}
      %dma_wait3A_505 = arith.constant 1 : i32
      %dma_wait3A_506 = arith.constant 7 : i32
      %dma_wait3A_507 = arith.constant 1 : i32
      %dma_wait3A_508 = arith.constant 0 : i32
      %dma_wait3A_509 = arith.constant 0 : i32
      %dma_wait3A_510 = tpu.memref_slice %arg9[%dma_wait3A_505, %dma_wait3A_508, %dma_wait3A_509] : memref<2x128x128xf32, #tpu.memory_space<vmem>> -> memref<1x128x128xf32, #tpu.memory_space<vmem>>
      %dma_wait3A_511 = tpu.memref_squeeze %dma_wait3A_510 : memref<1x128x128xf32, #tpu.memory_space<vmem>> -> memref<128x128xf32, #tpu.memory_space<vmem>>
      %dma_wait3A_512 = arith.constant 0 : i32
      %dma_wait3A_513 = tpu.memref_slice %arg8[%dma_wait3A_506, %dma_wait3A_512] : memref<16x128xi32, #tpu.memory_space<vmem>> -> memref<1x128xi32, #tpu.memory_space<vmem>>
      %dma_wait3A_514 = tpu.memref_squeeze %dma_wait3A_513 : memref<1x128xi32, #tpu.memory_space<vmem>> -> memref<128xi32, #tpu.memory_space<vmem>>
      %dma_wait3A_515 = arith.constant 0 : i32
      %dma_wait3A_516 = arith.constant 0 : i32
      %dma_wait3A_517 = tpu.memref_slice %arg10[%dma_wait3A_515, %dma_wait3A_516] : memref<10064x128xf32, #tpu.memory_space<vmem_shared>> -> memref<10064x128xf32, #tpu.memory_space<vmem_shared>>
      %dma_wait3A_518 = tpu.memref_slice %arg12[%dma_wait3A_507] : memref<2x!tpu.dma_semaphore, #tpu.memory_space<semaphore_mem>> -> memref<1x!tpu.dma_semaphore, #tpu.memory_space<semaphore_mem>>
      %dma_wait3A_519 = tpu.memref_squeeze %dma_wait3A_518 : memref<1x!tpu.dma_semaphore, #tpu.memory_space<semaphore_mem>> -> memref<!tpu.dma_semaphore, #tpu.memory_space<semaphore_mem>>
      tpu.wait_indirect_dma semaphore(%dma_wait3A_519 : memref<!tpu.dma_semaphore, #tpu.memory_space<semaphore_mem>>) src(%dma_wait3A_511 : memref<128x128xf32, #tpu.memory_space<vmem>>) dst(%dma_wait3A_517 : memref<10064x128xf32, #tpu.memory_space<vmem_shared>>)
      %dma_start3A_520 = arith.constant 9 : i32
      %dma_start3A_521 = arith.constant 1 : i32
      %dma_start3A_522 = arith.constant 1 : i32
      %dma_start3A_523 = arith.constant 0 : i32
      %dma_start3A_524 = arith.constant 0 : i32
      %dma_start3A_525 = tpu.memref_slice %arg9[%dma_start3A_521, %dma_start3A_523, %dma_start3A_524] : memref<2x128x128xf32, #tpu.memory_space<vmem>> -> memref<1x128x128xf32, #tpu.memory_space<vmem>>
      %dma_start3A_526 = tpu.memref_squeeze %dma_start3A_525 : memref<1x128x128xf32, #tpu.memory_space<vmem>> -> memref<128x128xf32, #tpu.memory_space<vmem>>
      %dma_start3A_527 = arith.constant 0 : i32
      %dma_start3A_528 = tpu.memref_slice %arg7[%dma_start3A_520, %dma_start3A_527] : memref<16x128xi32, #tpu.memory_space<vmem>> -> memref<1x128xi32, #tpu.memory_space<vmem>>
      %dma_start3A_529 = tpu.memref_squeeze %dma_start3A_528 : memref<1x128xi32, #tpu.memory_space<vmem>> -> memref<128xi32, #tpu.memory_space<vmem>>
      %dma_start3A_530 = arith.constant 0 : i32
      %dma_start3A_531 = arith.constant 0 : i32
      %dma_start3A_532 = tpu.memref_slice %arg2[%dma_start3A_530, %dma_start3A_531] : memref<10064x128xf32, #tpu.memory_space<hbm>> -> memref<10064x128xf32, #tpu.memory_space<hbm>>
      %dma_start3A_533 = tpu.memref_slice %arg11[%dma_start3A_522] : memref<2x!tpu.dma_semaphore, #tpu.memory_space<semaphore_mem>> -> memref<1x!tpu.dma_semaphore, #tpu.memory_space<semaphore_mem>>
      %dma_start3A_534 = tpu.memref_squeeze %dma_start3A_533 : memref<1x!tpu.dma_semaphore, #tpu.memory_space<semaphore_mem>> -> memref<!tpu.dma_semaphore, #tpu.memory_space<semaphore_mem>>
      tpu.enqueue_indirect_dma source(%dma_start3A_532 : memref<10064x128xf32, #tpu.memory_space<hbm>>) target(%dma_start3A_526 : memref<128x128xf32, #tpu.memory_space<vmem>>) offsets(%dma_start3A_529 : memref<128xi32, #tpu.memory_space<vmem>>) semaphore(%dma_start3A_534 : memref<!tpu.dma_semaphore, #tpu.memory_space<semaphore_mem>>)
      %dma_wait3A_535 = arith.constant 8 : i32
      %dma_wait3A_536 = arith.constant 0 : i32
      %dma_wait3A_537 = arith.constant 0 : i32
      %dma_wait3A_538 = arith.constant 0 : i32
      %dma_wait3A_539 = arith.constant 0 : i32
      %dma_wait3A_540 = tpu.memref_slice %arg9[%dma_wait3A_536, %dma_wait3A_538, %dma_wait3A_539] : memref<2x128x128xf32, #tpu.memory_space<vmem>> -> memref<1x128x128xf32, #tpu.memory_space<vmem>>
      %dma_wait3A_541 = tpu.memref_squeeze %dma_wait3A_540 : memref<1x128x128xf32, #tpu.memory_space<vmem>> -> memref<128x128xf32, #tpu.memory_space<vmem>>
      %dma_wait3A_542 = arith.constant 0 : i32
      %dma_wait3A_543 = tpu.memref_slice %arg7[%dma_wait3A_535, %dma_wait3A_542] : memref<16x128xi32, #tpu.memory_space<vmem>> -> memref<1x128xi32, #tpu.memory_space<vmem>>
      %dma_wait3A_544 = tpu.memref_squeeze %dma_wait3A_543 : memref<1x128xi32, #tpu.memory_space<vmem>> -> memref<128xi32, #tpu.memory_space<vmem>>
      %dma_wait3A_545 = arith.constant 0 : i32
      %dma_wait3A_546 = arith.constant 0 : i32
      %dma_wait3A_547 = tpu.memref_slice %arg2[%dma_wait3A_545, %dma_wait3A_546] : memref<10064x128xf32, #tpu.memory_space<hbm>> -> memref<10064x128xf32, #tpu.memory_space<hbm>>
      %dma_wait3A_548 = tpu.memref_slice %arg11[%dma_wait3A_537] : memref<2x!tpu.dma_semaphore, #tpu.memory_space<semaphore_mem>> -> memref<1x!tpu.dma_semaphore, #tpu.memory_space<semaphore_mem>>
      %dma_wait3A_549 = tpu.memref_squeeze %dma_wait3A_548 : memref<1x!tpu.dma_semaphore, #tpu.memory_space<semaphore_mem>> -> memref<!tpu.dma_semaphore, #tpu.memory_space<semaphore_mem>>
      tpu.wait_indirect_dma semaphore(%dma_wait3A_549 : memref<!tpu.dma_semaphore, #tpu.memory_space<semaphore_mem>>) src(%dma_wait3A_547 : memref<10064x128xf32, #tpu.memory_space<hbm>>) dst(%dma_wait3A_541 : memref<128x128xf32, #tpu.memory_space<vmem>>)
      %dma_start3A_550 = arith.constant 0 : i32
      %dma_start3A_551 = arith.constant 8 : i32
      %dma_start3A_552 = arith.constant 0 : i32
      %dma_start3A_553 = arith.constant 0 : i32
      %dma_start3A_554 = arith.constant 0 : i32
      %dma_start3A_555 = tpu.memref_slice %arg9[%dma_start3A_550, %dma_start3A_553, %dma_start3A_554] : memref<2x128x128xf32, #tpu.memory_space<vmem>> -> memref<1x128x128xf32, #tpu.memory_space<vmem>>
      %dma_start3A_556 = tpu.memref_squeeze %dma_start3A_555 : memref<1x128x128xf32, #tpu.memory_space<vmem>> -> memref<128x128xf32, #tpu.memory_space<vmem>>
      %dma_start3A_557 = arith.constant 0 : i32
      %dma_start3A_558 = tpu.memref_slice %arg8[%dma_start3A_551, %dma_start3A_557] : memref<16x128xi32, #tpu.memory_space<vmem>> -> memref<1x128xi32, #tpu.memory_space<vmem>>
      %dma_start3A_559 = tpu.memref_squeeze %dma_start3A_558 : memref<1x128xi32, #tpu.memory_space<vmem>> -> memref<128xi32, #tpu.memory_space<vmem>>
      %dma_start3A_560 = arith.constant 0 : i32
      %dma_start3A_561 = arith.constant 0 : i32
      %dma_start3A_562 = tpu.memref_slice %arg10[%dma_start3A_560, %dma_start3A_561] : memref<10064x128xf32, #tpu.memory_space<vmem_shared>> -> memref<10064x128xf32, #tpu.memory_space<vmem_shared>>
      %dma_start3A_563 = tpu.memref_slice %arg12[%dma_start3A_552] : memref<2x!tpu.dma_semaphore, #tpu.memory_space<semaphore_mem>> -> memref<1x!tpu.dma_semaphore, #tpu.memory_space<semaphore_mem>>
      %dma_start3A_564 = tpu.memref_squeeze %dma_start3A_563 : memref<1x!tpu.dma_semaphore, #tpu.memory_space<semaphore_mem>> -> memref<!tpu.dma_semaphore, #tpu.memory_space<semaphore_mem>>
      tpu.enqueue_indirect_dma source(%dma_start3A_556 : memref<128x128xf32, #tpu.memory_space<vmem>>) target(%dma_start3A_562 : memref<10064x128xf32, #tpu.memory_space<vmem_shared>>) offsets(%dma_start3A_559 : memref<128xi32, #tpu.memory_space<vmem>>) semaphore(%dma_start3A_564 : memref<!tpu.dma_semaphore, #tpu.memory_space<semaphore_mem>>) {add = true}
      %dma_wait3A_565 = arith.constant 0 : i32
      %dma_wait3A_566 = arith.constant 8 : i32
      %dma_wait3A_567 = arith.constant 0 : i32
      %dma_wait3A_568 = arith.constant 0 : i32
      %dma_wait3A_569 = arith.constant 0 : i32
      %dma_wait3A_570 = tpu.memref_slice %arg9[%dma_wait3A_565, %dma_wait3A_568, %dma_wait3A_569] : memref<2x128x128xf32, #tpu.memory_space<vmem>> -> memref<1x128x128xf32, #tpu.memory_space<vmem>>
      %dma_wait3A_571 = tpu.memref_squeeze %dma_wait3A_570 : memref<1x128x128xf32, #tpu.memory_space<vmem>> -> memref<128x128xf32, #tpu.memory_space<vmem>>
      %dma_wait3A_572 = arith.constant 0 : i32
      %dma_wait3A_573 = tpu.memref_slice %arg8[%dma_wait3A_566, %dma_wait3A_572] : memref<16x128xi32, #tpu.memory_space<vmem>> -> memref<1x128xi32, #tpu.memory_space<vmem>>
      %dma_wait3A_574 = tpu.memref_squeeze %dma_wait3A_573 : memref<1x128xi32, #tpu.memory_space<vmem>> -> memref<128xi32, #tpu.memory_space<vmem>>
      %dma_wait3A_575 = arith.constant 0 : i32
      %dma_wait3A_576 = arith.constant 0 : i32
      %dma_wait3A_577 = tpu.memref_slice %arg10[%dma_wait3A_575, %dma_wait3A_576] : memref<10064x128xf32, #tpu.memory_space<vmem_shared>> -> memref<10064x128xf32, #tpu.memory_space<vmem_shared>>
      %dma_wait3A_578 = tpu.memref_slice %arg12[%dma_wait3A_567] : memref<2x!tpu.dma_semaphore, #tpu.memory_space<semaphore_mem>> -> memref<1x!tpu.dma_semaphore, #tpu.memory_space<semaphore_mem>>
      %dma_wait3A_579 = tpu.memref_squeeze %dma_wait3A_578 : memref<1x!tpu.dma_semaphore, #tpu.memory_space<semaphore_mem>> -> memref<!tpu.dma_semaphore, #tpu.memory_space<semaphore_mem>>
      tpu.wait_indirect_dma semaphore(%dma_wait3A_579 : memref<!tpu.dma_semaphore, #tpu.memory_space<semaphore_mem>>) src(%dma_wait3A_571 : memref<128x128xf32, #tpu.memory_space<vmem>>) dst(%dma_wait3A_577 : memref<10064x128xf32, #tpu.memory_space<vmem_shared>>)
      %dma_start3A_580 = arith.constant 10 : i32
      %dma_start3A_581 = arith.constant 0 : i32
      %dma_start3A_582 = arith.constant 0 : i32
      %dma_start3A_583 = arith.constant 0 : i32
      %dma_start3A_584 = arith.constant 0 : i32
      %dma_start3A_585 = tpu.memref_slice %arg9[%dma_start3A_581, %dma_start3A_583, %dma_start3A_584] : memref<2x128x128xf32, #tpu.memory_space<vmem>> -> memref<1x128x128xf32, #tpu.memory_space<vmem>>
      %dma_start3A_586 = tpu.memref_squeeze %dma_start3A_585 : memref<1x128x128xf32, #tpu.memory_space<vmem>> -> memref<128x128xf32, #tpu.memory_space<vmem>>
      %dma_start3A_587 = arith.constant 0 : i32
      %dma_start3A_588 = tpu.memref_slice %arg7[%dma_start3A_580, %dma_start3A_587] : memref<16x128xi32, #tpu.memory_space<vmem>> -> memref<1x128xi32, #tpu.memory_space<vmem>>
      %dma_start3A_589 = tpu.memref_squeeze %dma_start3A_588 : memref<1x128xi32, #tpu.memory_space<vmem>> -> memref<128xi32, #tpu.memory_space<vmem>>
      %dma_start3A_590 = arith.constant 0 : i32
      %dma_start3A_591 = arith.constant 0 : i32
      %dma_start3A_592 = tpu.memref_slice %arg2[%dma_start3A_590, %dma_start3A_591] : memref<10064x128xf32, #tpu.memory_space<hbm>> -> memref<10064x128xf32, #tpu.memory_space<hbm>>
      %dma_start3A_593 = tpu.memref_slice %arg11[%dma_start3A_582] : memref<2x!tpu.dma_semaphore, #tpu.memory_space<semaphore_mem>> -> memref<1x!tpu.dma_semaphore, #tpu.memory_space<semaphore_mem>>
      %dma_start3A_594 = tpu.memref_squeeze %dma_start3A_593 : memref<1x!tpu.dma_semaphore, #tpu.memory_space<semaphore_mem>> -> memref<!tpu.dma_semaphore, #tpu.memory_space<semaphore_mem>>
      tpu.enqueue_indirect_dma source(%dma_start3A_592 : memref<10064x128xf32, #tpu.memory_space<hbm>>) target(%dma_start3A_586 : memref<128x128xf32, #tpu.memory_space<vmem>>) offsets(%dma_start3A_589 : memref<128xi32, #tpu.memory_space<vmem>>) semaphore(%dma_start3A_594 : memref<!tpu.dma_semaphore, #tpu.memory_space<semaphore_mem>>)
      %dma_wait3A_595 = arith.constant 9 : i32
      %dma_wait3A_596 = arith.constant 1 : i32
      %dma_wait3A_597 = arith.constant 1 : i32
      %dma_wait3A_598 = arith.constant 0 : i32
      %dma_wait3A_599 = arith.constant 0 : i32
      %dma_wait3A_600 = tpu.memref_slice %arg9[%dma_wait3A_596, %dma_wait3A_598, %dma_wait3A_599] : memref<2x128x128xf32, #tpu.memory_space<vmem>> -> memref<1x128x128xf32, #tpu.memory_space<vmem>>
      %dma_wait3A_601 = tpu.memref_squeeze %dma_wait3A_600 : memref<1x128x128xf32, #tpu.memory_space<vmem>> -> memref<128x128xf32, #tpu.memory_space<vmem>>
      %dma_wait3A_602 = arith.constant 0 : i32
      %dma_wait3A_603 = tpu.memref_slice %arg7[%dma_wait3A_595, %dma_wait3A_602] : memref<16x128xi32, #tpu.memory_space<vmem>> -> memref<1x128xi32, #tpu.memory_space<vmem>>
      %dma_wait3A_604 = tpu.memref_squeeze %dma_wait3A_603 : memref<1x128xi32, #tpu.memory_space<vmem>> -> memref<128xi32, #tpu.memory_space<vmem>>
      %dma_wait3A_605 = arith.constant 0 : i32
      %dma_wait3A_606 = arith.constant 0 : i32
      %dma_wait3A_607 = tpu.memref_slice %arg2[%dma_wait3A_605, %dma_wait3A_606] : memref<10064x128xf32, #tpu.memory_space<hbm>> -> memref<10064x128xf32, #tpu.memory_space<hbm>>
      %dma_wait3A_608 = tpu.memref_slice %arg11[%dma_wait3A_597] : memref<2x!tpu.dma_semaphore, #tpu.memory_space<semaphore_mem>> -> memref<1x!tpu.dma_semaphore, #tpu.memory_space<semaphore_mem>>
      %dma_wait3A_609 = tpu.memref_squeeze %dma_wait3A_608 : memref<1x!tpu.dma_semaphore, #tpu.memory_space<semaphore_mem>> -> memref<!tpu.dma_semaphore, #tpu.memory_space<semaphore_mem>>
      tpu.wait_indirect_dma semaphore(%dma_wait3A_609 : memref<!tpu.dma_semaphore, #tpu.memory_space<semaphore_mem>>) src(%dma_wait3A_607 : memref<10064x128xf32, #tpu.memory_space<hbm>>) dst(%dma_wait3A_601 : memref<128x128xf32, #tpu.memory_space<vmem>>)
      %dma_start3A_610 = arith.constant 1 : i32
      %dma_start3A_611 = arith.constant 9 : i32
      %dma_start3A_612 = arith.constant 1 : i32
      %dma_start3A_613 = arith.constant 0 : i32
      %dma_start3A_614 = arith.constant 0 : i32
      %dma_start3A_615 = tpu.memref_slice %arg9[%dma_start3A_610, %dma_start3A_613, %dma_start3A_614] : memref<2x128x128xf32, #tpu.memory_space<vmem>> -> memref<1x128x128xf32, #tpu.memory_space<vmem>>
      %dma_start3A_616 = tpu.memref_squeeze %dma_start3A_615 : memref<1x128x128xf32, #tpu.memory_space<vmem>> -> memref<128x128xf32, #tpu.memory_space<vmem>>
      %dma_start3A_617 = arith.constant 0 : i32
      %dma_start3A_618 = tpu.memref_slice %arg8[%dma_start3A_611, %dma_start3A_617] : memref<16x128xi32, #tpu.memory_space<vmem>> -> memref<1x128xi32, #tpu.memory_space<vmem>>
      %dma_start3A_619 = tpu.memref_squeeze %dma_start3A_618 : memref<1x128xi32, #tpu.memory_space<vmem>> -> memref<128xi32, #tpu.memory_space<vmem>>
      %dma_start3A_620 = arith.constant 0 : i32
      %dma_start3A_621 = arith.constant 0 : i32
      %dma_start3A_622 = tpu.memref_slice %arg10[%dma_start3A_620, %dma_start3A_621] : memref<10064x128xf32, #tpu.memory_space<vmem_shared>> -> memref<10064x128xf32, #tpu.memory_space<vmem_shared>>
      %dma_start3A_623 = tpu.memref_slice %arg12[%dma_start3A_612] : memref<2x!tpu.dma_semaphore, #tpu.memory_space<semaphore_mem>> -> memref<1x!tpu.dma_semaphore, #tpu.memory_space<semaphore_mem>>
      %dma_start3A_624 = tpu.memref_squeeze %dma_start3A_623 : memref<1x!tpu.dma_semaphore, #tpu.memory_space<semaphore_mem>> -> memref<!tpu.dma_semaphore, #tpu.memory_space<semaphore_mem>>
      tpu.enqueue_indirect_dma source(%dma_start3A_616 : memref<128x128xf32, #tpu.memory_space<vmem>>) target(%dma_start3A_622 : memref<10064x128xf32, #tpu.memory_space<vmem_shared>>) offsets(%dma_start3A_619 : memref<128xi32, #tpu.memory_space<vmem>>) semaphore(%dma_start3A_624 : memref<!tpu.dma_semaphore, #tpu.memory_space<semaphore_mem>>) {add = true}
      %dma_wait3A_625 = arith.constant 1 : i32
      %dma_wait3A_626 = arith.constant 9 : i32
      %dma_wait3A_627 = arith.constant 1 : i32
      %dma_wait3A_628 = arith.constant 0 : i32
      %dma_wait3A_629 = arith.constant 0 : i32
      %dma_wait3A_630 = tpu.memref_slice %arg9[%dma_wait3A_625, %dma_wait3A_628, %dma_wait3A_629] : memref<2x128x128xf32, #tpu.memory_space<vmem>> -> memref<1x128x128xf32, #tpu.memory_space<vmem>>
      %dma_wait3A_631 = tpu.memref_squeeze %dma_wait3A_630 : memref<1x128x128xf32, #tpu.memory_space<vmem>> -> memref<128x128xf32, #tpu.memory_space<vmem>>
      %dma_wait3A_632 = arith.constant 0 : i32
      %dma_wait3A_633 = tpu.memref_slice %arg8[%dma_wait3A_626, %dma_wait3A_632] : memref<16x128xi32, #tpu.memory_space<vmem>> -> memref<1x128xi32, #tpu.memory_space<vmem>>
      %dma_wait3A_634 = tpu.memref_squeeze %dma_wait3A_633 : memref<1x128xi32, #tpu.memory_space<vmem>> -> memref<128xi32, #tpu.memory_space<vmem>>
      %dma_wait3A_635 = arith.constant 0 : i32
      %dma_wait3A_636 = arith.constant 0 : i32
      %dma_wait3A_637 = tpu.memref_slice %arg10[%dma_wait3A_635, %dma_wait3A_636] : memref<10064x128xf32, #tpu.memory_space<vmem_shared>> -> memref<10064x128xf32, #tpu.memory_space<vmem_shared>>
      %dma_wait3A_638 = tpu.memref_slice %arg12[%dma_wait3A_627] : memref<2x!tpu.dma_semaphore, #tpu.memory_space<semaphore_mem>> -> memref<1x!tpu.dma_semaphore, #tpu.memory_space<semaphore_mem>>
      %dma_wait3A_639 = tpu.memref_squeeze %dma_wait3A_638 : memref<1x!tpu.dma_semaphore, #tpu.memory_space<semaphore_mem>> -> memref<!tpu.dma_semaphore, #tpu.memory_space<semaphore_mem>>
      tpu.wait_indirect_dma semaphore(%dma_wait3A_639 : memref<!tpu.dma_semaphore, #tpu.memory_space<semaphore_mem>>) src(%dma_wait3A_631 : memref<128x128xf32, #tpu.memory_space<vmem>>) dst(%dma_wait3A_637 : memref<10064x128xf32, #tpu.memory_space<vmem_shared>>)
      %dma_start3A_640 = arith.constant 11 : i32
      %dma_start3A_641 = arith.constant 1 : i32
      %dma_start3A_642 = arith.constant 1 : i32
      %dma_start3A_643 = arith.constant 0 : i32
      %dma_start3A_644 = arith.constant 0 : i32
      %dma_start3A_645 = tpu.memref_slice %arg9[%dma_start3A_641, %dma_start3A_643, %dma_start3A_644] : memref<2x128x128xf32, #tpu.memory_space<vmem>> -> memref<1x128x128xf32, #tpu.memory_space<vmem>>
      %dma_start3A_646 = tpu.memref_squeeze %dma_start3A_645 : memref<1x128x128xf32, #tpu.memory_space<vmem>> -> memref<128x128xf32, #tpu.memory_space<vmem>>
      %dma_start3A_647 = arith.constant 0 : i32
      %dma_start3A_648 = tpu.memref_slice %arg7[%dma_start3A_640, %dma_start3A_647] : memref<16x128xi32, #tpu.memory_space<vmem>> -> memref<1x128xi32, #tpu.memory_space<vmem>>
      %dma_start3A_649 = tpu.memref_squeeze %dma_start3A_648 : memref<1x128xi32, #tpu.memory_space<vmem>> -> memref<128xi32, #tpu.memory_space<vmem>>
      %dma_start3A_650 = arith.constant 0 : i32
      %dma_start3A_651 = arith.constant 0 : i32
      %dma_start3A_652 = tpu.memref_slice %arg2[%dma_start3A_650, %dma_start3A_651] : memref<10064x128xf32, #tpu.memory_space<hbm>> -> memref<10064x128xf32, #tpu.memory_space<hbm>>
      %dma_start3A_653 = tpu.memref_slice %arg11[%dma_start3A_642] : memref<2x!tpu.dma_semaphore, #tpu.memory_space<semaphore_mem>> -> memref<1x!tpu.dma_semaphore, #tpu.memory_space<semaphore_mem>>
      %dma_start3A_654 = tpu.memref_squeeze %dma_start3A_653 : memref<1x!tpu.dma_semaphore, #tpu.memory_space<semaphore_mem>> -> memref<!tpu.dma_semaphore, #tpu.memory_space<semaphore_mem>>
      tpu.enqueue_indirect_dma source(%dma_start3A_652 : memref<10064x128xf32, #tpu.memory_space<hbm>>) target(%dma_start3A_646 : memref<128x128xf32, #tpu.memory_space<vmem>>) offsets(%dma_start3A_649 : memref<128xi32, #tpu.memory_space<vmem>>) semaphore(%dma_start3A_654 : memref<!tpu.dma_semaphore, #tpu.memory_space<semaphore_mem>>)
      %dma_wait3A_655 = arith.constant 10 : i32
      %dma_wait3A_656 = arith.constant 0 : i32
      %dma_wait3A_657 = arith.constant 0 : i32
      %dma_wait3A_658 = arith.constant 0 : i32
      %dma_wait3A_659 = arith.constant 0 : i32
      %dma_wait3A_660 = tpu.memref_slice %arg9[%dma_wait3A_656, %dma_wait3A_658, %dma_wait3A_659] : memref<2x128x128xf32, #tpu.memory_space<vmem>> -> memref<1x128x128xf32, #tpu.memory_space<vmem>>
      %dma_wait3A_661 = tpu.memref_squeeze %dma_wait3A_660 : memref<1x128x128xf32, #tpu.memory_space<vmem>> -> memref<128x128xf32, #tpu.memory_space<vmem>>
      %dma_wait3A_662 = arith.constant 0 : i32
      %dma_wait3A_663 = tpu.memref_slice %arg7[%dma_wait3A_655, %dma_wait3A_662] : memref<16x128xi32, #tpu.memory_space<vmem>> -> memref<1x128xi32, #tpu.memory_space<vmem>>
      %dma_wait3A_664 = tpu.memref_squeeze %dma_wait3A_663 : memref<1x128xi32, #tpu.memory_space<vmem>> -> memref<128xi32, #tpu.memory_space<vmem>>
      %dma_wait3A_665 = arith.constant 0 : i32
      %dma_wait3A_666 = arith.constant 0 : i32
      %dma_wait3A_667 = tpu.memref_slice %arg2[%dma_wait3A_665, %dma_wait3A_666] : memref<10064x128xf32, #tpu.memory_space<hbm>> -> memref<10064x128xf32, #tpu.memory_space<hbm>>
      %dma_wait3A_668 = tpu.memref_slice %arg11[%dma_wait3A_657] : memref<2x!tpu.dma_semaphore, #tpu.memory_space<semaphore_mem>> -> memref<1x!tpu.dma_semaphore, #tpu.memory_space<semaphore_mem>>
      %dma_wait3A_669 = tpu.memref_squeeze %dma_wait3A_668 : memref<1x!tpu.dma_semaphore, #tpu.memory_space<semaphore_mem>> -> memref<!tpu.dma_semaphore, #tpu.memory_space<semaphore_mem>>
      tpu.wait_indirect_dma semaphore(%dma_wait3A_669 : memref<!tpu.dma_semaphore, #tpu.memory_space<semaphore_mem>>) src(%dma_wait3A_667 : memref<10064x128xf32, #tpu.memory_space<hbm>>) dst(%dma_wait3A_661 : memref<128x128xf32, #tpu.memory_space<vmem>>)
      %dma_start3A_670 = arith.constant 0 : i32
      %dma_start3A_671 = arith.constant 10 : i32
      %dma_start3A_672 = arith.constant 0 : i32
      %dma_start3A_673 = arith.constant 0 : i32
      %dma_start3A_674 = arith.constant 0 : i32
      %dma_start3A_675 = tpu.memref_slice %arg9[%dma_start3A_670, %dma_start3A_673, %dma_start3A_674] : memref<2x128x128xf32, #tpu.memory_space<vmem>> -> memref<1x128x128xf32, #tpu.memory_space<vmem>>
      %dma_start3A_676 = tpu.memref_squeeze %dma_start3A_675 : memref<1x128x128xf32, #tpu.memory_space<vmem>> -> memref<128x128xf32, #tpu.memory_space<vmem>>
      %dma_start3A_677 = arith.constant 0 : i32
      %dma_start3A_678 = tpu.memref_slice %arg8[%dma_start3A_671, %dma_start3A_677] : memref<16x128xi32, #tpu.memory_space<vmem>> -> memref<1x128xi32, #tpu.memory_space<vmem>>
      %dma_start3A_679 = tpu.memref_squeeze %dma_start3A_678 : memref<1x128xi32, #tpu.memory_space<vmem>> -> memref<128xi32, #tpu.memory_space<vmem>>
      %dma_start3A_680 = arith.constant 0 : i32
      %dma_start3A_681 = arith.constant 0 : i32
      %dma_start3A_682 = tpu.memref_slice %arg10[%dma_start3A_680, %dma_start3A_681] : memref<10064x128xf32, #tpu.memory_space<vmem_shared>> -> memref<10064x128xf32, #tpu.memory_space<vmem_shared>>
      %dma_start3A_683 = tpu.memref_slice %arg12[%dma_start3A_672] : memref<2x!tpu.dma_semaphore, #tpu.memory_space<semaphore_mem>> -> memref<1x!tpu.dma_semaphore, #tpu.memory_space<semaphore_mem>>
      %dma_start3A_684 = tpu.memref_squeeze %dma_start3A_683 : memref<1x!tpu.dma_semaphore, #tpu.memory_space<semaphore_mem>> -> memref<!tpu.dma_semaphore, #tpu.memory_space<semaphore_mem>>
      tpu.enqueue_indirect_dma source(%dma_start3A_676 : memref<128x128xf32, #tpu.memory_space<vmem>>) target(%dma_start3A_682 : memref<10064x128xf32, #tpu.memory_space<vmem_shared>>) offsets(%dma_start3A_679 : memref<128xi32, #tpu.memory_space<vmem>>) semaphore(%dma_start3A_684 : memref<!tpu.dma_semaphore, #tpu.memory_space<semaphore_mem>>) {add = true}
      %dma_wait3A_685 = arith.constant 0 : i32
      %dma_wait3A_686 = arith.constant 10 : i32
      %dma_wait3A_687 = arith.constant 0 : i32
      %dma_wait3A_688 = arith.constant 0 : i32
      %dma_wait3A_689 = arith.constant 0 : i32
      %dma_wait3A_690 = tpu.memref_slice %arg9[%dma_wait3A_685, %dma_wait3A_688, %dma_wait3A_689] : memref<2x128x128xf32, #tpu.memory_space<vmem>> -> memref<1x128x128xf32, #tpu.memory_space<vmem>>
      %dma_wait3A_691 = tpu.memref_squeeze %dma_wait3A_690 : memref<1x128x128xf32, #tpu.memory_space<vmem>> -> memref<128x128xf32, #tpu.memory_space<vmem>>
      %dma_wait3A_692 = arith.constant 0 : i32
      %dma_wait3A_693 = tpu.memref_slice %arg8[%dma_wait3A_686, %dma_wait3A_692] : memref<16x128xi32, #tpu.memory_space<vmem>> -> memref<1x128xi32, #tpu.memory_space<vmem>>
      %dma_wait3A_694 = tpu.memref_squeeze %dma_wait3A_693 : memref<1x128xi32, #tpu.memory_space<vmem>> -> memref<128xi32, #tpu.memory_space<vmem>>
      %dma_wait3A_695 = arith.constant 0 : i32
      %dma_wait3A_696 = arith.constant 0 : i32
      %dma_wait3A_697 = tpu.memref_slice %arg10[%dma_wait3A_695, %dma_wait3A_696] : memref<10064x128xf32, #tpu.memory_space<vmem_shared>> -> memref<10064x128xf32, #tpu.memory_space<vmem_shared>>
      %dma_wait3A_698 = tpu.memref_slice %arg12[%dma_wait3A_687] : memref<2x!tpu.dma_semaphore, #tpu.memory_space<semaphore_mem>> -> memref<1x!tpu.dma_semaphore, #tpu.memory_space<semaphore_mem>>
      %dma_wait3A_699 = tpu.memref_squeeze %dma_wait3A_698 : memref<1x!tpu.dma_semaphore, #tpu.memory_space<semaphore_mem>> -> memref<!tpu.dma_semaphore, #tpu.memory_space<semaphore_mem>>
      tpu.wait_indirect_dma semaphore(%dma_wait3A_699 : memref<!tpu.dma_semaphore, #tpu.memory_space<semaphore_mem>>) src(%dma_wait3A_691 : memref<128x128xf32, #tpu.memory_space<vmem>>) dst(%dma_wait3A_697 : memref<10064x128xf32, #tpu.memory_space<vmem_shared>>)
      %dma_start3A_700 = arith.constant 12 : i32
      %dma_start3A_701 = arith.constant 0 : i32
      %dma_start3A_702 = arith.constant 0 : i32
      %dma_start3A_703 = arith.constant 0 : i32
      %dma_start3A_704 = arith.constant 0 : i32
      %dma_start3A_705 = tpu.memref_slice %arg9[%dma_start3A_701, %dma_start3A_703, %dma_start3A_704] : memref<2x128x128xf32, #tpu.memory_space<vmem>> -> memref<1x128x128xf32, #tpu.memory_space<vmem>>
      %dma_start3A_706 = tpu.memref_squeeze %dma_start3A_705 : memref<1x128x128xf32, #tpu.memory_space<vmem>> -> memref<128x128xf32, #tpu.memory_space<vmem>>
      %dma_start3A_707 = arith.constant 0 : i32
      %dma_start3A_708 = tpu.memref_slice %arg7[%dma_start3A_700, %dma_start3A_707] : memref<16x128xi32, #tpu.memory_space<vmem>> -> memref<1x128xi32, #tpu.memory_space<vmem>>
      %dma_start3A_709 = tpu.memref_squeeze %dma_start3A_708 : memref<1x128xi32, #tpu.memory_space<vmem>> -> memref<128xi32, #tpu.memory_space<vmem>>
      %dma_start3A_710 = arith.constant 0 : i32
      %dma_start3A_711 = arith.constant 0 : i32
      %dma_start3A_712 = tpu.memref_slice %arg2[%dma_start3A_710, %dma_start3A_711] : memref<10064x128xf32, #tpu.memory_space<hbm>> -> memref<10064x128xf32, #tpu.memory_space<hbm>>
      %dma_start3A_713 = tpu.memref_slice %arg11[%dma_start3A_702] : memref<2x!tpu.dma_semaphore, #tpu.memory_space<semaphore_mem>> -> memref<1x!tpu.dma_semaphore, #tpu.memory_space<semaphore_mem>>
      %dma_start3A_714 = tpu.memref_squeeze %dma_start3A_713 : memref<1x!tpu.dma_semaphore, #tpu.memory_space<semaphore_mem>> -> memref<!tpu.dma_semaphore, #tpu.memory_space<semaphore_mem>>
      tpu.enqueue_indirect_dma source(%dma_start3A_712 : memref<10064x128xf32, #tpu.memory_space<hbm>>) target(%dma_start3A_706 : memref<128x128xf32, #tpu.memory_space<vmem>>) offsets(%dma_start3A_709 : memref<128xi32, #tpu.memory_space<vmem>>) semaphore(%dma_start3A_714 : memref<!tpu.dma_semaphore, #tpu.memory_space<semaphore_mem>>)
      %dma_wait3A_715 = arith.constant 11 : i32
      %dma_wait3A_716 = arith.constant 1 : i32
      %dma_wait3A_717 = arith.constant 1 : i32
      %dma_wait3A_718 = arith.constant 0 : i32
      %dma_wait3A_719 = arith.constant 0 : i32
      %dma_wait3A_720 = tpu.memref_slice %arg9[%dma_wait3A_716, %dma_wait3A_718, %dma_wait3A_719] : memref<2x128x128xf32, #tpu.memory_space<vmem>> -> memref<1x128x128xf32, #tpu.memory_space<vmem>>
      %dma_wait3A_721 = tpu.memref_squeeze %dma_wait3A_720 : memref<1x128x128xf32, #tpu.memory_space<vmem>> -> memref<128x128xf32, #tpu.memory_space<vmem>>
      %dma_wait3A_722 = arith.constant 0 : i32
      %dma_wait3A_723 = tpu.memref_slice %arg7[%dma_wait3A_715, %dma_wait3A_722] : memref<16x128xi32, #tpu.memory_space<vmem>> -> memref<1x128xi32, #tpu.memory_space<vmem>>
      %dma_wait3A_724 = tpu.memref_squeeze %dma_wait3A_723 : memref<1x128xi32, #tpu.memory_space<vmem>> -> memref<128xi32, #tpu.memory_space<vmem>>
      %dma_wait3A_725 = arith.constant 0 : i32
      %dma_wait3A_726 = arith.constant 0 : i32
      %dma_wait3A_727 = tpu.memref_slice %arg2[%dma_wait3A_725, %dma_wait3A_726] : memref<10064x128xf32, #tpu.memory_space<hbm>> -> memref<10064x128xf32, #tpu.memory_space<hbm>>
      %dma_wait3A_728 = tpu.memref_slice %arg11[%dma_wait3A_717] : memref<2x!tpu.dma_semaphore, #tpu.memory_space<semaphore_mem>> -> memref<1x!tpu.dma_semaphore, #tpu.memory_space<semaphore_mem>>
      %dma_wait3A_729 = tpu.memref_squeeze %dma_wait3A_728 : memref<1x!tpu.dma_semaphore, #tpu.memory_space<semaphore_mem>> -> memref<!tpu.dma_semaphore, #tpu.memory_space<semaphore_mem>>
      tpu.wait_indirect_dma semaphore(%dma_wait3A_729 : memref<!tpu.dma_semaphore, #tpu.memory_space<semaphore_mem>>) src(%dma_wait3A_727 : memref<10064x128xf32, #tpu.memory_space<hbm>>) dst(%dma_wait3A_721 : memref<128x128xf32, #tpu.memory_space<vmem>>)
      %dma_start3A_730 = arith.constant 1 : i32
      %dma_start3A_731 = arith.constant 11 : i32
      %dma_start3A_732 = arith.constant 1 : i32
      %dma_start3A_733 = arith.constant 0 : i32
      %dma_start3A_734 = arith.constant 0 : i32
      %dma_start3A_735 = tpu.memref_slice %arg9[%dma_start3A_730, %dma_start3A_733, %dma_start3A_734] : memref<2x128x128xf32, #tpu.memory_space<vmem>> -> memref<1x128x128xf32, #tpu.memory_space<vmem>>
      %dma_start3A_736 = tpu.memref_squeeze %dma_start3A_735 : memref<1x128x128xf32, #tpu.memory_space<vmem>> -> memref<128x128xf32, #tpu.memory_space<vmem>>
      %dma_start3A_737 = arith.constant 0 : i32
      %dma_start3A_738 = tpu.memref_slice %arg8[%dma_start3A_731, %dma_start3A_737] : memref<16x128xi32, #tpu.memory_space<vmem>> -> memref<1x128xi32, #tpu.memory_space<vmem>>
      %dma_start3A_739 = tpu.memref_squeeze %dma_start3A_738 : memref<1x128xi32, #tpu.memory_space<vmem>> -> memref<128xi32, #tpu.memory_space<vmem>>
      %dma_start3A_740 = arith.constant 0 : i32
      %dma_start3A_741 = arith.constant 0 : i32
      %dma_start3A_742 = tpu.memref_slice %arg10[%dma_start3A_740, %dma_start3A_741] : memref<10064x128xf32, #tpu.memory_space<vmem_shared>> -> memref<10064x128xf32, #tpu.memory_space<vmem_shared>>
      %dma_start3A_743 = tpu.memref_slice %arg12[%dma_start3A_732] : memref<2x!tpu.dma_semaphore, #tpu.memory_space<semaphore_mem>> -> memref<1x!tpu.dma_semaphore, #tpu.memory_space<semaphore_mem>>
      %dma_start3A_744 = tpu.memref_squeeze %dma_start3A_743 : memref<1x!tpu.dma_semaphore, #tpu.memory_space<semaphore_mem>> -> memref<!tpu.dma_semaphore, #tpu.memory_space<semaphore_mem>>
      tpu.enqueue_indirect_dma source(%dma_start3A_736 : memref<128x128xf32, #tpu.memory_space<vmem>>) target(%dma_start3A_742 : memref<10064x128xf32, #tpu.memory_space<vmem_shared>>) offsets(%dma_start3A_739 : memref<128xi32, #tpu.memory_space<vmem>>) semaphore(%dma_start3A_744 : memref<!tpu.dma_semaphore, #tpu.memory_space<semaphore_mem>>) {add = true}
      %dma_wait3A_745 = arith.constant 1 : i32
      %dma_wait3A_746 = arith.constant 11 : i32
      %dma_wait3A_747 = arith.constant 1 : i32
      %dma_wait3A_748 = arith.constant 0 : i32
      %dma_wait3A_749 = arith.constant 0 : i32
      %dma_wait3A_750 = tpu.memref_slice %arg9[%dma_wait3A_745, %dma_wait3A_748, %dma_wait3A_749] : memref<2x128x128xf32, #tpu.memory_space<vmem>> -> memref<1x128x128xf32, #tpu.memory_space<vmem>>
      %dma_wait3A_751 = tpu.memref_squeeze %dma_wait3A_750 : memref<1x128x128xf32, #tpu.memory_space<vmem>> -> memref<128x128xf32, #tpu.memory_space<vmem>>
      %dma_wait3A_752 = arith.constant 0 : i32
      %dma_wait3A_753 = tpu.memref_slice %arg8[%dma_wait3A_746, %dma_wait3A_752] : memref<16x128xi32, #tpu.memory_space<vmem>> -> memref<1x128xi32, #tpu.memory_space<vmem>>
      %dma_wait3A_754 = tpu.memref_squeeze %dma_wait3A_753 : memref<1x128xi32, #tpu.memory_space<vmem>> -> memref<128xi32, #tpu.memory_space<vmem>>
      %dma_wait3A_755 = arith.constant 0 : i32
      %dma_wait3A_756 = arith.constant 0 : i32
      %dma_wait3A_757 = tpu.memref_slice %arg10[%dma_wait3A_755, %dma_wait3A_756] : memref<10064x128xf32, #tpu.memory_space<vmem_shared>> -> memref<10064x128xf32, #tpu.memory_space<vmem_shared>>
      %dma_wait3A_758 = tpu.memref_slice %arg12[%dma_wait3A_747] : memref<2x!tpu.dma_semaphore, #tpu.memory_space<semaphore_mem>> -> memref<1x!tpu.dma_semaphore, #tpu.memory_space<semaphore_mem>>
      %dma_wait3A_759 = tpu.memref_squeeze %dma_wait3A_758 : memref<1x!tpu.dma_semaphore, #tpu.memory_space<semaphore_mem>> -> memref<!tpu.dma_semaphore, #tpu.memory_space<semaphore_mem>>
      tpu.wait_indirect_dma semaphore(%dma_wait3A_759 : memref<!tpu.dma_semaphore, #tpu.memory_space<semaphore_mem>>) src(%dma_wait3A_751 : memref<128x128xf32, #tpu.memory_space<vmem>>) dst(%dma_wait3A_757 : memref<10064x128xf32, #tpu.memory_space<vmem_shared>>)
      %dma_start3A_760 = arith.constant 13 : i32
      %dma_start3A_761 = arith.constant 1 : i32
      %dma_start3A_762 = arith.constant 1 : i32
      %dma_start3A_763 = arith.constant 0 : i32
      %dma_start3A_764 = arith.constant 0 : i32
      %dma_start3A_765 = tpu.memref_slice %arg9[%dma_start3A_761, %dma_start3A_763, %dma_start3A_764] : memref<2x128x128xf32, #tpu.memory_space<vmem>> -> memref<1x128x128xf32, #tpu.memory_space<vmem>>
      %dma_start3A_766 = tpu.memref_squeeze %dma_start3A_765 : memref<1x128x128xf32, #tpu.memory_space<vmem>> -> memref<128x128xf32, #tpu.memory_space<vmem>>
      %dma_start3A_767 = arith.constant 0 : i32
      %dma_start3A_768 = tpu.memref_slice %arg7[%dma_start3A_760, %dma_start3A_767] : memref<16x128xi32, #tpu.memory_space<vmem>> -> memref<1x128xi32, #tpu.memory_space<vmem>>
      %dma_start3A_769 = tpu.memref_squeeze %dma_start3A_768 : memref<1x128xi32, #tpu.memory_space<vmem>> -> memref<128xi32, #tpu.memory_space<vmem>>
      %dma_start3A_770 = arith.constant 0 : i32
      %dma_start3A_771 = arith.constant 0 : i32
      %dma_start3A_772 = tpu.memref_slice %arg2[%dma_start3A_770, %dma_start3A_771] : memref<10064x128xf32, #tpu.memory_space<hbm>> -> memref<10064x128xf32, #tpu.memory_space<hbm>>
      %dma_start3A_773 = tpu.memref_slice %arg11[%dma_start3A_762] : memref<2x!tpu.dma_semaphore, #tpu.memory_space<semaphore_mem>> -> memref<1x!tpu.dma_semaphore, #tpu.memory_space<semaphore_mem>>
      %dma_start3A_774 = tpu.memref_squeeze %dma_start3A_773 : memref<1x!tpu.dma_semaphore, #tpu.memory_space<semaphore_mem>> -> memref<!tpu.dma_semaphore, #tpu.memory_space<semaphore_mem>>
      tpu.enqueue_indirect_dma source(%dma_start3A_772 : memref<10064x128xf32, #tpu.memory_space<hbm>>) target(%dma_start3A_766 : memref<128x128xf32, #tpu.memory_space<vmem>>) offsets(%dma_start3A_769 : memref<128xi32, #tpu.memory_space<vmem>>) semaphore(%dma_start3A_774 : memref<!tpu.dma_semaphore, #tpu.memory_space<semaphore_mem>>)
      %dma_wait3A_775 = arith.constant 12 : i32
      %dma_wait3A_776 = arith.constant 0 : i32
      %dma_wait3A_777 = arith.constant 0 : i32
      %dma_wait3A_778 = arith.constant 0 : i32
      %dma_wait3A_779 = arith.constant 0 : i32
      %dma_wait3A_780 = tpu.memref_slice %arg9[%dma_wait3A_776, %dma_wait3A_778, %dma_wait3A_779] : memref<2x128x128xf32, #tpu.memory_space<vmem>> -> memref<1x128x128xf32, #tpu.memory_space<vmem>>
      %dma_wait3A_781 = tpu.memref_squeeze %dma_wait3A_780 : memref<1x128x128xf32, #tpu.memory_space<vmem>> -> memref<128x128xf32, #tpu.memory_space<vmem>>
      %dma_wait3A_782 = arith.constant 0 : i32
      %dma_wait3A_783 = tpu.memref_slice %arg7[%dma_wait3A_775, %dma_wait3A_782] : memref<16x128xi32, #tpu.memory_space<vmem>> -> memref<1x128xi32, #tpu.memory_space<vmem>>
      %dma_wait3A_784 = tpu.memref_squeeze %dma_wait3A_783 : memref<1x128xi32, #tpu.memory_space<vmem>> -> memref<128xi32, #tpu.memory_space<vmem>>
      %dma_wait3A_785 = arith.constant 0 : i32
      %dma_wait3A_786 = arith.constant 0 : i32
      %dma_wait3A_787 = tpu.memref_slice %arg2[%dma_wait3A_785, %dma_wait3A_786] : memref<10064x128xf32, #tpu.memory_space<hbm>> -> memref<10064x128xf32, #tpu.memory_space<hbm>>
      %dma_wait3A_788 = tpu.memref_slice %arg11[%dma_wait3A_777] : memref<2x!tpu.dma_semaphore, #tpu.memory_space<semaphore_mem>> -> memref<1x!tpu.dma_semaphore, #tpu.memory_space<semaphore_mem>>
      %dma_wait3A_789 = tpu.memref_squeeze %dma_wait3A_788 : memref<1x!tpu.dma_semaphore, #tpu.memory_space<semaphore_mem>> -> memref<!tpu.dma_semaphore, #tpu.memory_space<semaphore_mem>>
      tpu.wait_indirect_dma semaphore(%dma_wait3A_789 : memref<!tpu.dma_semaphore, #tpu.memory_space<semaphore_mem>>) src(%dma_wait3A_787 : memref<10064x128xf32, #tpu.memory_space<hbm>>) dst(%dma_wait3A_781 : memref<128x128xf32, #tpu.memory_space<vmem>>)
      %dma_start3A_790 = arith.constant 0 : i32
      %dma_start3A_791 = arith.constant 12 : i32
      %dma_start3A_792 = arith.constant 0 : i32
      %dma_start3A_793 = arith.constant 0 : i32
      %dma_start3A_794 = arith.constant 0 : i32
      %dma_start3A_795 = tpu.memref_slice %arg9[%dma_start3A_790, %dma_start3A_793, %dma_start3A_794] : memref<2x128x128xf32, #tpu.memory_space<vmem>> -> memref<1x128x128xf32, #tpu.memory_space<vmem>>
      %dma_start3A_796 = tpu.memref_squeeze %dma_start3A_795 : memref<1x128x128xf32, #tpu.memory_space<vmem>> -> memref<128x128xf32, #tpu.memory_space<vmem>>
      %dma_start3A_797 = arith.constant 0 : i32
      %dma_start3A_798 = tpu.memref_slice %arg8[%dma_start3A_791, %dma_start3A_797] : memref<16x128xi32, #tpu.memory_space<vmem>> -> memref<1x128xi32, #tpu.memory_space<vmem>>
      %dma_start3A_799 = tpu.memref_squeeze %dma_start3A_798 : memref<1x128xi32, #tpu.memory_space<vmem>> -> memref<128xi32, #tpu.memory_space<vmem>>
      %dma_start3A_800 = arith.constant 0 : i32
      %dma_start3A_801 = arith.constant 0 : i32
      %dma_start3A_802 = tpu.memref_slice %arg10[%dma_start3A_800, %dma_start3A_801] : memref<10064x128xf32, #tpu.memory_space<vmem_shared>> -> memref<10064x128xf32, #tpu.memory_space<vmem_shared>>
      %dma_start3A_803 = tpu.memref_slice %arg12[%dma_start3A_792] : memref<2x!tpu.dma_semaphore, #tpu.memory_space<semaphore_mem>> -> memref<1x!tpu.dma_semaphore, #tpu.memory_space<semaphore_mem>>
      %dma_start3A_804 = tpu.memref_squeeze %dma_start3A_803 : memref<1x!tpu.dma_semaphore, #tpu.memory_space<semaphore_mem>> -> memref<!tpu.dma_semaphore, #tpu.memory_space<semaphore_mem>>
      tpu.enqueue_indirect_dma source(%dma_start3A_796 : memref<128x128xf32, #tpu.memory_space<vmem>>) target(%dma_start3A_802 : memref<10064x128xf32, #tpu.memory_space<vmem_shared>>) offsets(%dma_start3A_799 : memref<128xi32, #tpu.memory_space<vmem>>) semaphore(%dma_start3A_804 : memref<!tpu.dma_semaphore, #tpu.memory_space<semaphore_mem>>) {add = true}
      %dma_wait3A_805 = arith.constant 0 : i32
      %dma_wait3A_806 = arith.constant 12 : i32
      %dma_wait3A_807 = arith.constant 0 : i32
      %dma_wait3A_808 = arith.constant 0 : i32
      %dma_wait3A_809 = arith.constant 0 : i32
      %dma_wait3A_810 = tpu.memref_slice %arg9[%dma_wait3A_805, %dma_wait3A_808, %dma_wait3A_809] : memref<2x128x128xf32, #tpu.memory_space<vmem>> -> memref<1x128x128xf32, #tpu.memory_space<vmem>>
      %dma_wait3A_811 = tpu.memref_squeeze %dma_wait3A_810 : memref<1x128x128xf32, #tpu.memory_space<vmem>> -> memref<128x128xf32, #tpu.memory_space<vmem>>
      %dma_wait3A_812 = arith.constant 0 : i32
      %dma_wait3A_813 = tpu.memref_slice %arg8[%dma_wait3A_806, %dma_wait3A_812] : memref<16x128xi32, #tpu.memory_space<vmem>> -> memref<1x128xi32, #tpu.memory_space<vmem>>
      %dma_wait3A_814 = tpu.memref_squeeze %dma_wait3A_813 : memref<1x128xi32, #tpu.memory_space<vmem>> -> memref<128xi32, #tpu.memory_space<vmem>>
      %dma_wait3A_815 = arith.constant 0 : i32
      %dma_wait3A_816 = arith.constant 0 : i32
      %dma_wait3A_817 = tpu.memref_slice %arg10[%dma_wait3A_815, %dma_wait3A_816] : memref<10064x128xf32, #tpu.memory_space<vmem_shared>> -> memref<10064x128xf32, #tpu.memory_space<vmem_shared>>
      %dma_wait3A_818 = tpu.memref_slice %arg12[%dma_wait3A_807] : memref<2x!tpu.dma_semaphore, #tpu.memory_space<semaphore_mem>> -> memref<1x!tpu.dma_semaphore, #tpu.memory_space<semaphore_mem>>
      %dma_wait3A_819 = tpu.memref_squeeze %dma_wait3A_818 : memref<1x!tpu.dma_semaphore, #tpu.memory_space<semaphore_mem>> -> memref<!tpu.dma_semaphore, #tpu.memory_space<semaphore_mem>>
      tpu.wait_indirect_dma semaphore(%dma_wait3A_819 : memref<!tpu.dma_semaphore, #tpu.memory_space<semaphore_mem>>) src(%dma_wait3A_811 : memref<128x128xf32, #tpu.memory_space<vmem>>) dst(%dma_wait3A_817 : memref<10064x128xf32, #tpu.memory_space<vmem_shared>>)
      %dma_start3A_820 = arith.constant 14 : i32
      %dma_start3A_821 = arith.constant 0 : i32
      %dma_start3A_822 = arith.constant 0 : i32
      %dma_start3A_823 = arith.constant 0 : i32
      %dma_start3A_824 = arith.constant 0 : i32
      %dma_start3A_825 = tpu.memref_slice %arg9[%dma_start3A_821, %dma_start3A_823, %dma_start3A_824] : memref<2x128x128xf32, #tpu.memory_space<vmem>> -> memref<1x128x128xf32, #tpu.memory_space<vmem>>
      %dma_start3A_826 = tpu.memref_squeeze %dma_start3A_825 : memref<1x128x128xf32, #tpu.memory_space<vmem>> -> memref<128x128xf32, #tpu.memory_space<vmem>>
      %dma_start3A_827 = arith.constant 0 : i32
      %dma_start3A_828 = tpu.memref_slice %arg7[%dma_start3A_820, %dma_start3A_827] : memref<16x128xi32, #tpu.memory_space<vmem>> -> memref<1x128xi32, #tpu.memory_space<vmem>>
      %dma_start3A_829 = tpu.memref_squeeze %dma_start3A_828 : memref<1x128xi32, #tpu.memory_space<vmem>> -> memref<128xi32, #tpu.memory_space<vmem>>
      %dma_start3A_830 = arith.constant 0 : i32
      %dma_start3A_831 = arith.constant 0 : i32
      %dma_start3A_832 = tpu.memref_slice %arg2[%dma_start3A_830, %dma_start3A_831] : memref<10064x128xf32, #tpu.memory_space<hbm>> -> memref<10064x128xf32, #tpu.memory_space<hbm>>
      %dma_start3A_833 = tpu.memref_slice %arg11[%dma_start3A_822] : memref<2x!tpu.dma_semaphore, #tpu.memory_space<semaphore_mem>> -> memref<1x!tpu.dma_semaphore, #tpu.memory_space<semaphore_mem>>
      %dma_start3A_834 = tpu.memref_squeeze %dma_start3A_833 : memref<1x!tpu.dma_semaphore, #tpu.memory_space<semaphore_mem>> -> memref<!tpu.dma_semaphore, #tpu.memory_space<semaphore_mem>>
      tpu.enqueue_indirect_dma source(%dma_start3A_832 : memref<10064x128xf32, #tpu.memory_space<hbm>>) target(%dma_start3A_826 : memref<128x128xf32, #tpu.memory_space<vmem>>) offsets(%dma_start3A_829 : memref<128xi32, #tpu.memory_space<vmem>>) semaphore(%dma_start3A_834 : memref<!tpu.dma_semaphore, #tpu.memory_space<semaphore_mem>>)
      %dma_wait3A_835 = arith.constant 13 : i32
      %dma_wait3A_836 = arith.constant 1 : i32
      %dma_wait3A_837 = arith.constant 1 : i32
      %dma_wait3A_838 = arith.constant 0 : i32
      %dma_wait3A_839 = arith.constant 0 : i32
      %dma_wait3A_840 = tpu.memref_slice %arg9[%dma_wait3A_836, %dma_wait3A_838, %dma_wait3A_839] : memref<2x128x128xf32, #tpu.memory_space<vmem>> -> memref<1x128x128xf32, #tpu.memory_space<vmem>>
      %dma_wait3A_841 = tpu.memref_squeeze %dma_wait3A_840 : memref<1x128x128xf32, #tpu.memory_space<vmem>> -> memref<128x128xf32, #tpu.memory_space<vmem>>
      %dma_wait3A_842 = arith.constant 0 : i32
      %dma_wait3A_843 = tpu.memref_slice %arg7[%dma_wait3A_835, %dma_wait3A_842] : memref<16x128xi32, #tpu.memory_space<vmem>> -> memref<1x128xi32, #tpu.memory_space<vmem>>
      %dma_wait3A_844 = tpu.memref_squeeze %dma_wait3A_843 : memref<1x128xi32, #tpu.memory_space<vmem>> -> memref<128xi32, #tpu.memory_space<vmem>>
      %dma_wait3A_845 = arith.constant 0 : i32
      %dma_wait3A_846 = arith.constant 0 : i32
      %dma_wait3A_847 = tpu.memref_slice %arg2[%dma_wait3A_845, %dma_wait3A_846] : memref<10064x128xf32, #tpu.memory_space<hbm>> -> memref<10064x128xf32, #tpu.memory_space<hbm>>
      %dma_wait3A_848 = tpu.memref_slice %arg11[%dma_wait3A_837] : memref<2x!tpu.dma_semaphore, #tpu.memory_space<semaphore_mem>> -> memref<1x!tpu.dma_semaphore, #tpu.memory_space<semaphore_mem>>
      %dma_wait3A_849 = tpu.memref_squeeze %dma_wait3A_848 : memref<1x!tpu.dma_semaphore, #tpu.memory_space<semaphore_mem>> -> memref<!tpu.dma_semaphore, #tpu.memory_space<semaphore_mem>>
      tpu.wait_indirect_dma semaphore(%dma_wait3A_849 : memref<!tpu.dma_semaphore, #tpu.memory_space<semaphore_mem>>) src(%dma_wait3A_847 : memref<10064x128xf32, #tpu.memory_space<hbm>>) dst(%dma_wait3A_841 : memref<128x128xf32, #tpu.memory_space<vmem>>)
      %dma_start3A_850 = arith.constant 1 : i32
      %dma_start3A_851 = arith.constant 13 : i32
      %dma_start3A_852 = arith.constant 1 : i32
      %dma_start3A_853 = arith.constant 0 : i32
      %dma_start3A_854 = arith.constant 0 : i32
      %dma_start3A_855 = tpu.memref_slice %arg9[%dma_start3A_850, %dma_start3A_853, %dma_start3A_854] : memref<2x128x128xf32, #tpu.memory_space<vmem>> -> memref<1x128x128xf32, #tpu.memory_space<vmem>>
      %dma_start3A_856 = tpu.memref_squeeze %dma_start3A_855 : memref<1x128x128xf32, #tpu.memory_space<vmem>> -> memref<128x128xf32, #tpu.memory_space<vmem>>
      %dma_start3A_857 = arith.constant 0 : i32
      %dma_start3A_858 = tpu.memref_slice %arg8[%dma_start3A_851, %dma_start3A_857] : memref<16x128xi32, #tpu.memory_space<vmem>> -> memref<1x128xi32, #tpu.memory_space<vmem>>
      %dma_start3A_859 = tpu.memref_squeeze %dma_start3A_858 : memref<1x128xi32, #tpu.memory_space<vmem>> -> memref<128xi32, #tpu.memory_space<vmem>>
      %dma_start3A_860 = arith.constant 0 : i32
      %dma_start3A_861 = arith.constant 0 : i32
      %dma_start3A_862 = tpu.memref_slice %arg10[%dma_start3A_860, %dma_start3A_861] : memref<10064x128xf32, #tpu.memory_space<vmem_shared>> -> memref<10064x128xf32, #tpu.memory_space<vmem_shared>>
      %dma_start3A_863 = tpu.memref_slice %arg12[%dma_start3A_852] : memref<2x!tpu.dma_semaphore, #tpu.memory_space<semaphore_mem>> -> memref<1x!tpu.dma_semaphore, #tpu.memory_space<semaphore_mem>>
      %dma_start3A_864 = tpu.memref_squeeze %dma_start3A_863 : memref<1x!tpu.dma_semaphore, #tpu.memory_space<semaphore_mem>> -> memref<!tpu.dma_semaphore, #tpu.memory_space<semaphore_mem>>
      tpu.enqueue_indirect_dma source(%dma_start3A_856 : memref<128x128xf32, #tpu.memory_space<vmem>>) target(%dma_start3A_862 : memref<10064x128xf32, #tpu.memory_space<vmem_shared>>) offsets(%dma_start3A_859 : memref<128xi32, #tpu.memory_space<vmem>>) semaphore(%dma_start3A_864 : memref<!tpu.dma_semaphore, #tpu.memory_space<semaphore_mem>>) {add = true}
      %dma_wait3A_865 = arith.constant 1 : i32
      %dma_wait3A_866 = arith.constant 13 : i32
      %dma_wait3A_867 = arith.constant 1 : i32
      %dma_wait3A_868 = arith.constant 0 : i32
      %dma_wait3A_869 = arith.constant 0 : i32
      %dma_wait3A_870 = tpu.memref_slice %arg9[%dma_wait3A_865, %dma_wait3A_868, %dma_wait3A_869] : memref<2x128x128xf32, #tpu.memory_space<vmem>> -> memref<1x128x128xf32, #tpu.memory_space<vmem>>
      %dma_wait3A_871 = tpu.memref_squeeze %dma_wait3A_870 : memref<1x128x128xf32, #tpu.memory_space<vmem>> -> memref<128x128xf32, #tpu.memory_space<vmem>>
      %dma_wait3A_872 = arith.constant 0 : i32
      %dma_wait3A_873 = tpu.memref_slice %arg8[%dma_wait3A_866, %dma_wait3A_872] : memref<16x128xi32, #tpu.memory_space<vmem>> -> memref<1x128xi32, #tpu.memory_space<vmem>>
      %dma_wait3A_874 = tpu.memref_squeeze %dma_wait3A_873 : memref<1x128xi32, #tpu.memory_space<vmem>> -> memref<128xi32, #tpu.memory_space<vmem>>
      %dma_wait3A_875 = arith.constant 0 : i32
      %dma_wait3A_876 = arith.constant 0 : i32
      %dma_wait3A_877 = tpu.memref_slice %arg10[%dma_wait3A_875, %dma_wait3A_876] : memref<10064x128xf32, #tpu.memory_space<vmem_shared>> -> memref<10064x128xf32, #tpu.memory_space<vmem_shared>>
      %dma_wait3A_878 = tpu.memref_slice %arg12[%dma_wait3A_867] : memref<2x!tpu.dma_semaphore, #tpu.memory_space<semaphore_mem>> -> memref<1x!tpu.dma_semaphore, #tpu.memory_space<semaphore_mem>>
      %dma_wait3A_879 = tpu.memref_squeeze %dma_wait3A_878 : memref<1x!tpu.dma_semaphore, #tpu.memory_space<semaphore_mem>> -> memref<!tpu.dma_semaphore, #tpu.memory_space<semaphore_mem>>
      tpu.wait_indirect_dma semaphore(%dma_wait3A_879 : memref<!tpu.dma_semaphore, #tpu.memory_space<semaphore_mem>>) src(%dma_wait3A_871 : memref<128x128xf32, #tpu.memory_space<vmem>>) dst(%dma_wait3A_877 : memref<10064x128xf32, #tpu.memory_space<vmem_shared>>)
      %dma_start3A_880 = arith.constant 15 : i32
      %dma_start3A_881 = arith.constant 1 : i32
      %dma_start3A_882 = arith.constant 1 : i32
      %dma_start3A_883 = arith.constant 0 : i32
      %dma_start3A_884 = arith.constant 0 : i32
      %dma_start3A_885 = tpu.memref_slice %arg9[%dma_start3A_881, %dma_start3A_883, %dma_start3A_884] : memref<2x128x128xf32, #tpu.memory_space<vmem>> -> memref<1x128x128xf32, #tpu.memory_space<vmem>>
      %dma_start3A_886 = tpu.memref_squeeze %dma_start3A_885 : memref<1x128x128xf32, #tpu.memory_space<vmem>> -> memref<128x128xf32, #tpu.memory_space<vmem>>
      %dma_start3A_887 = arith.constant 0 : i32
      %dma_start3A_888 = tpu.memref_slice %arg7[%dma_start3A_880, %dma_start3A_887] : memref<16x128xi32, #tpu.memory_space<vmem>> -> memref<1x128xi32, #tpu.memory_space<vmem>>
      %dma_start3A_889 = tpu.memref_squeeze %dma_start3A_888 : memref<1x128xi32, #tpu.memory_space<vmem>> -> memref<128xi32, #tpu.memory_space<vmem>>
      %dma_start3A_890 = arith.constant 0 : i32
      %dma_start3A_891 = arith.constant 0 : i32
      %dma_start3A_892 = tpu.memref_slice %arg2[%dma_start3A_890, %dma_start3A_891] : memref<10064x128xf32, #tpu.memory_space<hbm>> -> memref<10064x128xf32, #tpu.memory_space<hbm>>
      %dma_start3A_893 = tpu.memref_slice %arg11[%dma_start3A_882] : memref<2x!tpu.dma_semaphore, #tpu.memory_space<semaphore_mem>> -> memref<1x!tpu.dma_semaphore, #tpu.memory_space<semaphore_mem>>
      %dma_start3A_894 = tpu.memref_squeeze %dma_start3A_893 : memref<1x!tpu.dma_semaphore, #tpu.memory_space<semaphore_mem>> -> memref<!tpu.dma_semaphore, #tpu.memory_space<semaphore_mem>>
      tpu.enqueue_indirect_dma source(%dma_start3A_892 : memref<10064x128xf32, #tpu.memory_space<hbm>>) target(%dma_start3A_886 : memref<128x128xf32, #tpu.memory_space<vmem>>) offsets(%dma_start3A_889 : memref<128xi32, #tpu.memory_space<vmem>>) semaphore(%dma_start3A_894 : memref<!tpu.dma_semaphore, #tpu.memory_space<semaphore_mem>>)
      %dma_wait3A_895 = arith.constant 14 : i32
      %dma_wait3A_896 = arith.constant 0 : i32
      %dma_wait3A_897 = arith.constant 0 : i32
      %dma_wait3A_898 = arith.constant 0 : i32
      %dma_wait3A_899 = arith.constant 0 : i32
      %dma_wait3A_900 = tpu.memref_slice %arg9[%dma_wait3A_896, %dma_wait3A_898, %dma_wait3A_899] : memref<2x128x128xf32, #tpu.memory_space<vmem>> -> memref<1x128x128xf32, #tpu.memory_space<vmem>>
      %dma_wait3A_901 = tpu.memref_squeeze %dma_wait3A_900 : memref<1x128x128xf32, #tpu.memory_space<vmem>> -> memref<128x128xf32, #tpu.memory_space<vmem>>
      %dma_wait3A_902 = arith.constant 0 : i32
      %dma_wait3A_903 = tpu.memref_slice %arg7[%dma_wait3A_895, %dma_wait3A_902] : memref<16x128xi32, #tpu.memory_space<vmem>> -> memref<1x128xi32, #tpu.memory_space<vmem>>
      %dma_wait3A_904 = tpu.memref_squeeze %dma_wait3A_903 : memref<1x128xi32, #tpu.memory_space<vmem>> -> memref<128xi32, #tpu.memory_space<vmem>>
      %dma_wait3A_905 = arith.constant 0 : i32
      %dma_wait3A_906 = arith.constant 0 : i32
      %dma_wait3A_907 = tpu.memref_slice %arg2[%dma_wait3A_905, %dma_wait3A_906] : memref<10064x128xf32, #tpu.memory_space<hbm>> -> memref<10064x128xf32, #tpu.memory_space<hbm>>
      %dma_wait3A_908 = tpu.memref_slice %arg11[%dma_wait3A_897] : memref<2x!tpu.dma_semaphore, #tpu.memory_space<semaphore_mem>> -> memref<1x!tpu.dma_semaphore, #tpu.memory_space<semaphore_mem>>
      %dma_wait3A_909 = tpu.memref_squeeze %dma_wait3A_908 : memref<1x!tpu.dma_semaphore, #tpu.memory_space<semaphore_mem>> -> memref<!tpu.dma_semaphore, #tpu.memory_space<semaphore_mem>>
      tpu.wait_indirect_dma semaphore(%dma_wait3A_909 : memref<!tpu.dma_semaphore, #tpu.memory_space<semaphore_mem>>) src(%dma_wait3A_907 : memref<10064x128xf32, #tpu.memory_space<hbm>>) dst(%dma_wait3A_901 : memref<128x128xf32, #tpu.memory_space<vmem>>)
      %dma_start3A_910 = arith.constant 0 : i32
      %dma_start3A_911 = arith.constant 14 : i32
      %dma_start3A_912 = arith.constant 0 : i32
      %dma_start3A_913 = arith.constant 0 : i32
      %dma_start3A_914 = arith.constant 0 : i32
      %dma_start3A_915 = tpu.memref_slice %arg9[%dma_start3A_910, %dma_start3A_913, %dma_start3A_914] : memref<2x128x128xf32, #tpu.memory_space<vmem>> -> memref<1x128x128xf32, #tpu.memory_space<vmem>>
      %dma_start3A_916 = tpu.memref_squeeze %dma_start3A_915 : memref<1x128x128xf32, #tpu.memory_space<vmem>> -> memref<128x128xf32, #tpu.memory_space<vmem>>
      %dma_start3A_917 = arith.constant 0 : i32
      %dma_start3A_918 = tpu.memref_slice %arg8[%dma_start3A_911, %dma_start3A_917] : memref<16x128xi32, #tpu.memory_space<vmem>> -> memref<1x128xi32, #tpu.memory_space<vmem>>
      %dma_start3A_919 = tpu.memref_squeeze %dma_start3A_918 : memref<1x128xi32, #tpu.memory_space<vmem>> -> memref<128xi32, #tpu.memory_space<vmem>>
      %dma_start3A_920 = arith.constant 0 : i32
      %dma_start3A_921 = arith.constant 0 : i32
      %dma_start3A_922 = tpu.memref_slice %arg10[%dma_start3A_920, %dma_start3A_921] : memref<10064x128xf32, #tpu.memory_space<vmem_shared>> -> memref<10064x128xf32, #tpu.memory_space<vmem_shared>>
      %dma_start3A_923 = tpu.memref_slice %arg12[%dma_start3A_912] : memref<2x!tpu.dma_semaphore, #tpu.memory_space<semaphore_mem>> -> memref<1x!tpu.dma_semaphore, #tpu.memory_space<semaphore_mem>>
      %dma_start3A_924 = tpu.memref_squeeze %dma_start3A_923 : memref<1x!tpu.dma_semaphore, #tpu.memory_space<semaphore_mem>> -> memref<!tpu.dma_semaphore, #tpu.memory_space<semaphore_mem>>
      tpu.enqueue_indirect_dma source(%dma_start3A_916 : memref<128x128xf32, #tpu.memory_space<vmem>>) target(%dma_start3A_922 : memref<10064x128xf32, #tpu.memory_space<vmem_shared>>) offsets(%dma_start3A_919 : memref<128xi32, #tpu.memory_space<vmem>>) semaphore(%dma_start3A_924 : memref<!tpu.dma_semaphore, #tpu.memory_space<semaphore_mem>>) {add = true}
      %dma_wait3A_925 = arith.constant 15 : i32
      %dma_wait3A_926 = arith.constant 1 : i32
      %dma_wait3A_927 = arith.constant 1 : i32
      %dma_wait3A_928 = arith.constant 0 : i32
      %dma_wait3A_929 = arith.constant 0 : i32
      %dma_wait3A_930 = tpu.memref_slice %arg9[%dma_wait3A_926, %dma_wait3A_928, %dma_wait3A_929] : memref<2x128x128xf32, #tpu.memory_space<vmem>> -> memref<1x128x128xf32, #tpu.memory_space<vmem>>
      %dma_wait3A_931 = tpu.memref_squeeze %dma_wait3A_930 : memref<1x128x128xf32, #tpu.memory_space<vmem>> -> memref<128x128xf32, #tpu.memory_space<vmem>>
      %dma_wait3A_932 = arith.constant 0 : i32
      %dma_wait3A_933 = tpu.memref_slice %arg7[%dma_wait3A_925, %dma_wait3A_932] : memref<16x128xi32, #tpu.memory_space<vmem>> -> memref<1x128xi32, #tpu.memory_space<vmem>>
      %dma_wait3A_934 = tpu.memref_squeeze %dma_wait3A_933 : memref<1x128xi32, #tpu.memory_space<vmem>> -> memref<128xi32, #tpu.memory_space<vmem>>
      %dma_wait3A_935 = arith.constant 0 : i32
      %dma_wait3A_936 = arith.constant 0 : i32
      %dma_wait3A_937 = tpu.memref_slice %arg2[%dma_wait3A_935, %dma_wait3A_936] : memref<10064x128xf32, #tpu.memory_space<hbm>> -> memref<10064x128xf32, #tpu.memory_space<hbm>>
      %dma_wait3A_938 = tpu.memref_slice %arg11[%dma_wait3A_927] : memref<2x!tpu.dma_semaphore, #tpu.memory_space<semaphore_mem>> -> memref<1x!tpu.dma_semaphore, #tpu.memory_space<semaphore_mem>>
      %dma_wait3A_939 = tpu.memref_squeeze %dma_wait3A_938 : memref<1x!tpu.dma_semaphore, #tpu.memory_space<semaphore_mem>> -> memref<!tpu.dma_semaphore, #tpu.memory_space<semaphore_mem>>
      tpu.wait_indirect_dma semaphore(%dma_wait3A_939 : memref<!tpu.dma_semaphore, #tpu.memory_space<semaphore_mem>>) src(%dma_wait3A_937 : memref<10064x128xf32, #tpu.memory_space<hbm>>) dst(%dma_wait3A_931 : memref<128x128xf32, #tpu.memory_space<vmem>>)
      %dma_start3A_940 = arith.constant 1 : i32
      %dma_start3A_941 = arith.constant 15 : i32
      %dma_start3A_942 = arith.constant 1 : i32
      %dma_start3A_943 = arith.constant 0 : i32
      %dma_start3A_944 = arith.constant 0 : i32
      %dma_start3A_945 = tpu.memref_slice %arg9[%dma_start3A_940, %dma_start3A_943, %dma_start3A_944] : memref<2x128x128xf32, #tpu.memory_space<vmem>> -> memref<1x128x128xf32, #tpu.memory_space<vmem>>
      %dma_start3A_946 = tpu.memref_squeeze %dma_start3A_945 : memref<1x128x128xf32, #tpu.memory_space<vmem>> -> memref<128x128xf32, #tpu.memory_space<vmem>>
      %dma_start3A_947 = arith.constant 0 : i32
      %dma_start3A_948 = tpu.memref_slice %arg8[%dma_start3A_941, %dma_start3A_947] : memref<16x128xi32, #tpu.memory_space<vmem>> -> memref<1x128xi32, #tpu.memory_space<vmem>>
      %dma_start3A_949 = tpu.memref_squeeze %dma_start3A_948 : memref<1x128xi32, #tpu.memory_space<vmem>> -> memref<128xi32, #tpu.memory_space<vmem>>
      %dma_start3A_950 = arith.constant 0 : i32
      %dma_start3A_951 = arith.constant 0 : i32
      %dma_start3A_952 = tpu.memref_slice %arg10[%dma_start3A_950, %dma_start3A_951] : memref<10064x128xf32, #tpu.memory_space<vmem_shared>> -> memref<10064x128xf32, #tpu.memory_space<vmem_shared>>
      %dma_start3A_953 = tpu.memref_slice %arg12[%dma_start3A_942] : memref<2x!tpu.dma_semaphore, #tpu.memory_space<semaphore_mem>> -> memref<1x!tpu.dma_semaphore, #tpu.memory_space<semaphore_mem>>
      %dma_start3A_954 = tpu.memref_squeeze %dma_start3A_953 : memref<1x!tpu.dma_semaphore, #tpu.memory_space<semaphore_mem>> -> memref<!tpu.dma_semaphore, #tpu.memory_space<semaphore_mem>>
      tpu.enqueue_indirect_dma source(%dma_start3A_946 : memref<128x128xf32, #tpu.memory_space<vmem>>) target(%dma_start3A_952 : memref<10064x128xf32, #tpu.memory_space<vmem_shared>>) offsets(%dma_start3A_949 : memref<128xi32, #tpu.memory_space<vmem>>) semaphore(%dma_start3A_954 : memref<!tpu.dma_semaphore, #tpu.memory_space<semaphore_mem>>) {add = true}
      %dma_wait3A_955 = arith.constant 0 : i32
      %dma_wait3A_956 = arith.constant 14 : i32
      %dma_wait3A_957 = arith.constant 0 : i32
      %dma_wait3A_958 = arith.constant 0 : i32
      %dma_wait3A_959 = arith.constant 0 : i32
      %dma_wait3A_960 = tpu.memref_slice %arg9[%dma_wait3A_955, %dma_wait3A_958, %dma_wait3A_959] : memref<2x128x128xf32, #tpu.memory_space<vmem>> -> memref<1x128x128xf32, #tpu.memory_space<vmem>>
      %dma_wait3A_961 = tpu.memref_squeeze %dma_wait3A_960 : memref<1x128x128xf32, #tpu.memory_space<vmem>> -> memref<128x128xf32, #tpu.memory_space<vmem>>
      %dma_wait3A_962 = arith.constant 0 : i32
      %dma_wait3A_963 = tpu.memref_slice %arg8[%dma_wait3A_956, %dma_wait3A_962] : memref<16x128xi32, #tpu.memory_space<vmem>> -> memref<1x128xi32, #tpu.memory_space<vmem>>
      %dma_wait3A_964 = tpu.memref_squeeze %dma_wait3A_963 : memref<1x128xi32, #tpu.memory_space<vmem>> -> memref<128xi32, #tpu.memory_space<vmem>>
      %dma_wait3A_965 = arith.constant 0 : i32
      %dma_wait3A_966 = arith.constant 0 : i32
      %dma_wait3A_967 = tpu.memref_slice %arg10[%dma_wait3A_965, %dma_wait3A_966] : memref<10064x128xf32, #tpu.memory_space<vmem_shared>> -> memref<10064x128xf32, #tpu.memory_space<vmem_shared>>
      %dma_wait3A_968 = tpu.memref_slice %arg12[%dma_wait3A_957] : memref<2x!tpu.dma_semaphore, #tpu.memory_space<semaphore_mem>> -> memref<1x!tpu.dma_semaphore, #tpu.memory_space<semaphore_mem>>
      %dma_wait3A_969 = tpu.memref_squeeze %dma_wait3A_968 : memref<1x!tpu.dma_semaphore, #tpu.memory_space<semaphore_mem>> -> memref<!tpu.dma_semaphore, #tpu.memory_space<semaphore_mem>>
      tpu.wait_indirect_dma semaphore(%dma_wait3A_969 : memref<!tpu.dma_semaphore, #tpu.memory_space<semaphore_mem>>) src(%dma_wait3A_961 : memref<128x128xf32, #tpu.memory_space<vmem>>) dst(%dma_wait3A_967 : memref<10064x128xf32, #tpu.memory_space<vmem_shared>>)
      %dma_wait3A_970 = arith.constant 1 : i32
      %dma_wait3A_971 = arith.constant 15 : i32
      %dma_wait3A_972 = arith.constant 1 : i32
      %dma_wait3A_973 = arith.constant 0 : i32
      %dma_wait3A_974 = arith.constant 0 : i32
      %dma_wait3A_975 = tpu.memref_slice %arg9[%dma_wait3A_970, %dma_wait3A_973, %dma_wait3A_974] : memref<2x128x128xf32, #tpu.memory_space<vmem>> -> memref<1x128x128xf32, #tpu.memory_space<vmem>>
      %dma_wait3A_976 = tpu.memref_squeeze %dma_wait3A_975 : memref<1x128x128xf32, #tpu.memory_space<vmem>> -> memref<128x128xf32, #tpu.memory_space<vmem>>
      %dma_wait3A_977 = arith.constant 0 : i32
      %dma_wait3A_978 = tpu.memref_slice %arg8[%dma_wait3A_971, %dma_wait3A_977] : memref<16x128xi32, #tpu.memory_space<vmem>> -> memref<1x128xi32, #tpu.memory_space<vmem>>
      %dma_wait3A_979 = tpu.memref_squeeze %dma_wait3A_978 : memref<1x128xi32, #tpu.memory_space<vmem>> -> memref<128xi32, #tpu.memory_space<vmem>>
      %dma_wait3A_980 = arith.constant 0 : i32
      %dma_wait3A_981 = arith.constant 0 : i32
      %dma_wait3A_982 = tpu.memref_slice %arg10[%dma_wait3A_980, %dma_wait3A_981] : memref<10064x128xf32, #tpu.memory_space<vmem_shared>> -> memref<10064x128xf32, #tpu.memory_space<vmem_shared>>
      %dma_wait3A_983 = tpu.memref_slice %arg12[%dma_wait3A_972] : memref<2x!tpu.dma_semaphore, #tpu.memory_space<semaphore_mem>> -> memref<1x!tpu.dma_semaphore, #tpu.memory_space<semaphore_mem>>
      %dma_wait3A_984 = tpu.memref_squeeze %dma_wait3A_983 : memref<1x!tpu.dma_semaphore, #tpu.memory_space<semaphore_mem>> -> memref<!tpu.dma_semaphore, #tpu.memory_space<semaphore_mem>>
      tpu.wait_indirect_dma semaphore(%dma_wait3A_984 : memref<!tpu.dma_semaphore, #tpu.memory_space<semaphore_mem>>) src(%dma_wait3A_976 : memref<128x128xf32, #tpu.memory_space<vmem>>) dst(%dma_wait3A_982 : memref<10064x128xf32, #tpu.memory_space<vmem_shared>>)
    }
    %scan3A_10 = arith.constant 5 : i32
    %barrier3A_11 = arith.constant 0 : index
    tpu.barrier barrier_id(%barrier3A_11)
    %lt3A_12 = arith.constant 15 : i32
    %lt3A_13 = arith.cmpi slt, %arg1, %lt3A_12 : i32
    %convert_element_type3A_14 = arith.extui %lt3A_13 : i1 to i32
    %cond3A_15 = arith.constant 0 : i32
    %cond3A_16 = arith.cmpi ne, %convert_element_type3A_14, %cond3A_15 : i32
    scf.if %cond3A_16 {
      %mul3A_22 = arith.constant 624 : i32
      %mul3A_23 = arith.muli %arg1, %mul3A_22 : i32
      %mul3A_24 = arith.constant 10000 : i32
      %mul3A_25 = arith.muli %arg0, %mul3A_24 : i32
      %add3A_26 = arith.addi %mul3A_25, %mul3A_23 : i32
      "tpu.region"() ({
        %run_scoped3A = tpu.sem_alloc : memref<!tpu.dma_semaphore, #tpu.memory_space<semaphore_mem>>
        %dma_start3A = arith.constant 0 : i32
        %dma_start3A_27 = tpu.memref_slice %arg6[%add3A_26, %dma_start3A] : memref<20000x128xf32, #tpu.memory_space<hbm>> -> memref<624x128xf32, #tpu.memory_space<hbm>>
        %dma_start3A_28 = arith.constant 0 : i32
        %dma_start3A_29 = tpu.memref_slice %arg10[%mul3A_23, %dma_start3A_28] : memref<10064x128xf32, #tpu.memory_space<vmem_shared>> -> memref<624x128xf32, #tpu.memory_space<vmem_shared>>
        tpu.enqueue_dma source(%dma_start3A_29 : memref<624x128xf32, #tpu.memory_space<vmem_shared>>) target(%dma_start3A_27 : memref<624x128xf32, #tpu.memory_space<hbm>>) target_semaphore(%run_scoped3A : memref<!tpu.dma_semaphore, #tpu.memory_space<semaphore_mem>>)
        %dma_wait3A = arith.constant 0 : i32
        %dma_wait3A_30 = tpu.memref_slice %arg6[%add3A_26, %dma_wait3A] : memref<20000x128xf32, #tpu.memory_space<hbm>> -> memref<624x128xf32, #tpu.memory_space<hbm>>
        %dma_wait3A_31 = arith.constant 0 : i32
        %dma_wait3A_32 = tpu.memref_slice %arg10[%mul3A_23, %dma_wait3A_31] : memref<10064x128xf32, #tpu.memory_space<vmem_shared>> -> memref<624x128xf32, #tpu.memory_space<vmem_shared>>
        tpu.wait_dma2 semaphore(%run_scoped3A : memref<!tpu.dma_semaphore, #tpu.memory_space<semaphore_mem>>) src(%dma_wait3A_32 : memref<624x128xf32, #tpu.memory_space<vmem_shared>>) dst(%dma_wait3A_30 : memref<624x128xf32, #tpu.memory_space<hbm>>)
        tpu.yield
      }) : () -> ()
    } else {
    }
    %eq3A_17 = arith.constant 15 : i32
    %eq3A_18 = arith.cmpi eq, %arg1, %eq3A_17 : i32
    %convert_element_type3A_19 = arith.extui %eq3A_18 : i1 to i32
    %cond3A_20 = arith.constant 0 : i32
    %cond3A_21 = arith.cmpi ne, %convert_element_type3A_19, %cond3A_20 : i32
    scf.if %cond3A_21 {
      %mul3A_22 = arith.constant 10000 : i32
      %mul3A_23 = arith.muli %arg0, %mul3A_22 : i32
      %add3A_24 = arith.constant 9360 : i32
      %add3A_25 = arith.addi %mul3A_23, %add3A_24 : i32
      "tpu.region"() ({
        %run_scoped3A = tpu.sem_alloc : memref<!tpu.dma_semaphore, #tpu.memory_space<semaphore_mem>>
        %dma_start3A = arith.constant 0 : i32
        %dma_start3A_26 = tpu.memref_slice %arg6[%add3A_25, %dma_start3A] : memref<20000x128xf32, #tpu.memory_space<hbm>> -> memref<640x128xf32, #tpu.memory_space<hbm>>
        %dma_start3A_27 = arith.constant 9360 : i32
        %dma_start3A_28 = arith.constant 0 : i32
        %dma_start3A_29 = tpu.memref_slice %arg10[%dma_start3A_27, %dma_start3A_28] : memref<10064x128xf32, #tpu.memory_space<vmem_shared>> -> memref<640x128xf32, #tpu.memory_space<vmem_shared>>
        tpu.enqueue_dma source(%dma_start3A_29 : memref<640x128xf32, #tpu.memory_space<vmem_shared>>) target(%dma_start3A_26 : memref<640x128xf32, #tpu.memory_space<hbm>>) target_semaphore(%run_scoped3A : memref<!tpu.dma_semaphore, #tpu.memory_space<semaphore_mem>>)
        %dma_wait3A = arith.constant 0 : i32
        %dma_wait3A_30 = tpu.memref_slice %arg6[%add3A_25, %dma_wait3A] : memref<20000x128xf32, #tpu.memory_space<hbm>> -> memref<640x128xf32, #tpu.memory_space<hbm>>
        %dma_wait3A_31 = arith.constant 9360 : i32
        %dma_wait3A_32 = arith.constant 0 : i32
        %dma_wait3A_33 = tpu.memref_slice %arg10[%dma_wait3A_31, %dma_wait3A_32] : memref<10064x128xf32, #tpu.memory_space<vmem_shared>> -> memref<640x128xf32, #tpu.memory_space<vmem_shared>>
        tpu.wait_dma2 semaphore(%run_scoped3A : memref<!tpu.dma_semaphore, #tpu.memory_space<semaphore_mem>>) src(%dma_wait3A_33 : memref<640x128xf32, #tpu.memory_space<vmem_shared>>) dst(%dma_wait3A_30 : memref<640x128xf32, #tpu.memory_space<hbm>>)
        tpu.yield
      }) : () -> ()
    } else {
    }
    return
  }
}

#map = affine_map<(d0, d1) -> (0, 0)>
#map1 = affine_map<(d0, d1) -> (0, 0, 0, 0)>
module attributes {stable_mosaic.version = 14 : i64} {
  func.func @body(%arg0: i32, %arg1: i32, %arg2: memref<10064x128xf32, #tpu.memory_space<hbm>>, %arg3: memref<32x5x16x128xi32, #tpu.memory_space<hbm>>, %arg4: memref<32x5x16x128xi32, #tpu.memory_space<hbm>>, %arg5: memref<640x128xf32, #tpu.memory_space<hbm>>, %arg6: memref<20000x128xf32, #tpu.memory_space<hbm>>, %arg7: memref<16x128xi32, #tpu.memory_space<vmem>>, %arg8: memref<16x128xi32, #tpu.memory_space<vmem>>, %arg9: memref<2x128x128xf32, #tpu.memory_space<vmem>>, %arg10: memref<10064x128xf32, #tpu.memory_space<vmem_shared>>, %arg11: memref<2x!tpu.dma_semaphore, #tpu.memory_space<semaphore_mem>>, %arg12: memref<2x!tpu.dma_semaphore, #tpu.memory_space<semaphore_mem>>) attributes {dimension_semantics = [#tpu.dimension_semantics<core_parallel>, #tpu.dimension_semantics<subcore_parallel>], iteration_bounds = array<i64: 2, 16>, scalar_prefetch = 0 : i64, scratch_operands = 6 : i64, tpu.core_type = #tpu.core_type<sc_vector_subcore>, window_params = [{transform_indices = #map}, {transform_indices = #map1}, {transform_indices = #map1}, {transform_indices = #map}, {transform_indices = #map}]} {
    %mul3A = arith.constant 16 : i32
    %mul3A_0 = arith.muli %arg0, %mul3A : i32
    %add3A = arith.addi %mul3A_0, %arg1 : i32
    %lt3A = arith.constant 15 : i32
    %lt3A_1 = arith.cmpi slt, %arg1, %lt3A : i32
    %convert_element_type3A = arith.extui %lt3A_1 : i1 to i32
    %cond3A = arith.constant 0 : i32
    %cond3A_2 = arith.cmpi ne, %convert_element_type3A, %cond3A : i32
    scf.if %cond3A_2 {
      %mul3A_22 = arith.constant 624 : i32
      %mul3A_23 = arith.muli %arg1, %mul3A_22 : i32
      "tpu.region"() ({
        %run_scoped3A = tpu.sem_alloc : memref<!tpu.dma_semaphore, #tpu.memory_space<semaphore_mem>>
        %dma_start3A = arith.constant 0 : i32
        %dma_start3A_24 = tpu.memref_slice %arg10[%mul3A_23, %dma_start3A] : memref<10064x128xf32, #tpu.memory_space<vmem_shared>> -> memref<624x128xf32, #tpu.memory_space<vmem_shared>>
        %dma_start3A_25 = arith.constant 0 : i32
        %dma_start3A_26 = arith.constant 0 : i32
        %dma_start3A_27 = tpu.memref_slice %arg5[%dma_start3A_25, %dma_start3A_26] : memref<640x128xf32, #tpu.memory_space<hbm>> -> memref<624x128xf32, #tpu.memory_space<hbm>>
        tpu.enqueue_dma source(%dma_start3A_27 : memref<624x128xf32, #tpu.memory_space<hbm>>) target(%dma_start3A_24 : memref<624x128xf32, #tpu.memory_space<vmem_shared>>) target_semaphore(%run_scoped3A : memref<!tpu.dma_semaphore, #tpu.memory_space<semaphore_mem>>)
        %dma_wait3A = arith.constant 0 : i32
        %dma_wait3A_28 = tpu.memref_slice %arg10[%mul3A_23, %dma_wait3A] : memref<10064x128xf32, #tpu.memory_space<vmem_shared>> -> memref<624x128xf32, #tpu.memory_space<vmem_shared>>
        %dma_wait3A_29 = arith.constant 0 : i32
        %dma_wait3A_30 = arith.constant 0 : i32
        %dma_wait3A_31 = tpu.memref_slice %arg5[%dma_wait3A_29, %dma_wait3A_30] : memref<640x128xf32, #tpu.memory_space<hbm>> -> memref<624x128xf32, #tpu.memory_space<hbm>>
        tpu.wait_dma2 semaphore(%run_scoped3A : memref<!tpu.dma_semaphore, #tpu.memory_space<semaphore_mem>>) src(%dma_wait3A_31 : memref<624x128xf32, #tpu.memory_space<hbm>>) dst(%dma_wait3A_28 : memref<624x128xf32, #tpu.memory_space<vmem_shared>>)
        tpu.yield
      }) : () -> ()
    } else {
    }
    %eq3A = arith.constant 15 : i32
    %eq3A_3 = arith.cmpi eq, %arg1, %eq3A : i32
    %convert_element_type3A_4 = arith.extui %eq3A_3 : i1 to i32
    %cond3A_5 = arith.constant 0 : i32
    %cond3A_6 = arith.cmpi ne, %convert_element_type3A_4, %cond3A_5 : i32
    scf.if %cond3A_6 {
      "tpu.region"() ({
        %run_scoped3A = tpu.sem_alloc : memref<!tpu.dma_semaphore, #tpu.memory_space<semaphore_mem>>
        %dma_start3A = arith.constant 9360 : i32
        %dma_start3A_22 = arith.constant 0 : i32
        %dma_start3A_23 = tpu.memref_slice %arg10[%dma_start3A, %dma_start3A_22] : memref<10064x128xf32, #tpu.memory_space<vmem_shared>> -> memref<640x128xf32, #tpu.memory_space<vmem_shared>>
        tpu.enqueue_dma source(%arg5 : memref<640x128xf32, #tpu.memory_space<hbm>>) target(%dma_start3A_23 : memref<640x128xf32, #tpu.memory_space<vmem_shared>>) target_semaphore(%run_scoped3A : memref<!tpu.dma_semaphore, #tpu.memory_space<semaphore_mem>>)
        %dma_wait3A = arith.constant 9360 : i32
        %dma_wait3A_24 = arith.constant 0 : i32
        %dma_wait3A_25 = tpu.memref_slice %arg10[%dma_wait3A, %dma_wait3A_24] : memref<10064x128xf32, #tpu.memory_space<vmem_shared>> -> memref<640x128xf32, #tpu.memory_space<vmem_shared>>
        tpu.wait_dma2 semaphore(%run_scoped3A : memref<!tpu.dma_semaphore, #tpu.memory_space<semaphore_mem>>) src(%arg5 : memref<640x128xf32, #tpu.memory_space<hbm>>) dst(%dma_wait3A_25 : memref<640x128xf32, #tpu.memory_space<vmem_shared>>)
        tpu.yield
      }) : () -> ()
    } else {
    }
    %barrier3A = arith.constant 0 : index
    tpu.barrier barrier_id(%barrier3A)
    %scan3A = arith.constant 0 : i32
    %scan3A_7 = arith.constant 5 : i32
    %scan3A_8 = arith.addi %scan3A, %scan3A_7 : i32
    %scan3A_9 = arith.constant 1 : i32
    scf.for %scan3A_22 = %scan3A to %scan3A_8 step %scan3A_9  : i32 {
      %mul3A_23 = arith.constant 1 : i32
      %mul3A_24 = arith.muli %scan3A_22, %mul3A_23 : i32
      %add3A_25 = arith.constant 0 : i32
      %add3A_26 = arith.addi %add3A_25, %mul3A_24 : i32
      "tpu.region"() ({
        %run_scoped3A = tpu.sem_alloc : memref<!tpu.dma_semaphore, #tpu.memory_space<semaphore_mem>>
        %dma_start3A_985 = arith.constant 0 : i32
        %dma_start3A_986 = arith.constant 0 : i32
        %dma_start3A_987 = tpu.memref_slice %arg3[%add3A, %add3A_26, %dma_start3A_985, %dma_start3A_986] : memref<32x5x16x128xi32, #tpu.memory_space<hbm>> -> memref<1x1x16x128xi32, #tpu.memory_space<hbm>>
        %dma_start3A_988 = tpu.memref_squeeze %dma_start3A_987 : memref<1x1x16x128xi32, #tpu.memory_space<hbm>> -> memref<16x128xi32, #tpu.memory_space<hbm>>
        %dma_start3A_989 = arith.constant 0 : i32
        %dma_start3A_990 = arith.constant 0 : i32
        %dma_start3A_991 = tpu.memref_slice %arg3[%add3A, %add3A_26, %dma_start3A_989, %dma_start3A_990] : memref<32x5x16x128xi32, #tpu.memory_space<hbm>> -> memref<1x1x16x128xi32, #tpu.memory_space<hbm>>
        %dma_start3A_992 = tpu.memref_squeeze %dma_start3A_991 : memref<1x1x16x128xi32, #tpu.memory_space<hbm>> -> memref<16x128xi32, #tpu.memory_space<hbm>>
        tpu.enqueue_dma source(%dma_start3A_992 : memref<16x128xi32, #tpu.memory_space<hbm>>) target(%arg7 : memref<16x128xi32, #tpu.memory_space<vmem>>) target_semaphore(%run_scoped3A : memref<!tpu.dma_semaphore, #tpu.memory_space<semaphore_mem>>)
        %dma_wait3A_993 = arith.constant 0 : i32
        %dma_wait3A_994 = arith.constant 0 : i32
        %dma_wait3A_995 = tpu.memref_slice %arg3[%add3A, %add3A_26, %dma_wait3A_993, %dma_wait3A_994] : memref<32x5x16x128xi32, #tpu.memory_space<hbm>> -> memref<1x1x16x128xi32, #tpu.memory_space<hbm>>
        %dma_wait3A_996 = tpu.memref_squeeze %dma_wait3A_995 : memref<1x1x16x128xi32, #tpu.memory_space<hbm>> -> memref<16x128xi32, #tpu.memory_space<hbm>>
        %dma_wait3A_997 = arith.constant 0 : i32
        %dma_wait3A_998 = arith.constant 0 : i32
        %dma_wait3A_999 = tpu.memref_slice %arg3[%add3A, %add3A_26, %dma_wait3A_997, %dma_wait3A_998] : memref<32x5x16x128xi32, #tpu.memory_space<hbm>> -> memref<1x1x16x128xi32, #tpu.memory_space<hbm>>
        %dma_wait3A_1000 = tpu.memref_squeeze %dma_wait3A_999 : memref<1x1x16x128xi32, #tpu.memory_space<hbm>> -> memref<16x128xi32, #tpu.memory_space<hbm>>
        tpu.wait_dma2 semaphore(%run_scoped3A : memref<!tpu.dma_semaphore, #tpu.memory_space<semaphore_mem>>) src(%dma_wait3A_1000 : memref<16x128xi32, #tpu.memory_space<hbm>>) dst(%arg7 : memref<16x128xi32, #tpu.memory_space<vmem>>)
        tpu.yield
      }) : () -> ()
      "tpu.region"() ({
        %run_scoped3A = tpu.sem_alloc : memref<!tpu.dma_semaphore, #tpu.memory_space<semaphore_mem>>
        %dma_start3A_985 = arith.constant 0 : i32
        %dma_start3A_986 = arith.constant 0 : i32
        %dma_start3A_987 = tpu.memref_slice %arg4[%add3A, %add3A_26, %dma_start3A_985, %dma_start3A_986] : memref<32x5x16x128xi32, #tpu.memory_space<hbm>> -> memref<1x1x16x128xi32, #tpu.memory_space<hbm>>
        %dma_start3A_988 = tpu.memref_squeeze %dma_start3A_987 : memref<1x1x16x128xi32, #tpu.memory_space<hbm>> -> memref<16x128xi32, #tpu.memory_space<hbm>>
        %dma_start3A_989 = arith.constant 0 : i32
        %dma_start3A_990 = arith.constant 0 : i32
        %dma_start3A_991 = tpu.memref_slice %arg4[%add3A, %add3A_26, %dma_start3A_989, %dma_start3A_990] : memref<32x5x16x128xi32, #tpu.memory_space<hbm>> -> memref<1x1x16x128xi32, #tpu.memory_space<hbm>>
        %dma_start3A_992 = tpu.memref_squeeze %dma_start3A_991 : memref<1x1x16x128xi32, #tpu.memory_space<hbm>> -> memref<16x128xi32, #tpu.memory_space<hbm>>
        tpu.enqueue_dma source(%dma_start3A_992 : memref<16x128xi32, #tpu.memory_space<hbm>>) target(%arg8 : memref<16x128xi32, #tpu.memory_space<vmem>>) target_semaphore(%run_scoped3A : memref<!tpu.dma_semaphore, #tpu.memory_space<semaphore_mem>>)
        %dma_wait3A_993 = arith.constant 0 : i32
        %dma_wait3A_994 = arith.constant 0 : i32
        %dma_wait3A_995 = tpu.memref_slice %arg4[%add3A, %add3A_26, %dma_wait3A_993, %dma_wait3A_994] : memref<32x5x16x128xi32, #tpu.memory_space<hbm>> -> memref<1x1x16x128xi32, #tpu.memory_space<hbm>>
        %dma_wait3A_996 = tpu.memref_squeeze %dma_wait3A_995 : memref<1x1x16x128xi32, #tpu.memory_space<hbm>> -> memref<16x128xi32, #tpu.memory_space<hbm>>
        %dma_wait3A_997 = arith.constant 0 : i32
        %dma_wait3A_998 = arith.constant 0 : i32
        %dma_wait3A_999 = tpu.memref_slice %arg4[%add3A, %add3A_26, %dma_wait3A_997, %dma_wait3A_998] : memref<32x5x16x128xi32, #tpu.memory_space<hbm>> -> memref<1x1x16x128xi32, #tpu.memory_space<hbm>>
        %dma_wait3A_1000 = tpu.memref_squeeze %dma_wait3A_999 : memref<1x1x16x128xi32, #tpu.memory_space<hbm>> -> memref<16x128xi32, #tpu.memory_space<hbm>>
        tpu.wait_dma2 semaphore(%run_scoped3A : memref<!tpu.dma_semaphore, #tpu.memory_space<semaphore_mem>>) src(%dma_wait3A_1000 : memref<16x128xi32, #tpu.memory_space<hbm>>) dst(%arg8 : memref<16x128xi32, #tpu.memory_space<vmem>>)
        tpu.yield
      }) : () -> ()
      %dma_start3A = arith.constant 0 : i32
      %dma_start3A_27 = arith.constant 0 : i32
      %dma_start3A_28 = arith.constant 0 : i32
      %dma_start3A_29 = arith.constant 0 : i32
      %dma_start3A_30 = arith.constant 0 : i32
      %dma_start3A_31 = tpu.memref_slice %arg9[%dma_start3A_27, %dma_start3A_29, %dma_start3A_30] : memref<2x128x128xf32, #tpu.memory_space<vmem>> -> memref<1x128x128xf32, #tpu.memory_space<vmem>>
      %dma_start3A_32 = tpu.memref_squeeze %dma_start3A_31 : memref<1x128x128xf32, #tpu.memory_space<vmem>> -> memref<128x128xf32, #tpu.memory_space<vmem>>
      %dma_start3A_33 = arith.constant 0 : i32
      %dma_start3A_34 = tpu.memref_slice %arg7[%dma_start3A, %dma_start3A_33] : memref<16x128xi32, #tpu.memory_space<vmem>> -> memref<1x128xi32, #tpu.memory_space<vmem>>
      %dma_start3A_35 = tpu.memref_squeeze %dma_start3A_34 : memref<1x128xi32, #tpu.memory_space<vmem>> -> memref<128xi32, #tpu.memory_space<vmem>>
      %dma_start3A_36 = arith.constant 0 : i32
      %dma_start3A_37 = arith.constant 0 : i32
      %dma_start3A_38 = tpu.memref_slice %arg2[%dma_start3A_36, %dma_start3A_37] : memref<10064x128xf32, #tpu.memory_space<hbm>> -> memref<10064x128xf32, #tpu.memory_space<hbm>>
      %dma_start3A_39 = tpu.memref_slice %arg11[%dma_start3A_28] : memref<2x!tpu.dma_semaphore, #tpu.memory_space<semaphore_mem>> -> memref<1x!tpu.dma_semaphore, #tpu.memory_space<semaphore_mem>>
      %dma_start3A_40 = tpu.memref_squeeze %dma_start3A_39 : memref<1x!tpu.dma_semaphore, #tpu.memory_space<semaphore_mem>> -> memref<!tpu.dma_semaphore, #tpu.memory_space<semaphore_mem>>
      tpu.enqueue_indirect_dma source(%dma_start3A_38 : memref<10064x128xf32, #tpu.memory_space<hbm>>) target(%dma_start3A_32 : memref<128x128xf32, #tpu.memory_space<vmem>>) offsets(%dma_start3A_35 : memref<128xi32, #tpu.memory_space<vmem>>) semaphore(%dma_start3A_40 : memref<!tpu.dma_semaphore, #tpu.memory_space<semaphore_mem>>)
      %dma_start3A_41 = arith.constant 1 : i32
      %dma_start3A_42 = arith.constant 1 : i32
      %dma_start3A_43 = arith.constant 1 : i32
      %dma_start3A_44 = arith.constant 0 : i32
      %dma_start3A_45 = arith.constant 0 : i32
      %dma_start3A_46 = tpu.memref_slice %arg9[%dma_start3A_42, %dma_start3A_44, %dma_start3A_45] : memref<2x128x128xf32, #tpu.memory_space<vmem>> -> memref<1x128x128xf32, #tpu.memory_space<vmem>>
      %dma_start3A_47 = tpu.memref_squeeze %dma_start3A_46 : memref<1x128x128xf32, #tpu.memory_space<vmem>> -> memref<128x128xf32, #tpu.memory_space<vmem>>
      %dma_start3A_48 = arith.constant 0 : i32
      %dma_start3A_49 = tpu.memref_slice %arg7[%dma_start3A_41, %dma_start3A_48] : memref<16x128xi32, #tpu.memory_space<vmem>> -> memref<1x128xi32, #tpu.memory_space<vmem>>
      %dma_start3A_50 = tpu.memref_squeeze %dma_start3A_49 : memref<1x128xi32, #tpu.memory_space<vmem>> -> memref<128xi32, #tpu.memory_space<vmem>>
      %dma_start3A_51 = arith.constant 0 : i32
      %dma_start3A_52 = arith.constant 0 : i32
      %dma_start3A_53 = tpu.memref_slice %arg2[%dma_start3A_51, %dma_start3A_52] : memref<10064x128xf32, #tpu.memory_space<hbm>> -> memref<10064x128xf32, #tpu.memory_space<hbm>>
      %dma_start3A_54 = tpu.memref_slice %arg11[%dma_start3A_43] : memref<2x!tpu.dma_semaphore, #tpu.memory_space<semaphore_mem>> -> memref<1x!tpu.dma_semaphore, #tpu.memory_space<semaphore_mem>>
      %dma_start3A_55 = tpu.memref_squeeze %dma_start3A_54 : memref<1x!tpu.dma_semaphore, #tpu.memory_space<semaphore_mem>> -> memref<!tpu.dma_semaphore, #tpu.memory_space<semaphore_mem>>
      tpu.enqueue_indirect_dma source(%dma_start3A_53 : memref<10064x128xf32, #tpu.memory_space<hbm>>) target(%dma_start3A_47 : memref<128x128xf32, #tpu.memory_space<vmem>>) offsets(%dma_start3A_50 : memref<128xi32, #tpu.memory_space<vmem>>) semaphore(%dma_start3A_55 : memref<!tpu.dma_semaphore, #tpu.memory_space<semaphore_mem>>)
      %dma_wait3A = arith.constant 0 : i32
      %dma_wait3A_56 = arith.constant 0 : i32
      %dma_wait3A_57 = arith.constant 0 : i32
      %dma_wait3A_58 = arith.constant 0 : i32
      %dma_wait3A_59 = arith.constant 0 : i32
      %dma_wait3A_60 = tpu.memref_slice %arg9[%dma_wait3A_56, %dma_wait3A_58, %dma_wait3A_59] : memref<2x128x128xf32, #tpu.memory_space<vmem>> -> memref<1x128x128xf32, #tpu.memory_space<vmem>>
      %dma_wait3A_61 = tpu.memref_squeeze %dma_wait3A_60 : memref<1x128x128xf32, #tpu.memory_space<vmem>> -> memref<128x128xf32, #tpu.memory_space<vmem>>
      %dma_wait3A_62 = arith.constant 0 : i32
      %dma_wait3A_63 = tpu.memref_slice %arg7[%dma_wait3A, %dma_wait3A_62] : memref<16x128xi32, #tpu.memory_space<vmem>> -> memref<1x128xi32, #tpu.memory_space<vmem>>
      %dma_wait3A_64 = tpu.memref_squeeze %dma_wait3A_63 : memref<1x128xi32, #tpu.memory_space<vmem>> -> memref<128xi32, #tpu.memory_space<vmem>>
      %dma_wait3A_65 = arith.constant 0 : i32
      %dma_wait3A_66 = arith.constant 0 : i32
      %dma_wait3A_67 = tpu.memref_slice %arg2[%dma_wait3A_65, %dma_wait3A_66] : memref<10064x128xf32, #tpu.memory_space<hbm>> -> memref<10064x128xf32, #tpu.memory_space<hbm>>
      %dma_wait3A_68 = tpu.memref_slice %arg11[%dma_wait3A_57] : memref<2x!tpu.dma_semaphore, #tpu.memory_space<semaphore_mem>> -> memref<1x!tpu.dma_semaphore, #tpu.memory_space<semaphore_mem>>
      %dma_wait3A_69 = tpu.memref_squeeze %dma_wait3A_68 : memref<1x!tpu.dma_semaphore, #tpu.memory_space<semaphore_mem>> -> memref<!tpu.dma_semaphore, #tpu.memory_space<semaphore_mem>>
      tpu.wait_indirect_dma semaphore(%dma_wait3A_69 : memref<!tpu.dma_semaphore, #tpu.memory_space<semaphore_mem>>) src(%dma_wait3A_67 : memref<10064x128xf32, #tpu.memory_space<hbm>>) dst(%dma_wait3A_61 : memref<128x128xf32, #tpu.memory_space<vmem>>)
      %dma_start3A_70 = arith.constant 0 : i32
      %dma_start3A_71 = arith.constant 0 : i32
      %dma_start3A_72 = arith.constant 0 : i32
      %dma_start3A_73 = arith.constant 0 : i32
      %dma_start3A_74 = arith.constant 0 : i32
      %dma_start3A_75 = tpu.memref_slice %arg9[%dma_start3A_70, %dma_start3A_73, %dma_start3A_74] : memref<2x128x128xf32, #tpu.memory_space<vmem>> -> memref<1x128x128xf32, #tpu.memory_space<vmem>>
      %dma_start3A_76 = tpu.memref_squeeze %dma_start3A_75 : memref<1x128x128xf32, #tpu.memory_space<vmem>> -> memref<128x128xf32, #tpu.memory_space<vmem>>
      %dma_start3A_77 = arith.constant 0 : i32
      %dma_start3A_78 = tpu.memref_slice %arg8[%dma_start3A_71, %dma_start3A_77] : memref<16x128xi32, #tpu.memory_space<vmem>> -> memref<1x128xi32, #tpu.memory_space<vmem>>
      %dma_start3A_79 = tpu.memref_squeeze %dma_start3A_78 : memref<1x128xi32, #tpu.memory_space<vmem>> -> memref<128xi32, #tpu.memory_space<vmem>>
      %dma_start3A_80 = arith.constant 0 : i32
      %dma_start3A_81 = arith.constant 0 : i32
      %dma_start3A_82 = tpu.memref_slice %arg10[%dma_start3A_80, %dma_start3A_81] : memref<10064x128xf32, #tpu.memory_space<vmem_shared>> -> memref<10064x128xf32, #tpu.memory_space<vmem_shared>>
      %dma_start3A_83 = tpu.memref_slice %arg12[%dma_start3A_72] : memref<2x!tpu.dma_semaphore, #tpu.memory_space<semaphore_mem>> -> memref<1x!tpu.dma_semaphore, #tpu.memory_space<semaphore_mem>>
      %dma_start3A_84 = tpu.memref_squeeze %dma_start3A_83 : memref<1x!tpu.dma_semaphore, #tpu.memory_space<semaphore_mem>> -> memref<!tpu.dma_semaphore, #tpu.memory_space<semaphore_mem>>
      tpu.enqueue_indirect_dma source(%dma_start3A_76 : memref<128x128xf32, #tpu.memory_space<vmem>>) target(%dma_start3A_82 : memref<10064x128xf32, #tpu.memory_space<vmem_shared>>) offsets(%dma_start3A_79 : memref<128xi32, #tpu.memory_space<vmem>>) semaphore(%dma_start3A_84 : memref<!tpu.dma_semaphore, #tpu.memory_space<semaphore_mem>>) {add = true}
      %dma_wait3A_85 = arith.constant 0 : i32
      %dma_wait3A_86 = arith.constant 0 : i32
      %dma_wait3A_87 = arith.constant 0 : i32
      %dma_wait3A_88 = arith.constant 0 : i32
      %dma_wait3A_89 = arith.constant 0 : i32
      %dma_wait3A_90 = tpu.memref_slice %arg9[%dma_wait3A_85, %dma_wait3A_88, %dma_wait3A_89] : memref<2x128x128xf32, #tpu.memory_space<vmem>> -> memref<1x128x128xf32, #tpu.memory_space<vmem>>
      %dma_wait3A_91 = tpu.memref_squeeze %dma_wait3A_90 : memref<1x128x128xf32, #tpu.memory_space<vmem>> -> memref<128x128xf32, #tpu.memory_space<vmem>>
      %dma_wait3A_92 = arith.constant 0 : i32
      %dma_wait3A_93 = tpu.memref_slice %arg8[%dma_wait3A_86, %dma_wait3A_92] : memref<16x128xi32, #tpu.memory_space<vmem>> -> memref<1x128xi32, #tpu.memory_space<vmem>>
      %dma_wait3A_94 = tpu.memref_squeeze %dma_wait3A_93 : memref<1x128xi32, #tpu.memory_space<vmem>> -> memref<128xi32, #tpu.memory_space<vmem>>
      %dma_wait3A_95 = arith.constant 0 : i32
      %dma_wait3A_96 = arith.constant 0 : i32
      %dma_wait3A_97 = tpu.memref_slice %arg10[%dma_wait3A_95, %dma_wait3A_96] : memref<10064x128xf32, #tpu.memory_space<vmem_shared>> -> memref<10064x128xf32, #tpu.memory_space<vmem_shared>>
      %dma_wait3A_98 = tpu.memref_slice %arg12[%dma_wait3A_87] : memref<2x!tpu.dma_semaphore, #tpu.memory_space<semaphore_mem>> -> memref<1x!tpu.dma_semaphore, #tpu.memory_space<semaphore_mem>>
      %dma_wait3A_99 = tpu.memref_squeeze %dma_wait3A_98 : memref<1x!tpu.dma_semaphore, #tpu.memory_space<semaphore_mem>> -> memref<!tpu.dma_semaphore, #tpu.memory_space<semaphore_mem>>
      tpu.wait_indirect_dma semaphore(%dma_wait3A_99 : memref<!tpu.dma_semaphore, #tpu.memory_space<semaphore_mem>>) src(%dma_wait3A_91 : memref<128x128xf32, #tpu.memory_space<vmem>>) dst(%dma_wait3A_97 : memref<10064x128xf32, #tpu.memory_space<vmem_shared>>)
      %dma_start3A_100 = arith.constant 2 : i32
      %dma_start3A_101 = arith.constant 0 : i32
      %dma_start3A_102 = arith.constant 0 : i32
      %dma_start3A_103 = arith.constant 0 : i32
      %dma_start3A_104 = arith.constant 0 : i32
      %dma_start3A_105 = tpu.memref_slice %arg9[%dma_start3A_101, %dma_start3A_103, %dma_start3A_104] : memref<2x128x128xf32, #tpu.memory_space<vmem>> -> memref<1x128x128xf32, #tpu.memory_space<vmem>>
      %dma_start3A_106 = tpu.memref_squeeze %dma_start3A_105 : memref<1x128x128xf32, #tpu.memory_space<vmem>> -> memref<128x128xf32, #tpu.memory_space<vmem>>
      %dma_start3A_107 = arith.constant 0 : i32
      %dma_start3A_108 = tpu.memref_slice %arg7[%dma_start3A_100, %dma_start3A_107] : memref<16x128xi32, #tpu.memory_space<vmem>> -> memref<1x128xi32, #tpu.memory_space<vmem>>
      %dma_start3A_109 = tpu.memref_squeeze %dma_start3A_108 : memref<1x128xi32, #tpu.memory_space<vmem>> -> memref<128xi32, #tpu.memory_space<vmem>>
      %dma_start3A_110 = arith.constant 0 : i32
      %dma_start3A_111 = arith.constant 0 : i32
      %dma_start3A_112 = tpu.memref_slice %arg2[%dma_start3A_110, %dma_start3A_111] : memref<10064x128xf32, #tpu.memory_space<hbm>> -> memref<10064x128xf32, #tpu.memory_space<hbm>>
      %dma_start3A_113 = tpu.memref_slice %arg11[%dma_start3A_102] : memref<2x!tpu.dma_semaphore, #tpu.memory_space<semaphore_mem>> -> memref<1x!tpu.dma_semaphore, #tpu.memory_space<semaphore_mem>>
      %dma_start3A_114 = tpu.memref_squeeze %dma_start3A_113 : memref<1x!tpu.dma_semaphore, #tpu.memory_space<semaphore_mem>> -> memref<!tpu.dma_semaphore, #tpu.memory_space<semaphore_mem>>
      tpu.enqueue_indirect_dma source(%dma_start3A_112 : memref<10064x128xf32, #tpu.memory_space<hbm>>) target(%dma_start3A_106 : memref<128x128xf32, #tpu.memory_space<vmem>>) offsets(%dma_start3A_109 : memref<128xi32, #tpu.memory_space<vmem>>) semaphore(%dma_start3A_114 : memref<!tpu.dma_semaphore, #tpu.memory_space<semaphore_mem>>)
      %dma_wait3A_115 = arith.constant 1 : i32
      %dma_wait3A_116 = arith.constant 1 : i32
      %dma_wait3A_117 = arith.constant 1 : i32
      %dma_wait3A_118 = arith.constant 0 : i32
      %dma_wait3A_119 = arith.constant 0 : i32
      %dma_wait3A_120 = tpu.memref_slice %arg9[%dma_wait3A_116, %dma_wait3A_118, %dma_wait3A_119] : memref<2x128x128xf32, #tpu.memory_space<vmem>> -> memref<1x128x128xf32, #tpu.memory_space<vmem>>
      %dma_wait3A_121 = tpu.memref_squeeze %dma_wait3A_120 : memref<1x128x128xf32, #tpu.memory_space<vmem>> -> memref<128x128xf32, #tpu.memory_space<vmem>>
      %dma_wait3A_122 = arith.constant 0 : i32
      %dma_wait3A_123 = tpu.memref_slice %arg7[%dma_wait3A_115, %dma_wait3A_122] : memref<16x128xi32, #tpu.memory_space<vmem>> -> memref<1x128xi32, #tpu.memory_space<vmem>>
      %dma_wait3A_124 = tpu.memref_squeeze %dma_wait3A_123 : memref<1x128xi32, #tpu.memory_space<vmem>> -> memref<128xi32, #tpu.memory_space<vmem>>
      %dma_wait3A_125 = arith.constant 0 : i32
      %dma_wait3A_126 = arith.constant 0 : i32
      %dma_wait3A_127 = tpu.memref_slice %arg2[%dma_wait3A_125, %dma_wait3A_126] : memref<10064x128xf32, #tpu.memory_space<hbm>> -> memref<10064x128xf32, #tpu.memory_space<hbm>>
      %dma_wait3A_128 = tpu.memref_slice %arg11[%dma_wait3A_117] : memref<2x!tpu.dma_semaphore, #tpu.memory_space<semaphore_mem>> -> memref<1x!tpu.dma_semaphore, #tpu.memory_space<semaphore_mem>>
      %dma_wait3A_129 = tpu.memref_squeeze %dma_wait3A_128 : memref<1x!tpu.dma_semaphore, #tpu.memory_space<semaphore_mem>> -> memref<!tpu.dma_semaphore, #tpu.memory_space<semaphore_mem>>
      tpu.wait_indirect_dma semaphore(%dma_wait3A_129 : memref<!tpu.dma_semaphore, #tpu.memory_space<semaphore_mem>>) src(%dma_wait3A_127 : memref<10064x128xf32, #tpu.memory_space<hbm>>) dst(%dma_wait3A_121 : memref<128x128xf32, #tpu.memory_space<vmem>>)
      %dma_start3A_130 = arith.constant 1 : i32
      %dma_start3A_131 = arith.constant 1 : i32
      %dma_start3A_132 = arith.constant 1 : i32
      %dma_start3A_133 = arith.constant 0 : i32
      %dma_start3A_134 = arith.constant 0 : i32
      %dma_start3A_135 = tpu.memref_slice %arg9[%dma_start3A_130, %dma_start3A_133, %dma_start3A_134] : memref<2x128x128xf32, #tpu.memory_space<vmem>> -> memref<1x128x128xf32, #tpu.memory_space<vmem>>
      %dma_start3A_136 = tpu.memref_squeeze %dma_start3A_135 : memref<1x128x128xf32, #tpu.memory_space<vmem>> -> memref<128x128xf32, #tpu.memory_space<vmem>>
      %dma_start3A_137 = arith.constant 0 : i32
      %dma_start3A_138 = tpu.memref_slice %arg8[%dma_start3A_131, %dma_start3A_137] : memref<16x128xi32, #tpu.memory_space<vmem>> -> memref<1x128xi32, #tpu.memory_space<vmem>>
      %dma_start3A_139 = tpu.memref_squeeze %dma_start3A_138 : memref<1x128xi32, #tpu.memory_space<vmem>> -> memref<128xi32, #tpu.memory_space<vmem>>
      %dma_start3A_140 = arith.constant 0 : i32
      %dma_start3A_141 = arith.constant 0 : i32
      %dma_start3A_142 = tpu.memref_slice %arg10[%dma_start3A_140, %dma_start3A_141] : memref<10064x128xf32, #tpu.memory_space<vmem_shared>> -> memref<10064x128xf32, #tpu.memory_space<vmem_shared>>
      %dma_start3A_143 = tpu.memref_slice %arg12[%dma_start3A_132] : memref<2x!tpu.dma_semaphore, #tpu.memory_space<semaphore_mem>> -> memref<1x!tpu.dma_semaphore, #tpu.memory_space<semaphore_mem>>
      %dma_start3A_144 = tpu.memref_squeeze %dma_start3A_143 : memref<1x!tpu.dma_semaphore, #tpu.memory_space<semaphore_mem>> -> memref<!tpu.dma_semaphore, #tpu.memory_space<semaphore_mem>>
      tpu.enqueue_indirect_dma source(%dma_start3A_136 : memref<128x128xf32, #tpu.memory_space<vmem>>) target(%dma_start3A_142 : memref<10064x128xf32, #tpu.memory_space<vmem_shared>>) offsets(%dma_start3A_139 : memref<128xi32, #tpu.memory_space<vmem>>) semaphore(%dma_start3A_144 : memref<!tpu.dma_semaphore, #tpu.memory_space<semaphore_mem>>) {add = true}
      %dma_wait3A_145 = arith.constant 1 : i32
      %dma_wait3A_146 = arith.constant 1 : i32
      %dma_wait3A_147 = arith.constant 1 : i32
      %dma_wait3A_148 = arith.constant 0 : i32
      %dma_wait3A_149 = arith.constant 0 : i32
      %dma_wait3A_150 = tpu.memref_slice %arg9[%dma_wait3A_145, %dma_wait3A_148, %dma_wait3A_149] : memref<2x128x128xf32, #tpu.memory_space<vmem>> -> memref<1x128x128xf32, #tpu.memory_space<vmem>>
      %dma_wait3A_151 = tpu.memref_squeeze %dma_wait3A_150 : memref<1x128x128xf32, #tpu.memory_space<vmem>> -> memref<128x128xf32, #tpu.memory_space<vmem>>
      %dma_wait3A_152 = arith.constant 0 : i32
      %dma_wait3A_153 = tpu.memref_slice %arg8[%dma_wait3A_146, %dma_wait3A_152] : memref<16x128xi32, #tpu.memory_space<vmem>> -> memref<1x128xi32, #tpu.memory_space<vmem>>
      %dma_wait3A_154 = tpu.memref_squeeze %dma_wait3A_153 : memref<1x128xi32, #tpu.memory_space<vmem>> -> memref<128xi32, #tpu.memory_space<vmem>>
      %dma_wait3A_155 = arith.constant 0 : i32
      %dma_wait3A_156 = arith.constant 0 : i32
      %dma_wait3A_157 = tpu.memref_slice %arg10[%dma_wait3A_155, %dma_wait3A_156] : memref<10064x128xf32, #tpu.memory_space<vmem_shared>> -> memref<10064x128xf32, #tpu.memory_space<vmem_shared>>
      %dma_wait3A_158 = tpu.memref_slice %arg12[%dma_wait3A_147] : memref<2x!tpu.dma_semaphore, #tpu.memory_space<semaphore_mem>> -> memref<1x!tpu.dma_semaphore, #tpu.memory_space<semaphore_mem>>
      %dma_wait3A_159 = tpu.memref_squeeze %dma_wait3A_158 : memref<1x!tpu.dma_semaphore, #tpu.memory_space<semaphore_mem>> -> memref<!tpu.dma_semaphore, #tpu.memory_space<semaphore_mem>>
      tpu.wait_indirect_dma semaphore(%dma_wait3A_159 : memref<!tpu.dma_semaphore, #tpu.memory_space<semaphore_mem>>) src(%dma_wait3A_151 : memref<128x128xf32, #tpu.memory_space<vmem>>) dst(%dma_wait3A_157 : memref<10064x128xf32, #tpu.memory_space<vmem_shared>>)
      %dma_start3A_160 = arith.constant 3 : i32
      %dma_start3A_161 = arith.constant 1 : i32
      %dma_start3A_162 = arith.constant 1 : i32
      %dma_start3A_163 = arith.constant 0 : i32
      %dma_start3A_164 = arith.constant 0 : i32
      %dma_start3A_165 = tpu.memref_slice %arg9[%dma_start3A_161, %dma_start3A_163, %dma_start3A_164] : memref<2x128x128xf32, #tpu.memory_space<vmem>> -> memref<1x128x128xf32, #tpu.memory_space<vmem>>
      %dma_start3A_166 = tpu.memref_squeeze %dma_start3A_165 : memref<1x128x128xf32, #tpu.memory_space<vmem>> -> memref<128x128xf32, #tpu.memory_space<vmem>>
      %dma_start3A_167 = arith.constant 0 : i32
      %dma_start3A_168 = tpu.memref_slice %arg7[%dma_start3A_160, %dma_start3A_167] : memref<16x128xi32, #tpu.memory_space<vmem>> -> memref<1x128xi32, #tpu.memory_space<vmem>>
      %dma_start3A_169 = tpu.memref_squeeze %dma_start3A_168 : memref<1x128xi32, #tpu.memory_space<vmem>> -> memref<128xi32, #tpu.memory_space<vmem>>
      %dma_start3A_170 = arith.constant 0 : i32
      %dma_start3A_171 = arith.constant 0 : i32
      %dma_start3A_172 = tpu.memref_slice %arg2[%dma_start3A_170, %dma_start3A_171] : memref<10064x128xf32, #tpu.memory_space<hbm>> -> memref<10064x128xf32, #tpu.memory_space<hbm>>
      %dma_start3A_173 = tpu.memref_slice %arg11[%dma_start3A_162] : memref<2x!tpu.dma_semaphore, #tpu.memory_space<semaphore_mem>> -> memref<1x!tpu.dma_semaphore, #tpu.memory_space<semaphore_mem>>
      %dma_start3A_174 = tpu.memref_squeeze %dma_start3A_173 : memref<1x!tpu.dma_semaphore, #tpu.memory_space<semaphore_mem>> -> memref<!tpu.dma_semaphore, #tpu.memory_space<semaphore_mem>>
      tpu.enqueue_indirect_dma source(%dma_start3A_172 : memref<10064x128xf32, #tpu.memory_space<hbm>>) target(%dma_start3A_166 : memref<128x128xf32, #tpu.memory_space<vmem>>) offsets(%dma_start3A_169 : memref<128xi32, #tpu.memory_space<vmem>>) semaphore(%dma_start3A_174 : memref<!tpu.dma_semaphore, #tpu.memory_space<semaphore_mem>>)
      %dma_wait3A_175 = arith.constant 2 : i32
      %dma_wait3A_176 = arith.constant 0 : i32
      %dma_wait3A_177 = arith.constant 0 : i32
      %dma_wait3A_178 = arith.constant 0 : i32
      %dma_wait3A_179 = arith.constant 0 : i32
      %dma_wait3A_180 = tpu.memref_slice %arg9[%dma_wait3A_176, %dma_wait3A_178, %dma_wait3A_179] : memref<2x128x128xf32, #tpu.memory_space<vmem>> -> memref<1x128x128xf32, #tpu.memory_space<vmem>>
      %dma_wait3A_181 = tpu.memref_squeeze %dma_wait3A_180 : memref<1x128x128xf32, #tpu.memory_space<vmem>> -> memref<128x128xf32, #tpu.memory_space<vmem>>
      %dma_wait3A_182 = arith.constant 0 : i32
      %dma_wait3A_183 = tpu.memref_slice %arg7[%dma_wait3A_175, %dma_wait3A_182] : memref<16x128xi32, #tpu.memory_space<vmem>> -> memref<1x128xi32, #tpu.memory_space<vmem>>
      %dma_wait3A_184 = tpu.memref_squeeze %dma_wait3A_183 : memref<1x128xi32, #tpu.memory_space<vmem>> -> memref<128xi32, #tpu.memory_space<vmem>>
      %dma_wait3A_185 = arith.constant 0 : i32
      %dma_wait3A_186 = arith.constant 0 : i32
      %dma_wait3A_187 = tpu.memref_slice %arg2[%dma_wait3A_185, %dma_wait3A_186] : memref<10064x128xf32, #tpu.memory_space<hbm>> -> memref<10064x128xf32, #tpu.memory_space<hbm>>
      %dma_wait3A_188 = tpu.memref_slice %arg11[%dma_wait3A_177] : memref<2x!tpu.dma_semaphore, #tpu.memory_space<semaphore_mem>> -> memref<1x!tpu.dma_semaphore, #tpu.memory_space<semaphore_mem>>
      %dma_wait3A_189 = tpu.memref_squeeze %dma_wait3A_188 : memref<1x!tpu.dma_semaphore, #tpu.memory_space<semaphore_mem>> -> memref<!tpu.dma_semaphore, #tpu.memory_space<semaphore_mem>>
      tpu.wait_indirect_dma semaphore(%dma_wait3A_189 : memref<!tpu.dma_semaphore, #tpu.memory_space<semaphore_mem>>) src(%dma_wait3A_187 : memref<10064x128xf32, #tpu.memory_space<hbm>>) dst(%dma_wait3A_181 : memref<128x128xf32, #tpu.memory_space<vmem>>)
      %dma_start3A_190 = arith.constant 0 : i32
      %dma_start3A_191 = arith.constant 2 : i32
      %dma_start3A_192 = arith.constant 0 : i32
      %dma_start3A_193 = arith.constant 0 : i32
      %dma_start3A_194 = arith.constant 0 : i32
      %dma_start3A_195 = tpu.memref_slice %arg9[%dma_start3A_190, %dma_start3A_193, %dma_start3A_194] : memref<2x128x128xf32, #tpu.memory_space<vmem>> -> memref<1x128x128xf32, #tpu.memory_space<vmem>>
      %dma_start3A_196 = tpu.memref_squeeze %dma_start3A_195 : memref<1x128x128xf32, #tpu.memory_space<vmem>> -> memref<128x128xf32, #tpu.memory_space<vmem>>
      %dma_start3A_197 = arith.constant 0 : i32
      %dma_start3A_198 = tpu.memref_slice %arg8[%dma_start3A_191, %dma_start3A_197] : memref<16x128xi32, #tpu.memory_space<vmem>> -> memref<1x128xi32, #tpu.memory_space<vmem>>
      %dma_start3A_199 = tpu.memref_squeeze %dma_start3A_198 : memref<1x128xi32, #tpu.memory_space<vmem>> -> memref<128xi32, #tpu.memory_space<vmem>>
      %dma_start3A_200 = arith.constant 0 : i32
      %dma_start3A_201 = arith.constant 0 : i32
      %dma_start3A_202 = tpu.memref_slice %arg10[%dma_start3A_200, %dma_start3A_201] : memref<10064x128xf32, #tpu.memory_space<vmem_shared>> -> memref<10064x128xf32, #tpu.memory_space<vmem_shared>>
      %dma_start3A_203 = tpu.memref_slice %arg12[%dma_start3A_192] : memref<2x!tpu.dma_semaphore, #tpu.memory_space<semaphore_mem>> -> memref<1x!tpu.dma_semaphore, #tpu.memory_space<semaphore_mem>>
      %dma_start3A_204 = tpu.memref_squeeze %dma_start3A_203 : memref<1x!tpu.dma_semaphore, #tpu.memory_space<semaphore_mem>> -> memref<!tpu.dma_semaphore, #tpu.memory_space<semaphore_mem>>
      tpu.enqueue_indirect_dma source(%dma_start3A_196 : memref<128x128xf32, #tpu.memory_space<vmem>>) target(%dma_start3A_202 : memref<10064x128xf32, #tpu.memory_space<vmem_shared>>) offsets(%dma_start3A_199 : memref<128xi32, #tpu.memory_space<vmem>>) semaphore(%dma_start3A_204 : memref<!tpu.dma_semaphore, #tpu.memory_space<semaphore_mem>>) {add = true}
      %dma_wait3A_205 = arith.constant 0 : i32
      %dma_wait3A_206 = arith.constant 2 : i32
      %dma_wait3A_207 = arith.constant 0 : i32
      %dma_wait3A_208 = arith.constant 0 : i32
      %dma_wait3A_209 = arith.constant 0 : i32
      %dma_wait3A_210 = tpu.memref_slice %arg9[%dma_wait3A_205, %dma_wait3A_208, %dma_wait3A_209] : memref<2x128x128xf32, #tpu.memory_space<vmem>> -> memref<1x128x128xf32, #tpu.memory_space<vmem>>
      %dma_wait3A_211 = tpu.memref_squeeze %dma_wait3A_210 : memref<1x128x128xf32, #tpu.memory_space<vmem>> -> memref<128x128xf32, #tpu.memory_space<vmem>>
      %dma_wait3A_212 = arith.constant 0 : i32
      %dma_wait3A_213 = tpu.memref_slice %arg8[%dma_wait3A_206, %dma_wait3A_212] : memref<16x128xi32, #tpu.memory_space<vmem>> -> memref<1x128xi32, #tpu.memory_space<vmem>>
      %dma_wait3A_214 = tpu.memref_squeeze %dma_wait3A_213 : memref<1x128xi32, #tpu.memory_space<vmem>> -> memref<128xi32, #tpu.memory_space<vmem>>
      %dma_wait3A_215 = arith.constant 0 : i32
      %dma_wait3A_216 = arith.constant 0 : i32
      %dma_wait3A_217 = tpu.memref_slice %arg10[%dma_wait3A_215, %dma_wait3A_216] : memref<10064x128xf32, #tpu.memory_space<vmem_shared>> -> memref<10064x128xf32, #tpu.memory_space<vmem_shared>>
      %dma_wait3A_218 = tpu.memref_slice %arg12[%dma_wait3A_207] : memref<2x!tpu.dma_semaphore, #tpu.memory_space<semaphore_mem>> -> memref<1x!tpu.dma_semaphore, #tpu.memory_space<semaphore_mem>>
      %dma_wait3A_219 = tpu.memref_squeeze %dma_wait3A_218 : memref<1x!tpu.dma_semaphore, #tpu.memory_space<semaphore_mem>> -> memref<!tpu.dma_semaphore, #tpu.memory_space<semaphore_mem>>
      tpu.wait_indirect_dma semaphore(%dma_wait3A_219 : memref<!tpu.dma_semaphore, #tpu.memory_space<semaphore_mem>>) src(%dma_wait3A_211 : memref<128x128xf32, #tpu.memory_space<vmem>>) dst(%dma_wait3A_217 : memref<10064x128xf32, #tpu.memory_space<vmem_shared>>)
      %dma_start3A_220 = arith.constant 4 : i32
      %dma_start3A_221 = arith.constant 0 : i32
      %dma_start3A_222 = arith.constant 0 : i32
      %dma_start3A_223 = arith.constant 0 : i32
      %dma_start3A_224 = arith.constant 0 : i32
      %dma_start3A_225 = tpu.memref_slice %arg9[%dma_start3A_221, %dma_start3A_223, %dma_start3A_224] : memref<2x128x128xf32, #tpu.memory_space<vmem>> -> memref<1x128x128xf32, #tpu.memory_space<vmem>>
      %dma_start3A_226 = tpu.memref_squeeze %dma_start3A_225 : memref<1x128x128xf32, #tpu.memory_space<vmem>> -> memref<128x128xf32, #tpu.memory_space<vmem>>
      %dma_start3A_227 = arith.constant 0 : i32
      %dma_start3A_228 = tpu.memref_slice %arg7[%dma_start3A_220, %dma_start3A_227] : memref<16x128xi32, #tpu.memory_space<vmem>> -> memref<1x128xi32, #tpu.memory_space<vmem>>
      %dma_start3A_229 = tpu.memref_squeeze %dma_start3A_228 : memref<1x128xi32, #tpu.memory_space<vmem>> -> memref<128xi32, #tpu.memory_space<vmem>>
      %dma_start3A_230 = arith.constant 0 : i32
      %dma_start3A_231 = arith.constant 0 : i32
      %dma_start3A_232 = tpu.memref_slice %arg2[%dma_start3A_230, %dma_start3A_231] : memref<10064x128xf32, #tpu.memory_space<hbm>> -> memref<10064x128xf32, #tpu.memory_space<hbm>>
      %dma_start3A_233 = tpu.memref_slice %arg11[%dma_start3A_222] : memref<2x!tpu.dma_semaphore, #tpu.memory_space<semaphore_mem>> -> memref<1x!tpu.dma_semaphore, #tpu.memory_space<semaphore_mem>>
      %dma_start3A_234 = tpu.memref_squeeze %dma_start3A_233 : memref<1x!tpu.dma_semaphore, #tpu.memory_space<semaphore_mem>> -> memref<!tpu.dma_semaphore, #tpu.memory_space<semaphore_mem>>
      tpu.enqueue_indirect_dma source(%dma_start3A_232 : memref<10064x128xf32, #tpu.memory_space<hbm>>) target(%dma_start3A_226 : memref<128x128xf32, #tpu.memory_space<vmem>>) offsets(%dma_start3A_229 : memref<128xi32, #tpu.memory_space<vmem>>) semaphore(%dma_start3A_234 : memref<!tpu.dma_semaphore, #tpu.memory_space<semaphore_mem>>)
      %dma_wait3A_235 = arith.constant 3 : i32
      %dma_wait3A_236 = arith.constant 1 : i32
      %dma_wait3A_237 = arith.constant 1 : i32
      %dma_wait3A_238 = arith.constant 0 : i32
      %dma_wait3A_239 = arith.constant 0 : i32
      %dma_wait3A_240 = tpu.memref_slice %arg9[%dma_wait3A_236, %dma_wait3A_238, %dma_wait3A_239] : memref<2x128x128xf32, #tpu.memory_space<vmem>> -> memref<1x128x128xf32, #tpu.memory_space<vmem>>
      %dma_wait3A_241 = tpu.memref_squeeze %dma_wait3A_240 : memref<1x128x128xf32, #tpu.memory_space<vmem>> -> memref<128x128xf32, #tpu.memory_space<vmem>>
      %dma_wait3A_242 = arith.constant 0 : i32
      %dma_wait3A_243 = tpu.memref_slice %arg7[%dma_wait3A_235, %dma_wait3A_242] : memref<16x128xi32, #tpu.memory_space<vmem>> -> memref<1x128xi32, #tpu.memory_space<vmem>>
      %dma_wait3A_244 = tpu.memref_squeeze %dma_wait3A_243 : memref<1x128xi32, #tpu.memory_space<vmem>> -> memref<128xi32, #tpu.memory_space<vmem>>
      %dma_wait3A_245 = arith.constant 0 : i32
      %dma_wait3A_246 = arith.constant 0 : i32
      %dma_wait3A_247 = tpu.memref_slice %arg2[%dma_wait3A_245, %dma_wait3A_246] : memref<10064x128xf32, #tpu.memory_space<hbm>> -> memref<10064x128xf32, #tpu.memory_space<hbm>>
      %dma_wait3A_248 = tpu.memref_slice %arg11[%dma_wait3A_237] : memref<2x!tpu.dma_semaphore, #tpu.memory_space<semaphore_mem>> -> memref<1x!tpu.dma_semaphore, #tpu.memory_space<semaphore_mem>>
      %dma_wait3A_249 = tpu.memref_squeeze %dma_wait3A_248 : memref<1x!tpu.dma_semaphore, #tpu.memory_space<semaphore_mem>> -> memref<!tpu.dma_semaphore, #tpu.memory_space<semaphore_mem>>
      tpu.wait_indirect_dma semaphore(%dma_wait3A_249 : memref<!tpu.dma_semaphore, #tpu.memory_space<semaphore_mem>>) src(%dma_wait3A_247 : memref<10064x128xf32, #tpu.memory_space<hbm>>) dst(%dma_wait3A_241 : memref<128x128xf32, #tpu.memory_space<vmem>>)
      %dma_start3A_250 = arith.constant 1 : i32
      %dma_start3A_251 = arith.constant 3 : i32
      %dma_start3A_252 = arith.constant 1 : i32
      %dma_start3A_253 = arith.constant 0 : i32
      %dma_start3A_254 = arith.constant 0 : i32
      %dma_start3A_255 = tpu.memref_slice %arg9[%dma_start3A_250, %dma_start3A_253, %dma_start3A_254] : memref<2x128x128xf32, #tpu.memory_space<vmem>> -> memref<1x128x128xf32, #tpu.memory_space<vmem>>
      %dma_start3A_256 = tpu.memref_squeeze %dma_start3A_255 : memref<1x128x128xf32, #tpu.memory_space<vmem>> -> memref<128x128xf32, #tpu.memory_space<vmem>>
      %dma_start3A_257 = arith.constant 0 : i32
      %dma_start3A_258 = tpu.memref_slice %arg8[%dma_start3A_251, %dma_start3A_257] : memref<16x128xi32, #tpu.memory_space<vmem>> -> memref<1x128xi32, #tpu.memory_space<vmem>>
      %dma_start3A_259 = tpu.memref_squeeze %dma_start3A_258 : memref<1x128xi32, #tpu.memory_space<vmem>> -> memref<128xi32, #tpu.memory_space<vmem>>
      %dma_start3A_260 = arith.constant 0 : i32
      %dma_start3A_261 = arith.constant 0 : i32
      %dma_start3A_262 = tpu.memref_slice %arg10[%dma_start3A_260, %dma_start3A_261] : memref<10064x128xf32, #tpu.memory_space<vmem_shared>> -> memref<10064x128xf32, #tpu.memory_space<vmem_shared>>
      %dma_start3A_263 = tpu.memref_slice %arg12[%dma_start3A_252] : memref<2x!tpu.dma_semaphore, #tpu.memory_space<semaphore_mem>> -> memref<1x!tpu.dma_semaphore, #tpu.memory_space<semaphore_mem>>
      %dma_start3A_264 = tpu.memref_squeeze %dma_start3A_263 : memref<1x!tpu.dma_semaphore, #tpu.memory_space<semaphore_mem>> -> memref<!tpu.dma_semaphore, #tpu.memory_space<semaphore_mem>>
      tpu.enqueue_indirect_dma source(%dma_start3A_256 : memref<128x128xf32, #tpu.memory_space<vmem>>) target(%dma_start3A_262 : memref<10064x128xf32, #tpu.memory_space<vmem_shared>>) offsets(%dma_start3A_259 : memref<128xi32, #tpu.memory_space<vmem>>) semaphore(%dma_start3A_264 : memref<!tpu.dma_semaphore, #tpu.memory_space<semaphore_mem>>) {add = true}
      %dma_wait3A_265 = arith.constant 1 : i32
      %dma_wait3A_266 = arith.constant 3 : i32
      %dma_wait3A_267 = arith.constant 1 : i32
      %dma_wait3A_268 = arith.constant 0 : i32
      %dma_wait3A_269 = arith.constant 0 : i32
      %dma_wait3A_270 = tpu.memref_slice %arg9[%dma_wait3A_265, %dma_wait3A_268, %dma_wait3A_269] : memref<2x128x128xf32, #tpu.memory_space<vmem>> -> memref<1x128x128xf32, #tpu.memory_space<vmem>>
      %dma_wait3A_271 = tpu.memref_squeeze %dma_wait3A_270 : memref<1x128x128xf32, #tpu.memory_space<vmem>> -> memref<128x128xf32, #tpu.memory_space<vmem>>
      %dma_wait3A_272 = arith.constant 0 : i32
      %dma_wait3A_273 = tpu.memref_slice %arg8[%dma_wait3A_266, %dma_wait3A_272] : memref<16x128xi32, #tpu.memory_space<vmem>> -> memref<1x128xi32, #tpu.memory_space<vmem>>
      %dma_wait3A_274 = tpu.memref_squeeze %dma_wait3A_273 : memref<1x128xi32, #tpu.memory_space<vmem>> -> memref<128xi32, #tpu.memory_space<vmem>>
      %dma_wait3A_275 = arith.constant 0 : i32
      %dma_wait3A_276 = arith.constant 0 : i32
      %dma_wait3A_277 = tpu.memref_slice %arg10[%dma_wait3A_275, %dma_wait3A_276] : memref<10064x128xf32, #tpu.memory_space<vmem_shared>> -> memref<10064x128xf32, #tpu.memory_space<vmem_shared>>
      %dma_wait3A_278 = tpu.memref_slice %arg12[%dma_wait3A_267] : memref<2x!tpu.dma_semaphore, #tpu.memory_space<semaphore_mem>> -> memref<1x!tpu.dma_semaphore, #tpu.memory_space<semaphore_mem>>
      %dma_wait3A_279 = tpu.memref_squeeze %dma_wait3A_278 : memref<1x!tpu.dma_semaphore, #tpu.memory_space<semaphore_mem>> -> memref<!tpu.dma_semaphore, #tpu.memory_space<semaphore_mem>>
      tpu.wait_indirect_dma semaphore(%dma_wait3A_279 : memref<!tpu.dma_semaphore, #tpu.memory_space<semaphore_mem>>) src(%dma_wait3A_271 : memref<128x128xf32, #tpu.memory_space<vmem>>) dst(%dma_wait3A_277 : memref<10064x128xf32, #tpu.memory_space<vmem_shared>>)
      %dma_start3A_280 = arith.constant 5 : i32
      %dma_start3A_281 = arith.constant 1 : i32
      %dma_start3A_282 = arith.constant 1 : i32
      %dma_start3A_283 = arith.constant 0 : i32
      %dma_start3A_284 = arith.constant 0 : i32
      %dma_start3A_285 = tpu.memref_slice %arg9[%dma_start3A_281, %dma_start3A_283, %dma_start3A_284] : memref<2x128x128xf32, #tpu.memory_space<vmem>> -> memref<1x128x128xf32, #tpu.memory_space<vmem>>
      %dma_start3A_286 = tpu.memref_squeeze %dma_start3A_285 : memref<1x128x128xf32, #tpu.memory_space<vmem>> -> memref<128x128xf32, #tpu.memory_space<vmem>>
      %dma_start3A_287 = arith.constant 0 : i32
      %dma_start3A_288 = tpu.memref_slice %arg7[%dma_start3A_280, %dma_start3A_287] : memref<16x128xi32, #tpu.memory_space<vmem>> -> memref<1x128xi32, #tpu.memory_space<vmem>>
      %dma_start3A_289 = tpu.memref_squeeze %dma_start3A_288 : memref<1x128xi32, #tpu.memory_space<vmem>> -> memref<128xi32, #tpu.memory_space<vmem>>
      %dma_start3A_290 = arith.constant 0 : i32
      %dma_start3A_291 = arith.constant 0 : i32
      %dma_start3A_292 = tpu.memref_slice %arg2[%dma_start3A_290, %dma_start3A_291] : memref<10064x128xf32, #tpu.memory_space<hbm>> -> memref<10064x128xf32, #tpu.memory_space<hbm>>
      %dma_start3A_293 = tpu.memref_slice %arg11[%dma_start3A_282] : memref<2x!tpu.dma_semaphore, #tpu.memory_space<semaphore_mem>> -> memref<1x!tpu.dma_semaphore, #tpu.memory_space<semaphore_mem>>
      %dma_start3A_294 = tpu.memref_squeeze %dma_start3A_293 : memref<1x!tpu.dma_semaphore, #tpu.memory_space<semaphore_mem>> -> memref<!tpu.dma_semaphore, #tpu.memory_space<semaphore_mem>>
      tpu.enqueue_indirect_dma source(%dma_start3A_292 : memref<10064x128xf32, #tpu.memory_space<hbm>>) target(%dma_start3A_286 : memref<128x128xf32, #tpu.memory_space<vmem>>) offsets(%dma_start3A_289 : memref<128xi32, #tpu.memory_space<vmem>>) semaphore(%dma_start3A_294 : memref<!tpu.dma_semaphore, #tpu.memory_space<semaphore_mem>>)
      %dma_wait3A_295 = arith.constant 4 : i32
      %dma_wait3A_296 = arith.constant 0 : i32
      %dma_wait3A_297 = arith.constant 0 : i32
      %dma_wait3A_298 = arith.constant 0 : i32
      %dma_wait3A_299 = arith.constant 0 : i32
      %dma_wait3A_300 = tpu.memref_slice %arg9[%dma_wait3A_296, %dma_wait3A_298, %dma_wait3A_299] : memref<2x128x128xf32, #tpu.memory_space<vmem>> -> memref<1x128x128xf32, #tpu.memory_space<vmem>>
      %dma_wait3A_301 = tpu.memref_squeeze %dma_wait3A_300 : memref<1x128x128xf32, #tpu.memory_space<vmem>> -> memref<128x128xf32, #tpu.memory_space<vmem>>
      %dma_wait3A_302 = arith.constant 0 : i32
      %dma_wait3A_303 = tpu.memref_slice %arg7[%dma_wait3A_295, %dma_wait3A_302] : memref<16x128xi32, #tpu.memory_space<vmem>> -> memref<1x128xi32, #tpu.memory_space<vmem>>
      %dma_wait3A_304 = tpu.memref_squeeze %dma_wait3A_303 : memref<1x128xi32, #tpu.memory_space<vmem>> -> memref<128xi32, #tpu.memory_space<vmem>>
      %dma_wait3A_305 = arith.constant 0 : i32
      %dma_wait3A_306 = arith.constant 0 : i32
      %dma_wait3A_307 = tpu.memref_slice %arg2[%dma_wait3A_305, %dma_wait3A_306] : memref<10064x128xf32, #tpu.memory_space<hbm>> -> memref<10064x128xf32, #tpu.memory_space<hbm>>
      %dma_wait3A_308 = tpu.memref_slice %arg11[%dma_wait3A_297] : memref<2x!tpu.dma_semaphore, #tpu.memory_space<semaphore_mem>> -> memref<1x!tpu.dma_semaphore, #tpu.memory_space<semaphore_mem>>
      %dma_wait3A_309 = tpu.memref_squeeze %dma_wait3A_308 : memref<1x!tpu.dma_semaphore, #tpu.memory_space<semaphore_mem>> -> memref<!tpu.dma_semaphore, #tpu.memory_space<semaphore_mem>>
      tpu.wait_indirect_dma semaphore(%dma_wait3A_309 : memref<!tpu.dma_semaphore, #tpu.memory_space<semaphore_mem>>) src(%dma_wait3A_307 : memref<10064x128xf32, #tpu.memory_space<hbm>>) dst(%dma_wait3A_301 : memref<128x128xf32, #tpu.memory_space<vmem>>)
      %dma_start3A_310 = arith.constant 0 : i32
      %dma_start3A_311 = arith.constant 4 : i32
      %dma_start3A_312 = arith.constant 0 : i32
      %dma_start3A_313 = arith.constant 0 : i32
      %dma_start3A_314 = arith.constant 0 : i32
      %dma_start3A_315 = tpu.memref_slice %arg9[%dma_start3A_310, %dma_start3A_313, %dma_start3A_314] : memref<2x128x128xf32, #tpu.memory_space<vmem>> -> memref<1x128x128xf32, #tpu.memory_space<vmem>>
      %dma_start3A_316 = tpu.memref_squeeze %dma_start3A_315 : memref<1x128x128xf32, #tpu.memory_space<vmem>> -> memref<128x128xf32, #tpu.memory_space<vmem>>
      %dma_start3A_317 = arith.constant 0 : i32
      %dma_start3A_318 = tpu.memref_slice %arg8[%dma_start3A_311, %dma_start3A_317] : memref<16x128xi32, #tpu.memory_space<vmem>> -> memref<1x128xi32, #tpu.memory_space<vmem>>
      %dma_start3A_319 = tpu.memref_squeeze %dma_start3A_318 : memref<1x128xi32, #tpu.memory_space<vmem>> -> memref<128xi32, #tpu.memory_space<vmem>>
      %dma_start3A_320 = arith.constant 0 : i32
      %dma_start3A_321 = arith.constant 0 : i32
      %dma_start3A_322 = tpu.memref_slice %arg10[%dma_start3A_320, %dma_start3A_321] : memref<10064x128xf32, #tpu.memory_space<vmem_shared>> -> memref<10064x128xf32, #tpu.memory_space<vmem_shared>>
      %dma_start3A_323 = tpu.memref_slice %arg12[%dma_start3A_312] : memref<2x!tpu.dma_semaphore, #tpu.memory_space<semaphore_mem>> -> memref<1x!tpu.dma_semaphore, #tpu.memory_space<semaphore_mem>>
      %dma_start3A_324 = tpu.memref_squeeze %dma_start3A_323 : memref<1x!tpu.dma_semaphore, #tpu.memory_space<semaphore_mem>> -> memref<!tpu.dma_semaphore, #tpu.memory_space<semaphore_mem>>
      tpu.enqueue_indirect_dma source(%dma_start3A_316 : memref<128x128xf32, #tpu.memory_space<vmem>>) target(%dma_start3A_322 : memref<10064x128xf32, #tpu.memory_space<vmem_shared>>) offsets(%dma_start3A_319 : memref<128xi32, #tpu.memory_space<vmem>>) semaphore(%dma_start3A_324 : memref<!tpu.dma_semaphore, #tpu.memory_space<semaphore_mem>>) {add = true}
      %dma_wait3A_325 = arith.constant 0 : i32
      %dma_wait3A_326 = arith.constant 4 : i32
      %dma_wait3A_327 = arith.constant 0 : i32
      %dma_wait3A_328 = arith.constant 0 : i32
      %dma_wait3A_329 = arith.constant 0 : i32
      %dma_wait3A_330 = tpu.memref_slice %arg9[%dma_wait3A_325, %dma_wait3A_328, %dma_wait3A_329] : memref<2x128x128xf32, #tpu.memory_space<vmem>> -> memref<1x128x128xf32, #tpu.memory_space<vmem>>
      %dma_wait3A_331 = tpu.memref_squeeze %dma_wait3A_330 : memref<1x128x128xf32, #tpu.memory_space<vmem>> -> memref<128x128xf32, #tpu.memory_space<vmem>>
      %dma_wait3A_332 = arith.constant 0 : i32
      %dma_wait3A_333 = tpu.memref_slice %arg8[%dma_wait3A_326, %dma_wait3A_332] : memref<16x128xi32, #tpu.memory_space<vmem>> -> memref<1x128xi32, #tpu.memory_space<vmem>>
      %dma_wait3A_334 = tpu.memref_squeeze %dma_wait3A_333 : memref<1x128xi32, #tpu.memory_space<vmem>> -> memref<128xi32, #tpu.memory_space<vmem>>
      %dma_wait3A_335 = arith.constant 0 : i32
      %dma_wait3A_336 = arith.constant 0 : i32
      %dma_wait3A_337 = tpu.memref_slice %arg10[%dma_wait3A_335, %dma_wait3A_336] : memref<10064x128xf32, #tpu.memory_space<vmem_shared>> -> memref<10064x128xf32, #tpu.memory_space<vmem_shared>>
      %dma_wait3A_338 = tpu.memref_slice %arg12[%dma_wait3A_327] : memref<2x!tpu.dma_semaphore, #tpu.memory_space<semaphore_mem>> -> memref<1x!tpu.dma_semaphore, #tpu.memory_space<semaphore_mem>>
      %dma_wait3A_339 = tpu.memref_squeeze %dma_wait3A_338 : memref<1x!tpu.dma_semaphore, #tpu.memory_space<semaphore_mem>> -> memref<!tpu.dma_semaphore, #tpu.memory_space<semaphore_mem>>
      tpu.wait_indirect_dma semaphore(%dma_wait3A_339 : memref<!tpu.dma_semaphore, #tpu.memory_space<semaphore_mem>>) src(%dma_wait3A_331 : memref<128x128xf32, #tpu.memory_space<vmem>>) dst(%dma_wait3A_337 : memref<10064x128xf32, #tpu.memory_space<vmem_shared>>)
      %dma_start3A_340 = arith.constant 6 : i32
      %dma_start3A_341 = arith.constant 0 : i32
      %dma_start3A_342 = arith.constant 0 : i32
      %dma_start3A_343 = arith.constant 0 : i32
      %dma_start3A_344 = arith.constant 0 : i32
      %dma_start3A_345 = tpu.memref_slice %arg9[%dma_start3A_341, %dma_start3A_343, %dma_start3A_344] : memref<2x128x128xf32, #tpu.memory_space<vmem>> -> memref<1x128x128xf32, #tpu.memory_space<vmem>>
      %dma_start3A_346 = tpu.memref_squeeze %dma_start3A_345 : memref<1x128x128xf32, #tpu.memory_space<vmem>> -> memref<128x128xf32, #tpu.memory_space<vmem>>
      %dma_start3A_347 = arith.constant 0 : i32
      %dma_start3A_348 = tpu.memref_slice %arg7[%dma_start3A_340, %dma_start3A_347] : memref<16x128xi32, #tpu.memory_space<vmem>> -> memref<1x128xi32, #tpu.memory_space<vmem>>
      %dma_start3A_349 = tpu.memref_squeeze %dma_start3A_348 : memref<1x128xi32, #tpu.memory_space<vmem>> -> memref<128xi32, #tpu.memory_space<vmem>>
      %dma_start3A_350 = arith.constant 0 : i32
      %dma_start3A_351 = arith.constant 0 : i32
      %dma_start3A_352 = tpu.memref_slice %arg2[%dma_start3A_350, %dma_start3A_351] : memref<10064x128xf32, #tpu.memory_space<hbm>> -> memref<10064x128xf32, #tpu.memory_space<hbm>>
      %dma_start3A_353 = tpu.memref_slice %arg11[%dma_start3A_342] : memref<2x!tpu.dma_semaphore, #tpu.memory_space<semaphore_mem>> -> memref<1x!tpu.dma_semaphore, #tpu.memory_space<semaphore_mem>>
      %dma_start3A_354 = tpu.memref_squeeze %dma_start3A_353 : memref<1x!tpu.dma_semaphore, #tpu.memory_space<semaphore_mem>> -> memref<!tpu.dma_semaphore, #tpu.memory_space<semaphore_mem>>
      tpu.enqueue_indirect_dma source(%dma_start3A_352 : memref<10064x128xf32, #tpu.memory_space<hbm>>) target(%dma_start3A_346 : memref<128x128xf32, #tpu.memory_space<vmem>>) offsets(%dma_start3A_349 : memref<128xi32, #tpu.memory_space<vmem>>) semaphore(%dma_start3A_354 : memref<!tpu.dma_semaphore, #tpu.memory_space<semaphore_mem>>)
      %dma_wait3A_355 = arith.constant 5 : i32
      %dma_wait3A_356 = arith.constant 1 : i32
      %dma_wait3A_357 = arith.constant 1 : i32
      %dma_wait3A_358 = arith.constant 0 : i32
      %dma_wait3A_359 = arith.constant 0 : i32
      %dma_wait3A_360 = tpu.memref_slice %arg9[%dma_wait3A_356, %dma_wait3A_358, %dma_wait3A_359] : memref<2x128x128xf32, #tpu.memory_space<vmem>> -> memref<1x128x128xf32, #tpu.memory_space<vmem>>
      %dma_wait3A_361 = tpu.memref_squeeze %dma_wait3A_360 : memref<1x128x128xf32, #tpu.memory_space<vmem>> -> memref<128x128xf32, #tpu.memory_space<vmem>>
      %dma_wait3A_362 = arith.constant 0 : i32
      %dma_wait3A_363 = tpu.memref_slice %arg7[%dma_wait3A_355, %dma_wait3A_362] : memref<16x128xi32, #tpu.memory_space<vmem>> -> memref<1x128xi32, #tpu.memory_space<vmem>>
      %dma_wait3A_364 = tpu.memref_squeeze %dma_wait3A_363 : memref<1x128xi32, #tpu.memory_space<vmem>> -> memref<128xi32, #tpu.memory_space<vmem>>
      %dma_wait3A_365 = arith.constant 0 : i32
      %dma_wait3A_366 = arith.constant 0 : i32
      %dma_wait3A_367 = tpu.memref_slice %arg2[%dma_wait3A_365, %dma_wait3A_366] : memref<10064x128xf32, #tpu.memory_space<hbm>> -> memref<10064x128xf32, #tpu.memory_space<hbm>>
      %dma_wait3A_368 = tpu.memref_slice %arg11[%dma_wait3A_357] : memref<2x!tpu.dma_semaphore, #tpu.memory_space<semaphore_mem>> -> memref<1x!tpu.dma_semaphore, #tpu.memory_space<semaphore_mem>>
      %dma_wait3A_369 = tpu.memref_squeeze %dma_wait3A_368 : memref<1x!tpu.dma_semaphore, #tpu.memory_space<semaphore_mem>> -> memref<!tpu.dma_semaphore, #tpu.memory_space<semaphore_mem>>
      tpu.wait_indirect_dma semaphore(%dma_wait3A_369 : memref<!tpu.dma_semaphore, #tpu.memory_space<semaphore_mem>>) src(%dma_wait3A_367 : memref<10064x128xf32, #tpu.memory_space<hbm>>) dst(%dma_wait3A_361 : memref<128x128xf32, #tpu.memory_space<vmem>>)
      %dma_start3A_370 = arith.constant 1 : i32
      %dma_start3A_371 = arith.constant 5 : i32
      %dma_start3A_372 = arith.constant 1 : i32
      %dma_start3A_373 = arith.constant 0 : i32
      %dma_start3A_374 = arith.constant 0 : i32
      %dma_start3A_375 = tpu.memref_slice %arg9[%dma_start3A_370, %dma_start3A_373, %dma_start3A_374] : memref<2x128x128xf32, #tpu.memory_space<vmem>> -> memref<1x128x128xf32, #tpu.memory_space<vmem>>
      %dma_start3A_376 = tpu.memref_squeeze %dma_start3A_375 : memref<1x128x128xf32, #tpu.memory_space<vmem>> -> memref<128x128xf32, #tpu.memory_space<vmem>>
      %dma_start3A_377 = arith.constant 0 : i32
      %dma_start3A_378 = tpu.memref_slice %arg8[%dma_start3A_371, %dma_start3A_377] : memref<16x128xi32, #tpu.memory_space<vmem>> -> memref<1x128xi32, #tpu.memory_space<vmem>>
      %dma_start3A_379 = tpu.memref_squeeze %dma_start3A_378 : memref<1x128xi32, #tpu.memory_space<vmem>> -> memref<128xi32, #tpu.memory_space<vmem>>
      %dma_start3A_380 = arith.constant 0 : i32
      %dma_start3A_381 = arith.constant 0 : i32
      %dma_start3A_382 = tpu.memref_slice %arg10[%dma_start3A_380, %dma_start3A_381] : memref<10064x128xf32, #tpu.memory_space<vmem_shared>> -> memref<10064x128xf32, #tpu.memory_space<vmem_shared>>
      %dma_start3A_383 = tpu.memref_slice %arg12[%dma_start3A_372] : memref<2x!tpu.dma_semaphore, #tpu.memory_space<semaphore_mem>> -> memref<1x!tpu.dma_semaphore, #tpu.memory_space<semaphore_mem>>
      %dma_start3A_384 = tpu.memref_squeeze %dma_start3A_383 : memref<1x!tpu.dma_semaphore, #tpu.memory_space<semaphore_mem>> -> memref<!tpu.dma_semaphore, #tpu.memory_space<semaphore_mem>>
      tpu.enqueue_indirect_dma source(%dma_start3A_376 : memref<128x128xf32, #tpu.memory_space<vmem>>) target(%dma_start3A_382 : memref<10064x128xf32, #tpu.memory_space<vmem_shared>>) offsets(%dma_start3A_379 : memref<128xi32, #tpu.memory_space<vmem>>) semaphore(%dma_start3A_384 : memref<!tpu.dma_semaphore, #tpu.memory_space<semaphore_mem>>) {add = true}
      %dma_wait3A_385 = arith.constant 1 : i32
      %dma_wait3A_386 = arith.constant 5 : i32
      %dma_wait3A_387 = arith.constant 1 : i32
      %dma_wait3A_388 = arith.constant 0 : i32
      %dma_wait3A_389 = arith.constant 0 : i32
      %dma_wait3A_390 = tpu.memref_slice %arg9[%dma_wait3A_385, %dma_wait3A_388, %dma_wait3A_389] : memref<2x128x128xf32, #tpu.memory_space<vmem>> -> memref<1x128x128xf32, #tpu.memory_space<vmem>>
      %dma_wait3A_391 = tpu.memref_squeeze %dma_wait3A_390 : memref<1x128x128xf32, #tpu.memory_space<vmem>> -> memref<128x128xf32, #tpu.memory_space<vmem>>
      %dma_wait3A_392 = arith.constant 0 : i32
      %dma_wait3A_393 = tpu.memref_slice %arg8[%dma_wait3A_386, %dma_wait3A_392] : memref<16x128xi32, #tpu.memory_space<vmem>> -> memref<1x128xi32, #tpu.memory_space<vmem>>
      %dma_wait3A_394 = tpu.memref_squeeze %dma_wait3A_393 : memref<1x128xi32, #tpu.memory_space<vmem>> -> memref<128xi32, #tpu.memory_space<vmem>>
      %dma_wait3A_395 = arith.constant 0 : i32
      %dma_wait3A_396 = arith.constant 0 : i32
      %dma_wait3A_397 = tpu.memref_slice %arg10[%dma_wait3A_395, %dma_wait3A_396] : memref<10064x128xf32, #tpu.memory_space<vmem_shared>> -> memref<10064x128xf32, #tpu.memory_space<vmem_shared>>
      %dma_wait3A_398 = tpu.memref_slice %arg12[%dma_wait3A_387] : memref<2x!tpu.dma_semaphore, #tpu.memory_space<semaphore_mem>> -> memref<1x!tpu.dma_semaphore, #tpu.memory_space<semaphore_mem>>
      %dma_wait3A_399 = tpu.memref_squeeze %dma_wait3A_398 : memref<1x!tpu.dma_semaphore, #tpu.memory_space<semaphore_mem>> -> memref<!tpu.dma_semaphore, #tpu.memory_space<semaphore_mem>>
      tpu.wait_indirect_dma semaphore(%dma_wait3A_399 : memref<!tpu.dma_semaphore, #tpu.memory_space<semaphore_mem>>) src(%dma_wait3A_391 : memref<128x128xf32, #tpu.memory_space<vmem>>) dst(%dma_wait3A_397 : memref<10064x128xf32, #tpu.memory_space<vmem_shared>>)
      %dma_start3A_400 = arith.constant 7 : i32
      %dma_start3A_401 = arith.constant 1 : i32
      %dma_start3A_402 = arith.constant 1 : i32
      %dma_start3A_403 = arith.constant 0 : i32
      %dma_start3A_404 = arith.constant 0 : i32
      %dma_start3A_405 = tpu.memref_slice %arg9[%dma_start3A_401, %dma_start3A_403, %dma_start3A_404] : memref<2x128x128xf32, #tpu.memory_space<vmem>> -> memref<1x128x128xf32, #tpu.memory_space<vmem>>
      %dma_start3A_406 = tpu.memref_squeeze %dma_start3A_405 : memref<1x128x128xf32, #tpu.memory_space<vmem>> -> memref<128x128xf32, #tpu.memory_space<vmem>>
      %dma_start3A_407 = arith.constant 0 : i32
      %dma_start3A_408 = tpu.memref_slice %arg7[%dma_start3A_400, %dma_start3A_407] : memref<16x128xi32, #tpu.memory_space<vmem>> -> memref<1x128xi32, #tpu.memory_space<vmem>>
      %dma_start3A_409 = tpu.memref_squeeze %dma_start3A_408 : memref<1x128xi32, #tpu.memory_space<vmem>> -> memref<128xi32, #tpu.memory_space<vmem>>
      %dma_start3A_410 = arith.constant 0 : i32
      %dma_start3A_411 = arith.constant 0 : i32
      %dma_start3A_412 = tpu.memref_slice %arg2[%dma_start3A_410, %dma_start3A_411] : memref<10064x128xf32, #tpu.memory_space<hbm>> -> memref<10064x128xf32, #tpu.memory_space<hbm>>
      %dma_start3A_413 = tpu.memref_slice %arg11[%dma_start3A_402] : memref<2x!tpu.dma_semaphore, #tpu.memory_space<semaphore_mem>> -> memref<1x!tpu.dma_semaphore, #tpu.memory_space<semaphore_mem>>
      %dma_start3A_414 = tpu.memref_squeeze %dma_start3A_413 : memref<1x!tpu.dma_semaphore, #tpu.memory_space<semaphore_mem>> -> memref<!tpu.dma_semaphore, #tpu.memory_space<semaphore_mem>>
      tpu.enqueue_indirect_dma source(%dma_start3A_412 : memref<10064x128xf32, #tpu.memory_space<hbm>>) target(%dma_start3A_406 : memref<128x128xf32, #tpu.memory_space<vmem>>) offsets(%dma_start3A_409 : memref<128xi32, #tpu.memory_space<vmem>>) semaphore(%dma_start3A_414 : memref<!tpu.dma_semaphore, #tpu.memory_space<semaphore_mem>>)
      %dma_wait3A_415 = arith.constant 6 : i32
      %dma_wait3A_416 = arith.constant 0 : i32
      %dma_wait3A_417 = arith.constant 0 : i32
      %dma_wait3A_418 = arith.constant 0 : i32
      %dma_wait3A_419 = arith.constant 0 : i32
      %dma_wait3A_420 = tpu.memref_slice %arg9[%dma_wait3A_416, %dma_wait3A_418, %dma_wait3A_419] : memref<2x128x128xf32, #tpu.memory_space<vmem>> -> memref<1x128x128xf32, #tpu.memory_space<vmem>>
      %dma_wait3A_421 = tpu.memref_squeeze %dma_wait3A_420 : memref<1x128x128xf32, #tpu.memory_space<vmem>> -> memref<128x128xf32, #tpu.memory_space<vmem>>
      %dma_wait3A_422 = arith.constant 0 : i32
      %dma_wait3A_423 = tpu.memref_slice %arg7[%dma_wait3A_415, %dma_wait3A_422] : memref<16x128xi32, #tpu.memory_space<vmem>> -> memref<1x128xi32, #tpu.memory_space<vmem>>
      %dma_wait3A_424 = tpu.memref_squeeze %dma_wait3A_423 : memref<1x128xi32, #tpu.memory_space<vmem>> -> memref<128xi32, #tpu.memory_space<vmem>>
      %dma_wait3A_425 = arith.constant 0 : i32
      %dma_wait3A_426 = arith.constant 0 : i32
      %dma_wait3A_427 = tpu.memref_slice %arg2[%dma_wait3A_425, %dma_wait3A_426] : memref<10064x128xf32, #tpu.memory_space<hbm>> -> memref<10064x128xf32, #tpu.memory_space<hbm>>
      %dma_wait3A_428 = tpu.memref_slice %arg11[%dma_wait3A_417] : memref<2x!tpu.dma_semaphore, #tpu.memory_space<semaphore_mem>> -> memref<1x!tpu.dma_semaphore, #tpu.memory_space<semaphore_mem>>
      %dma_wait3A_429 = tpu.memref_squeeze %dma_wait3A_428 : memref<1x!tpu.dma_semaphore, #tpu.memory_space<semaphore_mem>> -> memref<!tpu.dma_semaphore, #tpu.memory_space<semaphore_mem>>
      tpu.wait_indirect_dma semaphore(%dma_wait3A_429 : memref<!tpu.dma_semaphore, #tpu.memory_space<semaphore_mem>>) src(%dma_wait3A_427 : memref<10064x128xf32, #tpu.memory_space<hbm>>) dst(%dma_wait3A_421 : memref<128x128xf32, #tpu.memory_space<vmem>>)
      %dma_start3A_430 = arith.constant 0 : i32
      %dma_start3A_431 = arith.constant 6 : i32
      %dma_start3A_432 = arith.constant 0 : i32
      %dma_start3A_433 = arith.constant 0 : i32
      %dma_start3A_434 = arith.constant 0 : i32
      %dma_start3A_435 = tpu.memref_slice %arg9[%dma_start3A_430, %dma_start3A_433, %dma_start3A_434] : memref<2x128x128xf32, #tpu.memory_space<vmem>> -> memref<1x128x128xf32, #tpu.memory_space<vmem>>
      %dma_start3A_436 = tpu.memref_squeeze %dma_start3A_435 : memref<1x128x128xf32, #tpu.memory_space<vmem>> -> memref<128x128xf32, #tpu.memory_space<vmem>>
      %dma_start3A_437 = arith.constant 0 : i32
      %dma_start3A_438 = tpu.memref_slice %arg8[%dma_start3A_431, %dma_start3A_437] : memref<16x128xi32, #tpu.memory_space<vmem>> -> memref<1x128xi32, #tpu.memory_space<vmem>>
      %dma_start3A_439 = tpu.memref_squeeze %dma_start3A_438 : memref<1x128xi32, #tpu.memory_space<vmem>> -> memref<128xi32, #tpu.memory_space<vmem>>
      %dma_start3A_440 = arith.constant 0 : i32
      %dma_start3A_441 = arith.constant 0 : i32
      %dma_start3A_442 = tpu.memref_slice %arg10[%dma_start3A_440, %dma_start3A_441] : memref<10064x128xf32, #tpu.memory_space<vmem_shared>> -> memref<10064x128xf32, #tpu.memory_space<vmem_shared>>
      %dma_start3A_443 = tpu.memref_slice %arg12[%dma_start3A_432] : memref<2x!tpu.dma_semaphore, #tpu.memory_space<semaphore_mem>> -> memref<1x!tpu.dma_semaphore, #tpu.memory_space<semaphore_mem>>
      %dma_start3A_444 = tpu.memref_squeeze %dma_start3A_443 : memref<1x!tpu.dma_semaphore, #tpu.memory_space<semaphore_mem>> -> memref<!tpu.dma_semaphore, #tpu.memory_space<semaphore_mem>>
      tpu.enqueue_indirect_dma source(%dma_start3A_436 : memref<128x128xf32, #tpu.memory_space<vmem>>) target(%dma_start3A_442 : memref<10064x128xf32, #tpu.memory_space<vmem_shared>>) offsets(%dma_start3A_439 : memref<128xi32, #tpu.memory_space<vmem>>) semaphore(%dma_start3A_444 : memref<!tpu.dma_semaphore, #tpu.memory_space<semaphore_mem>>) {add = true}
      %dma_wait3A_445 = arith.constant 0 : i32
      %dma_wait3A_446 = arith.constant 6 : i32
      %dma_wait3A_447 = arith.constant 0 : i32
      %dma_wait3A_448 = arith.constant 0 : i32
      %dma_wait3A_449 = arith.constant 0 : i32
      %dma_wait3A_450 = tpu.memref_slice %arg9[%dma_wait3A_445, %dma_wait3A_448, %dma_wait3A_449] : memref<2x128x128xf32, #tpu.memory_space<vmem>> -> memref<1x128x128xf32, #tpu.memory_space<vmem>>
      %dma_wait3A_451 = tpu.memref_squeeze %dma_wait3A_450 : memref<1x128x128xf32, #tpu.memory_space<vmem>> -> memref<128x128xf32, #tpu.memory_space<vmem>>
      %dma_wait3A_452 = arith.constant 0 : i32
      %dma_wait3A_453 = tpu.memref_slice %arg8[%dma_wait3A_446, %dma_wait3A_452] : memref<16x128xi32, #tpu.memory_space<vmem>> -> memref<1x128xi32, #tpu.memory_space<vmem>>
      %dma_wait3A_454 = tpu.memref_squeeze %dma_wait3A_453 : memref<1x128xi32, #tpu.memory_space<vmem>> -> memref<128xi32, #tpu.memory_space<vmem>>
      %dma_wait3A_455 = arith.constant 0 : i32
      %dma_wait3A_456 = arith.constant 0 : i32
      %dma_wait3A_457 = tpu.memref_slice %arg10[%dma_wait3A_455, %dma_wait3A_456] : memref<10064x128xf32, #tpu.memory_space<vmem_shared>> -> memref<10064x128xf32, #tpu.memory_space<vmem_shared>>
      %dma_wait3A_458 = tpu.memref_slice %arg12[%dma_wait3A_447] : memref<2x!tpu.dma_semaphore, #tpu.memory_space<semaphore_mem>> -> memref<1x!tpu.dma_semaphore, #tpu.memory_space<semaphore_mem>>
      %dma_wait3A_459 = tpu.memref_squeeze %dma_wait3A_458 : memref<1x!tpu.dma_semaphore, #tpu.memory_space<semaphore_mem>> -> memref<!tpu.dma_semaphore, #tpu.memory_space<semaphore_mem>>
      tpu.wait_indirect_dma semaphore(%dma_wait3A_459 : memref<!tpu.dma_semaphore, #tpu.memory_space<semaphore_mem>>) src(%dma_wait3A_451 : memref<128x128xf32, #tpu.memory_space<vmem>>) dst(%dma_wait3A_457 : memref<10064x128xf32, #tpu.memory_space<vmem_shared>>)
      %dma_start3A_460 = arith.constant 8 : i32
      %dma_start3A_461 = arith.constant 0 : i32
      %dma_start3A_462 = arith.constant 0 : i32
      %dma_start3A_463 = arith.constant 0 : i32
      %dma_start3A_464 = arith.constant 0 : i32
      %dma_start3A_465 = tpu.memref_slice %arg9[%dma_start3A_461, %dma_start3A_463, %dma_start3A_464] : memref<2x128x128xf32, #tpu.memory_space<vmem>> -> memref<1x128x128xf32, #tpu.memory_space<vmem>>
      %dma_start3A_466 = tpu.memref_squeeze %dma_start3A_465 : memref<1x128x128xf32, #tpu.memory_space<vmem>> -> memref<128x128xf32, #tpu.memory_space<vmem>>
      %dma_start3A_467 = arith.constant 0 : i32
      %dma_start3A_468 = tpu.memref_slice %arg7[%dma_start3A_460, %dma_start3A_467] : memref<16x128xi32, #tpu.memory_space<vmem>> -> memref<1x128xi32, #tpu.memory_space<vmem>>
      %dma_start3A_469 = tpu.memref_squeeze %dma_start3A_468 : memref<1x128xi32, #tpu.memory_space<vmem>> -> memref<128xi32, #tpu.memory_space<vmem>>
      %dma_start3A_470 = arith.constant 0 : i32
      %dma_start3A_471 = arith.constant 0 : i32
      %dma_start3A_472 = tpu.memref_slice %arg2[%dma_start3A_470, %dma_start3A_471] : memref<10064x128xf32, #tpu.memory_space<hbm>> -> memref<10064x128xf32, #tpu.memory_space<hbm>>
      %dma_start3A_473 = tpu.memref_slice %arg11[%dma_start3A_462] : memref<2x!tpu.dma_semaphore, #tpu.memory_space<semaphore_mem>> -> memref<1x!tpu.dma_semaphore, #tpu.memory_space<semaphore_mem>>
      %dma_start3A_474 = tpu.memref_squeeze %dma_start3A_473 : memref<1x!tpu.dma_semaphore, #tpu.memory_space<semaphore_mem>> -> memref<!tpu.dma_semaphore, #tpu.memory_space<semaphore_mem>>
      tpu.enqueue_indirect_dma source(%dma_start3A_472 : memref<10064x128xf32, #tpu.memory_space<hbm>>) target(%dma_start3A_466 : memref<128x128xf32, #tpu.memory_space<vmem>>) offsets(%dma_start3A_469 : memref<128xi32, #tpu.memory_space<vmem>>) semaphore(%dma_start3A_474 : memref<!tpu.dma_semaphore, #tpu.memory_space<semaphore_mem>>)
      %dma_wait3A_475 = arith.constant 7 : i32
      %dma_wait3A_476 = arith.constant 1 : i32
      %dma_wait3A_477 = arith.constant 1 : i32
      %dma_wait3A_478 = arith.constant 0 : i32
      %dma_wait3A_479 = arith.constant 0 : i32
      %dma_wait3A_480 = tpu.memref_slice %arg9[%dma_wait3A_476, %dma_wait3A_478, %dma_wait3A_479] : memref<2x128x128xf32, #tpu.memory_space<vmem>> -> memref<1x128x128xf32, #tpu.memory_space<vmem>>
      %dma_wait3A_481 = tpu.memref_squeeze %dma_wait3A_480 : memref<1x128x128xf32, #tpu.memory_space<vmem>> -> memref<128x128xf32, #tpu.memory_space<vmem>>
      %dma_wait3A_482 = arith.constant 0 : i32
      %dma_wait3A_483 = tpu.memref_slice %arg7[%dma_wait3A_475, %dma_wait3A_482] : memref<16x128xi32, #tpu.memory_space<vmem>> -> memref<1x128xi32, #tpu.memory_space<vmem>>
      %dma_wait3A_484 = tpu.memref_squeeze %dma_wait3A_483 : memref<1x128xi32, #tpu.memory_space<vmem>> -> memref<128xi32, #tpu.memory_space<vmem>>
      %dma_wait3A_485 = arith.constant 0 : i32
      %dma_wait3A_486 = arith.constant 0 : i32
      %dma_wait3A_487 = tpu.memref_slice %arg2[%dma_wait3A_485, %dma_wait3A_486] : memref<10064x128xf32, #tpu.memory_space<hbm>> -> memref<10064x128xf32, #tpu.memory_space<hbm>>
      %dma_wait3A_488 = tpu.memref_slice %arg11[%dma_wait3A_477] : memref<2x!tpu.dma_semaphore, #tpu.memory_space<semaphore_mem>> -> memref<1x!tpu.dma_semaphore, #tpu.memory_space<semaphore_mem>>
      %dma_wait3A_489 = tpu.memref_squeeze %dma_wait3A_488 : memref<1x!tpu.dma_semaphore, #tpu.memory_space<semaphore_mem>> -> memref<!tpu.dma_semaphore, #tpu.memory_space<semaphore_mem>>
      tpu.wait_indirect_dma semaphore(%dma_wait3A_489 : memref<!tpu.dma_semaphore, #tpu.memory_space<semaphore_mem>>) src(%dma_wait3A_487 : memref<10064x128xf32, #tpu.memory_space<hbm>>) dst(%dma_wait3A_481 : memref<128x128xf32, #tpu.memory_space<vmem>>)
      %dma_start3A_490 = arith.constant 1 : i32
      %dma_start3A_491 = arith.constant 7 : i32
      %dma_start3A_492 = arith.constant 1 : i32
      %dma_start3A_493 = arith.constant 0 : i32
      %dma_start3A_494 = arith.constant 0 : i32
      %dma_start3A_495 = tpu.memref_slice %arg9[%dma_start3A_490, %dma_start3A_493, %dma_start3A_494] : memref<2x128x128xf32, #tpu.memory_space<vmem>> -> memref<1x128x128xf32, #tpu.memory_space<vmem>>
      %dma_start3A_496 = tpu.memref_squeeze %dma_start3A_495 : memref<1x128x128xf32, #tpu.memory_space<vmem>> -> memref<128x128xf32, #tpu.memory_space<vmem>>
      %dma_start3A_497 = arith.constant 0 : i32
      %dma_start3A_498 = tpu.memref_slice %arg8[%dma_start3A_491, %dma_start3A_497] : memref<16x128xi32, #tpu.memory_space<vmem>> -> memref<1x128xi32, #tpu.memory_space<vmem>>
      %dma_start3A_499 = tpu.memref_squeeze %dma_start3A_498 : memref<1x128xi32, #tpu.memory_space<vmem>> -> memref<128xi32, #tpu.memory_space<vmem>>
      %dma_start3A_500 = arith.constant 0 : i32
      %dma_start3A_501 = arith.constant 0 : i32
      %dma_start3A_502 = tpu.memref_slice %arg10[%dma_start3A_500, %dma_start3A_501] : memref<10064x128xf32, #tpu.memory_space<vmem_shared>> -> memref<10064x128xf32, #tpu.memory_space<vmem_shared>>
      %dma_start3A_503 = tpu.memref_slice %arg12[%dma_start3A_492] : memref<2x!tpu.dma_semaphore, #tpu.memory_space<semaphore_mem>> -> memref<1x!tpu.dma_semaphore, #tpu.memory_space<semaphore_mem>>
      %dma_start3A_504 = tpu.memref_squeeze %dma_start3A_503 : memref<1x!tpu.dma_semaphore, #tpu.memory_space<semaphore_mem>> -> memref<!tpu.dma_semaphore, #tpu.memory_space<semaphore_mem>>
      tpu.enqueue_indirect_dma source(%dma_start3A_496 : memref<128x128xf32, #tpu.memory_space<vmem>>) target(%dma_start3A_502 : memref<10064x128xf32, #tpu.memory_space<vmem_shared>>) offsets(%dma_start3A_499 : memref<128xi32, #tpu.memory_space<vmem>>) semaphore(%dma_start3A_504 : memref<!tpu.dma_semaphore, #tpu.memory_space<semaphore_mem>>) {add = true}
      %dma_wait3A_505 = arith.constant 1 : i32
      %dma_wait3A_506 = arith.constant 7 : i32
      %dma_wait3A_507 = arith.constant 1 : i32
      %dma_wait3A_508 = arith.constant 0 : i32
      %dma_wait3A_509 = arith.constant 0 : i32
      %dma_wait3A_510 = tpu.memref_slice %arg9[%dma_wait3A_505, %dma_wait3A_508, %dma_wait3A_509] : memref<2x128x128xf32, #tpu.memory_space<vmem>> -> memref<1x128x128xf32, #tpu.memory_space<vmem>>
      %dma_wait3A_511 = tpu.memref_squeeze %dma_wait3A_510 : memref<1x128x128xf32, #tpu.memory_space<vmem>> -> memref<128x128xf32, #tpu.memory_space<vmem>>
      %dma_wait3A_512 = arith.constant 0 : i32
      %dma_wait3A_513 = tpu.memref_slice %arg8[%dma_wait3A_506, %dma_wait3A_512] : memref<16x128xi32, #tpu.memory_space<vmem>> -> memref<1x128xi32, #tpu.memory_space<vmem>>
      %dma_wait3A_514 = tpu.memref_squeeze %dma_wait3A_513 : memref<1x128xi32, #tpu.memory_space<vmem>> -> memref<128xi32, #tpu.memory_space<vmem>>
      %dma_wait3A_515 = arith.constant 0 : i32
      %dma_wait3A_516 = arith.constant 0 : i32
      %dma_wait3A_517 = tpu.memref_slice %arg10[%dma_wait3A_515, %dma_wait3A_516] : memref<10064x128xf32, #tpu.memory_space<vmem_shared>> -> memref<10064x128xf32, #tpu.memory_space<vmem_shared>>
      %dma_wait3A_518 = tpu.memref_slice %arg12[%dma_wait3A_507] : memref<2x!tpu.dma_semaphore, #tpu.memory_space<semaphore_mem>> -> memref<1x!tpu.dma_semaphore, #tpu.memory_space<semaphore_mem>>
      %dma_wait3A_519 = tpu.memref_squeeze %dma_wait3A_518 : memref<1x!tpu.dma_semaphore, #tpu.memory_space<semaphore_mem>> -> memref<!tpu.dma_semaphore, #tpu.memory_space<semaphore_mem>>
      tpu.wait_indirect_dma semaphore(%dma_wait3A_519 : memref<!tpu.dma_semaphore, #tpu.memory_space<semaphore_mem>>) src(%dma_wait3A_511 : memref<128x128xf32, #tpu.memory_space<vmem>>) dst(%dma_wait3A_517 : memref<10064x128xf32, #tpu.memory_space<vmem_shared>>)
      %dma_start3A_520 = arith.constant 9 : i32
      %dma_start3A_521 = arith.constant 1 : i32
      %dma_start3A_522 = arith.constant 1 : i32
      %dma_start3A_523 = arith.constant 0 : i32
      %dma_start3A_524 = arith.constant 0 : i32
      %dma_start3A_525 = tpu.memref_slice %arg9[%dma_start3A_521, %dma_start3A_523, %dma_start3A_524] : memref<2x128x128xf32, #tpu.memory_space<vmem>> -> memref<1x128x128xf32, #tpu.memory_space<vmem>>
      %dma_start3A_526 = tpu.memref_squeeze %dma_start3A_525 : memref<1x128x128xf32, #tpu.memory_space<vmem>> -> memref<128x128xf32, #tpu.memory_space<vmem>>
      %dma_start3A_527 = arith.constant 0 : i32
      %dma_start3A_528 = tpu.memref_slice %arg7[%dma_start3A_520, %dma_start3A_527] : memref<16x128xi32, #tpu.memory_space<vmem>> -> memref<1x128xi32, #tpu.memory_space<vmem>>
      %dma_start3A_529 = tpu.memref_squeeze %dma_start3A_528 : memref<1x128xi32, #tpu.memory_space<vmem>> -> memref<128xi32, #tpu.memory_space<vmem>>
      %dma_start3A_530 = arith.constant 0 : i32
      %dma_start3A_531 = arith.constant 0 : i32
      %dma_start3A_532 = tpu.memref_slice %arg2[%dma_start3A_530, %dma_start3A_531] : memref<10064x128xf32, #tpu.memory_space<hbm>> -> memref<10064x128xf32, #tpu.memory_space<hbm>>
      %dma_start3A_533 = tpu.memref_slice %arg11[%dma_start3A_522] : memref<2x!tpu.dma_semaphore, #tpu.memory_space<semaphore_mem>> -> memref<1x!tpu.dma_semaphore, #tpu.memory_space<semaphore_mem>>
      %dma_start3A_534 = tpu.memref_squeeze %dma_start3A_533 : memref<1x!tpu.dma_semaphore, #tpu.memory_space<semaphore_mem>> -> memref<!tpu.dma_semaphore, #tpu.memory_space<semaphore_mem>>
      tpu.enqueue_indirect_dma source(%dma_start3A_532 : memref<10064x128xf32, #tpu.memory_space<hbm>>) target(%dma_start3A_526 : memref<128x128xf32, #tpu.memory_space<vmem>>) offsets(%dma_start3A_529 : memref<128xi32, #tpu.memory_space<vmem>>) semaphore(%dma_start3A_534 : memref<!tpu.dma_semaphore, #tpu.memory_space<semaphore_mem>>)
      %dma_wait3A_535 = arith.constant 8 : i32
      %dma_wait3A_536 = arith.constant 0 : i32
      %dma_wait3A_537 = arith.constant 0 : i32
      %dma_wait3A_538 = arith.constant 0 : i32
      %dma_wait3A_539 = arith.constant 0 : i32
      %dma_wait3A_540 = tpu.memref_slice %arg9[%dma_wait3A_536, %dma_wait3A_538, %dma_wait3A_539] : memref<2x128x128xf32, #tpu.memory_space<vmem>> -> memref<1x128x128xf32, #tpu.memory_space<vmem>>
      %dma_wait3A_541 = tpu.memref_squeeze %dma_wait3A_540 : memref<1x128x128xf32, #tpu.memory_space<vmem>> -> memref<128x128xf32, #tpu.memory_space<vmem>>
      %dma_wait3A_542 = arith.constant 0 : i32
      %dma_wait3A_543 = tpu.memref_slice %arg7[%dma_wait3A_535, %dma_wait3A_542] : memref<16x128xi32, #tpu.memory_space<vmem>> -> memref<1x128xi32, #tpu.memory_space<vmem>>
      %dma_wait3A_544 = tpu.memref_squeeze %dma_wait3A_543 : memref<1x128xi32, #tpu.memory_space<vmem>> -> memref<128xi32, #tpu.memory_space<vmem>>
      %dma_wait3A_545 = arith.constant 0 : i32
      %dma_wait3A_546 = arith.constant 0 : i32
      %dma_wait3A_547 = tpu.memref_slice %arg2[%dma_wait3A_545, %dma_wait3A_546] : memref<10064x128xf32, #tpu.memory_space<hbm>> -> memref<10064x128xf32, #tpu.memory_space<hbm>>
      %dma_wait3A_548 = tpu.memref_slice %arg11[%dma_wait3A_537] : memref<2x!tpu.dma_semaphore, #tpu.memory_space<semaphore_mem>> -> memref<1x!tpu.dma_semaphore, #tpu.memory_space<semaphore_mem>>
      %dma_wait3A_549 = tpu.memref_squeeze %dma_wait3A_548 : memref<1x!tpu.dma_semaphore, #tpu.memory_space<semaphore_mem>> -> memref<!tpu.dma_semaphore, #tpu.memory_space<semaphore_mem>>
      tpu.wait_indirect_dma semaphore(%dma_wait3A_549 : memref<!tpu.dma_semaphore, #tpu.memory_space<semaphore_mem>>) src(%dma_wait3A_547 : memref<10064x128xf32, #tpu.memory_space<hbm>>) dst(%dma_wait3A_541 : memref<128x128xf32, #tpu.memory_space<vmem>>)
      %dma_start3A_550 = arith.constant 0 : i32
      %dma_start3A_551 = arith.constant 8 : i32
      %dma_start3A_552 = arith.constant 0 : i32
      %dma_start3A_553 = arith.constant 0 : i32
      %dma_start3A_554 = arith.constant 0 : i32
      %dma_start3A_555 = tpu.memref_slice %arg9[%dma_start3A_550, %dma_start3A_553, %dma_start3A_554] : memref<2x128x128xf32, #tpu.memory_space<vmem>> -> memref<1x128x128xf32, #tpu.memory_space<vmem>>
      %dma_start3A_556 = tpu.memref_squeeze %dma_start3A_555 : memref<1x128x128xf32, #tpu.memory_space<vmem>> -> memref<128x128xf32, #tpu.memory_space<vmem>>
      %dma_start3A_557 = arith.constant 0 : i32
      %dma_start3A_558 = tpu.memref_slice %arg8[%dma_start3A_551, %dma_start3A_557] : memref<16x128xi32, #tpu.memory_space<vmem>> -> memref<1x128xi32, #tpu.memory_space<vmem>>
      %dma_start3A_559 = tpu.memref_squeeze %dma_start3A_558 : memref<1x128xi32, #tpu.memory_space<vmem>> -> memref<128xi32, #tpu.memory_space<vmem>>
      %dma_start3A_560 = arith.constant 0 : i32
      %dma_start3A_561 = arith.constant 0 : i32
      %dma_start3A_562 = tpu.memref_slice %arg10[%dma_start3A_560, %dma_start3A_561] : memref<10064x128xf32, #tpu.memory_space<vmem_shared>> -> memref<10064x128xf32, #tpu.memory_space<vmem_shared>>
      %dma_start3A_563 = tpu.memref_slice %arg12[%dma_start3A_552] : memref<2x!tpu.dma_semaphore, #tpu.memory_space<semaphore_mem>> -> memref<1x!tpu.dma_semaphore, #tpu.memory_space<semaphore_mem>>
      %dma_start3A_564 = tpu.memref_squeeze %dma_start3A_563 : memref<1x!tpu.dma_semaphore, #tpu.memory_space<semaphore_mem>> -> memref<!tpu.dma_semaphore, #tpu.memory_space<semaphore_mem>>
      tpu.enqueue_indirect_dma source(%dma_start3A_556 : memref<128x128xf32, #tpu.memory_space<vmem>>) target(%dma_start3A_562 : memref<10064x128xf32, #tpu.memory_space<vmem_shared>>) offsets(%dma_start3A_559 : memref<128xi32, #tpu.memory_space<vmem>>) semaphore(%dma_start3A_564 : memref<!tpu.dma_semaphore, #tpu.memory_space<semaphore_mem>>) {add = true}
      %dma_wait3A_565 = arith.constant 0 : i32
      %dma_wait3A_566 = arith.constant 8 : i32
      %dma_wait3A_567 = arith.constant 0 : i32
      %dma_wait3A_568 = arith.constant 0 : i32
      %dma_wait3A_569 = arith.constant 0 : i32
      %dma_wait3A_570 = tpu.memref_slice %arg9[%dma_wait3A_565, %dma_wait3A_568, %dma_wait3A_569] : memref<2x128x128xf32, #tpu.memory_space<vmem>> -> memref<1x128x128xf32, #tpu.memory_space<vmem>>
      %dma_wait3A_571 = tpu.memref_squeeze %dma_wait3A_570 : memref<1x128x128xf32, #tpu.memory_space<vmem>> -> memref<128x128xf32, #tpu.memory_space<vmem>>
      %dma_wait3A_572 = arith.constant 0 : i32
      %dma_wait3A_573 = tpu.memref_slice %arg8[%dma_wait3A_566, %dma_wait3A_572] : memref<16x128xi32, #tpu.memory_space<vmem>> -> memref<1x128xi32, #tpu.memory_space<vmem>>
      %dma_wait3A_574 = tpu.memref_squeeze %dma_wait3A_573 : memref<1x128xi32, #tpu.memory_space<vmem>> -> memref<128xi32, #tpu.memory_space<vmem>>
      %dma_wait3A_575 = arith.constant 0 : i32
      %dma_wait3A_576 = arith.constant 0 : i32
      %dma_wait3A_577 = tpu.memref_slice %arg10[%dma_wait3A_575, %dma_wait3A_576] : memref<10064x128xf32, #tpu.memory_space<vmem_shared>> -> memref<10064x128xf32, #tpu.memory_space<vmem_shared>>
      %dma_wait3A_578 = tpu.memref_slice %arg12[%dma_wait3A_567] : memref<2x!tpu.dma_semaphore, #tpu.memory_space<semaphore_mem>> -> memref<1x!tpu.dma_semaphore, #tpu.memory_space<semaphore_mem>>
      %dma_wait3A_579 = tpu.memref_squeeze %dma_wait3A_578 : memref<1x!tpu.dma_semaphore, #tpu.memory_space<semaphore_mem>> -> memref<!tpu.dma_semaphore, #tpu.memory_space<semaphore_mem>>
      tpu.wait_indirect_dma semaphore(%dma_wait3A_579 : memref<!tpu.dma_semaphore, #tpu.memory_space<semaphore_mem>>) src(%dma_wait3A_571 : memref<128x128xf32, #tpu.memory_space<vmem>>) dst(%dma_wait3A_577 : memref<10064x128xf32, #tpu.memory_space<vmem_shared>>)
      %dma_start3A_580 = arith.constant 10 : i32
      %dma_start3A_581 = arith.constant 0 : i32
      %dma_start3A_582 = arith.constant 0 : i32
      %dma_start3A_583 = arith.constant 0 : i32
      %dma_start3A_584 = arith.constant 0 : i32
      %dma_start3A_585 = tpu.memref_slice %arg9[%dma_start3A_581, %dma_start3A_583, %dma_start3A_584] : memref<2x128x128xf32, #tpu.memory_space<vmem>> -> memref<1x128x128xf32, #tpu.memory_space<vmem>>
      %dma_start3A_586 = tpu.memref_squeeze %dma_start3A_585 : memref<1x128x128xf32, #tpu.memory_space<vmem>> -> memref<128x128xf32, #tpu.memory_space<vmem>>
      %dma_start3A_587 = arith.constant 0 : i32
      %dma_start3A_588 = tpu.memref_slice %arg7[%dma_start3A_580, %dma_start3A_587] : memref<16x128xi32, #tpu.memory_space<vmem>> -> memref<1x128xi32, #tpu.memory_space<vmem>>
      %dma_start3A_589 = tpu.memref_squeeze %dma_start3A_588 : memref<1x128xi32, #tpu.memory_space<vmem>> -> memref<128xi32, #tpu.memory_space<vmem>>
      %dma_start3A_590 = arith.constant 0 : i32
      %dma_start3A_591 = arith.constant 0 : i32
      %dma_start3A_592 = tpu.memref_slice %arg2[%dma_start3A_590, %dma_start3A_591] : memref<10064x128xf32, #tpu.memory_space<hbm>> -> memref<10064x128xf32, #tpu.memory_space<hbm>>
      %dma_start3A_593 = tpu.memref_slice %arg11[%dma_start3A_582] : memref<2x!tpu.dma_semaphore, #tpu.memory_space<semaphore_mem>> -> memref<1x!tpu.dma_semaphore, #tpu.memory_space<semaphore_mem>>
      %dma_start3A_594 = tpu.memref_squeeze %dma_start3A_593 : memref<1x!tpu.dma_semaphore, #tpu.memory_space<semaphore_mem>> -> memref<!tpu.dma_semaphore, #tpu.memory_space<semaphore_mem>>
      tpu.enqueue_indirect_dma source(%dma_start3A_592 : memref<10064x128xf32, #tpu.memory_space<hbm>>) target(%dma_start3A_586 : memref<128x128xf32, #tpu.memory_space<vmem>>) offsets(%dma_start3A_589 : memref<128xi32, #tpu.memory_space<vmem>>) semaphore(%dma_start3A_594 : memref<!tpu.dma_semaphore, #tpu.memory_space<semaphore_mem>>)
      %dma_wait3A_595 = arith.constant 9 : i32
      %dma_wait3A_596 = arith.constant 1 : i32
      %dma_wait3A_597 = arith.constant 1 : i32
      %dma_wait3A_598 = arith.constant 0 : i32
      %dma_wait3A_599 = arith.constant 0 : i32
      %dma_wait3A_600 = tpu.memref_slice %arg9[%dma_wait3A_596, %dma_wait3A_598, %dma_wait3A_599] : memref<2x128x128xf32, #tpu.memory_space<vmem>> -> memref<1x128x128xf32, #tpu.memory_space<vmem>>
      %dma_wait3A_601 = tpu.memref_squeeze %dma_wait3A_600 : memref<1x128x128xf32, #tpu.memory_space<vmem>> -> memref<128x128xf32, #tpu.memory_space<vmem>>
      %dma_wait3A_602 = arith.constant 0 : i32
      %dma_wait3A_603 = tpu.memref_slice %arg7[%dma_wait3A_595, %dma_wait3A_602] : memref<16x128xi32, #tpu.memory_space<vmem>> -> memref<1x128xi32, #tpu.memory_space<vmem>>
      %dma_wait3A_604 = tpu.memref_squeeze %dma_wait3A_603 : memref<1x128xi32, #tpu.memory_space<vmem>> -> memref<128xi32, #tpu.memory_space<vmem>>
      %dma_wait3A_605 = arith.constant 0 : i32
      %dma_wait3A_606 = arith.constant 0 : i32
      %dma_wait3A_607 = tpu.memref_slice %arg2[%dma_wait3A_605, %dma_wait3A_606] : memref<10064x128xf32, #tpu.memory_space<hbm>> -> memref<10064x128xf32, #tpu.memory_space<hbm>>
      %dma_wait3A_608 = tpu.memref_slice %arg11[%dma_wait3A_597] : memref<2x!tpu.dma_semaphore, #tpu.memory_space<semaphore_mem>> -> memref<1x!tpu.dma_semaphore, #tpu.memory_space<semaphore_mem>>
      %dma_wait3A_609 = tpu.memref_squeeze %dma_wait3A_608 : memref<1x!tpu.dma_semaphore, #tpu.memory_space<semaphore_mem>> -> memref<!tpu.dma_semaphore, #tpu.memory_space<semaphore_mem>>
      tpu.wait_indirect_dma semaphore(%dma_wait3A_609 : memref<!tpu.dma_semaphore, #tpu.memory_space<semaphore_mem>>) src(%dma_wait3A_607 : memref<10064x128xf32, #tpu.memory_space<hbm>>) dst(%dma_wait3A_601 : memref<128x128xf32, #tpu.memory_space<vmem>>)
      %dma_start3A_610 = arith.constant 1 : i32
      %dma_start3A_611 = arith.constant 9 : i32
      %dma_start3A_612 = arith.constant 1 : i32
      %dma_start3A_613 = arith.constant 0 : i32
      %dma_start3A_614 = arith.constant 0 : i32
      %dma_start3A_615 = tpu.memref_slice %arg9[%dma_start3A_610, %dma_start3A_613, %dma_start3A_614] : memref<2x128x128xf32, #tpu.memory_space<vmem>> -> memref<1x128x128xf32, #tpu.memory_space<vmem>>
      %dma_start3A_616 = tpu.memref_squeeze %dma_start3A_615 : memref<1x128x128xf32, #tpu.memory_space<vmem>> -> memref<128x128xf32, #tpu.memory_space<vmem>>
      %dma_start3A_617 = arith.constant 0 : i32
      %dma_start3A_618 = tpu.memref_slice %arg8[%dma_start3A_611, %dma_start3A_617] : memref<16x128xi32, #tpu.memory_space<vmem>> -> memref<1x128xi32, #tpu.memory_space<vmem>>
      %dma_start3A_619 = tpu.memref_squeeze %dma_start3A_618 : memref<1x128xi32, #tpu.memory_space<vmem>> -> memref<128xi32, #tpu.memory_space<vmem>>
      %dma_start3A_620 = arith.constant 0 : i32
      %dma_start3A_621 = arith.constant 0 : i32
      %dma_start3A_622 = tpu.memref_slice %arg10[%dma_start3A_620, %dma_start3A_621] : memref<10064x128xf32, #tpu.memory_space<vmem_shared>> -> memref<10064x128xf32, #tpu.memory_space<vmem_shared>>
      %dma_start3A_623 = tpu.memref_slice %arg12[%dma_start3A_612] : memref<2x!tpu.dma_semaphore, #tpu.memory_space<semaphore_mem>> -> memref<1x!tpu.dma_semaphore, #tpu.memory_space<semaphore_mem>>
      %dma_start3A_624 = tpu.memref_squeeze %dma_start3A_623 : memref<1x!tpu.dma_semaphore, #tpu.memory_space<semaphore_mem>> -> memref<!tpu.dma_semaphore, #tpu.memory_space<semaphore_mem>>
      tpu.enqueue_indirect_dma source(%dma_start3A_616 : memref<128x128xf32, #tpu.memory_space<vmem>>) target(%dma_start3A_622 : memref<10064x128xf32, #tpu.memory_space<vmem_shared>>) offsets(%dma_start3A_619 : memref<128xi32, #tpu.memory_space<vmem>>) semaphore(%dma_start3A_624 : memref<!tpu.dma_semaphore, #tpu.memory_space<semaphore_mem>>) {add = true}
      %dma_wait3A_625 = arith.constant 1 : i32
      %dma_wait3A_626 = arith.constant 9 : i32
      %dma_wait3A_627 = arith.constant 1 : i32
      %dma_wait3A_628 = arith.constant 0 : i32
      %dma_wait3A_629 = arith.constant 0 : i32
      %dma_wait3A_630 = tpu.memref_slice %arg9[%dma_wait3A_625, %dma_wait3A_628, %dma_wait3A_629] : memref<2x128x128xf32, #tpu.memory_space<vmem>> -> memref<1x128x128xf32, #tpu.memory_space<vmem>>
      %dma_wait3A_631 = tpu.memref_squeeze %dma_wait3A_630 : memref<1x128x128xf32, #tpu.memory_space<vmem>> -> memref<128x128xf32, #tpu.memory_space<vmem>>
      %dma_wait3A_632 = arith.constant 0 : i32
      %dma_wait3A_633 = tpu.memref_slice %arg8[%dma_wait3A_626, %dma_wait3A_632] : memref<16x128xi32, #tpu.memory_space<vmem>> -> memref<1x128xi32, #tpu.memory_space<vmem>>
      %dma_wait3A_634 = tpu.memref_squeeze %dma_wait3A_633 : memref<1x128xi32, #tpu.memory_space<vmem>> -> memref<128xi32, #tpu.memory_space<vmem>>
      %dma_wait3A_635 = arith.constant 0 : i32
      %dma_wait3A_636 = arith.constant 0 : i32
      %dma_wait3A_637 = tpu.memref_slice %arg10[%dma_wait3A_635, %dma_wait3A_636] : memref<10064x128xf32, #tpu.memory_space<vmem_shared>> -> memref<10064x128xf32, #tpu.memory_space<vmem_shared>>
      %dma_wait3A_638 = tpu.memref_slice %arg12[%dma_wait3A_627] : memref<2x!tpu.dma_semaphore, #tpu.memory_space<semaphore_mem>> -> memref<1x!tpu.dma_semaphore, #tpu.memory_space<semaphore_mem>>
      %dma_wait3A_639 = tpu.memref_squeeze %dma_wait3A_638 : memref<1x!tpu.dma_semaphore, #tpu.memory_space<semaphore_mem>> -> memref<!tpu.dma_semaphore, #tpu.memory_space<semaphore_mem>>
      tpu.wait_indirect_dma semaphore(%dma_wait3A_639 : memref<!tpu.dma_semaphore, #tpu.memory_space<semaphore_mem>>) src(%dma_wait3A_631 : memref<128x128xf32, #tpu.memory_space<vmem>>) dst(%dma_wait3A_637 : memref<10064x128xf32, #tpu.memory_space<vmem_shared>>)
      %dma_start3A_640 = arith.constant 11 : i32
      %dma_start3A_641 = arith.constant 1 : i32
      %dma_start3A_642 = arith.constant 1 : i32
      %dma_start3A_643 = arith.constant 0 : i32
      %dma_start3A_644 = arith.constant 0 : i32
      %dma_start3A_645 = tpu.memref_slice %arg9[%dma_start3A_641, %dma_start3A_643, %dma_start3A_644] : memref<2x128x128xf32, #tpu.memory_space<vmem>> -> memref<1x128x128xf32, #tpu.memory_space<vmem>>
      %dma_start3A_646 = tpu.memref_squeeze %dma_start3A_645 : memref<1x128x128xf32, #tpu.memory_space<vmem>> -> memref<128x128xf32, #tpu.memory_space<vmem>>
      %dma_start3A_647 = arith.constant 0 : i32
      %dma_start3A_648 = tpu.memref_slice %arg7[%dma_start3A_640, %dma_start3A_647] : memref<16x128xi32, #tpu.memory_space<vmem>> -> memref<1x128xi32, #tpu.memory_space<vmem>>
      %dma_start3A_649 = tpu.memref_squeeze %dma_start3A_648 : memref<1x128xi32, #tpu.memory_space<vmem>> -> memref<128xi32, #tpu.memory_space<vmem>>
      %dma_start3A_650 = arith.constant 0 : i32
      %dma_start3A_651 = arith.constant 0 : i32
      %dma_start3A_652 = tpu.memref_slice %arg2[%dma_start3A_650, %dma_start3A_651] : memref<10064x128xf32, #tpu.memory_space<hbm>> -> memref<10064x128xf32, #tpu.memory_space<hbm>>
      %dma_start3A_653 = tpu.memref_slice %arg11[%dma_start3A_642] : memref<2x!tpu.dma_semaphore, #tpu.memory_space<semaphore_mem>> -> memref<1x!tpu.dma_semaphore, #tpu.memory_space<semaphore_mem>>
      %dma_start3A_654 = tpu.memref_squeeze %dma_start3A_653 : memref<1x!tpu.dma_semaphore, #tpu.memory_space<semaphore_mem>> -> memref<!tpu.dma_semaphore, #tpu.memory_space<semaphore_mem>>
      tpu.enqueue_indirect_dma source(%dma_start3A_652 : memref<10064x128xf32, #tpu.memory_space<hbm>>) target(%dma_start3A_646 : memref<128x128xf32, #tpu.memory_space<vmem>>) offsets(%dma_start3A_649 : memref<128xi32, #tpu.memory_space<vmem>>) semaphore(%dma_start3A_654 : memref<!tpu.dma_semaphore, #tpu.memory_space<semaphore_mem>>)
      %dma_wait3A_655 = arith.constant 10 : i32
      %dma_wait3A_656 = arith.constant 0 : i32
      %dma_wait3A_657 = arith.constant 0 : i32
      %dma_wait3A_658 = arith.constant 0 : i32
      %dma_wait3A_659 = arith.constant 0 : i32
      %dma_wait3A_660 = tpu.memref_slice %arg9[%dma_wait3A_656, %dma_wait3A_658, %dma_wait3A_659] : memref<2x128x128xf32, #tpu.memory_space<vmem>> -> memref<1x128x128xf32, #tpu.memory_space<vmem>>
      %dma_wait3A_661 = tpu.memref_squeeze %dma_wait3A_660 : memref<1x128x128xf32, #tpu.memory_space<vmem>> -> memref<128x128xf32, #tpu.memory_space<vmem>>
      %dma_wait3A_662 = arith.constant 0 : i32
      %dma_wait3A_663 = tpu.memref_slice %arg7[%dma_wait3A_655, %dma_wait3A_662] : memref<16x128xi32, #tpu.memory_space<vmem>> -> memref<1x128xi32, #tpu.memory_space<vmem>>
      %dma_wait3A_664 = tpu.memref_squeeze %dma_wait3A_663 : memref<1x128xi32, #tpu.memory_space<vmem>> -> memref<128xi32, #tpu.memory_space<vmem>>
      %dma_wait3A_665 = arith.constant 0 : i32
      %dma_wait3A_666 = arith.constant 0 : i32
      %dma_wait3A_667 = tpu.memref_slice %arg2[%dma_wait3A_665, %dma_wait3A_666] : memref<10064x128xf32, #tpu.memory_space<hbm>> -> memref<10064x128xf32, #tpu.memory_space<hbm>>
      %dma_wait3A_668 = tpu.memref_slice %arg11[%dma_wait3A_657] : memref<2x!tpu.dma_semaphore, #tpu.memory_space<semaphore_mem>> -> memref<1x!tpu.dma_semaphore, #tpu.memory_space<semaphore_mem>>
      %dma_wait3A_669 = tpu.memref_squeeze %dma_wait3A_668 : memref<1x!tpu.dma_semaphore, #tpu.memory_space<semaphore_mem>> -> memref<!tpu.dma_semaphore, #tpu.memory_space<semaphore_mem>>
      tpu.wait_indirect_dma semaphore(%dma_wait3A_669 : memref<!tpu.dma_semaphore, #tpu.memory_space<semaphore_mem>>) src(%dma_wait3A_667 : memref<10064x128xf32, #tpu.memory_space<hbm>>) dst(%dma_wait3A_661 : memref<128x128xf32, #tpu.memory_space<vmem>>)
      %dma_start3A_670 = arith.constant 0 : i32
      %dma_start3A_671 = arith.constant 10 : i32
      %dma_start3A_672 = arith.constant 0 : i32
      %dma_start3A_673 = arith.constant 0 : i32
      %dma_start3A_674 = arith.constant 0 : i32
      %dma_start3A_675 = tpu.memref_slice %arg9[%dma_start3A_670, %dma_start3A_673, %dma_start3A_674] : memref<2x128x128xf32, #tpu.memory_space<vmem>> -> memref<1x128x128xf32, #tpu.memory_space<vmem>>
      %dma_start3A_676 = tpu.memref_squeeze %dma_start3A_675 : memref<1x128x128xf32, #tpu.memory_space<vmem>> -> memref<128x128xf32, #tpu.memory_space<vmem>>
      %dma_start3A_677 = arith.constant 0 : i32
      %dma_start3A_678 = tpu.memref_slice %arg8[%dma_start3A_671, %dma_start3A_677] : memref<16x128xi32, #tpu.memory_space<vmem>> -> memref<1x128xi32, #tpu.memory_space<vmem>>
      %dma_start3A_679 = tpu.memref_squeeze %dma_start3A_678 : memref<1x128xi32, #tpu.memory_space<vmem>> -> memref<128xi32, #tpu.memory_space<vmem>>
      %dma_start3A_680 = arith.constant 0 : i32
      %dma_start3A_681 = arith.constant 0 : i32
      %dma_start3A_682 = tpu.memref_slice %arg10[%dma_start3A_680, %dma_start3A_681] : memref<10064x128xf32, #tpu.memory_space<vmem_shared>> -> memref<10064x128xf32, #tpu.memory_space<vmem_shared>>
      %dma_start3A_683 = tpu.memref_slice %arg12[%dma_start3A_672] : memref<2x!tpu.dma_semaphore, #tpu.memory_space<semaphore_mem>> -> memref<1x!tpu.dma_semaphore, #tpu.memory_space<semaphore_mem>>
      %dma_start3A_684 = tpu.memref_squeeze %dma_start3A_683 : memref<1x!tpu.dma_semaphore, #tpu.memory_space<semaphore_mem>> -> memref<!tpu.dma_semaphore, #tpu.memory_space<semaphore_mem>>
      tpu.enqueue_indirect_dma source(%dma_start3A_676 : memref<128x128xf32, #tpu.memory_space<vmem>>) target(%dma_start3A_682 : memref<10064x128xf32, #tpu.memory_space<vmem_shared>>) offsets(%dma_start3A_679 : memref<128xi32, #tpu.memory_space<vmem>>) semaphore(%dma_start3A_684 : memref<!tpu.dma_semaphore, #tpu.memory_space<semaphore_mem>>) {add = true}
      %dma_wait3A_685 = arith.constant 0 : i32
      %dma_wait3A_686 = arith.constant 10 : i32
      %dma_wait3A_687 = arith.constant 0 : i32
      %dma_wait3A_688 = arith.constant 0 : i32
      %dma_wait3A_689 = arith.constant 0 : i32
      %dma_wait3A_690 = tpu.memref_slice %arg9[%dma_wait3A_685, %dma_wait3A_688, %dma_wait3A_689] : memref<2x128x128xf32, #tpu.memory_space<vmem>> -> memref<1x128x128xf32, #tpu.memory_space<vmem>>
      %dma_wait3A_691 = tpu.memref_squeeze %dma_wait3A_690 : memref<1x128x128xf32, #tpu.memory_space<vmem>> -> memref<128x128xf32, #tpu.memory_space<vmem>>
      %dma_wait3A_692 = arith.constant 0 : i32
      %dma_wait3A_693 = tpu.memref_slice %arg8[%dma_wait3A_686, %dma_wait3A_692] : memref<16x128xi32, #tpu.memory_space<vmem>> -> memref<1x128xi32, #tpu.memory_space<vmem>>
      %dma_wait3A_694 = tpu.memref_squeeze %dma_wait3A_693 : memref<1x128xi32, #tpu.memory_space<vmem>> -> memref<128xi32, #tpu.memory_space<vmem>>
      %dma_wait3A_695 = arith.constant 0 : i32
      %dma_wait3A_696 = arith.constant 0 : i32
      %dma_wait3A_697 = tpu.memref_slice %arg10[%dma_wait3A_695, %dma_wait3A_696] : memref<10064x128xf32, #tpu.memory_space<vmem_shared>> -> memref<10064x128xf32, #tpu.memory_space<vmem_shared>>
      %dma_wait3A_698 = tpu.memref_slice %arg12[%dma_wait3A_687] : memref<2x!tpu.dma_semaphore, #tpu.memory_space<semaphore_mem>> -> memref<1x!tpu.dma_semaphore, #tpu.memory_space<semaphore_mem>>
      %dma_wait3A_699 = tpu.memref_squeeze %dma_wait3A_698 : memref<1x!tpu.dma_semaphore, #tpu.memory_space<semaphore_mem>> -> memref<!tpu.dma_semaphore, #tpu.memory_space<semaphore_mem>>
      tpu.wait_indirect_dma semaphore(%dma_wait3A_699 : memref<!tpu.dma_semaphore, #tpu.memory_space<semaphore_mem>>) src(%dma_wait3A_691 : memref<128x128xf32, #tpu.memory_space<vmem>>) dst(%dma_wait3A_697 : memref<10064x128xf32, #tpu.memory_space<vmem_shared>>)
      %dma_start3A_700 = arith.constant 12 : i32
      %dma_start3A_701 = arith.constant 0 : i32
      %dma_start3A_702 = arith.constant 0 : i32
      %dma_start3A_703 = arith.constant 0 : i32
      %dma_start3A_704 = arith.constant 0 : i32
      %dma_start3A_705 = tpu.memref_slice %arg9[%dma_start3A_701, %dma_start3A_703, %dma_start3A_704] : memref<2x128x128xf32, #tpu.memory_space<vmem>> -> memref<1x128x128xf32, #tpu.memory_space<vmem>>
      %dma_start3A_706 = tpu.memref_squeeze %dma_start3A_705 : memref<1x128x128xf32, #tpu.memory_space<vmem>> -> memref<128x128xf32, #tpu.memory_space<vmem>>
      %dma_start3A_707 = arith.constant 0 : i32
      %dma_start3A_708 = tpu.memref_slice %arg7[%dma_start3A_700, %dma_start3A_707] : memref<16x128xi32, #tpu.memory_space<vmem>> -> memref<1x128xi32, #tpu.memory_space<vmem>>
      %dma_start3A_709 = tpu.memref_squeeze %dma_start3A_708 : memref<1x128xi32, #tpu.memory_space<vmem>> -> memref<128xi32, #tpu.memory_space<vmem>>
      %dma_start3A_710 = arith.constant 0 : i32
      %dma_start3A_711 = arith.constant 0 : i32
      %dma_start3A_712 = tpu.memref_slice %arg2[%dma_start3A_710, %dma_start3A_711] : memref<10064x128xf32, #tpu.memory_space<hbm>> -> memref<10064x128xf32, #tpu.memory_space<hbm>>
      %dma_start3A_713 = tpu.memref_slice %arg11[%dma_start3A_702] : memref<2x!tpu.dma_semaphore, #tpu.memory_space<semaphore_mem>> -> memref<1x!tpu.dma_semaphore, #tpu.memory_space<semaphore_mem>>
      %dma_start3A_714 = tpu.memref_squeeze %dma_start3A_713 : memref<1x!tpu.dma_semaphore, #tpu.memory_space<semaphore_mem>> -> memref<!tpu.dma_semaphore, #tpu.memory_space<semaphore_mem>>
      tpu.enqueue_indirect_dma source(%dma_start3A_712 : memref<10064x128xf32, #tpu.memory_space<hbm>>) target(%dma_start3A_706 : memref<128x128xf32, #tpu.memory_space<vmem>>) offsets(%dma_start3A_709 : memref<128xi32, #tpu.memory_space<vmem>>) semaphore(%dma_start3A_714 : memref<!tpu.dma_semaphore, #tpu.memory_space<semaphore_mem>>)
      %dma_wait3A_715 = arith.constant 11 : i32
      %dma_wait3A_716 = arith.constant 1 : i32
      %dma_wait3A_717 = arith.constant 1 : i32
      %dma_wait3A_718 = arith.constant 0 : i32
      %dma_wait3A_719 = arith.constant 0 : i32
      %dma_wait3A_720 = tpu.memref_slice %arg9[%dma_wait3A_716, %dma_wait3A_718, %dma_wait3A_719] : memref<2x128x128xf32, #tpu.memory_space<vmem>> -> memref<1x128x128xf32, #tpu.memory_space<vmem>>
      %dma_wait3A_721 = tpu.memref_squeeze %dma_wait3A_720 : memref<1x128x128xf32, #tpu.memory_space<vmem>> -> memref<128x128xf32, #tpu.memory_space<vmem>>
      %dma_wait3A_722 = arith.constant 0 : i32
      %dma_wait3A_723 = tpu.memref_slice %arg7[%dma_wait3A_715, %dma_wait3A_722] : memref<16x128xi32, #tpu.memory_space<vmem>> -> memref<1x128xi32, #tpu.memory_space<vmem>>
      %dma_wait3A_724 = tpu.memref_squeeze %dma_wait3A_723 : memref<1x128xi32, #tpu.memory_space<vmem>> -> memref<128xi32, #tpu.memory_space<vmem>>
      %dma_wait3A_725 = arith.constant 0 : i32
      %dma_wait3A_726 = arith.constant 0 : i32
      %dma_wait3A_727 = tpu.memref_slice %arg2[%dma_wait3A_725, %dma_wait3A_726] : memref<10064x128xf32, #tpu.memory_space<hbm>> -> memref<10064x128xf32, #tpu.memory_space<hbm>>
      %dma_wait3A_728 = tpu.memref_slice %arg11[%dma_wait3A_717] : memref<2x!tpu.dma_semaphore, #tpu.memory_space<semaphore_mem>> -> memref<1x!tpu.dma_semaphore, #tpu.memory_space<semaphore_mem>>
      %dma_wait3A_729 = tpu.memref_squeeze %dma_wait3A_728 : memref<1x!tpu.dma_semaphore, #tpu.memory_space<semaphore_mem>> -> memref<!tpu.dma_semaphore, #tpu.memory_space<semaphore_mem>>
      tpu.wait_indirect_dma semaphore(%dma_wait3A_729 : memref<!tpu.dma_semaphore, #tpu.memory_space<semaphore_mem>>) src(%dma_wait3A_727 : memref<10064x128xf32, #tpu.memory_space<hbm>>) dst(%dma_wait3A_721 : memref<128x128xf32, #tpu.memory_space<vmem>>)
      %dma_start3A_730 = arith.constant 1 : i32
      %dma_start3A_731 = arith.constant 11 : i32
      %dma_start3A_732 = arith.constant 1 : i32
      %dma_start3A_733 = arith.constant 0 : i32
      %dma_start3A_734 = arith.constant 0 : i32
      %dma_start3A_735 = tpu.memref_slice %arg9[%dma_start3A_730, %dma_start3A_733, %dma_start3A_734] : memref<2x128x128xf32, #tpu.memory_space<vmem>> -> memref<1x128x128xf32, #tpu.memory_space<vmem>>
      %dma_start3A_736 = tpu.memref_squeeze %dma_start3A_735 : memref<1x128x128xf32, #tpu.memory_space<vmem>> -> memref<128x128xf32, #tpu.memory_space<vmem>>
      %dma_start3A_737 = arith.constant 0 : i32
      %dma_start3A_738 = tpu.memref_slice %arg8[%dma_start3A_731, %dma_start3A_737] : memref<16x128xi32, #tpu.memory_space<vmem>> -> memref<1x128xi32, #tpu.memory_space<vmem>>
      %dma_start3A_739 = tpu.memref_squeeze %dma_start3A_738 : memref<1x128xi32, #tpu.memory_space<vmem>> -> memref<128xi32, #tpu.memory_space<vmem>>
      %dma_start3A_740 = arith.constant 0 : i32
      %dma_start3A_741 = arith.constant 0 : i32
      %dma_start3A_742 = tpu.memref_slice %arg10[%dma_start3A_740, %dma_start3A_741] : memref<10064x128xf32, #tpu.memory_space<vmem_shared>> -> memref<10064x128xf32, #tpu.memory_space<vmem_shared>>
      %dma_start3A_743 = tpu.memref_slice %arg12[%dma_start3A_732] : memref<2x!tpu.dma_semaphore, #tpu.memory_space<semaphore_mem>> -> memref<1x!tpu.dma_semaphore, #tpu.memory_space<semaphore_mem>>
      %dma_start3A_744 = tpu.memref_squeeze %dma_start3A_743 : memref<1x!tpu.dma_semaphore, #tpu.memory_space<semaphore_mem>> -> memref<!tpu.dma_semaphore, #tpu.memory_space<semaphore_mem>>
      tpu.enqueue_indirect_dma source(%dma_start3A_736 : memref<128x128xf32, #tpu.memory_space<vmem>>) target(%dma_start3A_742 : memref<10064x128xf32, #tpu.memory_space<vmem_shared>>) offsets(%dma_start3A_739 : memref<128xi32, #tpu.memory_space<vmem>>) semaphore(%dma_start3A_744 : memref<!tpu.dma_semaphore, #tpu.memory_space<semaphore_mem>>) {add = true}
      %dma_wait3A_745 = arith.constant 1 : i32
      %dma_wait3A_746 = arith.constant 11 : i32
      %dma_wait3A_747 = arith.constant 1 : i32
      %dma_wait3A_748 = arith.constant 0 : i32
      %dma_wait3A_749 = arith.constant 0 : i32
      %dma_wait3A_750 = tpu.memref_slice %arg9[%dma_wait3A_745, %dma_wait3A_748, %dma_wait3A_749] : memref<2x128x128xf32, #tpu.memory_space<vmem>> -> memref<1x128x128xf32, #tpu.memory_space<vmem>>
      %dma_wait3A_751 = tpu.memref_squeeze %dma_wait3A_750 : memref<1x128x128xf32, #tpu.memory_space<vmem>> -> memref<128x128xf32, #tpu.memory_space<vmem>>
      %dma_wait3A_752 = arith.constant 0 : i32
      %dma_wait3A_753 = tpu.memref_slice %arg8[%dma_wait3A_746, %dma_wait3A_752] : memref<16x128xi32, #tpu.memory_space<vmem>> -> memref<1x128xi32, #tpu.memory_space<vmem>>
      %dma_wait3A_754 = tpu.memref_squeeze %dma_wait3A_753 : memref<1x128xi32, #tpu.memory_space<vmem>> -> memref<128xi32, #tpu.memory_space<vmem>>
      %dma_wait3A_755 = arith.constant 0 : i32
      %dma_wait3A_756 = arith.constant 0 : i32
      %dma_wait3A_757 = tpu.memref_slice %arg10[%dma_wait3A_755, %dma_wait3A_756] : memref<10064x128xf32, #tpu.memory_space<vmem_shared>> -> memref<10064x128xf32, #tpu.memory_space<vmem_shared>>
      %dma_wait3A_758 = tpu.memref_slice %arg12[%dma_wait3A_747] : memref<2x!tpu.dma_semaphore, #tpu.memory_space<semaphore_mem>> -> memref<1x!tpu.dma_semaphore, #tpu.memory_space<semaphore_mem>>
      %dma_wait3A_759 = tpu.memref_squeeze %dma_wait3A_758 : memref<1x!tpu.dma_semaphore, #tpu.memory_space<semaphore_mem>> -> memref<!tpu.dma_semaphore, #tpu.memory_space<semaphore_mem>>
      tpu.wait_indirect_dma semaphore(%dma_wait3A_759 : memref<!tpu.dma_semaphore, #tpu.memory_space<semaphore_mem>>) src(%dma_wait3A_751 : memref<128x128xf32, #tpu.memory_space<vmem>>) dst(%dma_wait3A_757 : memref<10064x128xf32, #tpu.memory_space<vmem_shared>>)
      %dma_start3A_760 = arith.constant 13 : i32
      %dma_start3A_761 = arith.constant 1 : i32
      %dma_start3A_762 = arith.constant 1 : i32
      %dma_start3A_763 = arith.constant 0 : i32
      %dma_start3A_764 = arith.constant 0 : i32
      %dma_start3A_765 = tpu.memref_slice %arg9[%dma_start3A_761, %dma_start3A_763, %dma_start3A_764] : memref<2x128x128xf32, #tpu.memory_space<vmem>> -> memref<1x128x128xf32, #tpu.memory_space<vmem>>
      %dma_start3A_766 = tpu.memref_squeeze %dma_start3A_765 : memref<1x128x128xf32, #tpu.memory_space<vmem>> -> memref<128x128xf32, #tpu.memory_space<vmem>>
      %dma_start3A_767 = arith.constant 0 : i32
      %dma_start3A_768 = tpu.memref_slice %arg7[%dma_start3A_760, %dma_start3A_767] : memref<16x128xi32, #tpu.memory_space<vmem>> -> memref<1x128xi32, #tpu.memory_space<vmem>>
      %dma_start3A_769 = tpu.memref_squeeze %dma_start3A_768 : memref<1x128xi32, #tpu.memory_space<vmem>> -> memref<128xi32, #tpu.memory_space<vmem>>
      %dma_start3A_770 = arith.constant 0 : i32
      %dma_start3A_771 = arith.constant 0 : i32
      %dma_start3A_772 = tpu.memref_slice %arg2[%dma_start3A_770, %dma_start3A_771] : memref<10064x128xf32, #tpu.memory_space<hbm>> -> memref<10064x128xf32, #tpu.memory_space<hbm>>
      %dma_start3A_773 = tpu.memref_slice %arg11[%dma_start3A_762] : memref<2x!tpu.dma_semaphore, #tpu.memory_space<semaphore_mem>> -> memref<1x!tpu.dma_semaphore, #tpu.memory_space<semaphore_mem>>
      %dma_start3A_774 = tpu.memref_squeeze %dma_start3A_773 : memref<1x!tpu.dma_semaphore, #tpu.memory_space<semaphore_mem>> -> memref<!tpu.dma_semaphore, #tpu.memory_space<semaphore_mem>>
      tpu.enqueue_indirect_dma source(%dma_start3A_772 : memref<10064x128xf32, #tpu.memory_space<hbm>>) target(%dma_start3A_766 : memref<128x128xf32, #tpu.memory_space<vmem>>) offsets(%dma_start3A_769 : memref<128xi32, #tpu.memory_space<vmem>>) semaphore(%dma_start3A_774 : memref<!tpu.dma_semaphore, #tpu.memory_space<semaphore_mem>>)
      %dma_wait3A_775 = arith.constant 12 : i32
      %dma_wait3A_776 = arith.constant 0 : i32
      %dma_wait3A_777 = arith.constant 0 : i32
      %dma_wait3A_778 = arith.constant 0 : i32
      %dma_wait3A_779 = arith.constant 0 : i32
      %dma_wait3A_780 = tpu.memref_slice %arg9[%dma_wait3A_776, %dma_wait3A_778, %dma_wait3A_779] : memref<2x128x128xf32, #tpu.memory_space<vmem>> -> memref<1x128x128xf32, #tpu.memory_space<vmem>>
      %dma_wait3A_781 = tpu.memref_squeeze %dma_wait3A_780 : memref<1x128x128xf32, #tpu.memory_space<vmem>> -> memref<128x128xf32, #tpu.memory_space<vmem>>
      %dma_wait3A_782 = arith.constant 0 : i32
      %dma_wait3A_783 = tpu.memref_slice %arg7[%dma_wait3A_775, %dma_wait3A_782] : memref<16x128xi32, #tpu.memory_space<vmem>> -> memref<1x128xi32, #tpu.memory_space<vmem>>
      %dma_wait3A_784 = tpu.memref_squeeze %dma_wait3A_783 : memref<1x128xi32, #tpu.memory_space<vmem>> -> memref<128xi32, #tpu.memory_space<vmem>>
      %dma_wait3A_785 = arith.constant 0 : i32
      %dma_wait3A_786 = arith.constant 0 : i32
      %dma_wait3A_787 = tpu.memref_slice %arg2[%dma_wait3A_785, %dma_wait3A_786] : memref<10064x128xf32, #tpu.memory_space<hbm>> -> memref<10064x128xf32, #tpu.memory_space<hbm>>
      %dma_wait3A_788 = tpu.memref_slice %arg11[%dma_wait3A_777] : memref<2x!tpu.dma_semaphore, #tpu.memory_space<semaphore_mem>> -> memref<1x!tpu.dma_semaphore, #tpu.memory_space<semaphore_mem>>
      %dma_wait3A_789 = tpu.memref_squeeze %dma_wait3A_788 : memref<1x!tpu.dma_semaphore, #tpu.memory_space<semaphore_mem>> -> memref<!tpu.dma_semaphore, #tpu.memory_space<semaphore_mem>>
      tpu.wait_indirect_dma semaphore(%dma_wait3A_789 : memref<!tpu.dma_semaphore, #tpu.memory_space<semaphore_mem>>) src(%dma_wait3A_787 : memref<10064x128xf32, #tpu.memory_space<hbm>>) dst(%dma_wait3A_781 : memref<128x128xf32, #tpu.memory_space<vmem>>)
      %dma_start3A_790 = arith.constant 0 : i32
      %dma_start3A_791 = arith.constant 12 : i32
      %dma_start3A_792 = arith.constant 0 : i32
      %dma_start3A_793 = arith.constant 0 : i32
      %dma_start3A_794 = arith.constant 0 : i32
      %dma_start3A_795 = tpu.memref_slice %arg9[%dma_start3A_790, %dma_start3A_793, %dma_start3A_794] : memref<2x128x128xf32, #tpu.memory_space<vmem>> -> memref<1x128x128xf32, #tpu.memory_space<vmem>>
      %dma_start3A_796 = tpu.memref_squeeze %dma_start3A_795 : memref<1x128x128xf32, #tpu.memory_space<vmem>> -> memref<128x128xf32, #tpu.memory_space<vmem>>
      %dma_start3A_797 = arith.constant 0 : i32
      %dma_start3A_798 = tpu.memref_slice %arg8[%dma_start3A_791, %dma_start3A_797] : memref<16x128xi32, #tpu.memory_space<vmem>> -> memref<1x128xi32, #tpu.memory_space<vmem>>
      %dma_start3A_799 = tpu.memref_squeeze %dma_start3A_798 : memref<1x128xi32, #tpu.memory_space<vmem>> -> memref<128xi32, #tpu.memory_space<vmem>>
      %dma_start3A_800 = arith.constant 0 : i32
      %dma_start3A_801 = arith.constant 0 : i32
      %dma_start3A_802 = tpu.memref_slice %arg10[%dma_start3A_800, %dma_start3A_801] : memref<10064x128xf32, #tpu.memory_space<vmem_shared>> -> memref<10064x128xf32, #tpu.memory_space<vmem_shared>>
      %dma_start3A_803 = tpu.memref_slice %arg12[%dma_start3A_792] : memref<2x!tpu.dma_semaphore, #tpu.memory_space<semaphore_mem>> -> memref<1x!tpu.dma_semaphore, #tpu.memory_space<semaphore_mem>>
      %dma_start3A_804 = tpu.memref_squeeze %dma_start3A_803 : memref<1x!tpu.dma_semaphore, #tpu.memory_space<semaphore_mem>> -> memref<!tpu.dma_semaphore, #tpu.memory_space<semaphore_mem>>
      tpu.enqueue_indirect_dma source(%dma_start3A_796 : memref<128x128xf32, #tpu.memory_space<vmem>>) target(%dma_start3A_802 : memref<10064x128xf32, #tpu.memory_space<vmem_shared>>) offsets(%dma_start3A_799 : memref<128xi32, #tpu.memory_space<vmem>>) semaphore(%dma_start3A_804 : memref<!tpu.dma_semaphore, #tpu.memory_space<semaphore_mem>>) {add = true}
      %dma_wait3A_805 = arith.constant 0 : i32
      %dma_wait3A_806 = arith.constant 12 : i32
      %dma_wait3A_807 = arith.constant 0 : i32
      %dma_wait3A_808 = arith.constant 0 : i32
      %dma_wait3A_809 = arith.constant 0 : i32
      %dma_wait3A_810 = tpu.memref_slice %arg9[%dma_wait3A_805, %dma_wait3A_808, %dma_wait3A_809] : memref<2x128x128xf32, #tpu.memory_space<vmem>> -> memref<1x128x128xf32, #tpu.memory_space<vmem>>
      %dma_wait3A_811 = tpu.memref_squeeze %dma_wait3A_810 : memref<1x128x128xf32, #tpu.memory_space<vmem>> -> memref<128x128xf32, #tpu.memory_space<vmem>>
      %dma_wait3A_812 = arith.constant 0 : i32
      %dma_wait3A_813 = tpu.memref_slice %arg8[%dma_wait3A_806, %dma_wait3A_812] : memref<16x128xi32, #tpu.memory_space<vmem>> -> memref<1x128xi32, #tpu.memory_space<vmem>>
      %dma_wait3A_814 = tpu.memref_squeeze %dma_wait3A_813 : memref<1x128xi32, #tpu.memory_space<vmem>> -> memref<128xi32, #tpu.memory_space<vmem>>
      %dma_wait3A_815 = arith.constant 0 : i32
      %dma_wait3A_816 = arith.constant 0 : i32
      %dma_wait3A_817 = tpu.memref_slice %arg10[%dma_wait3A_815, %dma_wait3A_816] : memref<10064x128xf32, #tpu.memory_space<vmem_shared>> -> memref<10064x128xf32, #tpu.memory_space<vmem_shared>>
      %dma_wait3A_818 = tpu.memref_slice %arg12[%dma_wait3A_807] : memref<2x!tpu.dma_semaphore, #tpu.memory_space<semaphore_mem>> -> memref<1x!tpu.dma_semaphore, #tpu.memory_space<semaphore_mem>>
      %dma_wait3A_819 = tpu.memref_squeeze %dma_wait3A_818 : memref<1x!tpu.dma_semaphore, #tpu.memory_space<semaphore_mem>> -> memref<!tpu.dma_semaphore, #tpu.memory_space<semaphore_mem>>
      tpu.wait_indirect_dma semaphore(%dma_wait3A_819 : memref<!tpu.dma_semaphore, #tpu.memory_space<semaphore_mem>>) src(%dma_wait3A_811 : memref<128x128xf32, #tpu.memory_space<vmem>>) dst(%dma_wait3A_817 : memref<10064x128xf32, #tpu.memory_space<vmem_shared>>)
      %dma_start3A_820 = arith.constant 14 : i32
      %dma_start3A_821 = arith.constant 0 : i32
      %dma_start3A_822 = arith.constant 0 : i32
      %dma_start3A_823 = arith.constant 0 : i32
      %dma_start3A_824 = arith.constant 0 : i32
      %dma_start3A_825 = tpu.memref_slice %arg9[%dma_start3A_821, %dma_start3A_823, %dma_start3A_824] : memref<2x128x128xf32, #tpu.memory_space<vmem>> -> memref<1x128x128xf32, #tpu.memory_space<vmem>>
      %dma_start3A_826 = tpu.memref_squeeze %dma_start3A_825 : memref<1x128x128xf32, #tpu.memory_space<vmem>> -> memref<128x128xf32, #tpu.memory_space<vmem>>
      %dma_start3A_827 = arith.constant 0 : i32
      %dma_start3A_828 = tpu.memref_slice %arg7[%dma_start3A_820, %dma_start3A_827] : memref<16x128xi32, #tpu.memory_space<vmem>> -> memref<1x128xi32, #tpu.memory_space<vmem>>
      %dma_start3A_829 = tpu.memref_squeeze %dma_start3A_828 : memref<1x128xi32, #tpu.memory_space<vmem>> -> memref<128xi32, #tpu.memory_space<vmem>>
      %dma_start3A_830 = arith.constant 0 : i32
      %dma_start3A_831 = arith.constant 0 : i32
      %dma_start3A_832 = tpu.memref_slice %arg2[%dma_start3A_830, %dma_start3A_831] : memref<10064x128xf32, #tpu.memory_space<hbm>> -> memref<10064x128xf32, #tpu.memory_space<hbm>>
      %dma_start3A_833 = tpu.memref_slice %arg11[%dma_start3A_822] : memref<2x!tpu.dma_semaphore, #tpu.memory_space<semaphore_mem>> -> memref<1x!tpu.dma_semaphore, #tpu.memory_space<semaphore_mem>>
      %dma_start3A_834 = tpu.memref_squeeze %dma_start3A_833 : memref<1x!tpu.dma_semaphore, #tpu.memory_space<semaphore_mem>> -> memref<!tpu.dma_semaphore, #tpu.memory_space<semaphore_mem>>
      tpu.enqueue_indirect_dma source(%dma_start3A_832 : memref<10064x128xf32, #tpu.memory_space<hbm>>) target(%dma_start3A_826 : memref<128x128xf32, #tpu.memory_space<vmem>>) offsets(%dma_start3A_829 : memref<128xi32, #tpu.memory_space<vmem>>) semaphore(%dma_start3A_834 : memref<!tpu.dma_semaphore, #tpu.memory_space<semaphore_mem>>)
      %dma_wait3A_835 = arith.constant 13 : i32
      %dma_wait3A_836 = arith.constant 1 : i32
      %dma_wait3A_837 = arith.constant 1 : i32
      %dma_wait3A_838 = arith.constant 0 : i32
      %dma_wait3A_839 = arith.constant 0 : i32
      %dma_wait3A_840 = tpu.memref_slice %arg9[%dma_wait3A_836, %dma_wait3A_838, %dma_wait3A_839] : memref<2x128x128xf32, #tpu.memory_space<vmem>> -> memref<1x128x128xf32, #tpu.memory_space<vmem>>
      %dma_wait3A_841 = tpu.memref_squeeze %dma_wait3A_840 : memref<1x128x128xf32, #tpu.memory_space<vmem>> -> memref<128x128xf32, #tpu.memory_space<vmem>>
      %dma_wait3A_842 = arith.constant 0 : i32
      %dma_wait3A_843 = tpu.memref_slice %arg7[%dma_wait3A_835, %dma_wait3A_842] : memref<16x128xi32, #tpu.memory_space<vmem>> -> memref<1x128xi32, #tpu.memory_space<vmem>>
      %dma_wait3A_844 = tpu.memref_squeeze %dma_wait3A_843 : memref<1x128xi32, #tpu.memory_space<vmem>> -> memref<128xi32, #tpu.memory_space<vmem>>
      %dma_wait3A_845 = arith.constant 0 : i32
      %dma_wait3A_846 = arith.constant 0 : i32
      %dma_wait3A_847 = tpu.memref_slice %arg2[%dma_wait3A_845, %dma_wait3A_846] : memref<10064x128xf32, #tpu.memory_space<hbm>> -> memref<10064x128xf32, #tpu.memory_space<hbm>>
      %dma_wait3A_848 = tpu.memref_slice %arg11[%dma_wait3A_837] : memref<2x!tpu.dma_semaphore, #tpu.memory_space<semaphore_mem>> -> memref<1x!tpu.dma_semaphore, #tpu.memory_space<semaphore_mem>>
      %dma_wait3A_849 = tpu.memref_squeeze %dma_wait3A_848 : memref<1x!tpu.dma_semaphore, #tpu.memory_space<semaphore_mem>> -> memref<!tpu.dma_semaphore, #tpu.memory_space<semaphore_mem>>
      tpu.wait_indirect_dma semaphore(%dma_wait3A_849 : memref<!tpu.dma_semaphore, #tpu.memory_space<semaphore_mem>>) src(%dma_wait3A_847 : memref<10064x128xf32, #tpu.memory_space<hbm>>) dst(%dma_wait3A_841 : memref<128x128xf32, #tpu.memory_space<vmem>>)
      %dma_start3A_850 = arith.constant 1 : i32
      %dma_start3A_851 = arith.constant 13 : i32
      %dma_start3A_852 = arith.constant 1 : i32
      %dma_start3A_853 = arith.constant 0 : i32
      %dma_start3A_854 = arith.constant 0 : i32
      %dma_start3A_855 = tpu.memref_slice %arg9[%dma_start3A_850, %dma_start3A_853, %dma_start3A_854] : memref<2x128x128xf32, #tpu.memory_space<vmem>> -> memref<1x128x128xf32, #tpu.memory_space<vmem>>
      %dma_start3A_856 = tpu.memref_squeeze %dma_start3A_855 : memref<1x128x128xf32, #tpu.memory_space<vmem>> -> memref<128x128xf32, #tpu.memory_space<vmem>>
      %dma_start3A_857 = arith.constant 0 : i32
      %dma_start3A_858 = tpu.memref_slice %arg8[%dma_start3A_851, %dma_start3A_857] : memref<16x128xi32, #tpu.memory_space<vmem>> -> memref<1x128xi32, #tpu.memory_space<vmem>>
      %dma_start3A_859 = tpu.memref_squeeze %dma_start3A_858 : memref<1x128xi32, #tpu.memory_space<vmem>> -> memref<128xi32, #tpu.memory_space<vmem>>
      %dma_start3A_860 = arith.constant 0 : i32
      %dma_start3A_861 = arith.constant 0 : i32
      %dma_start3A_862 = tpu.memref_slice %arg10[%dma_start3A_860, %dma_start3A_861] : memref<10064x128xf32, #tpu.memory_space<vmem_shared>> -> memref<10064x128xf32, #tpu.memory_space<vmem_shared>>
      %dma_start3A_863 = tpu.memref_slice %arg12[%dma_start3A_852] : memref<2x!tpu.dma_semaphore, #tpu.memory_space<semaphore_mem>> -> memref<1x!tpu.dma_semaphore, #tpu.memory_space<semaphore_mem>>
      %dma_start3A_864 = tpu.memref_squeeze %dma_start3A_863 : memref<1x!tpu.dma_semaphore, #tpu.memory_space<semaphore_mem>> -> memref<!tpu.dma_semaphore, #tpu.memory_space<semaphore_mem>>
      tpu.enqueue_indirect_dma source(%dma_start3A_856 : memref<128x128xf32, #tpu.memory_space<vmem>>) target(%dma_start3A_862 : memref<10064x128xf32, #tpu.memory_space<vmem_shared>>) offsets(%dma_start3A_859 : memref<128xi32, #tpu.memory_space<vmem>>) semaphore(%dma_start3A_864 : memref<!tpu.dma_semaphore, #tpu.memory_space<semaphore_mem>>) {add = true}
      %dma_wait3A_865 = arith.constant 1 : i32
      %dma_wait3A_866 = arith.constant 13 : i32
      %dma_wait3A_867 = arith.constant 1 : i32
      %dma_wait3A_868 = arith.constant 0 : i32
      %dma_wait3A_869 = arith.constant 0 : i32
      %dma_wait3A_870 = tpu.memref_slice %arg9[%dma_wait3A_865, %dma_wait3A_868, %dma_wait3A_869] : memref<2x128x128xf32, #tpu.memory_space<vmem>> -> memref<1x128x128xf32, #tpu.memory_space<vmem>>
      %dma_wait3A_871 = tpu.memref_squeeze %dma_wait3A_870 : memref<1x128x128xf32, #tpu.memory_space<vmem>> -> memref<128x128xf32, #tpu.memory_space<vmem>>
      %dma_wait3A_872 = arith.constant 0 : i32
      %dma_wait3A_873 = tpu.memref_slice %arg8[%dma_wait3A_866, %dma_wait3A_872] : memref<16x128xi32, #tpu.memory_space<vmem>> -> memref<1x128xi32, #tpu.memory_space<vmem>>
      %dma_wait3A_874 = tpu.memref_squeeze %dma_wait3A_873 : memref<1x128xi32, #tpu.memory_space<vmem>> -> memref<128xi32, #tpu.memory_space<vmem>>
      %dma_wait3A_875 = arith.constant 0 : i32
      %dma_wait3A_876 = arith.constant 0 : i32
      %dma_wait3A_877 = tpu.memref_slice %arg10[%dma_wait3A_875, %dma_wait3A_876] : memref<10064x128xf32, #tpu.memory_space<vmem_shared>> -> memref<10064x128xf32, #tpu.memory_space<vmem_shared>>
      %dma_wait3A_878 = tpu.memref_slice %arg12[%dma_wait3A_867] : memref<2x!tpu.dma_semaphore, #tpu.memory_space<semaphore_mem>> -> memref<1x!tpu.dma_semaphore, #tpu.memory_space<semaphore_mem>>
      %dma_wait3A_879 = tpu.memref_squeeze %dma_wait3A_878 : memref<1x!tpu.dma_semaphore, #tpu.memory_space<semaphore_mem>> -> memref<!tpu.dma_semaphore, #tpu.memory_space<semaphore_mem>>
      tpu.wait_indirect_dma semaphore(%dma_wait3A_879 : memref<!tpu.dma_semaphore, #tpu.memory_space<semaphore_mem>>) src(%dma_wait3A_871 : memref<128x128xf32, #tpu.memory_space<vmem>>) dst(%dma_wait3A_877 : memref<10064x128xf32, #tpu.memory_space<vmem_shared>>)
      %dma_start3A_880 = arith.constant 15 : i32
      %dma_start3A_881 = arith.constant 1 : i32
      %dma_start3A_882 = arith.constant 1 : i32
      %dma_start3A_883 = arith.constant 0 : i32
      %dma_start3A_884 = arith.constant 0 : i32
      %dma_start3A_885 = tpu.memref_slice %arg9[%dma_start3A_881, %dma_start3A_883, %dma_start3A_884] : memref<2x128x128xf32, #tpu.memory_space<vmem>> -> memref<1x128x128xf32, #tpu.memory_space<vmem>>
      %dma_start3A_886 = tpu.memref_squeeze %dma_start3A_885 : memref<1x128x128xf32, #tpu.memory_space<vmem>> -> memref<128x128xf32, #tpu.memory_space<vmem>>
      %dma_start3A_887 = arith.constant 0 : i32
      %dma_start3A_888 = tpu.memref_slice %arg7[%dma_start3A_880, %dma_start3A_887] : memref<16x128xi32, #tpu.memory_space<vmem>> -> memref<1x128xi32, #tpu.memory_space<vmem>>
      %dma_start3A_889 = tpu.memref_squeeze %dma_start3A_888 : memref<1x128xi32, #tpu.memory_space<vmem>> -> memref<128xi32, #tpu.memory_space<vmem>>
      %dma_start3A_890 = arith.constant 0 : i32
      %dma_start3A_891 = arith.constant 0 : i32
      %dma_start3A_892 = tpu.memref_slice %arg2[%dma_start3A_890, %dma_start3A_891] : memref<10064x128xf32, #tpu.memory_space<hbm>> -> memref<10064x128xf32, #tpu.memory_space<hbm>>
      %dma_start3A_893 = tpu.memref_slice %arg11[%dma_start3A_882] : memref<2x!tpu.dma_semaphore, #tpu.memory_space<semaphore_mem>> -> memref<1x!tpu.dma_semaphore, #tpu.memory_space<semaphore_mem>>
      %dma_start3A_894 = tpu.memref_squeeze %dma_start3A_893 : memref<1x!tpu.dma_semaphore, #tpu.memory_space<semaphore_mem>> -> memref<!tpu.dma_semaphore, #tpu.memory_space<semaphore_mem>>
      tpu.enqueue_indirect_dma source(%dma_start3A_892 : memref<10064x128xf32, #tpu.memory_space<hbm>>) target(%dma_start3A_886 : memref<128x128xf32, #tpu.memory_space<vmem>>) offsets(%dma_start3A_889 : memref<128xi32, #tpu.memory_space<vmem>>) semaphore(%dma_start3A_894 : memref<!tpu.dma_semaphore, #tpu.memory_space<semaphore_mem>>)
      %dma_wait3A_895 = arith.constant 14 : i32
      %dma_wait3A_896 = arith.constant 0 : i32
      %dma_wait3A_897 = arith.constant 0 : i32
      %dma_wait3A_898 = arith.constant 0 : i32
      %dma_wait3A_899 = arith.constant 0 : i32
      %dma_wait3A_900 = tpu.memref_slice %arg9[%dma_wait3A_896, %dma_wait3A_898, %dma_wait3A_899] : memref<2x128x128xf32, #tpu.memory_space<vmem>> -> memref<1x128x128xf32, #tpu.memory_space<vmem>>
      %dma_wait3A_901 = tpu.memref_squeeze %dma_wait3A_900 : memref<1x128x128xf32, #tpu.memory_space<vmem>> -> memref<128x128xf32, #tpu.memory_space<vmem>>
      %dma_wait3A_902 = arith.constant 0 : i32
      %dma_wait3A_903 = tpu.memref_slice %arg7[%dma_wait3A_895, %dma_wait3A_902] : memref<16x128xi32, #tpu.memory_space<vmem>> -> memref<1x128xi32, #tpu.memory_space<vmem>>
      %dma_wait3A_904 = tpu.memref_squeeze %dma_wait3A_903 : memref<1x128xi32, #tpu.memory_space<vmem>> -> memref<128xi32, #tpu.memory_space<vmem>>
      %dma_wait3A_905 = arith.constant 0 : i32
      %dma_wait3A_906 = arith.constant 0 : i32
      %dma_wait3A_907 = tpu.memref_slice %arg2[%dma_wait3A_905, %dma_wait3A_906] : memref<10064x128xf32, #tpu.memory_space<hbm>> -> memref<10064x128xf32, #tpu.memory_space<hbm>>
      %dma_wait3A_908 = tpu.memref_slice %arg11[%dma_wait3A_897] : memref<2x!tpu.dma_semaphore, #tpu.memory_space<semaphore_mem>> -> memref<1x!tpu.dma_semaphore, #tpu.memory_space<semaphore_mem>>
      %dma_wait3A_909 = tpu.memref_squeeze %dma_wait3A_908 : memref<1x!tpu.dma_semaphore, #tpu.memory_space<semaphore_mem>> -> memref<!tpu.dma_semaphore, #tpu.memory_space<semaphore_mem>>
      tpu.wait_indirect_dma semaphore(%dma_wait3A_909 : memref<!tpu.dma_semaphore, #tpu.memory_space<semaphore_mem>>) src(%dma_wait3A_907 : memref<10064x128xf32, #tpu.memory_space<hbm>>) dst(%dma_wait3A_901 : memref<128x128xf32, #tpu.memory_space<vmem>>)
      %dma_start3A_910 = arith.constant 0 : i32
      %dma_start3A_911 = arith.constant 14 : i32
      %dma_start3A_912 = arith.constant 0 : i32
      %dma_start3A_913 = arith.constant 0 : i32
      %dma_start3A_914 = arith.constant 0 : i32
      %dma_start3A_915 = tpu.memref_slice %arg9[%dma_start3A_910, %dma_start3A_913, %dma_start3A_914] : memref<2x128x128xf32, #tpu.memory_space<vmem>> -> memref<1x128x128xf32, #tpu.memory_space<vmem>>
      %dma_start3A_916 = tpu.memref_squeeze %dma_start3A_915 : memref<1x128x128xf32, #tpu.memory_space<vmem>> -> memref<128x128xf32, #tpu.memory_space<vmem>>
      %dma_start3A_917 = arith.constant 0 : i32
      %dma_start3A_918 = tpu.memref_slice %arg8[%dma_start3A_911, %dma_start3A_917] : memref<16x128xi32, #tpu.memory_space<vmem>> -> memref<1x128xi32, #tpu.memory_space<vmem>>
      %dma_start3A_919 = tpu.memref_squeeze %dma_start3A_918 : memref<1x128xi32, #tpu.memory_space<vmem>> -> memref<128xi32, #tpu.memory_space<vmem>>
      %dma_start3A_920 = arith.constant 0 : i32
      %dma_start3A_921 = arith.constant 0 : i32
      %dma_start3A_922 = tpu.memref_slice %arg10[%dma_start3A_920, %dma_start3A_921] : memref<10064x128xf32, #tpu.memory_space<vmem_shared>> -> memref<10064x128xf32, #tpu.memory_space<vmem_shared>>
      %dma_start3A_923 = tpu.memref_slice %arg12[%dma_start3A_912] : memref<2x!tpu.dma_semaphore, #tpu.memory_space<semaphore_mem>> -> memref<1x!tpu.dma_semaphore, #tpu.memory_space<semaphore_mem>>
      %dma_start3A_924 = tpu.memref_squeeze %dma_start3A_923 : memref<1x!tpu.dma_semaphore, #tpu.memory_space<semaphore_mem>> -> memref<!tpu.dma_semaphore, #tpu.memory_space<semaphore_mem>>
      tpu.enqueue_indirect_dma source(%dma_start3A_916 : memref<128x128xf32, #tpu.memory_space<vmem>>) target(%dma_start3A_922 : memref<10064x128xf32, #tpu.memory_space<vmem_shared>>) offsets(%dma_start3A_919 : memref<128xi32, #tpu.memory_space<vmem>>) semaphore(%dma_start3A_924 : memref<!tpu.dma_semaphore, #tpu.memory_space<semaphore_mem>>) {add = true}
      %dma_wait3A_925 = arith.constant 15 : i32
      %dma_wait3A_926 = arith.constant 1 : i32
      %dma_wait3A_927 = arith.constant 1 : i32
      %dma_wait3A_928 = arith.constant 0 : i32
      %dma_wait3A_929 = arith.constant 0 : i32
      %dma_wait3A_930 = tpu.memref_slice %arg9[%dma_wait3A_926, %dma_wait3A_928, %dma_wait3A_929] : memref<2x128x128xf32, #tpu.memory_space<vmem>> -> memref<1x128x128xf32, #tpu.memory_space<vmem>>
      %dma_wait3A_931 = tpu.memref_squeeze %dma_wait3A_930 : memref<1x128x128xf32, #tpu.memory_space<vmem>> -> memref<128x128xf32, #tpu.memory_space<vmem>>
      %dma_wait3A_932 = arith.constant 0 : i32
      %dma_wait3A_933 = tpu.memref_slice %arg7[%dma_wait3A_925, %dma_wait3A_932] : memref<16x128xi32, #tpu.memory_space<vmem>> -> memref<1x128xi32, #tpu.memory_space<vmem>>
      %dma_wait3A_934 = tpu.memref_squeeze %dma_wait3A_933 : memref<1x128xi32, #tpu.memory_space<vmem>> -> memref<128xi32, #tpu.memory_space<vmem>>
      %dma_wait3A_935 = arith.constant 0 : i32
      %dma_wait3A_936 = arith.constant 0 : i32
      %dma_wait3A_937 = tpu.memref_slice %arg2[%dma_wait3A_935, %dma_wait3A_936] : memref<10064x128xf32, #tpu.memory_space<hbm>> -> memref<10064x128xf32, #tpu.memory_space<hbm>>
      %dma_wait3A_938 = tpu.memref_slice %arg11[%dma_wait3A_927] : memref<2x!tpu.dma_semaphore, #tpu.memory_space<semaphore_mem>> -> memref<1x!tpu.dma_semaphore, #tpu.memory_space<semaphore_mem>>
      %dma_wait3A_939 = tpu.memref_squeeze %dma_wait3A_938 : memref<1x!tpu.dma_semaphore, #tpu.memory_space<semaphore_mem>> -> memref<!tpu.dma_semaphore, #tpu.memory_space<semaphore_mem>>
      tpu.wait_indirect_dma semaphore(%dma_wait3A_939 : memref<!tpu.dma_semaphore, #tpu.memory_space<semaphore_mem>>) src(%dma_wait3A_937 : memref<10064x128xf32, #tpu.memory_space<hbm>>) dst(%dma_wait3A_931 : memref<128x128xf32, #tpu.memory_space<vmem>>)
      %dma_start3A_940 = arith.constant 1 : i32
      %dma_start3A_941 = arith.constant 15 : i32
      %dma_start3A_942 = arith.constant 1 : i32
      %dma_start3A_943 = arith.constant 0 : i32
      %dma_start3A_944 = arith.constant 0 : i32
      %dma_start3A_945 = tpu.memref_slice %arg9[%dma_start3A_940, %dma_start3A_943, %dma_start3A_944] : memref<2x128x128xf32, #tpu.memory_space<vmem>> -> memref<1x128x128xf32, #tpu.memory_space<vmem>>
      %dma_start3A_946 = tpu.memref_squeeze %dma_start3A_945 : memref<1x128x128xf32, #tpu.memory_space<vmem>> -> memref<128x128xf32, #tpu.memory_space<vmem>>
      %dma_start3A_947 = arith.constant 0 : i32
      %dma_start3A_948 = tpu.memref_slice %arg8[%dma_start3A_941, %dma_start3A_947] : memref<16x128xi32, #tpu.memory_space<vmem>> -> memref<1x128xi32, #tpu.memory_space<vmem>>
      %dma_start3A_949 = tpu.memref_squeeze %dma_start3A_948 : memref<1x128xi32, #tpu.memory_space<vmem>> -> memref<128xi32, #tpu.memory_space<vmem>>
      %dma_start3A_950 = arith.constant 0 : i32
      %dma_start3A_951 = arith.constant 0 : i32
      %dma_start3A_952 = tpu.memref_slice %arg10[%dma_start3A_950, %dma_start3A_951] : memref<10064x128xf32, #tpu.memory_space<vmem_shared>> -> memref<10064x128xf32, #tpu.memory_space<vmem_shared>>
      %dma_start3A_953 = tpu.memref_slice %arg12[%dma_start3A_942] : memref<2x!tpu.dma_semaphore, #tpu.memory_space<semaphore_mem>> -> memref<1x!tpu.dma_semaphore, #tpu.memory_space<semaphore_mem>>
      %dma_start3A_954 = tpu.memref_squeeze %dma_start3A_953 : memref<1x!tpu.dma_semaphore, #tpu.memory_space<semaphore_mem>> -> memref<!tpu.dma_semaphore, #tpu.memory_space<semaphore_mem>>
      tpu.enqueue_indirect_dma source(%dma_start3A_946 : memref<128x128xf32, #tpu.memory_space<vmem>>) target(%dma_start3A_952 : memref<10064x128xf32, #tpu.memory_space<vmem_shared>>) offsets(%dma_start3A_949 : memref<128xi32, #tpu.memory_space<vmem>>) semaphore(%dma_start3A_954 : memref<!tpu.dma_semaphore, #tpu.memory_space<semaphore_mem>>) {add = true}
      %dma_wait3A_955 = arith.constant 0 : i32
      %dma_wait3A_956 = arith.constant 14 : i32
      %dma_wait3A_957 = arith.constant 0 : i32
      %dma_wait3A_958 = arith.constant 0 : i32
      %dma_wait3A_959 = arith.constant 0 : i32
      %dma_wait3A_960 = tpu.memref_slice %arg9[%dma_wait3A_955, %dma_wait3A_958, %dma_wait3A_959] : memref<2x128x128xf32, #tpu.memory_space<vmem>> -> memref<1x128x128xf32, #tpu.memory_space<vmem>>
      %dma_wait3A_961 = tpu.memref_squeeze %dma_wait3A_960 : memref<1x128x128xf32, #tpu.memory_space<vmem>> -> memref<128x128xf32, #tpu.memory_space<vmem>>
      %dma_wait3A_962 = arith.constant 0 : i32
      %dma_wait3A_963 = tpu.memref_slice %arg8[%dma_wait3A_956, %dma_wait3A_962] : memref<16x128xi32, #tpu.memory_space<vmem>> -> memref<1x128xi32, #tpu.memory_space<vmem>>
      %dma_wait3A_964 = tpu.memref_squeeze %dma_wait3A_963 : memref<1x128xi32, #tpu.memory_space<vmem>> -> memref<128xi32, #tpu.memory_space<vmem>>
      %dma_wait3A_965 = arith.constant 0 : i32
      %dma_wait3A_966 = arith.constant 0 : i32
      %dma_wait3A_967 = tpu.memref_slice %arg10[%dma_wait3A_965, %dma_wait3A_966] : memref<10064x128xf32, #tpu.memory_space<vmem_shared>> -> memref<10064x128xf32, #tpu.memory_space<vmem_shared>>
      %dma_wait3A_968 = tpu.memref_slice %arg12[%dma_wait3A_957] : memref<2x!tpu.dma_semaphore, #tpu.memory_space<semaphore_mem>> -> memref<1x!tpu.dma_semaphore, #tpu.memory_space<semaphore_mem>>
      %dma_wait3A_969 = tpu.memref_squeeze %dma_wait3A_968 : memref<1x!tpu.dma_semaphore, #tpu.memory_space<semaphore_mem>> -> memref<!tpu.dma_semaphore, #tpu.memory_space<semaphore_mem>>
      tpu.wait_indirect_dma semaphore(%dma_wait3A_969 : memref<!tpu.dma_semaphore, #tpu.memory_space<semaphore_mem>>) src(%dma_wait3A_961 : memref<128x128xf32, #tpu.memory_space<vmem>>) dst(%dma_wait3A_967 : memref<10064x128xf32, #tpu.memory_space<vmem_shared>>)
      %dma_wait3A_970 = arith.constant 1 : i32
      %dma_wait3A_971 = arith.constant 15 : i32
      %dma_wait3A_972 = arith.constant 1 : i32
      %dma_wait3A_973 = arith.constant 0 : i32
      %dma_wait3A_974 = arith.constant 0 : i32
      %dma_wait3A_975 = tpu.memref_slice %arg9[%dma_wait3A_970, %dma_wait3A_973, %dma_wait3A_974] : memref<2x128x128xf32, #tpu.memory_space<vmem>> -> memref<1x128x128xf32, #tpu.memory_space<vmem>>
      %dma_wait3A_976 = tpu.memref_squeeze %dma_wait3A_975 : memref<1x128x128xf32, #tpu.memory_space<vmem>> -> memref<128x128xf32, #tpu.memory_space<vmem>>
      %dma_wait3A_977 = arith.constant 0 : i32
      %dma_wait3A_978 = tpu.memref_slice %arg8[%dma_wait3A_971, %dma_wait3A_977] : memref<16x128xi32, #tpu.memory_space<vmem>> -> memref<1x128xi32, #tpu.memory_space<vmem>>
      %dma_wait3A_979 = tpu.memref_squeeze %dma_wait3A_978 : memref<1x128xi32, #tpu.memory_space<vmem>> -> memref<128xi32, #tpu.memory_space<vmem>>
      %dma_wait3A_980 = arith.constant 0 : i32
      %dma_wait3A_981 = arith.constant 0 : i32
      %dma_wait3A_982 = tpu.memref_slice %arg10[%dma_wait3A_980, %dma_wait3A_981] : memref<10064x128xf32, #tpu.memory_space<vmem_shared>> -> memref<10064x128xf32, #tpu.memory_space<vmem_shared>>
      %dma_wait3A_983 = tpu.memref_slice %arg12[%dma_wait3A_972] : memref<2x!tpu.dma_semaphore, #tpu.memory_space<semaphore_mem>> -> memref<1x!tpu.dma_semaphore, #tpu.memory_space<semaphore_mem>>
      %dma_wait3A_984 = tpu.memref_squeeze %dma_wait3A_983 : memref<1x!tpu.dma_semaphore, #tpu.memory_space<semaphore_mem>> -> memref<!tpu.dma_semaphore, #tpu.memory_space<semaphore_mem>>
      tpu.wait_indirect_dma semaphore(%dma_wait3A_984 : memref<!tpu.dma_semaphore, #tpu.memory_space<semaphore_mem>>) src(%dma_wait3A_976 : memref<128x128xf32, #tpu.memory_space<vmem>>) dst(%dma_wait3A_982 : memref<10064x128xf32, #tpu.memory_space<vmem_shared>>)
    }
    %scan3A_10 = arith.constant 5 : i32
    %barrier3A_11 = arith.constant 0 : index
    tpu.barrier barrier_id(%barrier3A_11)
    %lt3A_12 = arith.constant 15 : i32
    %lt3A_13 = arith.cmpi slt, %arg1, %lt3A_12 : i32
    %convert_element_type3A_14 = arith.extui %lt3A_13 : i1 to i32
    %cond3A_15 = arith.constant 0 : i32
    %cond3A_16 = arith.cmpi ne, %convert_element_type3A_14, %cond3A_15 : i32
    scf.if %cond3A_16 {
      %mul3A_22 = arith.constant 624 : i32
      %mul3A_23 = arith.muli %arg1, %mul3A_22 : i32
      %mul3A_24 = arith.constant 10000 : i32
      %mul3A_25 = arith.muli %arg0, %mul3A_24 : i32
      %add3A_26 = arith.addi %mul3A_25, %mul3A_23 : i32
      "tpu.region"() ({
        %run_scoped3A = tpu.sem_alloc : memref<!tpu.dma_semaphore, #tpu.memory_space<semaphore_mem>>
        %dma_start3A = arith.constant 0 : i32
        %dma_start3A_27 = tpu.memref_slice %arg6[%add3A_26, %dma_start3A] : memref<20000x128xf32, #tpu.memory_space<hbm>> -> memref<624x128xf32, #tpu.memory_space<hbm>>
        %dma_start3A_28 = arith.constant 0 : i32
        %dma_start3A_29 = tpu.memref_slice %arg10[%mul3A_23, %dma_start3A_28] : memref<10064x128xf32, #tpu.memory_space<vmem_shared>> -> memref<624x128xf32, #tpu.memory_space<vmem_shared>>
        tpu.enqueue_dma source(%dma_start3A_29 : memref<624x128xf32, #tpu.memory_space<vmem_shared>>) target(%dma_start3A_27 : memref<624x128xf32, #tpu.memory_space<hbm>>) target_semaphore(%run_scoped3A : memref<!tpu.dma_semaphore, #tpu.memory_space<semaphore_mem>>)
        %dma_wait3A = arith.constant 0 : i32
        %dma_wait3A_30 = tpu.memref_slice %arg6[%add3A_26, %dma_wait3A] : memref<20000x128xf32, #tpu.memory_space<hbm>> -> memref<624x128xf32, #tpu.memory_space<hbm>>
        %dma_wait3A_31 = arith.constant 0 : i32
        %dma_wait3A_32 = tpu.memref_slice %arg10[%mul3A_23, %dma_wait3A_31] : memref<10064x128xf32, #tpu.memory_space<vmem_shared>> -> memref<624x128xf32, #tpu.memory_space<vmem_shared>>
        tpu.wait_dma2 semaphore(%run_scoped3A : memref<!tpu.dma_semaphore, #tpu.memory_space<semaphore_mem>>) src(%dma_wait3A_32 : memref<624x128xf32, #tpu.memory_space<vmem_shared>>) dst(%dma_wait3A_30 : memref<624x128xf32, #tpu.memory_space<hbm>>)
        tpu.yield
      }) : () -> ()
    } else {
    }
    %eq3A_17 = arith.constant 15 : i32
    %eq3A_18 = arith.cmpi eq, %arg1, %eq3A_17 : i32
    %convert_element_type3A_19 = arith.extui %eq3A_18 : i1 to i32
    %cond3A_20 = arith.constant 0 : i32
    %cond3A_21 = arith.cmpi ne, %convert_element_type3A_19, %cond3A_20 : i32
    scf.if %cond3A_21 {
      %mul3A_22 = arith.constant 10000 : i32
      %mul3A_23 = arith.muli %arg0, %mul3A_22 : i32
      %add3A_24 = arith.constant 9360 : i32
      %add3A_25 = arith.addi %mul3A_23, %add3A_24 : i32
      "tpu.region"() ({
        %run_scoped3A = tpu.sem_alloc : memref<!tpu.dma_semaphore, #tpu.memory_space<semaphore_mem>>
        %dma_start3A = arith.constant 0 : i32
        %dma_start3A_26 = tpu.memref_slice %arg6[%add3A_25, %dma_start3A] : memref<20000x128xf32, #tpu.memory_space<hbm>> -> memref<640x128xf32, #tpu.memory_space<hbm>>
        %dma_start3A_27 = arith.constant 9360 : i32
        %dma_start3A_28 = arith.constant 0 : i32
        %dma_start3A_29 = tpu.memref_slice %arg10[%dma_start3A_27, %dma_start3A_28] : memref<10064x128xf32, #tpu.memory_space<vmem_shared>> -> memref<640x128xf32, #tpu.memory_space<vmem_shared>>
        tpu.enqueue_dma source(%dma_start3A_29 : memref<640x128xf32, #tpu.memory_space<vmem_shared>>) target(%dma_start3A_26 : memref<640x128xf32, #tpu.memory_space<hbm>>) target_semaphore(%run_scoped3A : memref<!tpu.dma_semaphore, #tpu.memory_space<semaphore_mem>>)
        %dma_wait3A = arith.constant 0 : i32
        %dma_wait3A_30 = tpu.memref_slice %arg6[%add3A_25, %dma_wait3A] : memref<20000x128xf32, #tpu.memory_space<hbm>> -> memref<640x128xf32, #tpu.memory_space<hbm>>
        %dma_wait3A_31 = arith.constant 9360 : i32
        %dma_wait3A_32 = arith.constant 0 : i32
        %dma_wait3A_33 = tpu.memref_slice %arg10[%dma_wait3A_31, %dma_wait3A_32] : memref<10064x128xf32, #tpu.memory_space<vmem_shared>> -> memref<640x128xf32, #tpu.memory_space<vmem_shared>>
        tpu.wait_dma2 semaphore(%run_scoped3A : memref<!tpu.dma_semaphore, #tpu.memory_space<semaphore_mem>>) src(%dma_wait3A_33 : memref<640x128xf32, #tpu.memory_space<vmem_shared>>) dst(%dma_wait3A_30 : memref<640x128xf32, #tpu.memory_space<hbm>>)
        tpu.yield
      }) : () -> ()
    } else {
    }
    return
  }
}

module attributes {stable_mosaic.version = 14 : i64} {
  func.func @body(%arg0: i32, %arg1: memref<2000x128xf32, #tpu.memory_space<vmem>>, %arg2: memref<2x2000x128xf32, #tpu.memory_space<vmem>>, %arg3: memref<2x2000x128xf32, #tpu.memory_space<vmem>>, %arg4: memref<256x128xf32, #tpu.memory_space<vmem>>, %arg5: memref<1x128xf32, #tpu.memory_space<vmem>>, %arg6: memref<2000x128xf32, #tpu.memory_space<vmem>>) attributes {dimension_semantics = [#tpu.dimension_semantics<arbitrary>], iteration_bounds = array<i64: 5>, scalar_prefetch = 0 : i64, scratch_operands = 0 : i64, tpu.core_type = #tpu.core_type<tc>, window_params = [{transform_indices = @transform_0, window_bounds = array<i64: 2000, 128>}, {transform_indices = @transform_1, window_bounds = array<i64: 2, 2000, 128>}, {transform_indices = @transform_2, window_bounds = array<i64: 2, 2000, 128>}, {pipeline_mode = #tpu.pipeline_mode<synchronous>, transform_indices = @transform_3, window_bounds = array<i64: 256, 128>}, {pipeline_mode = #tpu.pipeline_mode<synchronous>, transform_indices = @transform_4, window_bounds = array<i64: 1, 128>}, {transform_indices = @transform_5, window_bounds = array<i64: 2000, 128>}]} {
    %get3A = arith.constant 0 : index
    %get3A_0 = arith.constant 0 : index
    %get3A_1 = arith.constant 0 : index
    %get3A_2 = vector.load %arg2[%get3A, %get3A_0, %get3A_1] : memref<2x2000x128xf32, #tpu.memory_space<vmem>>, vector<1x2000x128xf32>
    %get3A_3 = vector.shape_cast %get3A_2 : vector<1x2000x128xf32> to vector<2000x128xf32>
    %get3A_4 = arith.constant 1 : index
    %get3A_5 = arith.constant 0 : index
    %get3A_6 = arith.constant 0 : index
    %get3A_7 = vector.load %arg2[%get3A_4, %get3A_5, %get3A_6] : memref<2x2000x128xf32, #tpu.memory_space<vmem>>, vector<1x2000x128xf32>
    %get3A_8 = vector.shape_cast %get3A_7 : vector<1x2000x128xf32> to vector<2000x128xf32>
    %add3A = arith.addf %get3A_3, %get3A_8 : vector<2000x128xf32>
    %get3A_9 = arith.constant 0 : index
    %get3A_10 = arith.constant 0 : index
    %get3A_11 = arith.constant 0 : index
    %get3A_12 = vector.load %arg3[%get3A_9, %get3A_10, %get3A_11] : memref<2x2000x128xf32, #tpu.memory_space<vmem>>, vector<1x2000x128xf32>
    %get3A_13 = vector.shape_cast %get3A_12 : vector<1x2000x128xf32> to vector<2000x128xf32>
    %slice3A = vector.extract_strided_slice %get3A_13 {offsets = [0, 0], sizes = [2000, 1], strides = [1, 1]} : vector<2000x128xf32> to vector<2000x1xf32>
    %get3A_14 = arith.constant 1 : index
    %get3A_15 = arith.constant 0 : index
    %get3A_16 = arith.constant 0 : index
    %get3A_17 = vector.load %arg3[%get3A_14, %get3A_15, %get3A_16] : memref<2x2000x128xf32, #tpu.memory_space<vmem>>, vector<1x2000x128xf32>
    %get3A_18 = vector.shape_cast %get3A_17 : vector<1x2000x128xf32> to vector<2000x128xf32>
    %slice3A_19 = vector.extract_strided_slice %get3A_18 {offsets = [0, 0], sizes = [2000, 1], strides = [1, 1]} : vector<2000x128xf32> to vector<2000x1xf32>
    %add3A_20 = arith.addf %slice3A, %slice3A_19 : vector<2000x1xf32>
    %mul3A = arith.constant 2000 : i32
    %mul3A_21 = arith.muli %arg0, %mul3A : i32
    %iota3A = tpu.iota {dimensions = array<i32: 0>} : vector<2000x1xi32>
    %add3A_22 = vector.broadcast %mul3A_21 : i32 to vector<2000x1xi32>
    %add3A_23 = arith.addi %iota3A, %add3A_22 : vector<2000x1xi32>
    %lt3A = arith.constant 7680 : i32
    %lt3A_24 = vector.broadcast %lt3A : i32 to vector<2000x1xi32>
    %lt3A_25 = arith.cmpi slt, %add3A_23, %lt3A_24 : vector<2000x1xi32>
    %jit3A = arith.constant 1.000000e+00 : f32
    %jit3A_26 = arith.constant 0.000000e+00 : f32
    %broadcast_in_dim3A = vector.broadcast %jit3A : f32 to vector<2000x1xf32>
    %broadcast_in_dim3A_27 = vector.broadcast %jit3A_26 : f32 to vector<2000x1xf32>
    %select_n3A = arith.select %lt3A_25, %broadcast_in_dim3A, %broadcast_in_dim3A_27 : vector<2000x1xi1>, vector<2000x1xf32>
    %sub3A = arith.subf %add3A_20, %select_n3A : vector<2000x1xf32>
    %max3A = arith.constant 1.000000e+00 : f32
    %max3A_28 = vector.broadcast %max3A : f32 to vector<2000x1xf32>
    %max3A_29 = arith.maximumf %sub3A, %max3A_28 : vector<2000x1xf32>
    %div3A = vector.broadcast %max3A_29 : vector<2000x1xf32> to vector<2000x128xf32>
    %div3A_30 = arith.divf %add3A, %div3A : vector<2000x128xf32>
    %get3A_31 = arith.constant 0 : index
    %get3A_32 = arith.constant 0 : index
    %get3A_33 = vector.load %arg1[%get3A_31, %get3A_32] : memref<2000x128xf32, #tpu.memory_space<vmem>>, vector<2000x128xf32>
    %get3A_34 = arith.constant 0 : index
    %get3A_35 = arith.constant 0 : index
    %get3A_36 = vector.load %arg4[%get3A_34, %get3A_35] : memref<256x128xf32, #tpu.memory_space<vmem>>, vector<128x128xf32>
    %dot_general3A = arith.constant dense<0.000000e+00> : vector<2000x128xf32>
    %dot_general3A_37 = tpu.matmul %get3A_33, %get3A_36, %dot_general3A {dimension_numbers = #tpu.dot_dimension_numbers<[1], [0], [0], [1], [0, 0, 1, 1], [], []>, transpose_lhs_hint = false} : vector<2000x128xf32>, vector<128x128xf32>, vector<2000x128xf32> -> vector<2000x128xf32>
    %get3A_38 = arith.constant 128 : index
    %get3A_39 = arith.constant 0 : index
    %get3A_40 = vector.load %arg4[%get3A_38, %get3A_39] : memref<256x128xf32, #tpu.memory_space<vmem>>, vector<128x128xf32>
    %dot_general3A_41 = arith.constant dense<0.000000e+00> : vector<2000x128xf32>
    %dot_general3A_42 = tpu.matmul %div3A_30, %get3A_40, %dot_general3A_41 {dimension_numbers = #tpu.dot_dimension_numbers<[1], [0], [0], [1], [0, 0, 1, 1], [], []>, transpose_lhs_hint = false} : vector<2000x128xf32>, vector<128x128xf32>, vector<2000x128xf32> -> vector<2000x128xf32>
    %add3A_43 = arith.addf %dot_general3A_37, %dot_general3A_42 : vector<2000x128xf32>
    %get3A_44 = arith.constant 0 : index
    %get3A_45 = arith.constant 0 : index
    %get3A_46 = vector.load %arg5[%get3A_44, %get3A_45] : memref<1x128xf32, #tpu.memory_space<vmem>>, vector<1x128xf32>
    %add3A_47 = vector.broadcast %get3A_46 : vector<1x128xf32> to vector<2000x128xf32>
    %add3A_48 = arith.addf %add3A_43, %add3A_47 : vector<2000x128xf32>
    %max3A_49 = arith.constant 0.000000e+00 : f32
    %max3A_50 = vector.broadcast %max3A_49 : f32 to vector<2000x128xf32>
    %max3A_51 = arith.maximumf %add3A_48, %max3A_50 : vector<2000x128xf32>
    %swap3A = arith.constant 0 : index
    %swap3A_52 = arith.constant 0 : index
    %swap3A_53 = vector.load %arg6[%swap3A, %swap3A_52] : memref<2000x128xf32, #tpu.memory_space<vmem>>, vector<2000x128xf32>
    tpu.vector_store %arg6[%swap3A, %swap3A_52], %max3A_51 {strides = array<i32>} : memref<2000x128xf32, #tpu.memory_space<vmem>>, vector<2000x128xf32>,
    return
  }
  func.func @transform_0(%arg0: i32) -> (i32, i32) {
    %c0_i32 = arith.constant 0 : i32
    %c0_i32_0 = arith.constant 0 : i32
    return %arg0, %c0_i32 : i32, i32
  }
  func.func @transform_1(%arg0: i32) -> (i32, i32, i32) {
    %c0_i32 = arith.constant 0 : i32
    %c0_i32_0 = arith.constant 0 : i32
    %c0_i32_1 = arith.constant 0 : i32
    return %c0_i32, %arg0, %c0_i32_0 : i32, i32, i32
  }
  func.func @transform_2(%arg0: i32) -> (i32, i32, i32) {
    %c0_i32 = arith.constant 0 : i32
    %c0_i32_0 = arith.constant 0 : i32
    %c0_i32_1 = arith.constant 0 : i32
    return %c0_i32, %arg0, %c0_i32_0 : i32, i32, i32
  }
  func.func @transform_3(%arg0: i32) -> (i32, i32) {
    %c0_i32 = arith.constant 0 : i32
    %c0_i32_0 = arith.constant 0 : i32
    %c0_i32_1 = arith.constant 0 : i32
    return %c0_i32, %c0_i32_0 : i32, i32
  }
  func.func @transform_4(%arg0: i32) -> (i32, i32) {
    %c0_i32 = arith.constant 0 : i32
    %c0_i32_0 = arith.constant 0 : i32
    %c0_i32_1 = arith.constant 0 : i32
    return %c0_i32, %c0_i32_0 : i32, i32
  }
  func.func @transform_5(%arg0: i32) -> (i32, i32) {
    %c0_i32 = arith.constant 0 : i32
    %c0_i32_0 = arith.constant 0 : i32
    return %arg0, %c0_i32 : i32, i32
  }
}

module attributes {stable_mosaic.version = 14 : i64} {
  func.func @body(%arg0: i32, %arg1: memref<2000x128xf32, #tpu.memory_space<vmem>>, %arg2: memref<2x2000x128xf32, #tpu.memory_space<vmem>>, %arg3: memref<2x2000x128xf32, #tpu.memory_space<vmem>>, %arg4: memref<256x128xf32, #tpu.memory_space<vmem>>, %arg5: memref<1x128xf32, #tpu.memory_space<vmem>>, %arg6: memref<2000x128xf32, #tpu.memory_space<vmem>>) attributes {dimension_semantics = [#tpu.dimension_semantics<arbitrary>], iteration_bounds = array<i64: 5>, scalar_prefetch = 0 : i64, scratch_operands = 0 : i64, tpu.core_type = #tpu.core_type<tc>, window_params = [{transform_indices = @transform_0, window_bounds = array<i64: 2000, 128>}, {transform_indices = @transform_1, window_bounds = array<i64: 2, 2000, 128>}, {transform_indices = @transform_2, window_bounds = array<i64: 2, 2000, 128>}, {pipeline_mode = #tpu.pipeline_mode<synchronous>, transform_indices = @transform_3, window_bounds = array<i64: 256, 128>}, {pipeline_mode = #tpu.pipeline_mode<synchronous>, transform_indices = @transform_4, window_bounds = array<i64: 1, 128>}, {transform_indices = @transform_5, window_bounds = array<i64: 2000, 128>}]} {
    %get3A = arith.constant 0 : index
    %get3A_0 = arith.constant 0 : index
    %get3A_1 = arith.constant 0 : index
    %get3A_2 = vector.load %arg2[%get3A, %get3A_0, %get3A_1] : memref<2x2000x128xf32, #tpu.memory_space<vmem>>, vector<1x2000x128xf32>
    %get3A_3 = vector.shape_cast %get3A_2 : vector<1x2000x128xf32> to vector<2000x128xf32>
    %get3A_4 = arith.constant 1 : index
    %get3A_5 = arith.constant 0 : index
    %get3A_6 = arith.constant 0 : index
    %get3A_7 = vector.load %arg2[%get3A_4, %get3A_5, %get3A_6] : memref<2x2000x128xf32, #tpu.memory_space<vmem>>, vector<1x2000x128xf32>
    %get3A_8 = vector.shape_cast %get3A_7 : vector<1x2000x128xf32> to vector<2000x128xf32>
    %add3A = arith.addf %get3A_3, %get3A_8 : vector<2000x128xf32>
    %get3A_9 = arith.constant 0 : index
    %get3A_10 = arith.constant 0 : index
    %get3A_11 = arith.constant 0 : index
    %get3A_12 = vector.load %arg3[%get3A_9, %get3A_10, %get3A_11] : memref<2x2000x128xf32, #tpu.memory_space<vmem>>, vector<1x2000x128xf32>
    %get3A_13 = vector.shape_cast %get3A_12 : vector<1x2000x128xf32> to vector<2000x128xf32>
    %slice3A = vector.extract_strided_slice %get3A_13 {offsets = [0, 0], sizes = [2000, 1], strides = [1, 1]} : vector<2000x128xf32> to vector<2000x1xf32>
    %get3A_14 = arith.constant 1 : index
    %get3A_15 = arith.constant 0 : index
    %get3A_16 = arith.constant 0 : index
    %get3A_17 = vector.load %arg3[%get3A_14, %get3A_15, %get3A_16] : memref<2x2000x128xf32, #tpu.memory_space<vmem>>, vector<1x2000x128xf32>
    %get3A_18 = vector.shape_cast %get3A_17 : vector<1x2000x128xf32> to vector<2000x128xf32>
    %slice3A_19 = vector.extract_strided_slice %get3A_18 {offsets = [0, 0], sizes = [2000, 1], strides = [1, 1]} : vector<2000x128xf32> to vector<2000x1xf32>
    %add3A_20 = arith.addf %slice3A, %slice3A_19 : vector<2000x1xf32>
    %mul3A = arith.constant 2000 : i32
    %mul3A_21 = arith.muli %arg0, %mul3A : i32
    %iota3A = tpu.iota {dimensions = array<i32: 0>} : vector<2000x1xi32>
    %add3A_22 = vector.broadcast %mul3A_21 : i32 to vector<2000x1xi32>
    %add3A_23 = arith.addi %iota3A, %add3A_22 : vector<2000x1xi32>
    %lt3A = arith.constant 7680 : i32
    %lt3A_24 = vector.broadcast %lt3A : i32 to vector<2000x1xi32>
    %lt3A_25 = arith.cmpi slt, %add3A_23, %lt3A_24 : vector<2000x1xi32>
    %jit3A = arith.constant 1.000000e+00 : f32
    %jit3A_26 = arith.constant 0.000000e+00 : f32
    %broadcast_in_dim3A = vector.broadcast %jit3A : f32 to vector<2000x1xf32>
    %broadcast_in_dim3A_27 = vector.broadcast %jit3A_26 : f32 to vector<2000x1xf32>
    %select_n3A = arith.select %lt3A_25, %broadcast_in_dim3A, %broadcast_in_dim3A_27 : vector<2000x1xi1>, vector<2000x1xf32>
    %sub3A = arith.subf %add3A_20, %select_n3A : vector<2000x1xf32>
    %max3A = arith.constant 1.000000e+00 : f32
    %max3A_28 = vector.broadcast %max3A : f32 to vector<2000x1xf32>
    %max3A_29 = arith.maximumf %sub3A, %max3A_28 : vector<2000x1xf32>
    %div3A = vector.broadcast %max3A_29 : vector<2000x1xf32> to vector<2000x128xf32>
    %div3A_30 = arith.divf %add3A, %div3A : vector<2000x128xf32>
    %get3A_31 = arith.constant 0 : index
    %get3A_32 = arith.constant 0 : index
    %get3A_33 = vector.load %arg1[%get3A_31, %get3A_32] : memref<2000x128xf32, #tpu.memory_space<vmem>>, vector<2000x128xf32>
    %get3A_34 = arith.constant 0 : index
    %get3A_35 = arith.constant 0 : index
    %get3A_36 = vector.load %arg4[%get3A_34, %get3A_35] : memref<256x128xf32, #tpu.memory_space<vmem>>, vector<128x128xf32>
    %dot_general3A = arith.constant dense<0.000000e+00> : vector<2000x128xf32>
    %dot_general3A_37 = tpu.matmul %get3A_33, %get3A_36, %dot_general3A {dimension_numbers = #tpu.dot_dimension_numbers<[1], [0], [0], [1], [0, 0, 1, 1], [], []>, transpose_lhs_hint = false} : vector<2000x128xf32>, vector<128x128xf32>, vector<2000x128xf32> -> vector<2000x128xf32>
    %get3A_38 = arith.constant 128 : index
    %get3A_39 = arith.constant 0 : index
    %get3A_40 = vector.load %arg4[%get3A_38, %get3A_39] : memref<256x128xf32, #tpu.memory_space<vmem>>, vector<128x128xf32>
    %dot_general3A_41 = arith.constant dense<0.000000e+00> : vector<2000x128xf32>
    %dot_general3A_42 = tpu.matmul %div3A_30, %get3A_40, %dot_general3A_41 {dimension_numbers = #tpu.dot_dimension_numbers<[1], [0], [0], [1], [0, 0, 1, 1], [], []>, transpose_lhs_hint = false} : vector<2000x128xf32>, vector<128x128xf32>, vector<2000x128xf32> -> vector<2000x128xf32>
    %add3A_43 = arith.addf %dot_general3A_37, %dot_general3A_42 : vector<2000x128xf32>
    %get3A_44 = arith.constant 0 : index
    %get3A_45 = arith.constant 0 : index
    %get3A_46 = vector.load %arg5[%get3A_44, %get3A_45] : memref<1x128xf32, #tpu.memory_space<vmem>>, vector<1x128xf32>
    %add3A_47 = vector.broadcast %get3A_46 : vector<1x128xf32> to vector<2000x128xf32>
    %add3A_48 = arith.addf %add3A_43, %add3A_47 : vector<2000x128xf32>
    %swap3A = arith.constant 0 : index
    %swap3A_49 = arith.constant 0 : index
    %swap3A_50 = vector.load %arg6[%swap3A, %swap3A_49] : memref<2000x128xf32, #tpu.memory_space<vmem>>, vector<2000x128xf32>
    tpu.vector_store %arg6[%swap3A, %swap3A_49], %add3A_48 {strides = array<i32>} : memref<2000x128xf32, #tpu.memory_space<vmem>>, vector<2000x128xf32>,
    return
  }
  func.func @transform_0(%arg0: i32) -> (i32, i32) {
    %c0_i32 = arith.constant 0 : i32
    %c0_i32_0 = arith.constant 0 : i32
    return %arg0, %c0_i32 : i32, i32
  }
  func.func @transform_1(%arg0: i32) -> (i32, i32, i32) {
    %c0_i32 = arith.constant 0 : i32
    %c0_i32_0 = arith.constant 0 : i32
    %c0_i32_1 = arith.constant 0 : i32
    return %c0_i32, %arg0, %c0_i32_0 : i32, i32, i32
  }
  func.func @transform_2(%arg0: i32) -> (i32, i32, i32) {
    %c0_i32 = arith.constant 0 : i32
    %c0_i32_0 = arith.constant 0 : i32
    %c0_i32_1 = arith.constant 0 : i32
    return %c0_i32, %arg0, %c0_i32_0 : i32, i32, i32
  }
  func.func @transform_3(%arg0: i32) -> (i32, i32) {
    %c0_i32 = arith.constant 0 : i32
    %c0_i32_0 = arith.constant 0 : i32
    %c0_i32_1 = arith.constant 0 : i32
    return %c0_i32, %c0_i32_0 : i32, i32
  }
  func.func @transform_4(%arg0: i32) -> (i32, i32) {
    %c0_i32 = arith.constant 0 : i32
    %c0_i32_0 = arith.constant 0 : i32
    %c0_i32_1 = arith.constant 0 : i32
    return %c0_i32, %c0_i32_0 : i32, i32
  }
  func.func @transform_5(%arg0: i32) -> (i32, i32) {
    %c0_i32 = arith.constant 0 : i32
    %c0_i32_0 = arith.constant 0 : i32
    return %arg0, %c0_i32 : i32, i32
  }
}

</mosaic_0001>

<sc_bundles>
// kernel: kernel.10.cloned.1.call-start
scs
__scs_entry_jumppad:
0x0: {  	(pc) =	sbr.rel $0x88, $3  }
0x1: {  	(tag) =	ssettag $0x0;
	lr =	simm.s32 $0x1  }
0x2: {  	[smem:$0x3F9B] =	sst lr;
	_ =	strace $0xD0000000  }
0x3: {  	_ = 	snop  }
0x4: {  	_ = 	snop  }
0x5: {  	_ = 	snop  }
0x6: {  	_ = 	snop  }
0x7: {  	_ = 	snop  }
__scs_overlays_trampoline_lowered:
0x8: {  	[smem:$0x3FAA] =	sst s0  }
0x9: {  	[smem:$0x3FAB] =	sst s1  }
0xa: {  	[smem:$0x3FAC] =	sst s2  }
0xb: {  	[smem:$0x3FAD] =	sst s3  }
0xc: {  	[smem:$0x3FAE] =	sst s4  }
0xd: {  	[smem:$0x3FAF] =	sst s5  }
0xe: {  	[smem:$0x3FB0] =	sst s6  }
0xf: {  	[smem:$0x3FB1] =	sst s7  }
0x10: {  	[smem:$0x3FB2] =	sst s8  }
0x11: {  	[smem:$0x3FB3] =	sst s9;
	s0 =	simm.s32 @!p0 $0x0  }
0x12: {  	s1 =	sld [smem:$0x3F99];
	s0 =	simm.s32 @p0 $0x1  }
0x13: {  	[smem:$0x3FB4] =	sst s0;
	s0 =	simm.s32 @!p1 $0x0  }
0x14: {  	s2 =	sld [smem:$0x3F98];
	s0 =	simm.s32 @p1 $0x1  }
0x15: {  	[smem:$0x3FB5] =	sst s0;
	s0 =	simm.s32 @!p2 $0x0  }
0x16: {  	s3 =	sld [smem:$0x3FDB];
	s0 =	simm.s32 @p2 $0x1  }
0x17: {  	s4 =	simm.s32 $0x1BF5;
	[smem:$0x3FB7] =	sst s0  }
0x18: {  	s0 =	sld [smem:$0x3F9A];
	_ =	swait.ge [sflag:s4], $0x0  }
0x19: {  	s7 =	sld [smem:$0x3F9B]  }
0x1a: {  	s8 =	sadd.s32 $0xFFFFE003, lr  }
0x1b: {  	s9 =	sadd.s32 $0xFFFFFEF7, lr;
	s5 =	simm.s32 $0xFFFFFFFF;
	p2 =	slt.u32 s8, $0xFFFFF086  }
0x1c: {  	p1 =	slt.u32 s9, $0xF7A;
	s5 =	simm.s32 @!p2 $0x0  }
0x1d: {  	s5 =	simm.s32 @p1 $0x1;
	p0 =	seq.s32 s7, s2  }
0x1e: {  	s7 =	smul.u32 @!p0 $0xF7A, s2;
	p2 =	seq.s32 @!p0 s5, $0x0  }
0x1f: {  	s9 =	smul.u32 $0xF7A, s1;
	s8 =	simm.s32 @!p0 $0x1BF5;
	p2 =	por !p2, p0  }
0x20: {  	[sflag:s8] =	ssyncset.s32 @!p0 $0xFFFFF086;
	s6 =	sadd.s32 @!p0 s3, s7;
	s7 =	simm.s32 @!p0 $0x108  }
0x21: {  	s3 =	sadd.s32 s3, s9;
	s6 =	sadd.s32 @!p0 $0x88, s6;
	s7 =	simm.s32 @p2 $0x1082  }
0x22: {  	[simem:s7], [sflag:s8] =	dma.local @!p0 [hbm:s6], $0xF7A  }
0x23: {  	s9 =	sor.u32 $0xD0000000, s2;
	s6 =	simm.s32 $0x108;
	_ =	swait.ge @!p0 [sflag:s8], $0x0  }
0x24: {  	s3 =	sadd.s32 $0x88, s3;
	s6 =	simm.s32 @!p1 $0x1082;
	[sflag:s4] =	ssyncset.s32 $0xFFFFF086  }
0x25: {  	[simem:s6], [sflag:s4] =	dma.local [hbm:s3], $0xF7A  }
0x26: {  	[smem:$0x3F9B] =	sst s1;
	(tag) =	ssettag s2;
	_ =	strace s9  }
0x27: {  	s1 =	sld [smem:$0x3FAB]  }
0x28: {  	s2 =	sld [smem:$0x3FAC]  }
0x29: {  	s4 =	sld [smem:$0x3FAE]  }
0x2a: {  	p0 =	seq.s32 s5, $0x0;
	s5 =	sld [smem:$0x3FAF]  }
0x2b: {  	s6 =	sld [smem:$0x3FB0]  }
0x2c: {  	s7 =	sld [smem:$0x3FB1]  }
0x2d: {  	s3 =	simm.s32 $0x108;
	s8 =	sld [smem:$0x3FB2]  }
0x2e: {  	s3 =	simm.s32 @!p0 $0x1082;
	s9 =	sld [smem:$0x3FB3]  }
0x2f: {  	lr =	sadd.s32 s0, s3;
	s0 =	sld [smem:$0x3FAA]  }
0x30: {  	s3 =	sld [smem:$0x3FAD]  }
0x31: {  	[smem:$0x3FB6] =	sst s10  }
0x32: {  	s10 =	sld [smem:$0x3FB4];
	_ =	sdelay $0x3  }
0x33: {  	p0 =	seq.s32 s10, $0x1;
	s10 =	sld [smem:$0x3FB6];
	_ =	sdelay $0x3  }
0x34: {  	[smem:$0x3FB6] =	sst s10  }
0x35: {  	s10 =	sld [smem:$0x3FB5];
	_ =	sdelay $0x3  }
0x36: {  	p1 =	seq.s32 s10, $0x1;
	s10 =	sld [smem:$0x3FB6];
	_ =	sdelay $0x3  }
0x37: {  	[smem:$0x3FB6] =	sst s10  }
0x38: {  	s10 =	sld [smem:$0x3FB7]  }
0x39: {  	_ = 	snop;
	(pc) =	sbr.ind lr, $3  }
0x3a: {  	_ = 	snop  }
0x3b: {  	_ = 	snop  }
0x3c: {  	p2 =	seq.s32 s10, $0x1;
	s10 =	sld [smem:$0x3FB6]  }
0x3d: {  	_ =	shalt  }
0x3e: {  	_ =	shalt  }
0x3f: {  	_ =	shalt  }
0x40: {  	_ =	shalt  }
0x41: {  	_ =	shalt  }
0x42: {  	_ =	shalt  }
0x43: {  	_ =	shalt  }
0x44: {  	_ =	shalt  }
0x45: {  	_ =	shalt  }
0x46: {  	_ =	shalt  }
0x47: {  	_ =	shalt  }
0x48: {  	_ =	shalt  }
0x49: {  	_ =	shalt  }
0x4a: {  	_ =	shalt  }
0x4b: {  	_ =	shalt  }
0x4c: {  	_ =	shalt  }
0x4d: {  	_ =	shalt  }
0x4e: {  	_ =	shalt  }
0x4f: {  	_ =	shalt  }
0x50: {  	_ =	shalt  }
0x51: {  	_ =	shalt  }
0x52: {  	_ =	shalt  }
0x53: {  	_ =	shalt  }
0x54: {  	_ =	shalt  }
0x55: {  	_ =	shalt  }
0x56: {  	_ =	shalt  }
0x57: {  	_ =	shalt  }
0x58: {  	_ =	shalt  }
0x59: {  	_ =	shalt  }
0x5a: {  	_ =	shalt  }
0x5b: {  	_ =	shalt  }
0x5c: {  	_ =	shalt  }
0x5d: {  	_ =	shalt  }
0x5e: {  	_ =	shalt  }
0x5f: {  	_ =	shalt  }
0x60: {  	_ =	shalt  }
0x61: {  	_ =	shalt  }
0x62: {  	_ =	shalt  }
0x63: {  	_ =	shalt  }
0x64: {  	_ =	shalt  }
0x65: {  	_ =	shalt  }
0x66: {  	_ =	shalt  }
0x67: {  	_ =	shalt  }
0x68: {  	_ =	shalt  }
0x69: {  	_ =	shalt  }
0x6a: {  	_ =	shalt  }
0x6b: {  	_ =	shalt  }
0x6c: {  	_ =	shalt  }
0x6d: {  	_ =	shalt  }
0x6e: {  	_ =	shalt  }
0x6f: {  	_ =	shalt  }
0x70: {  	_ =	shalt  }
0x71: {  	_ =	shalt  }
0x72: {  	_ =	shalt  }
0x73: {  	_ =	shalt  }
0x74: {  	_ =	shalt  }
0x75: {  	_ =	shalt  }
0x76: {  	_ =	shalt  }
0x77: {  	_ =	shalt  }
0x78: {  	_ =	shalt  }
0x79: {  	_ =	shalt  }
0x7a: {  	_ =	shalt  }
0x7b: {  	_ =	shalt  }
0x7c: {  	_ =	shalt  }
0x7d: {  	_ =	shalt  }
0x7e: {  	_ =	shalt  }
0x7f: {  	_ =	shalt  }
0x80: {  	_ =	shalt  }
0x81: {  	_ =	shalt  }
0x82: {  	_ =	shalt  }
0x83: {  	_ =	shalt  }
0x84: {  	_ =	shalt  }
0x85: {  	_ =	shalt  }
0x86: {  	_ =	shalt  }
0x87: {  	_ =	shalt  }
.Lfunc_end0:
.L_simem_size_0:
called_computation.1_lowered:
.L_overlay_start_0:
0x88: {  	s2 =	sld [smem:$0x3FD9]  }
0x89: {  	s3 =	sld [smem:$0x3FFE];
	_ =	sdelay $0x1  }
0x8a: {  	s1 =	srdreg.scid  }
0x8b: {  	s0 =	sand.u32 $0x1, s1  }
0x8c: {  	s17 =	sshll.u32 s0, $0xA;
	s2 =	sadd.s32 s3, s2  }
0x8d: {  	s2 =	sadd.s32 s2, s17  }
0x8e: {  	[smem:$0x3FC2] =	sst s2  }
0x8f: {  	_ = 	snop  }
0x90: {  	s2 =	sld [smem:$0x3FD0];
	(tm) =	ssettm $0x1  }
0x91: {  	s18 =	sld [smem:$0x3FFB];
	_ =	sdelay $0x3  }
0x92: {  	_ =	strace s18  }
0x93: {  	s3 =	sld [smem:$0x3FFC];
	_ =	sdelay $0x3  }
0x94: {  	_ =	strace s3  }
0x95: {  	s3 =	sld [smem:$0x3FFD];
	_ =	sdelay $0x3  }
0x96: {  	_ =	strace s3  }
0x97: {  	_ =	strace $0x8FFFFFFF  }
0x98: {  	s19 =	sld [smem:$0x3FDB];
	_ =	sdelay $0x1  }
0x99: {  	s4 =	simm.s32 $_scs_section_size  }
0x9a: {  	s5 =	simm.s32 $_size__tile_overlayer_lowered;
	s6 =	simm.s32 $_tile_overlayer_lowered  }
0x9b: {  	s22 =	simm.s32 $0x1BFF;
	s21 =	sshll.u32 s6, $0x1;
	s3 =	sadd.s32 s4, s19  }
0x9c: {  	s7 =	simm.s32 $0x0;
	s20 =	sshll.u32 s5, $0x1;
	s5 =	sadd.s32 s21, s3  }
0x9d: {  	[timem:s7], [sflag:s22] =	dma.local [hbm:s5], s20  }
0x9e: {  	_ =	swait.ge [sflag:s22], s20  }
0x9f: {  	s4 =	ssub.s32 $0x0, s20;
	[sflag:s22] =	ssyncset.done $0x0  }
0xa0: {  	[sflag:s22] =	ssyncadd.s32 s4;
	_ =	sdelay $0x1  }
0xa1: {  	s23 =	simm.s32 $0x1B8B  }
0xa2: {  	_ =	swait.ge [sflag:s23], $0x1  }
0xa3: {  	[sflag:s23] =	ssyncset.done $0x0  }
0xa4: {  	s25 =	simm.s32 $0x1B8E;
	s24 =	sld [smem:$0x3FFE];
	[sflag:s23] =	ssyncadd.s32 $0xFFFFFFFF  }
0xa5: {  	s26 =	simm.s32 $execute0_lowered;
	[smem:$0x3FD2] =	sst s25  }
0xa6: {  	s5 =	sshll.u32 s26, $0x1;
	_ =	strace $0x80000046;
	[dreg:$0x1] =	wrdreg $0xFFFFFFFF  }
0xa7: {  	s28 =	simm.s32 $_size_execute0_lowered;
	s3 =	sadd.s32 s3, s5;
	[dreg:$0x0] =	wrdreg $0x0  }
0xa8: {  	s5 =	sshll.u32 s28, $0x1;
	[dreg:$0x2] =	wrdreg s3  }
0xa9: {  	[dreg:$0x3] =	wrdreg s5  }
0xaa: {  	[dreg:$0x4] =	wrdreg $0xC0  }
0xab: {  	_ =	task [dreg:s7], $0x5FFFF  }
0xac: {  	[dreg:$0x1] =	wrdreg $0xFFFFFFFF  }
0xad: {  	[dreg:$0x0] =	wrdreg $0x60  }
0xae: {  	[dreg:$0x2] =	wrdreg s24  }
0xaf: {  	[dreg:$0x3] =	wrdreg s2  }
0xb0: {  	[dreg:$0x4] =	wrdreg $0x90000  }
0xb1: {  	[dreg:$0x5] =	wrdreg $0xA  }
0xb2: {  	_ =	task.clear_ibuf [dreg:s7], $0x6FFFF;
	_ =	strace $0x90000046  }
0xb3: {  	s29 =	simm.s32 $0xA;
	_ =	strace $0x80000048  }
0xb4: {  	_ =	swait.ge [sflag:s29], $0x1  }
0xb5: {  	[sflag:s29] =	ssyncadd.s32 $0xFFFFFFFF  }
0xb6: {  	_ =	strace $0x90000048  }
0xb7: {  	_ =	sfence  }
0xb8: {  	s30 =	sld [smem:$0x0];
	_ =	sdelay $0x2  }
0xb9: {  	s31 =	sshll.u32 s1, $0xD;
	s1 =	sshrl.u32 s1, $0x2  }
0xba: {  	s3 =	sand.u32 $0x4000, s31;
	s1 =	sadd.s32 s1, s30  }
0xbb: {  	s0 =	sor.u32 s3, s0;
	s1 =	sshll.u32 s1, $0x11  }
0xbc: {  	s0 =	sor.u32 s1, s0  }
0xbd: {  	s0 =	sadd.s32 $0x8F2B, s0  }
0xbe: {  	[sflag:s0] =	ssyncadd.remote.s32 $0x1  }
0xbf: {  	_ =	sfence.sel $0xFFFF  }
0xc0: {  	[dreg:$0x0] =	wrdreg $0xFFFFFFFF;
	(pc) =	sbr.abs _section_cstart, $3  }
0xc1: {  	[dreg:$0x1] =	wrdreg $0xFFFFFFFF  }
0xc2: {  	_ =	task.clear_ibuf [dreg:s7], $0x2FFFF;
	_ =	strace $0x9FFFFFFF  }
0xc3: {  	(tm) =	ssettm $0x7FFFFFFF  }
tec
execute0_lowered:
.L_overlay_start_1:
0x0: {  	(tag) =	ssettag $0x1  }
0x1: {  	s0 =	rddreg [dreg:$0x0];
	s1 =	srdreg.scid  }
0x2: {  	s5 =	rddreg [dreg:$0x1];
	s13 =	stileid.u32  }
0x3: {  	s2 =	rddreg [dreg:$0x2];
	s3 =	simm.s32 $0x0;
	s18 =	simm.s32 $0x100  }
0x4: {  	s19 =	simm.s32 $0x880;
	s20 =	simm.s32 $0x180;
	s21 =	simm.s32 $0x900  }
0x5: {  	s22 =	simm.s32 $0x200;
	[smem:$0x7FF] =	sst s3;
	s10 =	sadd.s32 $0x32E00, s0  }
0x6: {  	s23 =	simm.s32 $0x980;
	_ =	strace $0x80000047;
	[dreg:$0x14] =	wrdreg s10  }
0x7: {  	s24 =	simm.s32 $0x280;
	s25 =	simm.s32 $0xA00;
	[dreg:$0x6] =	wrdreg s18  }
0x8: {  	s26 =	simm.s32 $0x300;
	s28 =	simm.s32 $0x600;
	[dreg:$0x7] =	wrdreg s19  }
0x9: {  	s29 =	simm.s32 $0xD80;
	s6 =	smul.u32 $0x2800, s13;
	[dreg:$0x8] =	wrdreg s20  }
0xa: {  	s30 =	simm.s32 $0x680;
	s7 =	smul.u32 $0x4E000, s13;
	[dreg:$0x9] =	wrdreg s21  }
0xb: {  	s1 =	sand.u32 $0x1, s1;
	s11 =	smul.u32 $0x2700, s13;
	[dreg:$0xa] =	wrdreg s22  }
0xc: {  	s31 =	simm.s32 $0xE00;
	s4 =	smul.u32 $0x28000, s1;
	[dreg:$0xb] =	wrdreg s23  }
0xd: {  	p0 =	seq.s32 s13, $0xF;
	s9 =	smul.u32 $0x27100, s1;
	[dreg:$0xc] =	wrdreg s24  }
0xe: {  	s14 =	ssub.s32 $0x2, s1;
	s1 =	smul.u32 $0x138800, s1;
	[dreg:$0xd] =	wrdreg s25  }
0xf: {  	[dreg:$0xe] =	wrdreg s26;
	s18 =	simm.s32 $0x3;
	s19 =	simm.s32 $0x2  }
0x10: {  	s20 =	simm.s32 $0x4;
	s21 =	simm.s32 $0x480;
	s22 =	simm.s32 $0xC00  }
0x11: {  	s23 =	simm.s32 $0x500;
	s24 =	simm.s32 $0xC80;
	s25 =	simm.s32 $0x580  }
0x12: {  	s26 =	simm.s32 $0xD00;
	s12 =	sshrl.u32 s14, $0x1;
	s7 =	sshrl.u32 s7, $0x2  }
0x13: {  	s4 =	sadd.s32 s6, s4;
	s10 =	ssub.s32 s14, s12;
	s7 =	sadd.s32 s7, s2  }
0x14: {  	s12 =	sadd.s32 $0x124800, s2;
	s9 =	sadd.s32 s11, s9;
	s1 =	sshrl.u32 s1, $0x3  }
0x15: {  	s14 =	simm.s32 $0x80;
	s6 =	sshrl.u32 s4, $0x3;
	s17 =	smax.u32 s10, $0x1  }
0x16: {  	s10 =	sshrl.u32 @!p0 s7, $0x3;
	s7 =	simm.s32 $0x400;
	[dreg:$0x17] =	wrdreg s17  }
0x17: {  	s4 =	sadd.s32 $0xB800, s0;
	s8 =	sadd.s32 s6, s0;
	[dreg:$0x12] =	wrdreg s7  }
0x18: {  	s0 =	sadd.s32 $0x35600, s0;
	s16 =	sadd.s32 s6, s5;
	[dreg:$0x1a] =	wrdreg s10  }
0x19: {  	s5 =	simm.s32 $0x380;
	s17 =	simm.s32 $0x1;
	[dreg:$0x5] =	wrdreg s16  }
0x1a: {  	s6 =	simm.s32 $0xB00;
	s7 =	simm.s32 $0xF00;
	[dreg:$0x10] =	wrdreg s5  }
0x1b: {  	s9 =	sadd.s32 s0, s9;
	s0 =	sadd.s32 s0, s1;
	[dreg:$0x11] =	wrdreg s6  }
0x1c: {  	s15 =	sadd.s32 $0x1800, s8;
	s1 =	sshrl.u32 @p0 s12, $0x3;
	[dreg:$0x15] =	wrdreg s9  }
0x1d: {  	s12 =	simm.s32 $0x5;
	s16 =	simm.s32 $0x5000;
	[dreg:$0x4] =	wrdreg s15  }
0x1e: {  	s8 =	simm.s32 $0xB80;
	s6 =	simm.s32 $0x780;
	[dreg:$0x18] =	wrdreg s1  }
0x1f: {  	s0 =	sadd.s32 $0x24900, s0;
	s1 =	sshll.u32 @!p0 s13, $0x6;
	[dreg:$0x13] =	wrdreg s8  }
0x20: {  	s13 =	simm.s32 $0x800;
	s9 =	simm.s32 $0x0;
	[dreg:$0x16] =	wrdreg s0  }
0x21: {  	s11 =	sor.u32 @!p0 $0x1C05, s1;
	s1 =	simm.s32 $0xA80;
	[dreg:$0x1b] =	wrdreg s9  }
0x22: {  	s15 =	simm.s32 $0x1000;
	s8 =	simm.s32 $0xF80;
	[dreg:$0xf] =	wrdreg s1  }
0x23: {  	s0 =	simm.s32 $0xE80;
	s1 =	simm.s32 $0x700;
	[dreg:$0x19] =	wrdreg s11  }
.LBB2_1:
0x24: {  	s5 =	rddreg [dreg:$0x14]  }
0x25: {  	s9 =	simm.s32 @p0 $0x1FC5;
	s11 =	rddreg [dreg:$0x18]  }
0x26: {  	[spmem:s11], [sflag:s9] =	dma.local @p0 [hbm:s5], $0x2800  }
0x27: {  	s9 =	simm.s32 @p0 $0x5  }
0x28: {  	_ =	swait.ge @p0 [sflag:s9], $0x2800  }
0x29: {  	[sflag:s9] =	ssyncset.done @p0 $0x0  }
0x2a: {  	[sflag:s9] =	ssyncadd.s32 @p0 $0xFFFFD800;
	s9 =	rddreg [dreg:$0x19]  }
0x2b: {  	[spmem:s10], [sflag:s9] =	dma.local @!p0 [hbm:s5], $0x2700  }
0x2c: {  	s9 =	simm.s32 @!p0 $0x5  }
0x2d: {  	_ =	swait.ge @!p0 [sflag:s9], $0x2700  }
0x2e: {  	[sflag:s9] =	ssyncset.done @!p0 $0x0  }
0x2f: {  	[sflag:s9] =	ssyncadd.s32 @!p0 $0xFFFFD900  }
0x30: {  	[bflag:$0x0] =	sbarrier.arrive $0xFFFF  }
0x31: {  	s11 =	rddreg [dreg:$0x5]  }
0x32: {  	s9 =	sadd.s32 $0x0, s11  }
0x33: {  	[tilespmem:s3], [sflag:$0x5] =	stream.linear.gather [hbm4b:s9+s3], $0x800, $0x38;
	[tilespmem:$0x1CA80] =	vst v63  }
0x34: {  	_ =	swait.ge [sflag:s12], $0x800  }
0x35: {  	s5 =	rddreg [dreg:$0x4];
	[sflag:s12] =	ssyncset.done $0x0  }
0x36: {  	[sflag:s12] =	ssyncadd.s32 $0xFFFFF800;
	s9 =	sadd.s32 $0x0, s5  }
0x37: {  	[tilespmem:s13], [sflag:$0x5] =	stream.linear.gather [hbm4b:s9+s3], $0x800, $0x38;
	[tilespmem:$0x1CA80] =	vst v63  }
0x38: {  	_ =	swait.ge [sflag:s12], $0x800  }
0x39: {  	[sflag:s12] =	ssyncset.done $0x0  }
0x3a: {  	[sflag:s12] =	ssyncadd.s32 $0xFFFFF800  }
0x3b: {  	[tilespmem:s15], [sflag:$0x1] =	stream.indirect.gather [hbm4b:s4+s14], $0x80, s3, s14, $0xb8;
	[tilespmem:$0x1CA80] =	vst v63  }
0x3c: {  	_ = 	snop  }
0x3d: {  	[tilespmem:s16], [sflag:$0x2] =	stream.indirect.gather [hbm4b:s4+s14], $0x80, s14, s14, $0xb8;
	[tilespmem:$0x1CA80] =	vst v63  }
0x3e: {  	_ =	swait.ge [sflag:s17], $0x4000  }
0x3f: {  	[sflag:s17] =	ssyncset.done $0x0  }
0x40: {  	[sflag:s17] =	ssyncadd.s32 $0xFFFFC000  }
0x41: {  	[spmem:s2] =	stream.indirect.scatter.add.f32 [tilespmem:s15], [sflag:$0x3], $0x80, s13, s14, $0xb8;
	[tilespmem:$0x1CA80] =	vst v63  }
0x42: {  	_ =	swait.ge [sflag:s18], $0x4000  }
0x43: {  	[sflag:s18] =	ssyncset.done $0x0  }
0x44: {  	s10 =	rddreg [dreg:$0x6];
	[sflag:s18] =	ssyncadd.s32 $0xFFFFC000  }
0x45: {  	[tilespmem:s15], [sflag:$0x1] =	stream.indirect.gather [hbm4b:s4+s14], $0x80, s10, s14, $0xb8;
	[tilespmem:$0x1CA80] =	vst v63  }
0x46: {  	_ =	swait.ge [sflag:s19], $0x4000  }
0x47: {  	[sflag:s19] =	ssyncset.done $0x0  }
0x48: {  	s11 =	rddreg [dreg:$0x7];
	[sflag:s19] =	ssyncadd.s32 $0xFFFFC000  }
0x49: {  	[spmem:s2] =	stream.indirect.scatter.add.f32 [tilespmem:s16], [sflag:$0x4], $0x80, s11, s14, $0xb8;
	[tilespmem:$0x1CA80] =	vst v63  }
0x4a: {  	_ =	swait.ge [sflag:s20], $0x4000  }
0x4b: {  	[sflag:s20] =	ssyncset.done $0x0  }
0x4c: {  	s5 =	rddreg [dreg:$0x8];
	[sflag:s20] =	ssyncadd.s32 $0xFFFFC000  }
0x4d: {  	[tilespmem:s16], [sflag:$0x2] =	stream.indirect.gather [hbm4b:s4+s14], $0x80, s5, s14, $0xb8;
	[tilespmem:$0x1CA80] =	vst v63  }
0x4e: {  	_ =	swait.ge [sflag:s17], $0x4000  }
0x4f: {  	[sflag:s17] =	ssyncset.done $0x0  }
0x50: {  	s10 =	rddreg [dreg:$0x9];
	[sflag:s17] =	ssyncadd.s32 $0xFFFFC000  }
0x51: {  	[spmem:s2] =	stream.indirect.scatter.add.f32 [tilespmem:s15], [sflag:$0x3], $0x80, s10, s14, $0xb8;
	[tilespmem:$0x1CA80] =	vst v63  }
0x52: {  	_ =	swait.ge [sflag:s18], $0x4000  }
0x53: {  	[sflag:s18] =	ssyncset.done $0x0  }
0x54: {  	s11 =	rddreg [dreg:$0xa];
	[sflag:s18] =	ssyncadd.s32 $0xFFFFC000  }
0x55: {  	[tilespmem:s15], [sflag:$0x1] =	stream.indirect.gather [hbm4b:s4+s14], $0x80, s11, s14, $0xb8;
	[tilespmem:$0x1CA80] =	vst v63  }
0x56: {  	_ =	swait.ge [sflag:s19], $0x4000  }
0x57: {  	[sflag:s19] =	ssyncset.done $0x0  }
0x58: {  	s5 =	rddreg [dreg:$0xb];
	[sflag:s19] =	ssyncadd.s32 $0xFFFFC000  }
0x59: {  	[spmem:s2] =	stream.indirect.scatter.add.f32 [tilespmem:s16], [sflag:$0x4], $0x80, s5, s14, $0xb8;
	[tilespmem:$0x1CA80] =	vst v63  }
0x5a: {  	_ =	swait.ge [sflag:s20], $0x4000  }
0x5b: {  	[sflag:s20] =	ssyncset.done $0x0  }
0x5c: {  	s10 =	rddreg [dreg:$0xc];
	[sflag:s20] =	ssyncadd.s32 $0xFFFFC000  }
0x5d: {  	[tilespmem:s16], [sflag:$0x2] =	stream.indirect.gather [hbm4b:s4+s14], $0x80, s10, s14, $0xb8;
	[tilespmem:$0x1CA80] =	vst v63  }
0x5e: {  	_ =	swait.ge [sflag:s17], $0x4000  }
0x5f: {  	[sflag:s17] =	ssyncset.done $0x0  }
0x60: {  	s11 =	rddreg [dreg:$0xd];
	[sflag:s17] =	ssyncadd.s32 $0xFFFFC000  }
0x61: {  	[spmem:s2] =	stream.indirect.scatter.add.f32 [tilespmem:s15], [sflag:$0x3], $0x80, s11, s14, $0xb8;
	[tilespmem:$0x1CA80] =	vst v63  }
0x62: {  	_ =	swait.ge [sflag:s18], $0x4000  }
0x63: {  	[sflag:s18] =	ssyncset.done $0x0  }
0x64: {  	s5 =	rddreg [dreg:$0xe];
	[sflag:s18] =	ssyncadd.s32 $0xFFFFC000  }
0x65: {  	[tilespmem:s15], [sflag:$0x1] =	stream.indirect.gather [hbm4b:s4+s14], $0x80, s5, s14, $0xb8;
	[tilespmem:$0x1CA80] =	vst v63  }
0x66: {  	_ =	swait.ge [sflag:s19], $0x4000  }
0x67: {  	[sflag:s19] =	ssyncset.done $0x0  }
0x68: {  	s10 =	rddreg [dreg:$0xf];
	[sflag:s19] =	ssyncadd.s32 $0xFFFFC000  }
0x69: {  	[spmem:s2] =	stream.indirect.scatter.add.f32 [tilespmem:s16], [sflag:$0x4], $0x80, s10, s14, $0xb8;
	[tilespmem:$0x1CA80] =	vst v63  }
0x6a: {  	_ =	swait.ge [sflag:s20], $0x4000  }
0x6b: {  	[sflag:s20] =	ssyncset.done $0x0  }
0x6c: {  	s11 =	rddreg [dreg:$0x10];
	[sflag:s20] =	ssyncadd.s32 $0xFFFFC000  }
0x6d: {  	[tilespmem:s16], [sflag:$0x2] =	stream.indirect.gather [hbm4b:s4+s14], $0x80, s11, s14, $0xb8;
	[tilespmem:$0x1CA80] =	vst v63  }
0x6e: {  	_ =	swait.ge [sflag:s17], $0x4000  }
0x6f: {  	[sflag:s17] =	ssyncset.done $0x0  }
0x70: {  	s5 =	rddreg [dreg:$0x11];
	[sflag:s17] =	ssyncadd.s32 $0xFFFFC000  }
0x71: {  	[spmem:s2] =	stream.indirect.scatter.add.f32 [tilespmem:s15], [sflag:$0x3], $0x80, s5, s14, $0xb8;
	[tilespmem:$0x1CA80] =	vst v63  }
0x72: {  	_ =	swait.ge [sflag:s18], $0x4000  }
0x73: {  	[sflag:s18] =	ssyncset.done $0x0  }
0x74: {  	s10 =	rddreg [dreg:$0x12];
	[sflag:s18] =	ssyncadd.s32 $0xFFFFC000  }
0x75: {  	[tilespmem:s15], [sflag:$0x1] =	stream.indirect.gather [hbm4b:s4+s14], $0x80, s10, s14, $0xb8;
	[tilespmem:$0x1CA80] =	vst v63  }
0x76: {  	_ =	swait.ge [sflag:s19], $0x4000  }
0x77: {  	[sflag:s19] =	ssyncset.done $0x0  }
0x78: {  	s11 =	rddreg [dreg:$0x13];
	[sflag:s19] =	ssyncadd.s32 $0xFFFFC000  }
0x79: {  	[spmem:s2] =	stream.indirect.scatter.add.f32 [tilespmem:s16], [sflag:$0x4], $0x80, s11, s14, $0xb8;
	[tilespmem:$0x1CA80] =	vst v63  }
0x7a: {  	_ =	swait.ge [sflag:s20], $0x4000  }
0x7b: {  	[sflag:s20] =	ssyncset.done $0x0  }
0x7c: {  	[sflag:s20] =	ssyncadd.s32 $0xFFFFC000  }
0x7d: {  	[tilespmem:s16], [sflag:$0x2] =	stream.indirect.gather [hbm4b:s4+s14], $0x80, s21, s14, $0xb8;
	[tilespmem:$0x1CA80] =	vst v63  }
0x7e: {  	_ =	swait.ge [sflag:s17], $0x4000  }
0x7f: {  	[sflag:s17] =	ssyncset.done $0x0  }
0x80: {  	[sflag:s17] =	ssyncadd.s32 $0xFFFFC000  }
0x81: {  	[spmem:s2] =	stream.indirect.scatter.add.f32 [tilespmem:s15], [sflag:$0x3], $0x80, s22, s14, $0xb8;
	[tilespmem:$0x1CA80] =	vst v63  }
0x82: {  	_ =	swait.ge [sflag:s18], $0x4000  }
0x83: {  	[sflag:s18] =	ssyncset.done $0x0  }
0x84: {  	[sflag:s18] =	ssyncadd.s32 $0xFFFFC000  }
0x85: {  	[tilespmem:s15], [sflag:$0x1] =	stream.indirect.gather [hbm4b:s4+s14], $0x80, s23, s14, $0xb8;
	[tilespmem:$0x1CA80] =	vst v63  }
0x86: {  	_ =	swait.ge [sflag:s19], $0x4000  }
0x87: {  	[sflag:s19] =	ssyncset.done $0x0  }
0x88: {  	[sflag:s19] =	ssyncadd.s32 $0xFFFFC000  }
0x89: {  	[spmem:s2] =	stream.indirect.scatter.add.f32 [tilespmem:s16], [sflag:$0x4], $0x80, s24, s14, $0xb8;
	[tilespmem:$0x1CA80] =	vst v63  }
0x8a: {  	_ =	swait.ge [sflag:s20], $0x4000  }
0x8b: {  	[sflag:s20] =	ssyncset.done $0x0  }
0x8c: {  	[sflag:s20] =	ssyncadd.s32 $0xFFFFC000  }
0x8d: {  	[tilespmem:s16], [sflag:$0x2] =	stream.indirect.gather [hbm4b:s4+s14], $0x80, s25, s14, $0xb8;
	[tilespmem:$0x1CA80] =	vst v63  }
0x8e: {  	_ =	swait.ge [sflag:s17], $0x4000  }
0x8f: {  	[sflag:s17] =	ssyncset.done $0x0  }
0x90: {  	[sflag:s17] =	ssyncadd.s32 $0xFFFFC000  }
0x91: {  	[spmem:s2] =	stream.indirect.scatter.add.f32 [tilespmem:s15], [sflag:$0x3], $0x80, s26, s14, $0xb8;
	[tilespmem:$0x1CA80] =	vst v63  }
0x92: {  	_ =	swait.ge [sflag:s18], $0x4000  }
0x93: {  	[sflag:s18] =	ssyncset.done $0x0  }
0x94: {  	[sflag:s18] =	ssyncadd.s32 $0xFFFFC000  }
0x95: {  	[tilespmem:s15], [sflag:$0x1] =	stream.indirect.gather [hbm4b:s4+s14], $0x80, s28, s14, $0xb8;
	[tilespmem:$0x1CA80] =	vst v63  }
0x96: {  	_ =	swait.ge [sflag:s19], $0x4000  }
0x97: {  	[sflag:s19] =	ssyncset.done $0x0  }
0x98: {  	[sflag:s19] =	ssyncadd.s32 $0xFFFFC000  }
0x99: {  	[spmem:s2] =	stream.indirect.scatter.add.f32 [tilespmem:s16], [sflag:$0x4], $0x80, s29, s14, $0xb8;
	[tilespmem:$0x1CA80] =	vst v63  }
0x9a: {  	_ =	swait.ge [sflag:s20], $0x4000  }
0x9b: {  	[sflag:s20] =	ssyncset.done $0x0  }
0x9c: {  	[sflag:s20] =	ssyncadd.s32 $0xFFFFC000  }
0x9d: {  	[tilespmem:s16], [sflag:$0x2] =	stream.indirect.gather [hbm4b:s4+s14], $0x80, s30, s14, $0xb8;
	[tilespmem:$0x1CA80] =	vst v63  }
0x9e: {  	_ =	swait.ge [sflag:s17], $0x4000  }
0x9f: {  	[sflag:s17] =	ssyncset.done $0x0  }
0xa0: {  	[sflag:s17] =	ssyncadd.s32 $0xFFFFC000  }
0xa1: {  	[spmem:s2] =	stream.indirect.scatter.add.f32 [tilespmem:s15], [sflag:$0x3], $0x80, s31, s14, $0xb8;
	[tilespmem:$0x1CA80] =	vst v63  }
0xa2: {  	_ =	swait.ge [sflag:s18], $0x4000  }
0xa3: {  	[sflag:s18] =	ssyncset.done $0x0  }
0xa4: {  	[sflag:s18] =	ssyncadd.s32 $0xFFFFC000  }
0xa5: {  	[tilespmem:s15], [sflag:$0x1] =	stream.indirect.gather [hbm4b:s4+s14], $0x80, s1, s14, $0xb8;
	[tilespmem:$0x1CA80] =	vst v63  }
0xa6: {  	_ =	swait.ge [sflag:s19], $0x4000  }
0xa7: {  	[sflag:s19] =	ssyncset.done $0x0  }
0xa8: {  	[sflag:s19] =	ssyncadd.s32 $0xFFFFC000  }
0xa9: {  	[spmem:s2] =	stream.indirect.scatter.add.f32 [tilespmem:s16], [sflag:$0x4], $0x80, s0, s14, $0xb8;
	[tilespmem:$0x1CA80] =	vst v63  }
0xaa: {  	_ =	swait.ge [sflag:s20], $0x4000  }
0xab: {  	[sflag:s20] =	ssyncset.done $0x0  }
0xac: {  	[sflag:s20] =	ssyncadd.s32 $0xFFFFC000  }
0xad: {  	[tilespmem:s16], [sflag:$0x2] =	stream.indirect.gather [hbm4b:s4+s14], $0x80, s6, s14, $0xb8;
	[tilespmem:$0x1CA80] =	vst v63  }
0xae: {  	_ =	swait.ge [sflag:s17], $0x4000  }
0xaf: {  	[sflag:s17] =	ssyncset.done $0x0  }
0xb0: {  	[sflag:s17] =	ssyncadd.s32 $0xFFFFC000  }
0xb1: {  	[spmem:s2] =	stream.indirect.scatter.add.f32 [tilespmem:s15], [sflag:$0x3], $0x80, s7, s14, $0xb8;
	[tilespmem:$0x1CA80] =	vst v63  }
0xb2: {  	_ =	swait.ge [sflag:s19], $0x4000  }
0xb3: {  	[sflag:s19] =	ssyncset.done $0x0  }
0xb4: {  	[sflag:s19] =	ssyncadd.s32 $0xFFFFC000  }
0xb5: {  	[spmem:s2] =	stream.indirect.scatter.add.f32 [tilespmem:s16], [sflag:$0x4], $0x80, s8, s14, $0xb8;
	[tilespmem:$0x1CA80] =	vst v63  }
0xb6: {  	_ =	swait.ge [sflag:s18], $0x4000  }
0xb7: {  	[sflag:s18] =	ssyncset.done $0x0  }
0xb8: {  	[sflag:s18] =	ssyncadd.s32 $0xFFFFC000  }
0xb9: {  	s9 =	simm.s32 $0x100;
	_ =	swait.ge [sflag:s20], $0x4000  }
0xba: {  	s10 =	simm.s32 $0x200;
	s11 =	rddreg [dreg:$0x5];
	[sflag:s20] =	ssyncset.done $0x0  }
.LBB2_2:
0xbb: {  	[sflag:s20] =	ssyncadd.s32 $0xFFFFC000;
	s11 =	sadd.s32 s9, s11  }
0xbc: {  	[tilespmem:s3], [sflag:$0x5] =	stream.linear.gather [hbm4b:s11+s3], $0x800, $0x38;
	[tilespmem:$0x1CA80] =	vst v63  }
0xbd: {  	_ =	swait.ge [sflag:s12], $0x800  }
0xbe: {  	s11 =	rddreg [dreg:$0x4];
	[sflag:s12] =	ssyncset.done $0x0  }
0xbf: {  	[sflag:s12] =	ssyncadd.s32 $0xFFFFF800;
	s11 =	sadd.s32 s9, s11  }
0xc0: {  	[tilespmem:s13], [sflag:$0x5] =	stream.linear.gather [hbm4b:s11+s3], $0x800, $0x38;
	[tilespmem:$0x1CA80] =	vst v63  }
0xc1: {  	_ =	swait.ge [sflag:s12], $0x800  }
0xc2: {  	[sflag:s12] =	ssyncset.done $0x0  }
0xc3: {  	[sflag:s12] =	ssyncadd.s32 $0xFFFFF800  }
0xc4: {  	[tilespmem:s15], [sflag:$0x1] =	stream.indirect.gather [hbm4b:s4+s14], $0x80, s3, s14, $0xb8;
	[tilespmem:$0x1CA80] =	vst v63  }
0xc5: {  	_ = 	snop  }
0xc6: {  	[tilespmem:s16], [sflag:$0x2] =	stream.indirect.gather [hbm4b:s4+s14], $0x80, s14, s14, $0xb8;
	[tilespmem:$0x1CA80] =	vst v63  }
0xc7: {  	_ =	swait.ge [sflag:s17], $0x4000  }
0xc8: {  	[sflag:s17] =	ssyncset.done $0x0  }
0xc9: {  	[sflag:s17] =	ssyncadd.s32 $0xFFFFC000  }
0xca: {  	[spmem:s2] =	stream.indirect.scatter.add.f32 [tilespmem:s15], [sflag:$0x3], $0x80, s13, s14, $0xb8;
	[tilespmem:$0x1CA80] =	vst v63  }
0xcb: {  	_ =	swait.ge [sflag:s18], $0x4000  }
0xcc: {  	[sflag:s18] =	ssyncset.done $0x0  }
0xcd: {  	s11 =	rddreg [dreg:$0x6];
	[sflag:s18] =	ssyncadd.s32 $0xFFFFC000  }
0xce: {  	[tilespmem:s15], [sflag:$0x1] =	stream.indirect.gather [hbm4b:s4+s14], $0x80, s11, s14, $0xb8;
	[tilespmem:$0x1CA80] =	vst v63  }
0xcf: {  	_ =	swait.ge [sflag:s19], $0x4000  }
0xd0: {  	[sflag:s19] =	ssyncset.done $0x0  }
0xd1: {  	s11 =	rddreg [dreg:$0x7];
	[sflag:s19] =	ssyncadd.s32 $0xFFFFC000  }
0xd2: {  	[spmem:s2] =	stream.indirect.scatter.add.f32 [tilespmem:s16], [sflag:$0x4], $0x80, s11, s14, $0xb8;
	[tilespmem:$0x1CA80] =	vst v63  }
0xd3: {  	_ =	swait.ge [sflag:s20], $0x4000  }
0xd4: {  	[sflag:s20] =	ssyncset.done $0x0  }
0xd5: {  	s11 =	rddreg [dreg:$0x8];
	[sflag:s20] =	ssyncadd.s32 $0xFFFFC000  }
0xd6: {  	[tilespmem:s16], [sflag:$0x2] =	stream.indirect.gather [hbm4b:s4+s14], $0x80, s11, s14, $0xb8;
	[tilespmem:$0x1CA80] =	vst v63  }
0xd7: {  	_ =	swait.ge [sflag:s17], $0x4000  }
0xd8: {  	[sflag:s17] =	ssyncset.done $0x0  }
0xd9: {  	s11 =	rddreg [dreg:$0x9];
	[sflag:s17] =	ssyncadd.s32 $0xFFFFC000  }
0xda: {  	[spmem:s2] =	stream.indirect.scatter.add.f32 [tilespmem:s15], [sflag:$0x3], $0x80, s11, s14, $0xb8;
	[tilespmem:$0x1CA80] =	vst v63  }
0xdb: {  	_ =	swait.ge [sflag:s18], $0x4000  }
0xdc: {  	[sflag:s18] =	ssyncset.done $0x0  }
0xdd: {  	s11 =	rddreg [dreg:$0xa];
	[sflag:s18] =	ssyncadd.s32 $0xFFFFC000  }
0xde: {  	[tilespmem:s15], [sflag:$0x1] =	stream.indirect.gather [hbm4b:s4+s14], $0x80, s11, s14, $0xb8;
	[tilespmem:$0x1CA80] =	vst v63  }
0xdf: {  	_ =	swait.ge [sflag:s19], $0x4000  }
0xe0: {  	[sflag:s19] =	ssyncset.done $0x0  }
0xe1: {  	s11 =	rddreg [dreg:$0xb];
	[sflag:s19] =	ssyncadd.s32 $0xFFFFC000  }
0xe2: {  	[spmem:s2] =	stream.indirect.scatter.add.f32 [tilespmem:s16], [sflag:$0x4], $0x80, s11, s14, $0xb8;
	[tilespmem:$0x1CA80] =	vst v63  }
0xe3: {  	_ =	swait.ge [sflag:s20], $0x4000  }
0xe4: {  	[sflag:s20] =	ssyncset.done $0x0  }
0xe5: {  	s11 =	rddreg [dreg:$0xc];
	[sflag:s20] =	ssyncadd.s32 $0xFFFFC000  }
0xe6: {  	[tilespmem:s16], [sflag:$0x2] =	stream.indirect.gather [hbm4b:s4+s14], $0x80, s11, s14, $0xb8;
	[tilespmem:$0x1CA80] =	vst v63  }
0xe7: {  	_ =	swait.ge [sflag:s17], $0x4000  }
0xe8: {  	[sflag:s17] =	ssyncset.done $0x0  }
0xe9: {  	s11 =	rddreg [dreg:$0xd];
	[sflag:s17] =	ssyncadd.s32 $0xFFFFC000  }
0xea: {  	[spmem:s2] =	stream.indirect.scatter.add.f32 [tilespmem:s15], [sflag:$0x3], $0x80, s11, s14, $0xb8;
	[tilespmem:$0x1CA80] =	vst v63  }
0xeb: {  	_ =	swait.ge [sflag:s18], $0x4000  }
0xec: {  	[sflag:s18] =	ssyncset.done $0x0  }
0xed: {  	s11 =	rddreg [dreg:$0xe];
	[sflag:s18] =	ssyncadd.s32 $0xFFFFC000  }
0xee: {  	[tilespmem:s15], [sflag:$0x1] =	stream.indirect.gather [hbm4b:s4+s14], $0x80, s11, s14, $0xb8;
	[tilespmem:$0x1CA80] =	vst v63  }
0xef: {  	_ =	swait.ge [sflag:s19], $0x4000  }
0xf0: {  	[sflag:s19] =	ssyncset.done $0x0  }
0xf1: {  	s11 =	rddreg [dreg:$0xf];
	[sflag:s19] =	ssyncadd.s32 $0xFFFFC000  }
0xf2: {  	[spmem:s2] =	stream.indirect.scatter.add.f32 [tilespmem:s16], [sflag:$0x4], $0x80, s11, s14, $0xb8;
	[tilespmem:$0x1CA80] =	vst v63  }
0xf3: {  	_ =	swait.ge [sflag:s20], $0x4000  }
0xf4: {  	[sflag:s20] =	ssyncset.done $0x0  }
0xf5: {  	s11 =	rddreg [dreg:$0x10];
	[sflag:s20] =	ssyncadd.s32 $0xFFFFC000  }
0xf6: {  	[tilespmem:s16], [sflag:$0x2] =	stream.indirect.gather [hbm4b:s4+s14], $0x80, s11, s14, $0xb8;
	[tilespmem:$0x1CA80] =	vst v63  }
0xf7: {  	_ =	swait.ge [sflag:s17], $0x4000  }
0xf8: {  	[sflag:s17] =	ssyncset.done $0x0  }
0xf9: {  	s11 =	rddreg [dreg:$0x11];
	[sflag:s17] =	ssyncadd.s32 $0xFFFFC000  }
0xfa: {  	[spmem:s2] =	stream.indirect.scatter.add.f32 [tilespmem:s15], [sflag:$0x3], $0x80, s11, s14, $0xb8;
	[tilespmem:$0x1CA80] =	vst v63  }
0xfb: {  	_ =	swait.ge [sflag:s18], $0x4000  }
0xfc: {  	[sflag:s18] =	ssyncset.done $0x0  }
0xfd: {  	s11 =	rddreg [dreg:$0x12];
	[sflag:s18] =	ssyncadd.s32 $0xFFFFC000  }
0xfe: {  	[tilespmem:s15], [sflag:$0x1] =	stream.indirect.gather [hbm4b:s4+s14], $0x80, s11, s14, $0xb8;
	[tilespmem:$0x1CA80] =	vst v63  }
0xff: {  	_ =	swait.ge [sflag:s19], $0x4000  }
0x100: {  	[sflag:s19] =	ssyncset.done $0x0  }
0x101: {  	s11 =	rddreg [dreg:$0x13];
	[sflag:s19] =	ssyncadd.s32 $0xFFFFC000  }
0x102: {  	[spmem:s2] =	stream.indirect.scatter.add.f32 [tilespmem:s16], [sflag:$0x4], $0x80, s11, s14, $0xb8;
	[tilespmem:$0x1CA80] =	vst v63  }
0x103: {  	_ =	swait.ge [sflag:s20], $0x4000  }
0x104: {  	[sflag:s20] =	ssyncset.done $0x0  }
0x105: {  	[sflag:s20] =	ssyncadd.s32 $0xFFFFC000  }
0x106: {  	[tilespmem:s16], [sflag:$0x2] =	stream.indirect.gather [hbm4b:s4+s14], $0x80, s21, s14, $0xb8;
	[tilespmem:$0x1CA80] =	vst v63  }
0x107: {  	_ =	swait.ge [sflag:s17], $0x4000  }
0x108: {  	[sflag:s17] =	ssyncset.done $0x0  }
0x109: {  	[sflag:s17] =	ssyncadd.s32 $0xFFFFC000  }
0x10a: {  	[spmem:s2] =	stream.indirect.scatter.add.f32 [tilespmem:s15], [sflag:$0x3], $0x80, s22, s14, $0xb8;
	[tilespmem:$0x1CA80] =	vst v63  }
0x10b: {  	_ =	swait.ge [sflag:s18], $0x4000  }
0x10c: {  	[sflag:s18] =	ssyncset.done $0x0  }
0x10d: {  	[sflag:s18] =	ssyncadd.s32 $0xFFFFC000  }
0x10e: {  	[tilespmem:s15], [sflag:$0x1] =	stream.indirect.gather [hbm4b:s4+s14], $0x80, s23, s14, $0xb8;
	[tilespmem:$0x1CA80] =	vst v63  }
0x10f: {  	_ =	swait.ge [sflag:s19], $0x4000  }
0x110: {  	[sflag:s19] =	ssyncset.done $0x0  }
0x111: {  	[sflag:s19] =	ssyncadd.s32 $0xFFFFC000  }
0x112: {  	[spmem:s2] =	stream.indirect.scatter.add.f32 [tilespmem:s16], [sflag:$0x4], $0x80, s24, s14, $0xb8;
	[tilespmem:$0x1CA80] =	vst v63  }
0x113: {  	_ =	swait.ge [sflag:s20], $0x4000  }
0x114: {  	[sflag:s20] =	ssyncset.done $0x0  }
0x115: {  	[sflag:s20] =	ssyncadd.s32 $0xFFFFC000  }
0x116: {  	[tilespmem:s16], [sflag:$0x2] =	stream.indirect.gather [hbm4b:s4+s14], $0x80, s25, s14, $0xb8;
	[tilespmem:$0x1CA80] =	vst v63  }
0x117: {  	_ =	swait.ge [sflag:s17], $0x4000  }
0x118: {  	[sflag:s17] =	ssyncset.done $0x0  }
0x119: {  	[sflag:s17] =	ssyncadd.s32 $0xFFFFC000  }
0x11a: {  	[spmem:s2] =	stream.indirect.scatter.add.f32 [tilespmem:s15], [sflag:$0x3], $0x80, s26, s14, $0xb8;
	[tilespmem:$0x1CA80] =	vst v63  }
0x11b: {  	_ =	swait.ge [sflag:s18], $0x4000  }
0x11c: {  	[sflag:s18] =	ssyncset.done $0x0  }
0x11d: {  	[sflag:s18] =	ssyncadd.s32 $0xFFFFC000  }
0x11e: {  	[tilespmem:s15], [sflag:$0x1] =	stream.indirect.gather [hbm4b:s4+s14], $0x80, s28, s14, $0xb8;
	[tilespmem:$0x1CA80] =	vst v63  }
0x11f: {  	_ =	swait.ge [sflag:s19], $0x4000  }
0x120: {  	[sflag:s19] =	ssyncset.done $0x0  }
0x121: {  	[sflag:s19] =	ssyncadd.s32 $0xFFFFC000  }
0x122: {  	[spmem:s2] =	stream.indirect.scatter.add.f32 [tilespmem:s16], [sflag:$0x4], $0x80, s29, s14, $0xb8;
	[tilespmem:$0x1CA80] =	vst v63  }
0x123: {  	_ =	swait.ge [sflag:s20], $0x4000  }
0x124: {  	[sflag:s20] =	ssyncset.done $0x0  }
0x125: {  	[sflag:s20] =	ssyncadd.s32 $0xFFFFC000  }
0x126: {  	[tilespmem:s16], [sflag:$0x2] =	stream.indirect.gather [hbm4b:s4+s14], $0x80, s30, s14, $0xb8;
	[tilespmem:$0x1CA80] =	vst v63  }
0x127: {  	_ =	swait.ge [sflag:s17], $0x4000  }
0x128: {  	[sflag:s17] =	ssyncset.done $0x0  }
0x129: {  	[sflag:s17] =	ssyncadd.s32 $0xFFFFC000  }
0x12a: {  	[spmem:s2] =	stream.indirect.scatter.add.f32 [tilespmem:s15], [sflag:$0x3], $0x80, s31, s14, $0xb8;
	[tilespmem:$0x1CA80] =	vst v63  }
0x12b: {  	_ =	swait.ge [sflag:s18], $0x4000  }
0x12c: {  	[sflag:s18] =	ssyncset.done $0x0  }
0x12d: {  	[sflag:s18] =	ssyncadd.s32 $0xFFFFC000  }
0x12e: {  	[tilespmem:s15], [sflag:$0x1] =	stream.indirect.gather [hbm4b:s4+s14], $0x80, s1, s14, $0xb8;
	[tilespmem:$0x1CA80] =	vst v63  }
0x12f: {  	_ =	swait.ge [sflag:s19], $0x4000  }
0x130: {  	[sflag:s19] =	ssyncset.done $0x0  }
0x131: {  	[sflag:s19] =	ssyncadd.s32 $0xFFFFC000  }
0x132: {  	[spmem:s2] =	stream.indirect.scatter.add.f32 [tilespmem:s16], [sflag:$0x4], $0x80, s0, s14, $0xb8;
	[tilespmem:$0x1CA80] =	vst v63  }
0x133: {  	_ =	swait.ge [sflag:s20], $0x4000  }
0x134: {  	[sflag:s20] =	ssyncset.done $0x0  }
0x135: {  	[sflag:s20] =	ssyncadd.s32 $0xFFFFC000  }
0x136: {  	[tilespmem:s16], [sflag:$0x2] =	stream.indirect.gather [hbm4b:s4+s14], $0x80, s6, s14, $0xb8;
	[tilespmem:$0x1CA80] =	vst v63  }
0x137: {  	_ =	swait.ge [sflag:s17], $0x4000  }
0x138: {  	[sflag:s17] =	ssyncset.done $0x0  }
0x139: {  	[sflag:s17] =	ssyncadd.s32 $0xFFFFC000  }
0x13a: {  	[spmem:s2] =	stream.indirect.scatter.add.f32 [tilespmem:s15], [sflag:$0x3], $0x80, s7, s14, $0xb8;
	[tilespmem:$0x1CA80] =	vst v63  }
0x13b: {  	_ =	swait.ge [sflag:s19], $0x4000  }
0x13c: {  	[sflag:s19] =	ssyncset.done $0x0  }
0x13d: {  	p1 =	sne.s32 s10, $0x400;
	[sflag:s19] =	ssyncadd.s32 $0xFFFFC000  }
0x13e: {  	[spmem:s2] =	stream.indirect.scatter.add.f32 [tilespmem:s16], [sflag:$0x4], $0x80, s8, s14, $0xb8;
	[tilespmem:$0x1CA80] =	vst v63  }
.Ltmp0:
0x13f: {  	_ =	swait.ge [sflag:s18], $0x4000;
	(pc) =	sbr.rel @p1 .LBB2_2-.Ltmp0, $4  }
0x140: {  	[sflag:s18] =	ssyncset.done $0x0  }
0x141: {  	[sflag:s18] =	ssyncadd.s32 $0xFFFFC000  }
0x142: {  	s5 =	smov.u32 s10;
	s10 =	sadd.s32 $0x100, s10;
	_ =	swait.ge [sflag:s20], $0x4000  }
0x143: {  	s9 =	smov.u32 s5;
	s11 =	rddreg [dreg:$0x5];
	[sflag:s20] =	ssyncset.done $0x0  }
0x144: {  	[sflag:s20] =	ssyncadd.s32 $0xFFFFC000;
	s5 =	sadd.s32 s9, s11  }
0x145: {  	[tilespmem:s3], [sflag:$0x5] =	stream.linear.gather [hbm4b:s5+s3], $0x800, $0x38;
	[tilespmem:$0x1CA80] =	vst v63  }
0x146: {  	_ =	swait.ge [sflag:s12], $0x800  }
0x147: {  	s11 =	rddreg [dreg:$0x4];
	[sflag:s12] =	ssyncset.done $0x0  }
0x148: {  	s5 =	sadd.s32 s9, s11;
	[sflag:s12] =	ssyncadd.s32 $0xFFFFF800  }
0x149: {  	[tilespmem:s13], [sflag:$0x5] =	stream.linear.gather [hbm4b:s5+s3], $0x800, $0x38;
	[tilespmem:$0x1CA80] =	vst v63  }
0x14a: {  	_ =	swait.ge [sflag:s12], $0x800  }
0x14b: {  	[sflag:s12] =	ssyncset.done $0x0  }
0x14c: {  	[sflag:s12] =	ssyncadd.s32 $0xFFFFF800  }
0x14d: {  	[tilespmem:s15], [sflag:$0x1] =	stream.indirect.gather [hbm4b:s4+s14], $0x80, s3, s14, $0xb8;
	[tilespmem:$0x1CA80] =	vst v63  }
0x14e: {  	_ = 	snop  }
0x14f: {  	[tilespmem:s16], [sflag:$0x2] =	stream.indirect.gather [hbm4b:s4+s14], $0x80, s14, s14, $0xb8;
	[tilespmem:$0x1CA80] =	vst v63  }
0x150: {  	_ =	swait.ge [sflag:s17], $0x4000  }
0x151: {  	[sflag:s17] =	ssyncset.done $0x0  }
0x152: {  	[sflag:s17] =	ssyncadd.s32 $0xFFFFC000  }
0x153: {  	[spmem:s2] =	stream.indirect.scatter.add.f32 [tilespmem:s15], [sflag:$0x3], $0x80, s13, s14, $0xb8;
	[tilespmem:$0x1CA80] =	vst v63  }
0x154: {  	_ =	swait.ge [sflag:s18], $0x4000  }
0x155: {  	[sflag:s18] =	ssyncset.done $0x0  }
0x156: {  	s9 =	rddreg [dreg:$0x6];
	[sflag:s18] =	ssyncadd.s32 $0xFFFFC000  }
0x157: {  	[tilespmem:s15], [sflag:$0x1] =	stream.indirect.gather [hbm4b:s4+s14], $0x80, s9, s14, $0xb8;
	[tilespmem:$0x1CA80] =	vst v63  }
0x158: {  	_ =	swait.ge [sflag:s19], $0x4000  }
0x159: {  	[sflag:s19] =	ssyncset.done $0x0  }
0x15a: {  	s10 =	rddreg [dreg:$0x7];
	[sflag:s19] =	ssyncadd.s32 $0xFFFFC000  }
0x15b: {  	[spmem:s2] =	stream.indirect.scatter.add.f32 [tilespmem:s16], [sflag:$0x4], $0x80, s10, s14, $0xb8;
	[tilespmem:$0x1CA80] =	vst v63  }
0x15c: {  	_ =	swait.ge [sflag:s20], $0x4000  }
0x15d: {  	[sflag:s20] =	ssyncset.done $0x0  }
0x15e: {  	s11 =	rddreg [dreg:$0x8];
	[sflag:s20] =	ssyncadd.s32 $0xFFFFC000  }
0x15f: {  	[tilespmem:s16], [sflag:$0x2] =	stream.indirect.gather [hbm4b:s4+s14], $0x80, s11, s14, $0xb8;
	[tilespmem:$0x1CA80] =	vst v63  }
0x160: {  	_ =	swait.ge [sflag:s17], $0x4000  }
0x161: {  	[sflag:s17] =	ssyncset.done $0x0  }
0x162: {  	s9 =	rddreg [dreg:$0x9];
	[sflag:s17] =	ssyncadd.s32 $0xFFFFC000  }
0x163: {  	[spmem:s2] =	stream.indirect.scatter.add.f32 [tilespmem:s15], [sflag:$0x3], $0x80, s9, s14, $0xb8;
	[tilespmem:$0x1CA80] =	vst v63  }
0x164: {  	_ =	swait.ge [sflag:s18], $0x4000  }
0x165: {  	[sflag:s18] =	ssyncset.done $0x0  }
0x166: {  	s10 =	rddreg [dreg:$0xa];
	[sflag:s18] =	ssyncadd.s32 $0xFFFFC000  }
0x167: {  	[tilespmem:s15], [sflag:$0x1] =	stream.indirect.gather [hbm4b:s4+s14], $0x80, s10, s14, $0xb8;
	[tilespmem:$0x1CA80] =	vst v63  }
0x168: {  	_ =	swait.ge [sflag:s19], $0x4000  }
0x169: {  	[sflag:s19] =	ssyncset.done $0x0  }
0x16a: {  	s11 =	rddreg [dreg:$0xb];
	[sflag:s19] =	ssyncadd.s32 $0xFFFFC000  }
0x16b: {  	[spmem:s2] =	stream.indirect.scatter.add.f32 [tilespmem:s16], [sflag:$0x4], $0x80, s11, s14, $0xb8;
	[tilespmem:$0x1CA80] =	vst v63  }
0x16c: {  	_ =	swait.ge [sflag:s20], $0x4000  }
0x16d: {  	[sflag:s20] =	ssyncset.done $0x0  }
0x16e: {  	s9 =	rddreg [dreg:$0xc];
	[sflag:s20] =	ssyncadd.s32 $0xFFFFC000  }
0x16f: {  	[tilespmem:s16], [sflag:$0x2] =	stream.indirect.gather [hbm4b:s4+s14], $0x80, s9, s14, $0xb8;
	[tilespmem:$0x1CA80] =	vst v63  }
0x170: {  	_ =	swait.ge [sflag:s17], $0x4000  }
0x171: {  	[sflag:s17] =	ssyncset.done $0x0  }
0x172: {  	s10 =	rddreg [dreg:$0xd];
	[sflag:s17] =	ssyncadd.s32 $0xFFFFC000  }
0x173: {  	[spmem:s2] =	stream.indirect.scatter.add.f32 [tilespmem:s15], [sflag:$0x3], $0x80, s10, s14, $0xb8;
	[tilespmem:$0x1CA80] =	vst v63  }
0x174: {  	_ =	swait.ge [sflag:s18], $0x4000  }
0x175: {  	[sflag:s18] =	ssyncset.done $0x0  }
0x176: {  	s11 =	rddreg [dreg:$0xe];
	[sflag:s18] =	ssyncadd.s32 $0xFFFFC000  }
0x177: {  	[tilespmem:s15], [sflag:$0x1] =	stream.indirect.gather [hbm4b:s4+s14], $0x80, s11, s14, $0xb8;
	[tilespmem:$0x1CA80] =	vst v63  }
0x178: {  	_ =	swait.ge [sflag:s19], $0x4000  }
0x179: {  	[sflag:s19] =	ssyncset.done $0x0  }
0x17a: {  	s9 =	rddreg [dreg:$0xf];
	[sflag:s19] =	ssyncadd.s32 $0xFFFFC000  }
0x17b: {  	[spmem:s2] =	stream.indirect.scatter.add.f32 [tilespmem:s16], [sflag:$0x4], $0x80, s9, s14, $0xb8;
	[tilespmem:$0x1CA80] =	vst v63  }
0x17c: {  	_ =	swait.ge [sflag:s20], $0x4000  }
0x17d: {  	[sflag:s20] =	ssyncset.done $0x0  }
0x17e: {  	s10 =	rddreg [dreg:$0x10];
	[sflag:s20] =	ssyncadd.s32 $0xFFFFC000  }
0x17f: {  	[tilespmem:s16], [sflag:$0x2] =	stream.indirect.gather [hbm4b:s4+s14], $0x80, s10, s14, $0xb8;
	[tilespmem:$0x1CA80] =	vst v63  }
0x180: {  	_ =	swait.ge [sflag:s17], $0x4000  }
0x181: {  	[sflag:s17] =	ssyncset.done $0x0  }
0x182: {  	s11 =	rddreg [dreg:$0x11];
	[sflag:s17] =	ssyncadd.s32 $0xFFFFC000  }
0x183: {  	[spmem:s2] =	stream.indirect.scatter.add.f32 [tilespmem:s15], [sflag:$0x3], $0x80, s11, s14, $0xb8;
	[tilespmem:$0x1CA80] =	vst v63  }
0x184: {  	_ =	swait.ge [sflag:s18], $0x4000  }
0x185: {  	[sflag:s18] =	ssyncset.done $0x0  }
0x186: {  	s9 =	rddreg [dreg:$0x12];
	[sflag:s18] =	ssyncadd.s32 $0xFFFFC000  }
0x187: {  	[tilespmem:s15], [sflag:$0x1] =	stream.indirect.gather [hbm4b:s4+s14], $0x80, s9, s14, $0xb8;
	[tilespmem:$0x1CA80] =	vst v63  }
0x188: {  	_ =	swait.ge [sflag:s19], $0x4000  }
0x189: {  	[sflag:s19] =	ssyncset.done $0x0  }
0x18a: {  	s10 =	rddreg [dreg:$0x13];
	[sflag:s19] =	ssyncadd.s32 $0xFFFFC000  }
0x18b: {  	[spmem:s2] =	stream.indirect.scatter.add.f32 [tilespmem:s16], [sflag:$0x4], $0x80, s10, s14, $0xb8;
	[tilespmem:$0x1CA80] =	vst v63  }
0x18c: {  	_ =	swait.ge [sflag:s20], $0x4000  }
0x18d: {  	[sflag:s20] =	ssyncset.done $0x0  }
0x18e: {  	[sflag:s20] =	ssyncadd.s32 $0xFFFFC000  }
0x18f: {  	[tilespmem:s16], [sflag:$0x2] =	stream.indirect.gather [hbm4b:s4+s14], $0x80, s21, s14, $0xb8;
	[tilespmem:$0x1CA80] =	vst v63  }
0x190: {  	_ =	swait.ge [sflag:s17], $0x4000  }
0x191: {  	[sflag:s17] =	ssyncset.done $0x0  }
0x192: {  	[sflag:s17] =	ssyncadd.s32 $0xFFFFC000  }
0x193: {  	[spmem:s2] =	stream.indirect.scatter.add.f32 [tilespmem:s15], [sflag:$0x3], $0x80, s22, s14, $0xb8;
	[tilespmem:$0x1CA80] =	vst v63  }
0x194: {  	_ =	swait.ge [sflag:s18], $0x4000  }
0x195: {  	[sflag:s18] =	ssyncset.done $0x0  }
0x196: {  	[sflag:s18] =	ssyncadd.s32 $0xFFFFC000  }
0x197: {  	[tilespmem:s15], [sflag:$0x1] =	stream.indirect.gather [hbm4b:s4+s14], $0x80, s23, s14, $0xb8;
	[tilespmem:$0x1CA80] =	vst v63  }
0x198: {  	_ =	swait.ge [sflag:s19], $0x4000  }
0x199: {  	[sflag:s19] =	ssyncset.done $0x0  }
0x19a: {  	[sflag:s19] =	ssyncadd.s32 $0xFFFFC000  }
0x19b: {  	[spmem:s2] =	stream.indirect.scatter.add.f32 [tilespmem:s16], [sflag:$0x4], $0x80, s24, s14, $0xb8;
	[tilespmem:$0x1CA80] =	vst v63  }
0x19c: {  	_ =	swait.ge [sflag:s20], $0x4000  }
0x19d: {  	[sflag:s20] =	ssyncset.done $0x0  }
0x19e: {  	[sflag:s20] =	ssyncadd.s32 $0xFFFFC000  }
0x19f: {  	[tilespmem:s16], [sflag:$0x2] =	stream.indirect.gather [hbm4b:s4+s14], $0x80, s25, s14, $0xb8;
	[tilespmem:$0x1CA80] =	vst v63  }
0x1a0: {  	_ =	swait.ge [sflag:s17], $0x4000  }
0x1a1: {  	[sflag:s17] =	ssyncset.done $0x0  }
0x1a2: {  	[sflag:s17] =	ssyncadd.s32 $0xFFFFC000  }
0x1a3: {  	[spmem:s2] =	stream.indirect.scatter.add.f32 [tilespmem:s15], [sflag:$0x3], $0x80, s26, s14, $0xb8;
	[tilespmem:$0x1CA80] =	vst v63  }
0x1a4: {  	_ =	swait.ge [sflag:s18], $0x4000  }
0x1a5: {  	[sflag:s18] =	ssyncset.done $0x0  }
0x1a6: {  	[sflag:s18] =	ssyncadd.s32 $0xFFFFC000  }
0x1a7: {  	[tilespmem:s15], [sflag:$0x1] =	stream.indirect.gather [hbm4b:s4+s14], $0x80, s28, s14, $0xb8;
	[tilespmem:$0x1CA80] =	vst v63  }
0x1a8: {  	_ =	swait.ge [sflag:s19], $0x4000  }
0x1a9: {  	[sflag:s19] =	ssyncset.done $0x0  }
0x1aa: {  	[sflag:s19] =	ssyncadd.s32 $0xFFFFC000  }
0x1ab: {  	[spmem:s2] =	stream.indirect.scatter.add.f32 [tilespmem:s16], [sflag:$0x4], $0x80, s29, s14, $0xb8;
	[tilespmem:$0x1CA80] =	vst v63  }
0x1ac: {  	_ =	swait.ge [sflag:s20], $0x4000  }
0x1ad: {  	[sflag:s20] =	ssyncset.done $0x0  }
0x1ae: {  	[sflag:s20] =	ssyncadd.s32 $0xFFFFC000  }
0x1af: {  	[tilespmem:s16], [sflag:$0x2] =	stream.indirect.gather [hbm4b:s4+s14], $0x80, s30, s14, $0xb8;
	[tilespmem:$0x1CA80] =	vst v63  }
0x1b0: {  	_ =	swait.ge [sflag:s17], $0x4000  }
0x1b1: {  	[sflag:s17] =	ssyncset.done $0x0  }
0x1b2: {  	[sflag:s17] =	ssyncadd.s32 $0xFFFFC000  }
0x1b3: {  	[spmem:s2] =	stream.indirect.scatter.add.f32 [tilespmem:s15], [sflag:$0x3], $0x80, s31, s14, $0xb8;
	[tilespmem:$0x1CA80] =	vst v63  }
0x1b4: {  	_ =	swait.ge [sflag:s18], $0x4000  }
0x1b5: {  	[sflag:s18] =	ssyncset.done $0x0  }
0x1b6: {  	[sflag:s18] =	ssyncadd.s32 $0xFFFFC000  }
0x1b7: {  	[tilespmem:s15], [sflag:$0x1] =	stream.indirect.gather [hbm4b:s4+s14], $0x80, s1, s14, $0xb8;
	[tilespmem:$0x1CA80] =	vst v63  }
0x1b8: {  	_ =	swait.ge [sflag:s19], $0x4000  }
0x1b9: {  	[sflag:s19] =	ssyncset.done $0x0  }
0x1ba: {  	[sflag:s19] =	ssyncadd.s32 $0xFFFFC000  }
0x1bb: {  	[spmem:s2] =	stream.indirect.scatter.add.f32 [tilespmem:s16], [sflag:$0x4], $0x80, s0, s14, $0xb8;
	[tilespmem:$0x1CA80] =	vst v63  }
0x1bc: {  	_ =	swait.ge [sflag:s20], $0x4000  }
0x1bd: {  	[sflag:s20] =	ssyncset.done $0x0  }
0x1be: {  	[sflag:s20] =	ssyncadd.s32 $0xFFFFC000  }
0x1bf: {  	[tilespmem:s16], [sflag:$0x2] =	stream.indirect.gather [hbm4b:s4+s14], $0x80, s6, s14, $0xb8;
	[tilespmem:$0x1CA80] =	vst v63  }
0x1c0: {  	_ =	swait.ge [sflag:s17], $0x4000  }
0x1c1: {  	[sflag:s17] =	ssyncset.done $0x0  }
0x1c2: {  	[sflag:s17] =	ssyncadd.s32 $0xFFFFC000  }
0x1c3: {  	[spmem:s2] =	stream.indirect.scatter.add.f32 [tilespmem:s15], [sflag:$0x3], $0x80, s7, s14, $0xb8;
	[tilespmem:$0x1CA80] =	vst v63  }
0x1c4: {  	_ =	swait.ge [sflag:s19], $0x4000  }
0x1c5: {  	[sflag:s19] =	ssyncset.done $0x0  }
0x1c6: {  	[sflag:s19] =	ssyncadd.s32 $0xFFFFC000  }
0x1c7: {  	[spmem:s2] =	stream.indirect.scatter.add.f32 [tilespmem:s16], [sflag:$0x4], $0x80, s8, s14, $0xb8;
	[tilespmem:$0x1CA80] =	vst v63  }
0x1c8: {  	_ =	swait.ge [sflag:s18], $0x4000  }
0x1c9: {  	[sflag:s18] =	ssyncset.done $0x0  }
0x1ca: {  	[sflag:s18] =	ssyncadd.s32 $0xFFFFC000  }
0x1cb: {  	_ =	swait.ge [sflag:s20], $0x4000  }
0x1cc: {  	[sflag:s20] =	ssyncset.done $0x0  }
0x1cd: {  	[sflag:s20] =	ssyncadd.s32 $0xFFFFC000  }
0x1ce: {  	[bflag:$0x0] =	sbarrier.arrive $0xFFFF  }
0x1cf: {  	s9 =	rddreg [dreg:$0x16]  }
0x1d0: {  	s5 =	simm.s32 @p0 $0x1FC5;
	s10 =	rddreg [dreg:$0x18]  }
0x1d1: {  	[hbm:s9], [sflag:s5] =	dma.local @p0 [spmem:s10], $0x2800  }
0x1d2: {  	s5 =	simm.s32 @p0 $0x5  }
0x1d3: {  	_ =	swait.ge @p0 [sflag:s5], $0x2800  }
0x1d4: {  	s11 =	rddreg [dreg:$0x19]  }
0x1d5: {  	[sflag:s5] =	ssyncset.done @p0 $0x0;
	s10 =	rddreg [dreg:$0x1a]  }
0x1d6: {  	s9 =	simm.s32 @!p0 $0x5;
	[sflag:s5] =	ssyncadd.s32 @p0 $0xFFFFD800;
	s5 =	rddreg [dreg:$0x15]  }
0x1d7: {  	[hbm:s5], [sflag:s11] =	dma.local @!p0 [spmem:s10], $0x2700  }
0x1d8: {  	_ =	swait.ge @!p0 [sflag:s9], $0x2700  }
0x1d9: {  	s11 =	rddreg [dreg:$0x1b]  }
0x1da: {  	s5 =	sadd.s32 $0x1, s11;
	s11 =	rddreg [dreg:$0x17]  }
0x1db: {  	p1 =	sne.s32 s5, s11  }
.Ltmp1:
0x1dc: {  	_ = 	snop;
	(pc) =	sbr.rel @p1 .LBB2_1-.Ltmp1, $3  }
0x1dd: {  	_ =	sdelay $0x1  }
0x1de: {  	[sflag:s9] =	ssyncset.done @!p0 $0x0;
	[dreg:$0x1b] =	wrdreg s5;
	s5 =	simm.s32 @!p0 $0x5  }
0x1df: {  	[sflag:s5] =	ssyncadd.s32 @!p0 $0xFFFFD900  }
0x1e0: {  	_ =	sfence.sel $0x180000  }
0x1e1: {  	[bflag:$0x0] =	sbarrier.arrive $0xFFFF  }
0x1e2: {  	_ =	strace $0x90000047  }
0x1e3: {  	s0 =	stileid.u32;
	[bflag:$0x2] =	sbarrier.arrive $0xFFFF  }
0x1e4: {  	p0 =	sne.s32 s0, $0x0;
	s0 =	rddreg [dreg:$0x3]  }
0x1e5: {  	s0 =	sadd.s32 @!p0 $0x100000, s0  }
0x1e6: {  	[sflag:s0] =	ssyncadd.tile.s32 @!p0 $0x1;
	_ =	shalt  }
.Lfunc_end2:
_tile_overlayer_lowered:
.L_overlay_start_2:
0x1e7: {  	(tag) =	ssettag $0x2  }
0x1e8: {  	s0 =	rddreg [dreg:$0x0];
	s2 =	stileid.u32  }
0x1e9: {  	s1 =	rddreg [dreg:$0x1];
	p0 =	sne.s32 s2, $0x0  }
0x1ea: {  	s3 =	rddreg [dreg:$0x2];
	[bflag:$0x3] =	sbarrier.arrive $0xFFFF;
	s2 =	simm.s32 @!p0 $0x1C05  }
0x1eb: {  	[timem:s3], [sflag:s2] =	dma.local @!p0 [hbm:s0], s1  }
0x1ec: {  	s0 =	simm.s32 @!p0 $0x5  }
0x1ed: {  	_ =	swait.ge @!p0 [sflag:s0], s1  }
0x1ee: {  	s1 =	ssub.s32 @!p0 $0x0, s1;
	[sflag:s0] =	ssyncset.done @!p0 $0x0  }
0x1ef: {  	[sflag:s0] =	ssyncadd.s32 @!p0 s1  }
0x1f0: {  	[bflag:$0x3] =	sbarrier.arrive $0xFFFF  }
0x1f1: {  	_ =	shalt  }

// kernel: kernel.13.cloned.1.call-start
scs
__scs_entry_jumppad:
0x0: {  	(pc) =	sbr.rel $0x88, $3  }
0x1: {  	(tag) =	ssettag $0x0;
	lr =	simm.s32 $0x1  }
0x2: {  	[smem:$0x3F9B] =	sst lr;
	_ =	strace $0xD0000000  }
0x3: {  	_ = 	snop  }
0x4: {  	_ = 	snop  }
0x5: {  	_ = 	snop  }
0x6: {  	_ = 	snop  }
0x7: {  	_ = 	snop  }
__scs_overlays_trampoline_lowered:
0x8: {  	[smem:$0x3FAA] =	sst s0  }
0x9: {  	[smem:$0x3FAB] =	sst s1  }
0xa: {  	[smem:$0x3FAC] =	sst s2  }
0xb: {  	[smem:$0x3FAD] =	sst s3  }
0xc: {  	[smem:$0x3FAE] =	sst s4  }
0xd: {  	[smem:$0x3FAF] =	sst s5  }
0xe: {  	[smem:$0x3FB0] =	sst s6  }
0xf: {  	[smem:$0x3FB1] =	sst s7  }
0x10: {  	[smem:$0x3FB2] =	sst s8  }
0x11: {  	[smem:$0x3FB3] =	sst s9;
	s0 =	simm.s32 @!p0 $0x0  }
0x12: {  	s1 =	sld [smem:$0x3F99];
	s0 =	simm.s32 @p0 $0x1  }
0x13: {  	[smem:$0x3FB4] =	sst s0;
	s0 =	simm.s32 @!p1 $0x0  }
0x14: {  	s2 =	sld [smem:$0x3F98];
	s0 =	simm.s32 @p1 $0x1  }
0x15: {  	[smem:$0x3FB5] =	sst s0;
	s0 =	simm.s32 @!p2 $0x0  }
0x16: {  	s3 =	sld [smem:$0x3FDB];
	s0 =	simm.s32 @p2 $0x1  }
0x17: {  	s4 =	simm.s32 $0x1BF5;
	[smem:$0x3FB7] =	sst s0  }
0x18: {  	s0 =	sld [smem:$0x3F9A];
	_ =	swait.ge [sflag:s4], $0x0  }
0x19: {  	s7 =	sld [smem:$0x3F9B]  }
0x1a: {  	s8 =	sadd.s32 $0xFFFFE003, lr  }
0x1b: {  	s9 =	sadd.s32 $0xFFFFFEF7, lr;
	s5 =	simm.s32 $0xFFFFFFFF;
	p2 =	slt.u32 s8, $0xFFFFF086  }
0x1c: {  	p1 =	slt.u32 s9, $0xF7A;
	s5 =	simm.s32 @!p2 $0x0  }
0x1d: {  	s5 =	simm.s32 @p1 $0x1;
	p0 =	seq.s32 s7, s2  }
0x1e: {  	s7 =	smul.u32 @!p0 $0xF7A, s2;
	p2 =	seq.s32 @!p0 s5, $0x0  }
0x1f: {  	s9 =	smul.u32 $0xF7A, s1;
	s8 =	simm.s32 @!p0 $0x1BF5;
	p2 =	por !p2, p0  }
0x20: {  	[sflag:s8] =	ssyncset.s32 @!p0 $0xFFFFF086;
	s6 =	sadd.s32 @!p0 s3, s7;
	s7 =	simm.s32 @!p0 $0x108  }
0x21: {  	s3 =	sadd.s32 s3, s9;
	s6 =	sadd.s32 @!p0 $0x88, s6;
	s7 =	simm.s32 @p2 $0x1082  }
0x22: {  	[simem:s7], [sflag:s8] =	dma.local @!p0 [hbm:s6], $0xF7A  }
0x23: {  	s9 =	sor.u32 $0xD0000000, s2;
	s6 =	simm.s32 $0x108;
	_ =	swait.ge @!p0 [sflag:s8], $0x0  }
0x24: {  	s3 =	sadd.s32 $0x88, s3;
	s6 =	simm.s32 @!p1 $0x1082;
	[sflag:s4] =	ssyncset.s32 $0xFFFFF086  }
0x25: {  	[simem:s6], [sflag:s4] =	dma.local [hbm:s3], $0xF7A  }
0x26: {  	[smem:$0x3F9B] =	sst s1;
	(tag) =	ssettag s2;
	_ =	strace s9  }
0x27: {  	s1 =	sld [smem:$0x3FAB]  }
0x28: {  	s2 =	sld [smem:$0x3FAC]  }
0x29: {  	s4 =	sld [smem:$0x3FAE]  }
0x2a: {  	p0 =	seq.s32 s5, $0x0;
	s5 =	sld [smem:$0x3FAF]  }
0x2b: {  	s6 =	sld [smem:$0x3FB0]  }
0x2c: {  	s7 =	sld [smem:$0x3FB1]  }
0x2d: {  	s3 =	simm.s32 $0x108;
	s8 =	sld [smem:$0x3FB2]  }
0x2e: {  	s3 =	simm.s32 @!p0 $0x1082;
	s9 =	sld [smem:$0x3FB3]  }
0x2f: {  	lr =	sadd.s32 s0, s3;
	s0 =	sld [smem:$0x3FAA]  }
0x30: {  	s3 =	sld [smem:$0x3FAD]  }
0x31: {  	[smem:$0x3FB6] =	sst s10  }
0x32: {  	s10 =	sld [smem:$0x3FB4];
	_ =	sdelay $0x3  }
0x33: {  	p0 =	seq.s32 s10, $0x1;
	s10 =	sld [smem:$0x3FB6];
	_ =	sdelay $0x3  }
0x34: {  	[smem:$0x3FB6] =	sst s10  }
0x35: {  	s10 =	sld [smem:$0x3FB5];
	_ =	sdelay $0x3  }
0x36: {  	p1 =	seq.s32 s10, $0x1;
	s10 =	sld [smem:$0x3FB6];
	_ =	sdelay $0x3  }
0x37: {  	[smem:$0x3FB6] =	sst s10  }
0x38: {  	s10 =	sld [smem:$0x3FB7]  }
0x39: {  	_ = 	snop;
	(pc) =	sbr.ind lr, $3  }
0x3a: {  	_ = 	snop  }
0x3b: {  	_ = 	snop  }
0x3c: {  	p2 =	seq.s32 s10, $0x1;
	s10 =	sld [smem:$0x3FB6]  }
0x3d: {  	_ =	shalt  }
0x3e: {  	_ =	shalt  }
0x3f: {  	_ =	shalt  }
0x40: {  	_ =	shalt  }
0x41: {  	_ =	shalt  }
0x42: {  	_ =	shalt  }
0x43: {  	_ =	shalt  }
0x44: {  	_ =	shalt  }
0x45: {  	_ =	shalt  }
0x46: {  	_ =	shalt  }
0x47: {  	_ =	shalt  }
0x48: {  	_ =	shalt  }
0x49: {  	_ =	shalt  }
0x4a: {  	_ =	shalt  }
0x4b: {  	_ =	shalt  }
0x4c: {  	_ =	shalt  }
0x4d: {  	_ =	shalt  }
0x4e: {  	_ =	shalt  }
0x4f: {  	_ =	shalt  }
0x50: {  	_ =	shalt  }
0x51: {  	_ =	shalt  }
0x52: {  	_ =	shalt  }
0x53: {  	_ =	shalt  }
0x54: {  	_ =	shalt  }
0x55: {  	_ =	shalt  }
0x56: {  	_ =	shalt  }
0x57: {  	_ =	shalt  }
0x58: {  	_ =	shalt  }
0x59: {  	_ =	shalt  }
0x5a: {  	_ =	shalt  }
0x5b: {  	_ =	shalt  }
0x5c: {  	_ =	shalt  }
0x5d: {  	_ =	shalt  }
0x5e: {  	_ =	shalt  }
0x5f: {  	_ =	shalt  }
0x60: {  	_ =	shalt  }
0x61: {  	_ =	shalt  }
0x62: {  	_ =	shalt  }
0x63: {  	_ =	shalt  }
0x64: {  	_ =	shalt  }
0x65: {  	_ =	shalt  }
0x66: {  	_ =	shalt  }
0x67: {  	_ =	shalt  }
0x68: {  	_ =	shalt  }
0x69: {  	_ =	shalt  }
0x6a: {  	_ =	shalt  }
0x6b: {  	_ =	shalt  }
0x6c: {  	_ =	shalt  }
0x6d: {  	_ =	shalt  }
0x6e: {  	_ =	shalt  }
0x6f: {  	_ =	shalt  }
0x70: {  	_ =	shalt  }
0x71: {  	_ =	shalt  }
0x72: {  	_ =	shalt  }
0x73: {  	_ =	shalt  }
0x74: {  	_ =	shalt  }
0x75: {  	_ =	shalt  }
0x76: {  	_ =	shalt  }
0x77: {  	_ =	shalt  }
0x78: {  	_ =	shalt  }
0x79: {  	_ =	shalt  }
0x7a: {  	_ =	shalt  }
0x7b: {  	_ =	shalt  }
0x7c: {  	_ =	shalt  }
0x7d: {  	_ =	shalt  }
0x7e: {  	_ =	shalt  }
0x7f: {  	_ =	shalt  }
0x80: {  	_ =	shalt  }
0x81: {  	_ =	shalt  }
0x82: {  	_ =	shalt  }
0x83: {  	_ =	shalt  }
0x84: {  	_ =	shalt  }
0x85: {  	_ =	shalt  }
0x86: {  	_ =	shalt  }
0x87: {  	_ =	shalt  }
.Lfunc_end0:
.L_simem_size_0:
called_computation.2_lowered:
.L_overlay_start_0:
0x88: {  	s2 =	sld [smem:$0x3FD9]  }
0x89: {  	s3 =	sld [smem:$0x3FFE];
	_ =	sdelay $0x1  }
0x8a: {  	s1 =	srdreg.scid  }
0x8b: {  	s0 =	sand.u32 $0x1, s1  }
0x8c: {  	s17 =	sshll.u32 s0, $0xA;
	s2 =	sadd.s32 s3, s2  }
0x8d: {  	s2 =	sadd.s32 s2, s17  }
0x8e: {  	[smem:$0x3FC2] =	sst s2  }
0x8f: {  	_ = 	snop  }
0x90: {  	s2 =	sld [smem:$0x3FD0];
	(tm) =	ssettm $0x1  }
0x91: {  	s18 =	sld [smem:$0x3FFB];
	_ =	sdelay $0x3  }
0x92: {  	_ =	strace s18  }
0x93: {  	s3 =	sld [smem:$0x3FFC];
	_ =	sdelay $0x3  }
0x94: {  	_ =	strace s3  }
0x95: {  	s3 =	sld [smem:$0x3FFD];
	_ =	sdelay $0x3  }
0x96: {  	_ =	strace s3  }
0x97: {  	_ =	strace $0x8FFFFFFF  }
0x98: {  	s19 =	sld [smem:$0x3FDB];
	_ =	sdelay $0x1  }
0x99: {  	s4 =	simm.s32 $_scs_section_size  }
0x9a: {  	s5 =	simm.s32 $_size__tile_overlayer_lowered;
	s6 =	simm.s32 $_tile_overlayer_lowered  }
0x9b: {  	s22 =	simm.s32 $0x1BFF;
	s21 =	sshll.u32 s6, $0x1;
	s3 =	sadd.s32 s4, s19  }
0x9c: {  	s7 =	simm.s32 $0x0;
	s20 =	sshll.u32 s5, $0x1;
	s5 =	sadd.s32 s21, s3  }
0x9d: {  	[timem:s7], [sflag:s22] =	dma.local [hbm:s5], s20  }
0x9e: {  	_ =	swait.ge [sflag:s22], s20  }
0x9f: {  	s4 =	ssub.s32 $0x0, s20;
	[sflag:s22] =	ssyncset.done $0x0  }
0xa0: {  	[sflag:s22] =	ssyncadd.s32 s4;
	_ =	sdelay $0x1  }
0xa1: {  	s23 =	simm.s32 $0x1B8B  }
0xa2: {  	_ =	swait.ge [sflag:s23], $0x1  }
0xa3: {  	[sflag:s23] =	ssyncset.done $0x0  }
0xa4: {  	s25 =	simm.s32 $0x1B8E;
	s24 =	sld [smem:$0x3FFE];
	[sflag:s23] =	ssyncadd.s32 $0xFFFFFFFF  }
0xa5: {  	s26 =	simm.s32 $execute0_lowered;
	[smem:$0x3FD2] =	sst s25  }
0xa6: {  	s5 =	sshll.u32 s26, $0x1;
	_ =	strace $0x8000004C;
	[dreg:$0x1] =	wrdreg $0xFFFFFFFF  }
0xa7: {  	s28 =	simm.s32 $_size_execute0_lowered;
	s3 =	sadd.s32 s3, s5;
	[dreg:$0x0] =	wrdreg $0x0  }
0xa8: {  	s5 =	sshll.u32 s28, $0x1;
	[dreg:$0x2] =	wrdreg s3  }
0xa9: {  	[dreg:$0x3] =	wrdreg s5  }
0xaa: {  	[dreg:$0x4] =	wrdreg $0xC0  }
0xab: {  	_ =	task [dreg:s7], $0x5FFFF  }
0xac: {  	[dreg:$0x1] =	wrdreg $0xFFFFFFFF  }
0xad: {  	[dreg:$0x0] =	wrdreg $0x60  }
0xae: {  	[dreg:$0x2] =	wrdreg s24  }
0xaf: {  	[dreg:$0x3] =	wrdreg s2  }
0xb0: {  	[dreg:$0x4] =	wrdreg $0x90000  }
0xb1: {  	[dreg:$0x5] =	wrdreg $0x9  }
0xb2: {  	_ =	task.clear_ibuf [dreg:s7], $0x6FFFF;
	_ =	strace $0x9000004C  }
0xb3: {  	s29 =	simm.s32 $0x9;
	_ =	strace $0x8000004E  }
0xb4: {  	_ =	swait.ge [sflag:s29], $0x1  }
0xb5: {  	[sflag:s29] =	ssyncadd.s32 $0xFFFFFFFF  }
0xb6: {  	_ =	strace $0x9000004E  }
0xb7: {  	_ =	sfence  }
0xb8: {  	s30 =	sld [smem:$0x0];
	_ =	sdelay $0x2  }
0xb9: {  	s31 =	sshll.u32 s1, $0xD;
	s1 =	sshrl.u32 s1, $0x2  }
0xba: {  	s3 =	sand.u32 $0x4000, s31;
	s1 =	sadd.s32 s1, s30  }
0xbb: {  	s0 =	sor.u32 s3, s0;
	s1 =	sshll.u32 s1, $0x11  }
0xbc: {  	s0 =	sor.u32 s1, s0  }
0xbd: {  	s0 =	sadd.s32 $0x8F2B, s0  }
0xbe: {  	[sflag:s0] =	ssyncadd.remote.s32 $0x1  }
0xbf: {  	_ =	sfence.sel $0xFFFF  }
0xc0: {  	[dreg:$0x0] =	wrdreg $0xFFFFFFFF;
	(pc) =	sbr.abs _section_cstart, $3  }
0xc1: {  	[dreg:$0x1] =	wrdreg $0xFFFFFFFF  }
0xc2: {  	_ =	task.clear_ibuf [dreg:s7], $0x2FFFF;
	_ =	strace $0x9FFFFFFF  }
0xc3: {  	(tm) =	ssettm $0x7FFFFFFF  }
tec
execute0_lowered:
.L_overlay_start_1:
0x0: {  	(tag) =	ssettag $0x1  }
0x1: {  	s0 =	rddreg [dreg:$0x0];
	s1 =	srdreg.scid  }
0x2: {  	s5 =	rddreg [dreg:$0x1];
	s13 =	stileid.u32  }
0x3: {  	s2 =	rddreg [dreg:$0x2];
	s3 =	simm.s32 $0x0;
	s18 =	simm.s32 $0x100  }
0x4: {  	s19 =	simm.s32 $0x880;
	s20 =	simm.s32 $0x180;
	s21 =	simm.s32 $0x900  }
0x5: {  	s22 =	simm.s32 $0x200;
	[smem:$0x7FF] =	sst s3;
	s10 =	sadd.s32 $0x32E00, s0  }
0x6: {  	s23 =	simm.s32 $0x980;
	_ =	strace $0x8000004D;
	[dreg:$0x14] =	wrdreg s10  }
0x7: {  	s24 =	simm.s32 $0x280;
	s25 =	simm.s32 $0xA00;
	[dreg:$0x6] =	wrdreg s18  }
0x8: {  	s26 =	simm.s32 $0x300;
	s28 =	simm.s32 $0x600;
	[dreg:$0x7] =	wrdreg s19  }
0x9: {  	s29 =	simm.s32 $0xD80;
	s6 =	smul.u32 $0x2800, s13;
	[dreg:$0x8] =	wrdreg s20  }
0xa: {  	s30 =	simm.s32 $0x680;
	s7 =	smul.u32 $0x4E000, s13;
	[dreg:$0x9] =	wrdreg s21  }
0xb: {  	s1 =	sand.u32 $0x1, s1;
	s11 =	smul.u32 $0x2700, s13;
	[dreg:$0xa] =	wrdreg s22  }
0xc: {  	s31 =	simm.s32 $0xE00;
	s4 =	smul.u32 $0x28000, s1;
	[dreg:$0xb] =	wrdreg s23  }
0xd: {  	p0 =	seq.s32 s13, $0xF;
	s9 =	smul.u32 $0x27100, s1;
	[dreg:$0xc] =	wrdreg s24  }
0xe: {  	s14 =	ssub.s32 $0x2, s1;
	s1 =	smul.u32 $0x138800, s1;
	[dreg:$0xd] =	wrdreg s25  }
0xf: {  	[dreg:$0xe] =	wrdreg s26;
	s18 =	simm.s32 $0x3;
	s19 =	simm.s32 $0x2  }
0x10: {  	s20 =	simm.s32 $0x4;
	s21 =	simm.s32 $0x480;
	s22 =	simm.s32 $0xC00  }
0x11: {  	s23 =	simm.s32 $0x500;
	s24 =	simm.s32 $0xC80;
	s25 =	simm.s32 $0x580  }
0x12: {  	s26 =	simm.s32 $0xD00;
	s12 =	sshrl.u32 s14, $0x1;
	s7 =	sshrl.u32 s7, $0x2  }
0x13: {  	s4 =	sadd.s32 s6, s4;
	s10 =	ssub.s32 s14, s12;
	s7 =	sadd.s32 s7, s2  }
0x14: {  	s12 =	sadd.s32 $0x124800, s2;
	s9 =	sadd.s32 s11, s9;
	s1 =	sshrl.u32 s1, $0x3  }
0x15: {  	s14 =	simm.s32 $0x80;
	s6 =	sshrl.u32 s4, $0x3;
	s17 =	smax.u32 s10, $0x1  }
0x16: {  	s10 =	sshrl.u32 @!p0 s7, $0x3;
	s7 =	simm.s32 $0x400;
	[dreg:$0x17] =	wrdreg s17  }
0x17: {  	s4 =	sadd.s32 $0xB800, s0;
	s8 =	sadd.s32 s6, s0;
	[dreg:$0x12] =	wrdreg s7  }
0x18: {  	s0 =	sadd.s32 $0x35600, s0;
	s16 =	sadd.s32 s6, s5;
	[dreg:$0x1a] =	wrdreg s10  }
0x19: {  	s5 =	simm.s32 $0x380;
	s17 =	simm.s32 $0x1;
	[dreg:$0x5] =	wrdreg s16  }
0x1a: {  	s6 =	simm.s32 $0xB00;
	s7 =	simm.s32 $0xF00;
	[dreg:$0x10] =	wrdreg s5  }
0x1b: {  	s9 =	sadd.s32 s0, s9;
	s0 =	sadd.s32 s0, s1;
	[dreg:$0x11] =	wrdreg s6  }
0x1c: {  	s15 =	sadd.s32 $0x1800, s8;
	s1 =	sshrl.u32 @p0 s12, $0x3;
	[dreg:$0x15] =	wrdreg s9  }
0x1d: {  	s12 =	simm.s32 $0x5;
	s16 =	simm.s32 $0x5000;
	[dreg:$0x4] =	wrdreg s15  }
0x1e: {  	s8 =	simm.s32 $0xB80;
	s6 =	simm.s32 $0x780;
	[dreg:$0x18] =	wrdreg s1  }
0x1f: {  	s0 =	sadd.s32 $0x24900, s0;
	s1 =	sshll.u32 @!p0 s13, $0x6;
	[dreg:$0x13] =	wrdreg s8  }
0x20: {  	s13 =	simm.s32 $0x800;
	s9 =	simm.s32 $0x0;
	[dreg:$0x16] =	wrdreg s0  }
0x21: {  	s11 =	sor.u32 @!p0 $0x1C05, s1;
	s1 =	simm.s32 $0xA80;
	[dreg:$0x1b] =	wrdreg s9  }
0x22: {  	s15 =	simm.s32 $0x1000;
	s8 =	simm.s32 $0xF80;
	[dreg:$0xf] =	wrdreg s1  }
0x23: {  	s0 =	simm.s32 $0xE80;
	s1 =	simm.s32 $0x700;
	[dreg:$0x19] =	wrdreg s11  }
.LBB2_1:
0x24: {  	s5 =	rddreg [dreg:$0x14]  }
0x25: {  	s9 =	simm.s32 @p0 $0x1FC5;
	s11 =	rddreg [dreg:$0x18]  }
0x26: {  	[spmem:s11], [sflag:s9] =	dma.local @p0 [hbm:s5], $0x2800  }
0x27: {  	s9 =	simm.s32 @p0 $0x5  }
0x28: {  	_ =	swait.ge @p0 [sflag:s9], $0x2800  }
0x29: {  	[sflag:s9] =	ssyncset.done @p0 $0x0  }
0x2a: {  	[sflag:s9] =	ssyncadd.s32 @p0 $0xFFFFD800;
	s9 =	rddreg [dreg:$0x19]  }
0x2b: {  	[spmem:s10], [sflag:s9] =	dma.local @!p0 [hbm:s5], $0x2700  }
0x2c: {  	s9 =	simm.s32 @!p0 $0x5  }
0x2d: {  	_ =	swait.ge @!p0 [sflag:s9], $0x2700  }
0x2e: {  	[sflag:s9] =	ssyncset.done @!p0 $0x0  }
0x2f: {  	[sflag:s9] =	ssyncadd.s32 @!p0 $0xFFFFD900  }
0x30: {  	[bflag:$0x0] =	sbarrier.arrive $0xFFFF  }
0x31: {  	s11 =	rddreg [dreg:$0x5]  }
0x32: {  	s9 =	sadd.s32 $0x0, s11  }
0x33: {  	[tilespmem:s3], [sflag:$0x5] =	stream.linear.gather [hbm4b:s9+s3], $0x800, $0x38;
	[tilespmem:$0x1CA80] =	vst v63  }
0x34: {  	_ =	swait.ge [sflag:s12], $0x800  }
0x35: {  	s5 =	rddreg [dreg:$0x4];
	[sflag:s12] =	ssyncset.done $0x0  }
0x36: {  	[sflag:s12] =	ssyncadd.s32 $0xFFFFF800;
	s9 =	sadd.s32 $0x0, s5  }
0x37: {  	[tilespmem:s13], [sflag:$0x5] =	stream.linear.gather [hbm4b:s9+s3], $0x800, $0x38;
	[tilespmem:$0x1CA80] =	vst v63  }
0x38: {  	_ =	swait.ge [sflag:s12], $0x800  }
0x39: {  	[sflag:s12] =	ssyncset.done $0x0  }
0x3a: {  	[sflag:s12] =	ssyncadd.s32 $0xFFFFF800  }
0x3b: {  	[tilespmem:s15], [sflag:$0x1] =	stream.indirect.gather [hbm4b:s4+s14], $0x80, s3, s14, $0xb8;
	[tilespmem:$0x1CA80] =	vst v63  }
0x3c: {  	_ = 	snop  }
0x3d: {  	[tilespmem:s16], [sflag:$0x2] =	stream.indirect.gather [hbm4b:s4+s14], $0x80, s14, s14, $0xb8;
	[tilespmem:$0x1CA80] =	vst v63  }
0x3e: {  	_ =	swait.ge [sflag:s17], $0x4000  }
0x3f: {  	[sflag:s17] =	ssyncset.done $0x0  }
0x40: {  	[sflag:s17] =	ssyncadd.s32 $0xFFFFC000  }
0x41: {  	[spmem:s2] =	stream.indirect.scatter.add.f32 [tilespmem:s15], [sflag:$0x3], $0x80, s13, s14, $0xb8;
	[tilespmem:$0x1CA80] =	vst v63  }
0x42: {  	_ =	swait.ge [sflag:s18], $0x4000  }
0x43: {  	[sflag:s18] =	ssyncset.done $0x0  }
0x44: {  	s10 =	rddreg [dreg:$0x6];
	[sflag:s18] =	ssyncadd.s32 $0xFFFFC000  }
0x45: {  	[tilespmem:s15], [sflag:$0x1] =	stream.indirect.gather [hbm4b:s4+s14], $0x80, s10, s14, $0xb8;
	[tilespmem:$0x1CA80] =	vst v63  }
0x46: {  	_ =	swait.ge [sflag:s19], $0x4000  }
0x47: {  	[sflag:s19] =	ssyncset.done $0x0  }
0x48: {  	s11 =	rddreg [dreg:$0x7];
	[sflag:s19] =	ssyncadd.s32 $0xFFFFC000  }
0x49: {  	[spmem:s2] =	stream.indirect.scatter.add.f32 [tilespmem:s16], [sflag:$0x4], $0x80, s11, s14, $0xb8;
	[tilespmem:$0x1CA80] =	vst v63  }
0x4a: {  	_ =	swait.ge [sflag:s20], $0x4000  }
0x4b: {  	[sflag:s20] =	ssyncset.done $0x0  }
0x4c: {  	s5 =	rddreg [dreg:$0x8];
	[sflag:s20] =	ssyncadd.s32 $0xFFFFC000  }
0x4d: {  	[tilespmem:s16], [sflag:$0x2] =	stream.indirect.gather [hbm4b:s4+s14], $0x80, s5, s14, $0xb8;
	[tilespmem:$0x1CA80] =	vst v63  }
0x4e: {  	_ =	swait.ge [sflag:s17], $0x4000  }
0x4f: {  	[sflag:s17] =	ssyncset.done $0x0  }
0x50: {  	s10 =	rddreg [dreg:$0x9];
	[sflag:s17] =	ssyncadd.s32 $0xFFFFC000  }
0x51: {  	[spmem:s2] =	stream.indirect.scatter.add.f32 [tilespmem:s15], [sflag:$0x3], $0x80, s10, s14, $0xb8;
	[tilespmem:$0x1CA80] =	vst v63  }
0x52: {  	_ =	swait.ge [sflag:s18], $0x4000  }
0x53: {  	[sflag:s18] =	ssyncset.done $0x0  }
0x54: {  	s11 =	rddreg [dreg:$0xa];
	[sflag:s18] =	ssyncadd.s32 $0xFFFFC000  }
0x55: {  	[tilespmem:s15], [sflag:$0x1] =	stream.indirect.gather [hbm4b:s4+s14], $0x80, s11, s14, $0xb8;
	[tilespmem:$0x1CA80] =	vst v63  }
0x56: {  	_ =	swait.ge [sflag:s19], $0x4000  }
0x57: {  	[sflag:s19] =	ssyncset.done $0x0  }
0x58: {  	s5 =	rddreg [dreg:$0xb];
	[sflag:s19] =	ssyncadd.s32 $0xFFFFC000  }
0x59: {  	[spmem:s2] =	stream.indirect.scatter.add.f32 [tilespmem:s16], [sflag:$0x4], $0x80, s5, s14, $0xb8;
	[tilespmem:$0x1CA80] =	vst v63  }
0x5a: {  	_ =	swait.ge [sflag:s20], $0x4000  }
0x5b: {  	[sflag:s20] =	ssyncset.done $0x0  }
0x5c: {  	s10 =	rddreg [dreg:$0xc];
	[sflag:s20] =	ssyncadd.s32 $0xFFFFC000  }
0x5d: {  	[tilespmem:s16], [sflag:$0x2] =	stream.indirect.gather [hbm4b:s4+s14], $0x80, s10, s14, $0xb8;
	[tilespmem:$0x1CA80] =	vst v63  }
0x5e: {  	_ =	swait.ge [sflag:s17], $0x4000  }
0x5f: {  	[sflag:s17] =	ssyncset.done $0x0  }
0x60: {  	s11 =	rddreg [dreg:$0xd];
	[sflag:s17] =	ssyncadd.s32 $0xFFFFC000  }
0x61: {  	[spmem:s2] =	stream.indirect.scatter.add.f32 [tilespmem:s15], [sflag:$0x3], $0x80, s11, s14, $0xb8;
	[tilespmem:$0x1CA80] =	vst v63  }
0x62: {  	_ =	swait.ge [sflag:s18], $0x4000  }
0x63: {  	[sflag:s18] =	ssyncset.done $0x0  }
0x64: {  	s5 =	rddreg [dreg:$0xe];
	[sflag:s18] =	ssyncadd.s32 $0xFFFFC000  }
0x65: {  	[tilespmem:s15], [sflag:$0x1] =	stream.indirect.gather [hbm4b:s4+s14], $0x80, s5, s14, $0xb8;
	[tilespmem:$0x1CA80] =	vst v63  }
0x66: {  	_ =	swait.ge [sflag:s19], $0x4000  }
0x67: {  	[sflag:s19] =	ssyncset.done $0x0  }
0x68: {  	s10 =	rddreg [dreg:$0xf];
	[sflag:s19] =	ssyncadd.s32 $0xFFFFC000  }
0x69: {  	[spmem:s2] =	stream.indirect.scatter.add.f32 [tilespmem:s16], [sflag:$0x4], $0x80, s10, s14, $0xb8;
	[tilespmem:$0x1CA80] =	vst v63  }
0x6a: {  	_ =	swait.ge [sflag:s20], $0x4000  }
0x6b: {  	[sflag:s20] =	ssyncset.done $0x0  }
0x6c: {  	s11 =	rddreg [dreg:$0x10];
	[sflag:s20] =	ssyncadd.s32 $0xFFFFC000  }
0x6d: {  	[tilespmem:s16], [sflag:$0x2] =	stream.indirect.gather [hbm4b:s4+s14], $0x80, s11, s14, $0xb8;
	[tilespmem:$0x1CA80] =	vst v63  }
0x6e: {  	_ =	swait.ge [sflag:s17], $0x4000  }
0x6f: {  	[sflag:s17] =	ssyncset.done $0x0  }
0x70: {  	s5 =	rddreg [dreg:$0x11];
	[sflag:s17] =	ssyncadd.s32 $0xFFFFC000  }
0x71: {  	[spmem:s2] =	stream.indirect.scatter.add.f32 [tilespmem:s15], [sflag:$0x3], $0x80, s5, s14, $0xb8;
	[tilespmem:$0x1CA80] =	vst v63  }
0x72: {  	_ =	swait.ge [sflag:s18], $0x4000  }
0x73: {  	[sflag:s18] =	ssyncset.done $0x0  }
0x74: {  	s10 =	rddreg [dreg:$0x12];
	[sflag:s18] =	ssyncadd.s32 $0xFFFFC000  }
0x75: {  	[tilespmem:s15], [sflag:$0x1] =	stream.indirect.gather [hbm4b:s4+s14], $0x80, s10, s14, $0xb8;
	[tilespmem:$0x1CA80] =	vst v63  }
0x76: {  	_ =	swait.ge [sflag:s19], $0x4000  }
0x77: {  	[sflag:s19] =	ssyncset.done $0x0  }
0x78: {  	s11 =	rddreg [dreg:$0x13];
	[sflag:s19] =	ssyncadd.s32 $0xFFFFC000  }
0x79: {  	[spmem:s2] =	stream.indirect.scatter.add.f32 [tilespmem:s16], [sflag:$0x4], $0x80, s11, s14, $0xb8;
	[tilespmem:$0x1CA80] =	vst v63  }
0x7a: {  	_ =	swait.ge [sflag:s20], $0x4000  }
0x7b: {  	[sflag:s20] =	ssyncset.done $0x0  }
0x7c: {  	[sflag:s20] =	ssyncadd.s32 $0xFFFFC000  }
0x7d: {  	[tilespmem:s16], [sflag:$0x2] =	stream.indirect.gather [hbm4b:s4+s14], $0x80, s21, s14, $0xb8;
	[tilespmem:$0x1CA80] =	vst v63  }
0x7e: {  	_ =	swait.ge [sflag:s17], $0x4000  }
0x7f: {  	[sflag:s17] =	ssyncset.done $0x0  }
0x80: {  	[sflag:s17] =	ssyncadd.s32 $0xFFFFC000  }
0x81: {  	[spmem:s2] =	stream.indirect.scatter.add.f32 [tilespmem:s15], [sflag:$0x3], $0x80, s22, s14, $0xb8;
	[tilespmem:$0x1CA80] =	vst v63  }
0x82: {  	_ =	swait.ge [sflag:s18], $0x4000  }
0x83: {  	[sflag:s18] =	ssyncset.done $0x0  }
0x84: {  	[sflag:s18] =	ssyncadd.s32 $0xFFFFC000  }
0x85: {  	[tilespmem:s15], [sflag:$0x1] =	stream.indirect.gather [hbm4b:s4+s14], $0x80, s23, s14, $0xb8;
	[tilespmem:$0x1CA80] =	vst v63  }
0x86: {  	_ =	swait.ge [sflag:s19], $0x4000  }
0x87: {  	[sflag:s19] =	ssyncset.done $0x0  }
0x88: {  	[sflag:s19] =	ssyncadd.s32 $0xFFFFC000  }
0x89: {  	[spmem:s2] =	stream.indirect.scatter.add.f32 [tilespmem:s16], [sflag:$0x4], $0x80, s24, s14, $0xb8;
	[tilespmem:$0x1CA80] =	vst v63  }
0x8a: {  	_ =	swait.ge [sflag:s20], $0x4000  }
0x8b: {  	[sflag:s20] =	ssyncset.done $0x0  }
0x8c: {  	[sflag:s20] =	ssyncadd.s32 $0xFFFFC000  }
0x8d: {  	[tilespmem:s16], [sflag:$0x2] =	stream.indirect.gather [hbm4b:s4+s14], $0x80, s25, s14, $0xb8;
	[tilespmem:$0x1CA80] =	vst v63  }
0x8e: {  	_ =	swait.ge [sflag:s17], $0x4000  }
0x8f: {  	[sflag:s17] =	ssyncset.done $0x0  }
0x90: {  	[sflag:s17] =	ssyncadd.s32 $0xFFFFC000  }
0x91: {  	[spmem:s2] =	stream.indirect.scatter.add.f32 [tilespmem:s15], [sflag:$0x3], $0x80, s26, s14, $0xb8;
	[tilespmem:$0x1CA80] =	vst v63  }
0x92: {  	_ =	swait.ge [sflag:s18], $0x4000  }
0x93: {  	[sflag:s18] =	ssyncset.done $0x0  }
0x94: {  	[sflag:s18] =	ssyncadd.s32 $0xFFFFC000  }
0x95: {  	[tilespmem:s15], [sflag:$0x1] =	stream.indirect.gather [hbm4b:s4+s14], $0x80, s28, s14, $0xb8;
	[tilespmem:$0x1CA80] =	vst v63  }
0x96: {  	_ =	swait.ge [sflag:s19], $0x4000  }
0x97: {  	[sflag:s19] =	ssyncset.done $0x0  }
0x98: {  	[sflag:s19] =	ssyncadd.s32 $0xFFFFC000  }
0x99: {  	[spmem:s2] =	stream.indirect.scatter.add.f32 [tilespmem:s16], [sflag:$0x4], $0x80, s29, s14, $0xb8;
	[tilespmem:$0x1CA80] =	vst v63  }
0x9a: {  	_ =	swait.ge [sflag:s20], $0x4000  }
0x9b: {  	[sflag:s20] =	ssyncset.done $0x0  }
0x9c: {  	[sflag:s20] =	ssyncadd.s32 $0xFFFFC000  }
0x9d: {  	[tilespmem:s16], [sflag:$0x2] =	stream.indirect.gather [hbm4b:s4+s14], $0x80, s30, s14, $0xb8;
	[tilespmem:$0x1CA80] =	vst v63  }
0x9e: {  	_ =	swait.ge [sflag:s17], $0x4000  }
0x9f: {  	[sflag:s17] =	ssyncset.done $0x0  }
0xa0: {  	[sflag:s17] =	ssyncadd.s32 $0xFFFFC000  }
0xa1: {  	[spmem:s2] =	stream.indirect.scatter.add.f32 [tilespmem:s15], [sflag:$0x3], $0x80, s31, s14, $0xb8;
	[tilespmem:$0x1CA80] =	vst v63  }
0xa2: {  	_ =	swait.ge [sflag:s18], $0x4000  }
0xa3: {  	[sflag:s18] =	ssyncset.done $0x0  }
0xa4: {  	[sflag:s18] =	ssyncadd.s32 $0xFFFFC000  }
0xa5: {  	[tilespmem:s15], [sflag:$0x1] =	stream.indirect.gather [hbm4b:s4+s14], $0x80, s1, s14, $0xb8;
	[tilespmem:$0x1CA80] =	vst v63  }
0xa6: {  	_ =	swait.ge [sflag:s19], $0x4000  }
0xa7: {  	[sflag:s19] =	ssyncset.done $0x0  }
0xa8: {  	[sflag:s19] =	ssyncadd.s32 $0xFFFFC000  }
0xa9: {  	[spmem:s2] =	stream.indirect.scatter.add.f32 [tilespmem:s16], [sflag:$0x4], $0x80, s0, s14, $0xb8;
	[tilespmem:$0x1CA80] =	vst v63  }
0xaa: {  	_ =	swait.ge [sflag:s20], $0x4000  }
0xab: {  	[sflag:s20] =	ssyncset.done $0x0  }
0xac: {  	[sflag:s20] =	ssyncadd.s32 $0xFFFFC000  }
0xad: {  	[tilespmem:s16], [sflag:$0x2] =	stream.indirect.gather [hbm4b:s4+s14], $0x80, s6, s14, $0xb8;
	[tilespmem:$0x1CA80] =	vst v63  }
0xae: {  	_ =	swait.ge [sflag:s17], $0x4000  }
0xaf: {  	[sflag:s17] =	ssyncset.done $0x0  }
0xb0: {  	[sflag:s17] =	ssyncadd.s32 $0xFFFFC000  }
0xb1: {  	[spmem:s2] =	stream.indirect.scatter.add.f32 [tilespmem:s15], [sflag:$0x3], $0x80, s7, s14, $0xb8;
	[tilespmem:$0x1CA80] =	vst v63  }
0xb2: {  	_ =	swait.ge [sflag:s19], $0x4000  }
0xb3: {  	[sflag:s19] =	ssyncset.done $0x0  }
0xb4: {  	[sflag:s19] =	ssyncadd.s32 $0xFFFFC000  }
0xb5: {  	[spmem:s2] =	stream.indirect.scatter.add.f32 [tilespmem:s16], [sflag:$0x4], $0x80, s8, s14, $0xb8;
	[tilespmem:$0x1CA80] =	vst v63  }
0xb6: {  	_ =	swait.ge [sflag:s18], $0x4000  }
0xb7: {  	[sflag:s18] =	ssyncset.done $0x0  }
0xb8: {  	[sflag:s18] =	ssyncadd.s32 $0xFFFFC000  }
0xb9: {  	s9 =	simm.s32 $0x100;
	_ =	swait.ge [sflag:s20], $0x4000  }
0xba: {  	s10 =	simm.s32 $0x200;
	s11 =	rddreg [dreg:$0x5];
	[sflag:s20] =	ssyncset.done $0x0  }
.LBB2_2:
0xbb: {  	[sflag:s20] =	ssyncadd.s32 $0xFFFFC000;
	s11 =	sadd.s32 s9, s11  }
0xbc: {  	[tilespmem:s3], [sflag:$0x5] =	stream.linear.gather [hbm4b:s11+s3], $0x800, $0x38;
	[tilespmem:$0x1CA80] =	vst v63  }
0xbd: {  	_ =	swait.ge [sflag:s12], $0x800  }
0xbe: {  	s11 =	rddreg [dreg:$0x4];
	[sflag:s12] =	ssyncset.done $0x0  }
0xbf: {  	[sflag:s12] =	ssyncadd.s32 $0xFFFFF800;
	s11 =	sadd.s32 s9, s11  }
0xc0: {  	[tilespmem:s13], [sflag:$0x5] =	stream.linear.gather [hbm4b:s11+s3], $0x800, $0x38;
	[tilespmem:$0x1CA80] =	vst v63  }
0xc1: {  	_ =	swait.ge [sflag:s12], $0x800  }
0xc2: {  	[sflag:s12] =	ssyncset.done $0x0  }
0xc3: {  	[sflag:s12] =	ssyncadd.s32 $0xFFFFF800  }
0xc4: {  	[tilespmem:s15], [sflag:$0x1] =	stream.indirect.gather [hbm4b:s4+s14], $0x80, s3, s14, $0xb8;
	[tilespmem:$0x1CA80] =	vst v63  }
0xc5: {  	_ = 	snop  }
0xc6: {  	[tilespmem:s16], [sflag:$0x2] =	stream.indirect.gather [hbm4b:s4+s14], $0x80, s14, s14, $0xb8;
	[tilespmem:$0x1CA80] =	vst v63  }
0xc7: {  	_ =	swait.ge [sflag:s17], $0x4000  }
0xc8: {  	[sflag:s17] =	ssyncset.done $0x0  }
0xc9: {  	[sflag:s17] =	ssyncadd.s32 $0xFFFFC000  }
0xca: {  	[spmem:s2] =	stream.indirect.scatter.add.f32 [tilespmem:s15], [sflag:$0x3], $0x80, s13, s14, $0xb8;
	[tilespmem:$0x1CA80] =	vst v63  }
0xcb: {  	_ =	swait.ge [sflag:s18], $0x4000  }
0xcc: {  	[sflag:s18] =	ssyncset.done $0x0  }
0xcd: {  	s11 =	rddreg [dreg:$0x6];
	[sflag:s18] =	ssyncadd.s32 $0xFFFFC000  }
0xce: {  	[tilespmem:s15], [sflag:$0x1] =	stream.indirect.gather [hbm4b:s4+s14], $0x80, s11, s14, $0xb8;
	[tilespmem:$0x1CA80] =	vst v63  }
0xcf: {  	_ =	swait.ge [sflag:s19], $0x4000  }
0xd0: {  	[sflag:s19] =	ssyncset.done $0x0  }
0xd1: {  	s11 =	rddreg [dreg:$0x7];
	[sflag:s19] =	ssyncadd.s32 $0xFFFFC000  }
0xd2: {  	[spmem:s2] =	stream.indirect.scatter.add.f32 [tilespmem:s16], [sflag:$0x4], $0x80, s11, s14, $0xb8;
	[tilespmem:$0x1CA80] =	vst v63  }
0xd3: {  	_ =	swait.ge [sflag:s20], $0x4000  }
0xd4: {  	[sflag:s20] =	ssyncset.done $0x0  }
0xd5: {  	s11 =	rddreg [dreg:$0x8];
	[sflag:s20] =	ssyncadd.s32 $0xFFFFC000  }
0xd6: {  	[tilespmem:s16], [sflag:$0x2] =	stream.indirect.gather [hbm4b:s4+s14], $0x80, s11, s14, $0xb8;
	[tilespmem:$0x1CA80] =	vst v63  }
0xd7: {  	_ =	swait.ge [sflag:s17], $0x4000  }
0xd8: {  	[sflag:s17] =	ssyncset.done $0x0  }
0xd9: {  	s11 =	rddreg [dreg:$0x9];
	[sflag:s17] =	ssyncadd.s32 $0xFFFFC000  }
0xda: {  	[spmem:s2] =	stream.indirect.scatter.add.f32 [tilespmem:s15], [sflag:$0x3], $0x80, s11, s14, $0xb8;
	[tilespmem:$0x1CA80] =	vst v63  }
0xdb: {  	_ =	swait.ge [sflag:s18], $0x4000  }
0xdc: {  	[sflag:s18] =	ssyncset.done $0x0  }
0xdd: {  	s11 =	rddreg [dreg:$0xa];
	[sflag:s18] =	ssyncadd.s32 $0xFFFFC000  }
0xde: {  	[tilespmem:s15], [sflag:$0x1] =	stream.indirect.gather [hbm4b:s4+s14], $0x80, s11, s14, $0xb8;
	[tilespmem:$0x1CA80] =	vst v63  }
0xdf: {  	_ =	swait.ge [sflag:s19], $0x4000  }
0xe0: {  	[sflag:s19] =	ssyncset.done $0x0  }
0xe1: {  	s11 =	rddreg [dreg:$0xb];
	[sflag:s19] =	ssyncadd.s32 $0xFFFFC000  }
0xe2: {  	[spmem:s2] =	stream.indirect.scatter.add.f32 [tilespmem:s16], [sflag:$0x4], $0x80, s11, s14, $0xb8;
	[tilespmem:$0x1CA80] =	vst v63  }
0xe3: {  	_ =	swait.ge [sflag:s20], $0x4000  }
0xe4: {  	[sflag:s20] =	ssyncset.done $0x0  }
0xe5: {  	s11 =	rddreg [dreg:$0xc];
	[sflag:s20] =	ssyncadd.s32 $0xFFFFC000  }
0xe6: {  	[tilespmem:s16], [sflag:$0x2] =	stream.indirect.gather [hbm4b:s4+s14], $0x80, s11, s14, $0xb8;
	[tilespmem:$0x1CA80] =	vst v63  }
0xe7: {  	_ =	swait.ge [sflag:s17], $0x4000  }
0xe8: {  	[sflag:s17] =	ssyncset.done $0x0  }
0xe9: {  	s11 =	rddreg [dreg:$0xd];
	[sflag:s17] =	ssyncadd.s32 $0xFFFFC000  }
0xea: {  	[spmem:s2] =	stream.indirect.scatter.add.f32 [tilespmem:s15], [sflag:$0x3], $0x80, s11, s14, $0xb8;
	[tilespmem:$0x1CA80] =	vst v63  }
0xeb: {  	_ =	swait.ge [sflag:s18], $0x4000  }
0xec: {  	[sflag:s18] =	ssyncset.done $0x0  }
0xed: {  	s11 =	rddreg [dreg:$0xe];
	[sflag:s18] =	ssyncadd.s32 $0xFFFFC000  }
0xee: {  	[tilespmem:s15], [sflag:$0x1] =	stream.indirect.gather [hbm4b:s4+s14], $0x80, s11, s14, $0xb8;
	[tilespmem:$0x1CA80] =	vst v63  }
0xef: {  	_ =	swait.ge [sflag:s19], $0x4000  }
0xf0: {  	[sflag:s19] =	ssyncset.done $0x0  }
0xf1: {  	s11 =	rddreg [dreg:$0xf];
	[sflag:s19] =	ssyncadd.s32 $0xFFFFC000  }
0xf2: {  	[spmem:s2] =	stream.indirect.scatter.add.f32 [tilespmem:s16], [sflag:$0x4], $0x80, s11, s14, $0xb8;
	[tilespmem:$0x1CA80] =	vst v63  }
0xf3: {  	_ =	swait.ge [sflag:s20], $0x4000  }
0xf4: {  	[sflag:s20] =	ssyncset.done $0x0  }
0xf5: {  	s11 =	rddreg [dreg:$0x10];
	[sflag:s20] =	ssyncadd.s32 $0xFFFFC000  }
0xf6: {  	[tilespmem:s16], [sflag:$0x2] =	stream.indirect.gather [hbm4b:s4+s14], $0x80, s11, s14, $0xb8;
	[tilespmem:$0x1CA80] =	vst v63  }
0xf7: {  	_ =	swait.ge [sflag:s17], $0x4000  }
0xf8: {  	[sflag:s17] =	ssyncset.done $0x0  }
0xf9: {  	s11 =	rddreg [dreg:$0x11];
	[sflag:s17] =	ssyncadd.s32 $0xFFFFC000  }
0xfa: {  	[spmem:s2] =	stream.indirect.scatter.add.f32 [tilespmem:s15], [sflag:$0x3], $0x80, s11, s14, $0xb8;
	[tilespmem:$0x1CA80] =	vst v63  }
0xfb: {  	_ =	swait.ge [sflag:s18], $0x4000  }
0xfc: {  	[sflag:s18] =	ssyncset.done $0x0  }
0xfd: {  	s11 =	rddreg [dreg:$0x12];
	[sflag:s18] =	ssyncadd.s32 $0xFFFFC000  }
0xfe: {  	[tilespmem:s15], [sflag:$0x1] =	stream.indirect.gather [hbm4b:s4+s14], $0x80, s11, s14, $0xb8;
	[tilespmem:$0x1CA80] =	vst v63  }
0xff: {  	_ =	swait.ge [sflag:s19], $0x4000  }
0x100: {  	[sflag:s19] =	ssyncset.done $0x0  }
0x101: {  	s11 =	rddreg [dreg:$0x13];
	[sflag:s19] =	ssyncadd.s32 $0xFFFFC000  }
0x102: {  	[spmem:s2] =	stream.indirect.scatter.add.f32 [tilespmem:s16], [sflag:$0x4], $0x80, s11, s14, $0xb8;
	[tilespmem:$0x1CA80] =	vst v63  }
0x103: {  	_ =	swait.ge [sflag:s20], $0x4000  }
0x104: {  	[sflag:s20] =	ssyncset.done $0x0  }
0x105: {  	[sflag:s20] =	ssyncadd.s32 $0xFFFFC000  }
0x106: {  	[tilespmem:s16], [sflag:$0x2] =	stream.indirect.gather [hbm4b:s4+s14], $0x80, s21, s14, $0xb8;
	[tilespmem:$0x1CA80] =	vst v63  }
0x107: {  	_ =	swait.ge [sflag:s17], $0x4000  }
0x108: {  	[sflag:s17] =	ssyncset.done $0x0  }
0x109: {  	[sflag:s17] =	ssyncadd.s32 $0xFFFFC000  }
0x10a: {  	[spmem:s2] =	stream.indirect.scatter.add.f32 [tilespmem:s15], [sflag:$0x3], $0x80, s22, s14, $0xb8;
	[tilespmem:$0x1CA80] =	vst v63  }
0x10b: {  	_ =	swait.ge [sflag:s18], $0x4000  }
0x10c: {  	[sflag:s18] =	ssyncset.done $0x0  }
0x10d: {  	[sflag:s18] =	ssyncadd.s32 $0xFFFFC000  }
0x10e: {  	[tilespmem:s15], [sflag:$0x1] =	stream.indirect.gather [hbm4b:s4+s14], $0x80, s23, s14, $0xb8;
	[tilespmem:$0x1CA80] =	vst v63  }
0x10f: {  	_ =	swait.ge [sflag:s19], $0x4000  }
0x110: {  	[sflag:s19] =	ssyncset.done $0x0  }
0x111: {  	[sflag:s19] =	ssyncadd.s32 $0xFFFFC000  }
0x112: {  	[spmem:s2] =	stream.indirect.scatter.add.f32 [tilespmem:s16], [sflag:$0x4], $0x80, s24, s14, $0xb8;
	[tilespmem:$0x1CA80] =	vst v63  }
0x113: {  	_ =	swait.ge [sflag:s20], $0x4000  }
0x114: {  	[sflag:s20] =	ssyncset.done $0x0  }
0x115: {  	[sflag:s20] =	ssyncadd.s32 $0xFFFFC000  }
0x116: {  	[tilespmem:s16], [sflag:$0x2] =	stream.indirect.gather [hbm4b:s4+s14], $0x80, s25, s14, $0xb8;
	[tilespmem:$0x1CA80] =	vst v63  }
0x117: {  	_ =	swait.ge [sflag:s17], $0x4000  }
0x118: {  	[sflag:s17] =	ssyncset.done $0x0  }
0x119: {  	[sflag:s17] =	ssyncadd.s32 $0xFFFFC000  }
0x11a: {  	[spmem:s2] =	stream.indirect.scatter.add.f32 [tilespmem:s15], [sflag:$0x3], $0x80, s26, s14, $0xb8;
	[tilespmem:$0x1CA80] =	vst v63  }
0x11b: {  	_ =	swait.ge [sflag:s18], $0x4000  }
0x11c: {  	[sflag:s18] =	ssyncset.done $0x0  }
0x11d: {  	[sflag:s18] =	ssyncadd.s32 $0xFFFFC000  }
0x11e: {  	[tilespmem:s15], [sflag:$0x1] =	stream.indirect.gather [hbm4b:s4+s14], $0x80, s28, s14, $0xb8;
	[tilespmem:$0x1CA80] =	vst v63  }
0x11f: {  	_ =	swait.ge [sflag:s19], $0x4000  }
0x120: {  	[sflag:s19] =	ssyncset.done $0x0  }
0x121: {  	[sflag:s19] =	ssyncadd.s32 $0xFFFFC000  }
0x122: {  	[spmem:s2] =	stream.indirect.scatter.add.f32 [tilespmem:s16], [sflag:$0x4], $0x80, s29, s14, $0xb8;
	[tilespmem:$0x1CA80] =	vst v63  }
0x123: {  	_ =	swait.ge [sflag:s20], $0x4000  }
0x124: {  	[sflag:s20] =	ssyncset.done $0x0  }
0x125: {  	[sflag:s20] =	ssyncadd.s32 $0xFFFFC000  }
0x126: {  	[tilespmem:s16], [sflag:$0x2] =	stream.indirect.gather [hbm4b:s4+s14], $0x80, s30, s14, $0xb8;
	[tilespmem:$0x1CA80] =	vst v63  }
0x127: {  	_ =	swait.ge [sflag:s17], $0x4000  }
0x128: {  	[sflag:s17] =	ssyncset.done $0x0  }
0x129: {  	[sflag:s17] =	ssyncadd.s32 $0xFFFFC000  }
0x12a: {  	[spmem:s2] =	stream.indirect.scatter.add.f32 [tilespmem:s15], [sflag:$0x3], $0x80, s31, s14, $0xb8;
	[tilespmem:$0x1CA80] =	vst v63  }
0x12b: {  	_ =	swait.ge [sflag:s18], $0x4000  }
0x12c: {  	[sflag:s18] =	ssyncset.done $0x0  }
0x12d: {  	[sflag:s18] =	ssyncadd.s32 $0xFFFFC000  }
0x12e: {  	[tilespmem:s15], [sflag:$0x1] =	stream.indirect.gather [hbm4b:s4+s14], $0x80, s1, s14, $0xb8;
	[tilespmem:$0x1CA80] =	vst v63  }
0x12f: {  	_ =	swait.ge [sflag:s19], $0x4000  }
0x130: {  	[sflag:s19] =	ssyncset.done $0x0  }
0x131: {  	[sflag:s19] =	ssyncadd.s32 $0xFFFFC000  }
0x132: {  	[spmem:s2] =	stream.indirect.scatter.add.f32 [tilespmem:s16], [sflag:$0x4], $0x80, s0, s14, $0xb8;
	[tilespmem:$0x1CA80] =	vst v63  }
0x133: {  	_ =	swait.ge [sflag:s20], $0x4000  }
0x134: {  	[sflag:s20] =	ssyncset.done $0x0  }
0x135: {  	[sflag:s20] =	ssyncadd.s32 $0xFFFFC000  }
0x136: {  	[tilespmem:s16], [sflag:$0x2] =	stream.indirect.gather [hbm4b:s4+s14], $0x80, s6, s14, $0xb8;
	[tilespmem:$0x1CA80] =	vst v63  }
0x137: {  	_ =	swait.ge [sflag:s17], $0x4000  }
0x138: {  	[sflag:s17] =	ssyncset.done $0x0  }
0x139: {  	[sflag:s17] =	ssyncadd.s32 $0xFFFFC000  }
0x13a: {  	[spmem:s2] =	stream.indirect.scatter.add.f32 [tilespmem:s15], [sflag:$0x3], $0x80, s7, s14, $0xb8;
	[tilespmem:$0x1CA80] =	vst v63  }
0x13b: {  	_ =	swait.ge [sflag:s19], $0x4000  }
0x13c: {  	[sflag:s19] =	ssyncset.done $0x0  }
0x13d: {  	p1 =	sne.s32 s10, $0x400;
	[sflag:s19] =	ssyncadd.s32 $0xFFFFC000  }
0x13e: {  	[spmem:s2] =	stream.indirect.scatter.add.f32 [tilespmem:s16], [sflag:$0x4], $0x80, s8, s14, $0xb8;
	[tilespmem:$0x1CA80] =	vst v63  }
.Ltmp0:
0x13f: {  	_ =	swait.ge [sflag:s18], $0x4000;
	(pc) =	sbr.rel @p1 .LBB2_2-.Ltmp0, $4  }
0x140: {  	[sflag:s18] =	ssyncset.done $0x0  }
0x141: {  	[sflag:s18] =	ssyncadd.s32 $0xFFFFC000  }
0x142: {  	s5 =	smov.u32 s10;
	s10 =	sadd.s32 $0x100, s10;
	_ =	swait.ge [sflag:s20], $0x4000  }
0x143: {  	s9 =	smov.u32 s5;
	s11 =	rddreg [dreg:$0x5];
	[sflag:s20] =	ssyncset.done $0x0  }
0x144: {  	[sflag:s20] =	ssyncadd.s32 $0xFFFFC000;
	s5 =	sadd.s32 s9, s11  }
0x145: {  	[tilespmem:s3], [sflag:$0x5] =	stream.linear.gather [hbm4b:s5+s3], $0x800, $0x38;
	[tilespmem:$0x1CA80] =	vst v63  }
0x146: {  	_ =	swait.ge [sflag:s12], $0x800  }
0x147: {  	s11 =	rddreg [dreg:$0x4];
	[sflag:s12] =	ssyncset.done $0x0  }
0x148: {  	s5 =	sadd.s32 s9, s11;
	[sflag:s12] =	ssyncadd.s32 $0xFFFFF800  }
0x149: {  	[tilespmem:s13], [sflag:$0x5] =	stream.linear.gather [hbm4b:s5+s3], $0x800, $0x38;
	[tilespmem:$0x1CA80] =	vst v63  }
0x14a: {  	_ =	swait.ge [sflag:s12], $0x800  }
0x14b: {  	[sflag:s12] =	ssyncset.done $0x0  }
0x14c: {  	[sflag:s12] =	ssyncadd.s32 $0xFFFFF800  }
0x14d: {  	[tilespmem:s15], [sflag:$0x1] =	stream.indirect.gather [hbm4b:s4+s14], $0x80, s3, s14, $0xb8;
	[tilespmem:$0x1CA80] =	vst v63  }
0x14e: {  	_ = 	snop  }
0x14f: {  	[tilespmem:s16], [sflag:$0x2] =	stream.indirect.gather [hbm4b:s4+s14], $0x80, s14, s14, $0xb8;
	[tilespmem:$0x1CA80] =	vst v63  }
0x150: {  	_ =	swait.ge [sflag:s17], $0x4000  }
0x151: {  	[sflag:s17] =	ssyncset.done $0x0  }
0x152: {  	[sflag:s17] =	ssyncadd.s32 $0xFFFFC000  }
0x153: {  	[spmem:s2] =	stream.indirect.scatter.add.f32 [tilespmem:s15], [sflag:$0x3], $0x80, s13, s14, $0xb8;
	[tilespmem:$0x1CA80] =	vst v63  }
0x154: {  	_ =	swait.ge [sflag:s18], $0x4000  }
0x155: {  	[sflag:s18] =	ssyncset.done $0x0  }
0x156: {  	s9 =	rddreg [dreg:$0x6];
	[sflag:s18] =	ssyncadd.s32 $0xFFFFC000  }
0x157: {  	[tilespmem:s15], [sflag:$0x1] =	stream.indirect.gather [hbm4b:s4+s14], $0x80, s9, s14, $0xb8;
	[tilespmem:$0x1CA80] =	vst v63  }
0x158: {  	_ =	swait.ge [sflag:s19], $0x4000  }
0x159: {  	[sflag:s19] =	ssyncset.done $0x0  }
0x15a: {  	s10 =	rddreg [dreg:$0x7];
	[sflag:s19] =	ssyncadd.s32 $0xFFFFC000  }
0x15b: {  	[spmem:s2] =	stream.indirect.scatter.add.f32 [tilespmem:s16], [sflag:$0x4], $0x80, s10, s14, $0xb8;
	[tilespmem:$0x1CA80] =	vst v63  }
0x15c: {  	_ =	swait.ge [sflag:s20], $0x4000  }
0x15d: {  	[sflag:s20] =	ssyncset.done $0x0  }
0x15e: {  	s11 =	rddreg [dreg:$0x8];
	[sflag:s20] =	ssyncadd.s32 $0xFFFFC000  }
0x15f: {  	[tilespmem:s16], [sflag:$0x2] =	stream.indirect.gather [hbm4b:s4+s14], $0x80, s11, s14, $0xb8;
	[tilespmem:$0x1CA80] =	vst v63  }
0x160: {  	_ =	swait.ge [sflag:s17], $0x4000  }
0x161: {  	[sflag:s17] =	ssyncset.done $0x0  }
0x162: {  	s9 =	rddreg [dreg:$0x9];
	[sflag:s17] =	ssyncadd.s32 $0xFFFFC000  }
0x163: {  	[spmem:s2] =	stream.indirect.scatter.add.f32 [tilespmem:s15], [sflag:$0x3], $0x80, s9, s14, $0xb8;
	[tilespmem:$0x1CA80] =	vst v63  }
0x164: {  	_ =	swait.ge [sflag:s18], $0x4000  }
0x165: {  	[sflag:s18] =	ssyncset.done $0x0  }
0x166: {  	s10 =	rddreg [dreg:$0xa];
	[sflag:s18] =	ssyncadd.s32 $0xFFFFC000  }
0x167: {  	[tilespmem:s15], [sflag:$0x1] =	stream.indirect.gather [hbm4b:s4+s14], $0x80, s10, s14, $0xb8;
	[tilespmem:$0x1CA80] =	vst v63  }
0x168: {  	_ =	swait.ge [sflag:s19], $0x4000  }
0x169: {  	[sflag:s19] =	ssyncset.done $0x0  }
0x16a: {  	s11 =	rddreg [dreg:$0xb];
	[sflag:s19] =	ssyncadd.s32 $0xFFFFC000  }
0x16b: {  	[spmem:s2] =	stream.indirect.scatter.add.f32 [tilespmem:s16], [sflag:$0x4], $0x80, s11, s14, $0xb8;
	[tilespmem:$0x1CA80] =	vst v63  }
0x16c: {  	_ =	swait.ge [sflag:s20], $0x4000  }
0x16d: {  	[sflag:s20] =	ssyncset.done $0x0  }
0x16e: {  	s9 =	rddreg [dreg:$0xc];
	[sflag:s20] =	ssyncadd.s32 $0xFFFFC000  }
0x16f: {  	[tilespmem:s16], [sflag:$0x2] =	stream.indirect.gather [hbm4b:s4+s14], $0x80, s9, s14, $0xb8;
	[tilespmem:$0x1CA80] =	vst v63  }
0x170: {  	_ =	swait.ge [sflag:s17], $0x4000  }
0x171: {  	[sflag:s17] =	ssyncset.done $0x0  }
0x172: {  	s10 =	rddreg [dreg:$0xd];
	[sflag:s17] =	ssyncadd.s32 $0xFFFFC000  }
0x173: {  	[spmem:s2] =	stream.indirect.scatter.add.f32 [tilespmem:s15], [sflag:$0x3], $0x80, s10, s14, $0xb8;
	[tilespmem:$0x1CA80] =	vst v63  }
0x174: {  	_ =	swait.ge [sflag:s18], $0x4000  }
0x175: {  	[sflag:s18] =	ssyncset.done $0x0  }
0x176: {  	s11 =	rddreg [dreg:$0xe];
	[sflag:s18] =	ssyncadd.s32 $0xFFFFC000  }
0x177: {  	[tilespmem:s15], [sflag:$0x1] =	stream.indirect.gather [hbm4b:s4+s14], $0x80, s11, s14, $0xb8;
	[tilespmem:$0x1CA80] =	vst v63  }
0x178: {  	_ =	swait.ge [sflag:s19], $0x4000  }
0x179: {  	[sflag:s19] =	ssyncset.done $0x0  }
0x17a: {  	s9 =	rddreg [dreg:$0xf];
	[sflag:s19] =	ssyncadd.s32 $0xFFFFC000  }
0x17b: {  	[spmem:s2] =	stream.indirect.scatter.add.f32 [tilespmem:s16], [sflag:$0x4], $0x80, s9, s14, $0xb8;
	[tilespmem:$0x1CA80] =	vst v63  }
0x17c: {  	_ =	swait.ge [sflag:s20], $0x4000  }
0x17d: {  	[sflag:s20] =	ssyncset.done $0x0  }
0x17e: {  	s10 =	rddreg [dreg:$0x10];
	[sflag:s20] =	ssyncadd.s32 $0xFFFFC000  }
0x17f: {  	[tilespmem:s16], [sflag:$0x2] =	stream.indirect.gather [hbm4b:s4+s14], $0x80, s10, s14, $0xb8;
	[tilespmem:$0x1CA80] =	vst v63  }
0x180: {  	_ =	swait.ge [sflag:s17], $0x4000  }
0x181: {  	[sflag:s17] =	ssyncset.done $0x0  }
0x182: {  	s11 =	rddreg [dreg:$0x11];
	[sflag:s17] =	ssyncadd.s32 $0xFFFFC000  }
0x183: {  	[spmem:s2] =	stream.indirect.scatter.add.f32 [tilespmem:s15], [sflag:$0x3], $0x80, s11, s14, $0xb8;
	[tilespmem:$0x1CA80] =	vst v63  }
0x184: {  	_ =	swait.ge [sflag:s18], $0x4000  }
0x185: {  	[sflag:s18] =	ssyncset.done $0x0  }
0x186: {  	s9 =	rddreg [dreg:$0x12];
	[sflag:s18] =	ssyncadd.s32 $0xFFFFC000  }
0x187: {  	[tilespmem:s15], [sflag:$0x1] =	stream.indirect.gather [hbm4b:s4+s14], $0x80, s9, s14, $0xb8;
	[tilespmem:$0x1CA80] =	vst v63  }
0x188: {  	_ =	swait.ge [sflag:s19], $0x4000  }
0x189: {  	[sflag:s19] =	ssyncset.done $0x0  }
0x18a: {  	s10 =	rddreg [dreg:$0x13];
	[sflag:s19] =	ssyncadd.s32 $0xFFFFC000  }
0x18b: {  	[spmem:s2] =	stream.indirect.scatter.add.f32 [tilespmem:s16], [sflag:$0x4], $0x80, s10, s14, $0xb8;
	[tilespmem:$0x1CA80] =	vst v63  }
0x18c: {  	_ =	swait.ge [sflag:s20], $0x4000  }
0x18d: {  	[sflag:s20] =	ssyncset.done $0x0  }
0x18e: {  	[sflag:s20] =	ssyncadd.s32 $0xFFFFC000  }
0x18f: {  	[tilespmem:s16], [sflag:$0x2] =	stream.indirect.gather [hbm4b:s4+s14], $0x80, s21, s14, $0xb8;
	[tilespmem:$0x1CA80] =	vst v63  }
0x190: {  	_ =	swait.ge [sflag:s17], $0x4000  }
0x191: {  	[sflag:s17] =	ssyncset.done $0x0  }
0x192: {  	[sflag:s17] =	ssyncadd.s32 $0xFFFFC000  }
0x193: {  	[spmem:s2] =	stream.indirect.scatter.add.f32 [tilespmem:s15], [sflag:$0x3], $0x80, s22, s14, $0xb8;
	[tilespmem:$0x1CA80] =	vst v63  }
0x194: {  	_ =	swait.ge [sflag:s18], $0x4000  }
0x195: {  	[sflag:s18] =	ssyncset.done $0x0  }
0x196: {  	[sflag:s18] =	ssyncadd.s32 $0xFFFFC000  }
0x197: {  	[tilespmem:s15], [sflag:$0x1] =	stream.indirect.gather [hbm4b:s4+s14], $0x80, s23, s14, $0xb8;
	[tilespmem:$0x1CA80] =	vst v63  }
0x198: {  	_ =	swait.ge [sflag:s19], $0x4000  }
0x199: {  	[sflag:s19] =	ssyncset.done $0x0  }
0x19a: {  	[sflag:s19] =	ssyncadd.s32 $0xFFFFC000  }
0x19b: {  	[spmem:s2] =	stream.indirect.scatter.add.f32 [tilespmem:s16], [sflag:$0x4], $0x80, s24, s14, $0xb8;
	[tilespmem:$0x1CA80] =	vst v63  }
0x19c: {  	_ =	swait.ge [sflag:s20], $0x4000  }
0x19d: {  	[sflag:s20] =	ssyncset.done $0x0  }
0x19e: {  	[sflag:s20] =	ssyncadd.s32 $0xFFFFC000  }
0x19f: {  	[tilespmem:s16], [sflag:$0x2] =	stream.indirect.gather [hbm4b:s4+s14], $0x80, s25, s14, $0xb8;
	[tilespmem:$0x1CA80] =	vst v63  }
0x1a0: {  	_ =	swait.ge [sflag:s17], $0x4000  }
0x1a1: {  	[sflag:s17] =	ssyncset.done $0x0  }
0x1a2: {  	[sflag:s17] =	ssyncadd.s32 $0xFFFFC000  }
0x1a3: {  	[spmem:s2] =	stream.indirect.scatter.add.f32 [tilespmem:s15], [sflag:$0x3], $0x80, s26, s14, $0xb8;
	[tilespmem:$0x1CA80] =	vst v63  }
0x1a4: {  	_ =	swait.ge [sflag:s18], $0x4000  }
0x1a5: {  	[sflag:s18] =	ssyncset.done $0x0  }
0x1a6: {  	[sflag:s18] =	ssyncadd.s32 $0xFFFFC000  }
0x1a7: {  	[tilespmem:s15], [sflag:$0x1] =	stream.indirect.gather [hbm4b:s4+s14], $0x80, s28, s14, $0xb8;
	[tilespmem:$0x1CA80] =	vst v63  }
0x1a8: {  	_ =	swait.ge [sflag:s19], $0x4000  }
0x1a9: {  	[sflag:s19] =	ssyncset.done $0x0  }
0x1aa: {  	[sflag:s19] =	ssyncadd.s32 $0xFFFFC000  }
0x1ab: {  	[spmem:s2] =	stream.indirect.scatter.add.f32 [tilespmem:s16], [sflag:$0x4], $0x80, s29, s14, $0xb8;
	[tilespmem:$0x1CA80] =	vst v63  }
0x1ac: {  	_ =	swait.ge [sflag:s20], $0x4000  }
0x1ad: {  	[sflag:s20] =	ssyncset.done $0x0  }
0x1ae: {  	[sflag:s20] =	ssyncadd.s32 $0xFFFFC000  }
0x1af: {  	[tilespmem:s16], [sflag:$0x2] =	stream.indirect.gather [hbm4b:s4+s14], $0x80, s30, s14, $0xb8;
	[tilespmem:$0x1CA80] =	vst v63  }
0x1b0: {  	_ =	swait.ge [sflag:s17], $0x4000  }
0x1b1: {  	[sflag:s17] =	ssyncset.done $0x0  }
0x1b2: {  	[sflag:s17] =	ssyncadd.s32 $0xFFFFC000  }
0x1b3: {  	[spmem:s2] =	stream.indirect.scatter.add.f32 [tilespmem:s15], [sflag:$0x3], $0x80, s31, s14, $0xb8;
	[tilespmem:$0x1CA80] =	vst v63  }
0x1b4: {  	_ =	swait.ge [sflag:s18], $0x4000  }
0x1b5: {  	[sflag:s18] =	ssyncset.done $0x0  }
0x1b6: {  	[sflag:s18] =	ssyncadd.s32 $0xFFFFC000  }
0x1b7: {  	[tilespmem:s15], [sflag:$0x1] =	stream.indirect.gather [hbm4b:s4+s14], $0x80, s1, s14, $0xb8;
	[tilespmem:$0x1CA80] =	vst v63  }
0x1b8: {  	_ =	swait.ge [sflag:s19], $0x4000  }
0x1b9: {  	[sflag:s19] =	ssyncset.done $0x0  }
0x1ba: {  	[sflag:s19] =	ssyncadd.s32 $0xFFFFC000  }
0x1bb: {  	[spmem:s2] =	stream.indirect.scatter.add.f32 [tilespmem:s16], [sflag:$0x4], $0x80, s0, s14, $0xb8;
	[tilespmem:$0x1CA80] =	vst v63  }
0x1bc: {  	_ =	swait.ge [sflag:s20], $0x4000  }
0x1bd: {  	[sflag:s20] =	ssyncset.done $0x0  }
0x1be: {  	[sflag:s20] =	ssyncadd.s32 $0xFFFFC000  }
0x1bf: {  	[tilespmem:s16], [sflag:$0x2] =	stream.indirect.gather [hbm4b:s4+s14], $0x80, s6, s14, $0xb8;
	[tilespmem:$0x1CA80] =	vst v63  }
0x1c0: {  	_ =	swait.ge [sflag:s17], $0x4000  }
0x1c1: {  	[sflag:s17] =	ssyncset.done $0x0  }
0x1c2: {  	[sflag:s17] =	ssyncadd.s32 $0xFFFFC000  }
0x1c3: {  	[spmem:s2] =	stream.indirect.scatter.add.f32 [tilespmem:s15], [sflag:$0x3], $0x80, s7, s14, $0xb8;
	[tilespmem:$0x1CA80] =	vst v63  }
0x1c4: {  	_ =	swait.ge [sflag:s19], $0x4000  }
0x1c5: {  	[sflag:s19] =	ssyncset.done $0x0  }
0x1c6: {  	[sflag:s19] =	ssyncadd.s32 $0xFFFFC000  }
0x1c7: {  	[spmem:s2] =	stream.indirect.scatter.add.f32 [tilespmem:s16], [sflag:$0x4], $0x80, s8, s14, $0xb8;
	[tilespmem:$0x1CA80] =	vst v63  }
0x1c8: {  	_ =	swait.ge [sflag:s18], $0x4000  }
0x1c9: {  	[sflag:s18] =	ssyncset.done $0x0  }
0x1ca: {  	[sflag:s18] =	ssyncadd.s32 $0xFFFFC000  }
0x1cb: {  	_ =	swait.ge [sflag:s20], $0x4000  }
0x1cc: {  	[sflag:s20] =	ssyncset.done $0x0  }
0x1cd: {  	[sflag:s20] =	ssyncadd.s32 $0xFFFFC000  }
0x1ce: {  	[bflag:$0x0] =	sbarrier.arrive $0xFFFF  }
0x1cf: {  	s9 =	rddreg [dreg:$0x16]  }
0x1d0: {  	s5 =	simm.s32 @p0 $0x1FC5;
	s10 =	rddreg [dreg:$0x18]  }
0x1d1: {  	[hbm:s9], [sflag:s5] =	dma.local @p0 [spmem:s10], $0x2800  }
0x1d2: {  	s5 =	simm.s32 @p0 $0x5  }
0x1d3: {  	_ =	swait.ge @p0 [sflag:s5], $0x2800  }
0x1d4: {  	s11 =	rddreg [dreg:$0x19]  }
0x1d5: {  	[sflag:s5] =	ssyncset.done @p0 $0x0;
	s10 =	rddreg [dreg:$0x1a]  }
0x1d6: {  	s9 =	simm.s32 @!p0 $0x5;
	[sflag:s5] =	ssyncadd.s32 @p0 $0xFFFFD800;
	s5 =	rddreg [dreg:$0x15]  }
0x1d7: {  	[hbm:s5], [sflag:s11] =	dma.local @!p0 [spmem:s10], $0x2700  }
0x1d8: {  	_ =	swait.ge @!p0 [sflag:s9], $0x2700  }
0x1d9: {  	s11 =	rddreg [dreg:$0x1b]  }
0x1da: {  	s5 =	sadd.s32 $0x1, s11;
	s11 =	rddreg [dreg:$0x17]  }
0x1db: {  	p1 =	sne.s32 s5, s11  }
.Ltmp1:
0x1dc: {  	_ = 	snop;
	(pc) =	sbr.rel @p1 .LBB2_1-.Ltmp1, $3  }
0x1dd: {  	_ =	sdelay $0x1  }
0x1de: {  	[sflag:s9] =	ssyncset.done @!p0 $0x0;
	[dreg:$0x1b] =	wrdreg s5;
	s5 =	simm.s32 @!p0 $0x5  }
0x1df: {  	[sflag:s5] =	ssyncadd.s32 @!p0 $0xFFFFD900  }
0x1e0: {  	_ =	sfence.sel $0x180000  }
0x1e1: {  	[bflag:$0x0] =	sbarrier.arrive $0xFFFF  }
0x1e2: {  	_ =	strace $0x9000004D  }
0x1e3: {  	s0 =	stileid.u32;
	[bflag:$0x2] =	sbarrier.arrive $0xFFFF  }
0x1e4: {  	p0 =	sne.s32 s0, $0x0;
	s0 =	rddreg [dreg:$0x3]  }
0x1e5: {  	s0 =	sadd.s32 @!p0 $0x100000, s0  }
0x1e6: {  	[sflag:s0] =	ssyncadd.tile.s32 @!p0 $0x1;
	_ =	shalt  }
.Lfunc_end2:
_tile_overlayer_lowered:
.L_overlay_start_2:
0x1e7: {  	(tag) =	ssettag $0x2  }
0x1e8: {  	s0 =	rddreg [dreg:$0x0];
	s2 =	stileid.u32  }
0x1e9: {  	s1 =	rddreg [dreg:$0x1];
	p0 =	sne.s32 s2, $0x0  }
0x1ea: {  	s3 =	rddreg [dreg:$0x2];
	[bflag:$0x3] =	sbarrier.arrive $0xFFFF;
	s2 =	simm.s32 @!p0 $0x1C05  }
0x1eb: {  	[timem:s3], [sflag:s2] =	dma.local @!p0 [hbm:s0], s1  }
0x1ec: {  	s0 =	simm.s32 @!p0 $0x5  }
0x1ed: {  	_ =	swait.ge @!p0 [sflag:s0], s1  }
0x1ee: {  	s1 =	ssub.s32 @!p0 $0x0, s1;
	[sflag:s0] =	ssyncset.done @!p0 $0x0  }
0x1ef: {  	[sflag:s0] =	ssyncadd.s32 @!p0 s1  }
0x1f0: {  	[bflag:$0x3] =	sbarrier.arrive $0xFFFF  }
0x1f1: {  	_ =	shalt  }

// kernel: kernel.7.cloned.1.call-start
scs
__scs_entry_jumppad:
0x0: {  	(pc) =	sbr.rel $0x88, $3  }
0x1: {  	(tag) =	ssettag $0x0;
	lr =	simm.s32 $0x1  }
0x2: {  	[smem:$0x3F9B] =	sst lr;
	_ =	strace $0xD0000000  }
0x3: {  	_ = 	snop  }
0x4: {  	_ = 	snop  }
0x5: {  	_ = 	snop  }
0x6: {  	_ = 	snop  }
0x7: {  	_ = 	snop  }
__scs_overlays_trampoline_lowered:
0x8: {  	[smem:$0x3FAA] =	sst s0  }
0x9: {  	[smem:$0x3FAB] =	sst s1  }
0xa: {  	[smem:$0x3FAC] =	sst s2  }
0xb: {  	[smem:$0x3FAD] =	sst s3  }
0xc: {  	[smem:$0x3FAE] =	sst s4  }
0xd: {  	[smem:$0x3FAF] =	sst s5  }
0xe: {  	[smem:$0x3FB0] =	sst s6  }
0xf: {  	[smem:$0x3FB1] =	sst s7  }
0x10: {  	[smem:$0x3FB2] =	sst s8  }
0x11: {  	[smem:$0x3FB3] =	sst s9;
	s0 =	simm.s32 @!p0 $0x0  }
0x12: {  	s1 =	sld [smem:$0x3F99];
	s0 =	simm.s32 @p0 $0x1  }
0x13: {  	[smem:$0x3FB4] =	sst s0;
	s0 =	simm.s32 @!p1 $0x0  }
0x14: {  	s2 =	sld [smem:$0x3F98];
	s0 =	simm.s32 @p1 $0x1  }
0x15: {  	[smem:$0x3FB5] =	sst s0;
	s0 =	simm.s32 @!p2 $0x0  }
0x16: {  	s3 =	sld [smem:$0x3FDB];
	s0 =	simm.s32 @p2 $0x1  }
0x17: {  	s4 =	simm.s32 $0x1BF5;
	[smem:$0x3FB7] =	sst s0  }
0x18: {  	s0 =	sld [smem:$0x3F9A];
	_ =	swait.ge [sflag:s4], $0x0  }
0x19: {  	s7 =	sld [smem:$0x3F9B]  }
0x1a: {  	s8 =	sadd.s32 $0xFFFFE003, lr  }
0x1b: {  	s9 =	sadd.s32 $0xFFFFFEF7, lr;
	s5 =	simm.s32 $0xFFFFFFFF;
	p2 =	slt.u32 s8, $0xFFFFF086  }
0x1c: {  	p1 =	slt.u32 s9, $0xF7A;
	s5 =	simm.s32 @!p2 $0x0  }
0x1d: {  	s5 =	simm.s32 @p1 $0x1;
	p0 =	seq.s32 s7, s2  }
0x1e: {  	s7 =	smul.u32 @!p0 $0xF7A, s2;
	p2 =	seq.s32 @!p0 s5, $0x0  }
0x1f: {  	s9 =	smul.u32 $0xF7A, s1;
	s8 =	simm.s32 @!p0 $0x1BF5;
	p2 =	por !p2, p0  }
0x20: {  	[sflag:s8] =	ssyncset.s32 @!p0 $0xFFFFF086;
	s6 =	sadd.s32 @!p0 s3, s7;
	s7 =	simm.s32 @!p0 $0x108  }
0x21: {  	s3 =	sadd.s32 s3, s9;
	s6 =	sadd.s32 @!p0 $0x88, s6;
	s7 =	simm.s32 @p2 $0x1082  }
0x22: {  	[simem:s7], [sflag:s8] =	dma.local @!p0 [hbm:s6], $0xF7A  }
0x23: {  	s9 =	sor.u32 $0xD0000000, s2;
	s6 =	simm.s32 $0x108;
	_ =	swait.ge @!p0 [sflag:s8], $0x0  }
0x24: {  	s3 =	sadd.s32 $0x88, s3;
	s6 =	simm.s32 @!p1 $0x1082;
	[sflag:s4] =	ssyncset.s32 $0xFFFFF086  }
0x25: {  	[simem:s6], [sflag:s4] =	dma.local [hbm:s3], $0xF7A  }
0x26: {  	[smem:$0x3F9B] =	sst s1;
	(tag) =	ssettag s2;
	_ =	strace s9  }
0x27: {  	s1 =	sld [smem:$0x3FAB]  }
0x28: {  	s2 =	sld [smem:$0x3FAC]  }
0x29: {  	s4 =	sld [smem:$0x3FAE]  }
0x2a: {  	p0 =	seq.s32 s5, $0x0;
	s5 =	sld [smem:$0x3FAF]  }
0x2b: {  	s6 =	sld [smem:$0x3FB0]  }
0x2c: {  	s7 =	sld [smem:$0x3FB1]  }
0x2d: {  	s3 =	simm.s32 $0x108;
	s8 =	sld [smem:$0x3FB2]  }
0x2e: {  	s3 =	simm.s32 @!p0 $0x1082;
	s9 =	sld [smem:$0x3FB3]  }
0x2f: {  	lr =	sadd.s32 s0, s3;
	s0 =	sld [smem:$0x3FAA]  }
0x30: {  	s3 =	sld [smem:$0x3FAD]  }
0x31: {  	[smem:$0x3FB6] =	sst s10  }
0x32: {  	s10 =	sld [smem:$0x3FB4];
	_ =	sdelay $0x3  }
0x33: {  	p0 =	seq.s32 s10, $0x1;
	s10 =	sld [smem:$0x3FB6];
	_ =	sdelay $0x3  }
0x34: {  	[smem:$0x3FB6] =	sst s10  }
0x35: {  	s10 =	sld [smem:$0x3FB5];
	_ =	sdelay $0x3  }
0x36: {  	p1 =	seq.s32 s10, $0x1;
	s10 =	sld [smem:$0x3FB6];
	_ =	sdelay $0x3  }
0x37: {  	[smem:$0x3FB6] =	sst s10  }
0x38: {  	s10 =	sld [smem:$0x3FB7]  }
0x39: {  	_ = 	snop;
	(pc) =	sbr.ind lr, $3  }
0x3a: {  	_ = 	snop  }
0x3b: {  	_ = 	snop  }
0x3c: {  	p2 =	seq.s32 s10, $0x1;
	s10 =	sld [smem:$0x3FB6]  }
0x3d: {  	_ =	shalt  }
0x3e: {  	_ =	shalt  }
0x3f: {  	_ =	shalt  }
0x40: {  	_ =	shalt  }
0x41: {  	_ =	shalt  }
0x42: {  	_ =	shalt  }
0x43: {  	_ =	shalt  }
0x44: {  	_ =	shalt  }
0x45: {  	_ =	shalt  }
0x46: {  	_ =	shalt  }
0x47: {  	_ =	shalt  }
0x48: {  	_ =	shalt  }
0x49: {  	_ =	shalt  }
0x4a: {  	_ =	shalt  }
0x4b: {  	_ =	shalt  }
0x4c: {  	_ =	shalt  }
0x4d: {  	_ =	shalt  }
0x4e: {  	_ =	shalt  }
0x4f: {  	_ =	shalt  }
0x50: {  	_ =	shalt  }
0x51: {  	_ =	shalt  }
0x52: {  	_ =	shalt  }
0x53: {  	_ =	shalt  }
0x54: {  	_ =	shalt  }
0x55: {  	_ =	shalt  }
0x56: {  	_ =	shalt  }
0x57: {  	_ =	shalt  }
0x58: {  	_ =	shalt  }
0x59: {  	_ =	shalt  }
0x5a: {  	_ =	shalt  }
0x5b: {  	_ =	shalt  }
0x5c: {  	_ =	shalt  }
0x5d: {  	_ =	shalt  }
0x5e: {  	_ =	shalt  }
0x5f: {  	_ =	shalt  }
0x60: {  	_ =	shalt  }
0x61: {  	_ =	shalt  }
0x62: {  	_ =	shalt  }
0x63: {  	_ =	shalt  }
0x64: {  	_ =	shalt  }
0x65: {  	_ =	shalt  }
0x66: {  	_ =	shalt  }
0x67: {  	_ =	shalt  }
0x68: {  	_ =	shalt  }
0x69: {  	_ =	shalt  }
0x6a: {  	_ =	shalt  }
0x6b: {  	_ =	shalt  }
0x6c: {  	_ =	shalt  }
0x6d: {  	_ =	shalt  }
0x6e: {  	_ =	shalt  }
0x6f: {  	_ =	shalt  }
0x70: {  	_ =	shalt  }
0x71: {  	_ =	shalt  }
0x72: {  	_ =	shalt  }
0x73: {  	_ =	shalt  }
0x74: {  	_ =	shalt  }
0x75: {  	_ =	shalt  }
0x76: {  	_ =	shalt  }
0x77: {  	_ =	shalt  }
0x78: {  	_ =	shalt  }
0x79: {  	_ =	shalt  }
0x7a: {  	_ =	shalt  }
0x7b: {  	_ =	shalt  }
0x7c: {  	_ =	shalt  }
0x7d: {  	_ =	shalt  }
0x7e: {  	_ =	shalt  }
0x7f: {  	_ =	shalt  }
0x80: {  	_ =	shalt  }
0x81: {  	_ =	shalt  }
0x82: {  	_ =	shalt  }
0x83: {  	_ =	shalt  }
0x84: {  	_ =	shalt  }
0x85: {  	_ =	shalt  }
0x86: {  	_ =	shalt  }
0x87: {  	_ =	shalt  }
.Lfunc_end0:
.L_simem_size_0:
called_computation_lowered:
.L_overlay_start_0:
0x88: {  	s2 =	sld [smem:$0x3FD9]  }
0x89: {  	s3 =	sld [smem:$0x3FFE];
	_ =	sdelay $0x1  }
0x8a: {  	s1 =	srdreg.scid  }
0x8b: {  	s0 =	sand.u32 $0x1, s1  }
0x8c: {  	s17 =	sshll.u32 s0, $0xA;
	s2 =	sadd.s32 s3, s2  }
0x8d: {  	s2 =	sadd.s32 s2, s17  }
0x8e: {  	[smem:$0x3FC2] =	sst s2  }
0x8f: {  	_ = 	snop  }
0x90: {  	(tm) =	ssettm $0x1  }
0x91: {  	s18 =	sld [smem:$0x3FFB];
	_ =	sdelay $0x3  }
0x92: {  	_ =	strace s18  }
0x93: {  	s2 =	sld [smem:$0x3FFC];
	_ =	sdelay $0x3  }
0x94: {  	_ =	strace s2  }
0x95: {  	s2 =	sld [smem:$0x3FFD];
	_ =	sdelay $0x3  }
0x96: {  	_ =	strace s2  }
0x97: {  	_ =	strace $0x8FFFFFFF  }
0x98: {  	s19 =	sld [smem:$0x3FDB];
	_ =	sdelay $0x1  }
0x99: {  	s20 =	simm.s32 $_scs_section_size  }
0x9a: {  	s4 =	simm.s32 $_size__tile_overlayer_lowered;
	s5 =	simm.s32 $_tile_overlayer_lowered  }
0x9b: {  	s6 =	simm.s32 $0x1BFF;
	s21 =	sshll.u32 s5, $0x1;
	s3 =	sadd.s32 s20, s19  }
0x9c: {  	s22 =	simm.s32 $0x0;
	s4 =	sshll.u32 s4, $0x1;
	s5 =	sadd.s32 s21, s3  }
0x9d: {  	[timem:s22], [sflag:s6] =	dma.local [hbm:s5], s4  }
0x9e: {  	_ =	swait.ge [sflag:s6], s4  }
0x9f: {  	s4 =	ssub.s32 $0x0, s4;
	[sflag:s6] =	ssyncset.done $0x0  }
0xa0: {  	[sflag:s6] =	ssyncadd.s32 s4;
	_ =	sdelay $0x1  }
0xa1: {  	s23 =	simm.s32 $0x1B8B  }
0xa2: {  	_ =	swait.ge [sflag:s23], $0x1  }
0xa3: {  	[sflag:s23] =	ssyncset.done $0x0  }
0xa4: {  	[sflag:s23] =	ssyncadd.s32 $0xFFFFFFFF  }
0xa5: {  	s4 =	sld [smem:$0x0]  }
0xa6: {  	s5 =	sand.u32 $0xFFFFFFFE, s1  }
0xa7: {  	p0 =	sne.s32 s1, s5  }
0xa8: {  	s5 =	sshll.u32 @p0 s5, $0xE  }
0xa9: {  	s5 =	sadd.s32 @p0 $0x11B8D, s5;
	s6 =	sshll.u32 @p0 s4, $0x11  }
0xaa: {  	s5 =	sor.u32 @p0 s6, s5  }
0xab: {  	[sflag:s5] =	ssyncadd.remote.s32 @p0 $0x1;
	_ =	sdelay $0x1  }
0xac: {  	s5 =	simm.s32 @p0 $0x1B8D  }
0xad: {  	_ =	swait.eq @p0 [sflag:s5], $0x1  }
0xae: {  	[sflag:s5] =	ssyncadd.s32 @p0 $0xFFFFFFFF  }
0xaf: {  	s6 =	sshll.u32 @!p0 s1, $0xE  }
0xb0: {  	s6 =	sor.u32 @!p0 $0x4000, s6;
	s5 =	simm.s32 @!p0 $0x1B8D  }
0xb1: {  	s4 =	sshll.u32 @!p0 s4, $0x11;
	s6 =	sadd.s32 @!p0 $0x11B8D, s6;
	_ =	swait.eq @!p0 [sflag:s5], $0x1  }
0xb2: {  	s4 =	sor.u32 @!p0 s4, s6;
	[sflag:s5] =	ssyncadd.s32 @!p0 $0xFFFFFFFF  }
0xb3: {  	s25 =	simm.s32 $0x1B8E;
	s24 =	sld [smem:$0x3FFE];
	[sflag:s4] =	ssyncadd.remote.s32 @!p0 $0x1  }
0xb4: {  	s26 =	simm.s32 $execute0_lowered;
	[smem:$0x3FD2] =	sst s25  }
0xb5: {  	s5 =	sshll.u32 s26, $0x1;
	_ =	strace $0x80000049;
	[dreg:$0x1] =	wrdreg $0xFFFFFFFF  }
0xb6: {  	s28 =	simm.s32 $_size_execute0_lowered;
	s3 =	sadd.s32 s3, s5;
	[dreg:$0x0] =	wrdreg $0x0  }
0xb7: {  	s5 =	sshll.u32 s28, $0x1;
	[dreg:$0x2] =	wrdreg s3  }
0xb8: {  	[dreg:$0x3] =	wrdreg s5  }
0xb9: {  	[dreg:$0x4] =	wrdreg $0xC0  }
0xba: {  	_ =	task [dreg:s22], $0x5FFFF  }
0xbb: {  	[dreg:$0x1] =	wrdreg $0xFFFFFFFF  }
0xbc: {  	[dreg:$0x0] =	wrdreg $0x60  }
0xbd: {  	[dreg:$0x2] =	wrdreg s24  }
0xbe: {  	[dreg:$0x3] =	wrdreg $0x48000  }
0xbf: {  	[dreg:$0x4] =	wrdreg $0x9  }
0xc0: {  	_ =	task.clear_ibuf [dreg:s22], $0x5FFFF;
	_ =	strace $0x90000049  }
0xc1: {  	s29 =	simm.s32 $0x9;
	_ =	strace $0x8000004B  }
0xc2: {  	_ =	swait.ge [sflag:s29], $0x1  }
0xc3: {  	[sflag:s29] =	ssyncadd.s32 $0xFFFFFFFF  }
0xc4: {  	_ =	strace $0x9000004B  }
0xc5: {  	_ =	sfence  }
0xc6: {  	s30 =	sld [smem:$0x0];
	_ =	sdelay $0x2  }
0xc7: {  	s31 =	sshll.u32 s1, $0xD;
	s1 =	sshrl.u32 s1, $0x2  }
0xc8: {  	s4 =	sand.u32 $0x4000, s31;
	s1 =	sadd.s32 s1, s30  }
0xc9: {  	s0 =	sor.u32 s4, s0;
	s1 =	sshll.u32 s1, $0x11  }
0xca: {  	s0 =	sor.u32 s1, s0  }
0xcb: {  	s0 =	sadd.s32 $0x8F2B, s0  }
0xcc: {  	[sflag:s0] =	ssyncadd.remote.s32 $0x1  }
0xcd: {  	_ =	sfence.sel $0xFFFF  }
0xce: {  	[dreg:$0x0] =	wrdreg $0xFFFFFFFF;
	(pc) =	sbr.abs _section_cstart, $3  }
0xcf: {  	[dreg:$0x1] =	wrdreg $0xFFFFFFFF  }
0xd0: {  	_ =	task.clear_ibuf [dreg:s22], $0x2FFFF;
	_ =	strace $0x9FFFFFFF  }
0xd1: {  	(tm) =	ssettm $0x7FFFFFFF  }
tec
execute0_lowered:
.L_overlay_start_1:
0x0: {  	(tag) =	ssettag $0x1  }
0x1: {  	s0 =	srdreg.scid  }
0x2: {  	s11 =	stileid.u32;
	s5 =	rddreg [dreg:$0x0]  }
0x3: {  	s2 =	rddreg [dreg:$0x1];
	s3 =	simm.s32 $0x0;
	s13 =	simm.s32 $0x800  }
0x4: {  	s14 =	simm.s32 $0x2;
	s15 =	simm.s32 $0x80;
	s16 =	simm.s32 $0x100  }
0x5: {  	s17 =	simm.s32 $0x180;
	s18 =	simm.s32 $0x200;
	s19 =	simm.s32 $0x280  }
0x6: {  	s20 =	simm.s32 $0x300;
	s21 =	simm.s32 $0x380;
	s22 =	simm.s32 $0x400  }
0x7: {  	s23 =	simm.s32 $0x480;
	s24 =	simm.s32 $0x500;
	s25 =	simm.s32 $0x580  }
0x8: {  	s28 =	simm.s32 $0x680;
	s29 =	simm.s32 $0x700;
	s4 =	smul.u32 $0x2800, s11  }
0x9: {  	s30 =	simm.s32 $0x780;
	s31 =	simm.s32 $0x1;
	s6 =	smul.u32 $0x4E000, s11  }
0xa: {  	s0 =	sand.u32 $0x1, s0;
	[smem:$0x7FF] =	sst s3;
	s9 =	smul.u32 $0x2700, s11  }
0xb: {  	s10 =	sadd.s32 $0x83800, s5;
	p0 =	seq.s32 s11, $0xF;
	s1 =	smul.u32 $0x28000, s0  }
0xc: {  	_ =	strace $0x8000004A;
	s7 =	smul.u32 $0x27100, s0;
	s8 =	ssub.s32 $0x2, s0  }
0xd: {  	[dreg:$0x3] =	wrdreg s10;
	s0 =	smul.u32 $0x138800, s0;
	s10 =	sadd.s32 $0x124800, s2  }
0xe: {  	s26 =	sshrl.u32 s8, $0x1;
	s6 =	sshrl.u32 s6, $0x2;
	s10 =	sshrl.u32 @p0 s10, $0x3  }
0xf: {  	s1 =	sadd.s32 s4, s1;
	s4 =	sadd.s32 $0x32E00, s5;
	s8 =	ssub.s32 s8, s26  }
0x10: {  	s6 =	sadd.s32 s6, s2;
	s7 =	sadd.s32 s9, s7;
	s1 =	sshrl.u32 s1, $0x3  }
0x11: {  	s0 =	sshrl.u32 s0, $0x3;
	s1 =	sadd.s32 s1, s5;
	s5 =	sadd.s32 $0x84000, s5  }
0x12: {  	s26 =	simm.s32 $0x600;
	s8 =	smax.u32 s8, $0x1;
	s0 =	sadd.s32 s5, s0  }
0x13: {  	s12 =	sshrl.u32 @!p0 s6, $0x3;
	s7 =	sadd.s32 s5, s7;
	s0 =	sadd.s32 $0x24900, s0  }
0x14: {  	s9 =	sadd.s32 $0x1800, s1;
	[dreg:$0x5] =	wrdreg s0;
	s0 =	sshll.u32 @!p0 s11, $0x6  }
0x15: {  	s1 =	simm.s32 $0x0;
	[dreg:$0x4] =	wrdreg s7;
	s11 =	sor.u32 @!p0 $0x1C02, s0  }
.LBB2_1:
0x16: {  	s0 =	simm.s32 @p0 $0x1FC2  }
0x17: {  	[spmem:s10], [sflag:s0] =	dma.local @p0 [hbm:s4], $0x2800  }
0x18: {  	s0 =	simm.s32 @p0 $0x2  }
0x19: {  	_ =	swait.ge @p0 [sflag:s0], $0x2800  }
0x1a: {  	[sflag:s0] =	ssyncset.done @p0 $0x0  }
0x1b: {  	[sflag:s0] =	ssyncadd.s32 @p0 $0xFFFFD800;
	s0 =	simm.s32 @!p0 $0x2  }
0x1c: {  	[spmem:s12], [sflag:s11] =	dma.local @!p0 [hbm:s4], $0x2700  }
0x1d: {  	_ =	swait.ge @!p0 [sflag:s0], $0x2700  }
0x1e: {  	[sflag:s0] =	ssyncset.done @!p0 $0x0  }
0x1f: {  	s6 =	rddreg [dreg:$0x3];
	[sflag:s0] =	ssyncadd.s32 @!p0 $0xFFFFD900  }
0x20: {  	[tilespmem:s13], [sflag:$0x2] =	stream.linear.gather [hbm4b:s6+s3], $0x4000, $0x38;
	[tilespmem:$0x18280] =	vst v63  }
0x21: {  	_ =	swait.ge [sflag:s14], $0x4000  }
0x22: {  	[sflag:s14] =	ssyncset.done $0x0  }
0x23: {  	[sflag:s14] =	ssyncadd.s32 $0xFFFFC000  }
0x24: {  	s7 =	sadd.s32 $0x0, s9;
	[bflag:$0x0] =	sbarrier.arrive $0xFFFF  }
0x25: {  	[tilespmem:s3], [sflag:$0x2] =	stream.linear.gather [hbm4b:s7+s3], $0x800, $0x38;
	[tilespmem:$0x18280] =	vst v63  }
0x26: {  	_ =	swait.ge [sflag:s14], $0x800  }
0x27: {  	[sflag:s14] =	ssyncset.done $0x0  }
0x28: {  	[sflag:s14] =	ssyncadd.s32 $0xFFFFF800  }
0x29: {  	[spmem:s2] =	stream.indirect.scatter.add.f32 [tilespmem:s13], [sflag:$0x1], $0x80, s3, s15, $0xb8;
	[tilespmem:$0x18280] =	vst v63  }
0x2a: {  	_ = 	snop  }
0x2b: {  	[spmem:s2] =	stream.indirect.scatter.add.f32 [tilespmem:s13], [sflag:$0x1], $0x80, s15, s15, $0xb8;
	[tilespmem:$0x18280] =	vst v63  }
0x2c: {  	_ = 	snop  }
0x2d: {  	[spmem:s2] =	stream.indirect.scatter.add.f32 [tilespmem:s13], [sflag:$0x1], $0x80, s16, s15, $0xb8;
	[tilespmem:$0x18280] =	vst v63  }
0x2e: {  	_ = 	snop  }
0x2f: {  	[spmem:s2] =	stream.indirect.scatter.add.f32 [tilespmem:s13], [sflag:$0x1], $0x80, s17, s15, $0xb8;
	[tilespmem:$0x18280] =	vst v63  }
0x30: {  	_ = 	snop  }
0x31: {  	[spmem:s2] =	stream.indirect.scatter.add.f32 [tilespmem:s13], [sflag:$0x1], $0x80, s18, s15, $0xb8;
	[tilespmem:$0x18280] =	vst v63  }
0x32: {  	_ = 	snop  }
0x33: {  	[spmem:s2] =	stream.indirect.scatter.add.f32 [tilespmem:s13], [sflag:$0x1], $0x80, s19, s15, $0xb8;
	[tilespmem:$0x18280] =	vst v63  }
0x34: {  	_ = 	snop  }
0x35: {  	[spmem:s2] =	stream.indirect.scatter.add.f32 [tilespmem:s13], [sflag:$0x1], $0x80, s20, s15, $0xb8;
	[tilespmem:$0x18280] =	vst v63  }
0x36: {  	_ = 	snop  }
0x37: {  	[spmem:s2] =	stream.indirect.scatter.add.f32 [tilespmem:s13], [sflag:$0x1], $0x80, s21, s15, $0xb8;
	[tilespmem:$0x18280] =	vst v63  }
0x38: {  	_ = 	snop  }
0x39: {  	[spmem:s2] =	stream.indirect.scatter.add.f32 [tilespmem:s13], [sflag:$0x1], $0x80, s22, s15, $0xb8;
	[tilespmem:$0x18280] =	vst v63  }
0x3a: {  	_ = 	snop  }
0x3b: {  	[spmem:s2] =	stream.indirect.scatter.add.f32 [tilespmem:s13], [sflag:$0x1], $0x80, s23, s15, $0xb8;
	[tilespmem:$0x18280] =	vst v63  }
0x3c: {  	_ = 	snop  }
0x3d: {  	[spmem:s2] =	stream.indirect.scatter.add.f32 [tilespmem:s13], [sflag:$0x1], $0x80, s24, s15, $0xb8;
	[tilespmem:$0x18280] =	vst v63  }
0x3e: {  	_ = 	snop  }
0x3f: {  	[spmem:s2] =	stream.indirect.scatter.add.f32 [tilespmem:s13], [sflag:$0x1], $0x80, s25, s15, $0xb8;
	[tilespmem:$0x18280] =	vst v63  }
0x40: {  	_ = 	snop  }
0x41: {  	[spmem:s2] =	stream.indirect.scatter.add.f32 [tilespmem:s13], [sflag:$0x1], $0x80, s26, s15, $0xb8;
	[tilespmem:$0x18280] =	vst v63  }
0x42: {  	_ = 	snop  }
0x43: {  	[spmem:s2] =	stream.indirect.scatter.add.f32 [tilespmem:s13], [sflag:$0x1], $0x80, s28, s15, $0xb8;
	[tilespmem:$0x18280] =	vst v63  }
0x44: {  	_ = 	snop  }
0x45: {  	[spmem:s2] =	stream.indirect.scatter.add.f32 [tilespmem:s13], [sflag:$0x1], $0x80, s29, s15, $0xb8;
	[tilespmem:$0x18280] =	vst v63  }
0x46: {  	_ = 	snop  }
0x47: {  	[spmem:s2] =	stream.indirect.scatter.add.f32 [tilespmem:s13], [sflag:$0x1], $0x80, s30, s15, $0xb8;
	[tilespmem:$0x18280] =	vst v63  }
0x48: {  	_ =	swait.ge [sflag:s31], $0x4000  }
0x49: {  	[sflag:s31] =	ssyncset.done $0x0  }
0x4a: {  	[sflag:s31] =	ssyncadd.s32 $0xFFFFC000  }
0x4b: {  	_ =	swait.ge [sflag:s31], $0x4000  }
0x4c: {  	[sflag:s31] =	ssyncset.done $0x0  }
0x4d: {  	[sflag:s31] =	ssyncadd.s32 $0xFFFFC000  }
0x4e: {  	_ =	swait.ge [sflag:s31], $0x4000  }
0x4f: {  	[sflag:s31] =	ssyncset.done $0x0  }
0x50: {  	[sflag:s31] =	ssyncadd.s32 $0xFFFFC000  }
0x51: {  	_ =	swait.ge [sflag:s31], $0x4000  }
0x52: {  	[sflag:s31] =	ssyncset.done $0x0  }
0x53: {  	[sflag:s31] =	ssyncadd.s32 $0xFFFFC000  }
0x54: {  	_ =	swait.ge [sflag:s31], $0x4000  }
0x55: {  	[sflag:s31] =	ssyncset.done $0x0  }
0x56: {  	[sflag:s31] =	ssyncadd.s32 $0xFFFFC000  }
0x57: {  	_ =	swait.ge [sflag:s31], $0x4000  }
0x58: {  	[sflag:s31] =	ssyncset.done $0x0  }
0x59: {  	[sflag:s31] =	ssyncadd.s32 $0xFFFFC000  }
0x5a: {  	_ =	swait.ge [sflag:s31], $0x4000  }
0x5b: {  	[sflag:s31] =	ssyncset.done $0x0  }
0x5c: {  	[sflag:s31] =	ssyncadd.s32 $0xFFFFC000  }
0x5d: {  	_ =	swait.ge [sflag:s31], $0x4000  }
0x5e: {  	[sflag:s31] =	ssyncset.done $0x0  }
0x5f: {  	[sflag:s31] =	ssyncadd.s32 $0xFFFFC000  }
0x60: {  	_ =	swait.ge [sflag:s31], $0x4000  }
0x61: {  	[sflag:s31] =	ssyncset.done $0x0  }
0x62: {  	[sflag:s31] =	ssyncadd.s32 $0xFFFFC000  }
0x63: {  	_ =	swait.ge [sflag:s31], $0x4000  }
0x64: {  	[sflag:s31] =	ssyncset.done $0x0  }
0x65: {  	[sflag:s31] =	ssyncadd.s32 $0xFFFFC000  }
0x66: {  	_ =	swait.ge [sflag:s31], $0x4000  }
0x67: {  	[sflag:s31] =	ssyncset.done $0x0  }
0x68: {  	[sflag:s31] =	ssyncadd.s32 $0xFFFFC000  }
0x69: {  	_ =	swait.ge [sflag:s31], $0x4000  }
0x6a: {  	[sflag:s31] =	ssyncset.done $0x0  }
0x6b: {  	[sflag:s31] =	ssyncadd.s32 $0xFFFFC000  }
0x6c: {  	_ =	swait.ge [sflag:s31], $0x4000  }
0x6d: {  	[sflag:s31] =	ssyncset.done $0x0  }
0x6e: {  	[sflag:s31] =	ssyncadd.s32 $0xFFFFC000  }
0x6f: {  	_ =	swait.ge [sflag:s31], $0x4000  }
0x70: {  	[sflag:s31] =	ssyncset.done $0x0  }
0x71: {  	[sflag:s31] =	ssyncadd.s32 $0xFFFFC000  }
0x72: {  	_ =	swait.ge [sflag:s31], $0x4000  }
0x73: {  	[sflag:s31] =	ssyncset.done $0x0  }
0x74: {  	[sflag:s31] =	ssyncadd.s32 $0xFFFFC000  }
0x75: {  	_ =	swait.ge [sflag:s31], $0x4000  }
0x76: {  	s5 =	simm.s32 $0x200;
	s0 =	simm.s32 $0x100;
	[sflag:s31] =	ssyncset.done $0x0  }
.LBB2_2:
0x77: {  	s7 =	sadd.s32 s0, s9  }
0x78: {  	[sflag:s31] =	ssyncadd.s32 $0xFFFFC000;
	s0 =	smov.u32 s5;
	s6 =	sadd.s32 $0x100, s5  }
0x79: {  	[tilespmem:s3], [sflag:$0x2] =	stream.linear.gather [hbm4b:s7+s3], $0x800, $0x38;
	[tilespmem:$0x18280] =	vst v63  }
0x7a: {  	p1 =	sne.s32 s5, $0x400;
	_ =	swait.ge [sflag:s14], $0x800  }
0x7b: {  	[sflag:s14] =	ssyncset.done $0x0  }
0x7c: {  	[sflag:s14] =	ssyncadd.s32 $0xFFFFF800  }
0x7d: {  	[spmem:s2] =	stream.indirect.scatter.add.f32 [tilespmem:s13], [sflag:$0x1], $0x80, s3, s15, $0xb8;
	[tilespmem:$0x18280] =	vst v63  }
0x7e: {  	_ = 	snop  }
0x7f: {  	[spmem:s2] =	stream.indirect.scatter.add.f32 [tilespmem:s13], [sflag:$0x1], $0x80, s15, s15, $0xb8;
	[tilespmem:$0x18280] =	vst v63  }
0x80: {  	_ = 	snop  }
0x81: {  	[spmem:s2] =	stream.indirect.scatter.add.f32 [tilespmem:s13], [sflag:$0x1], $0x80, s16, s15, $0xb8;
	[tilespmem:$0x18280] =	vst v63  }
0x82: {  	_ = 	snop  }
0x83: {  	[spmem:s2] =	stream.indirect.scatter.add.f32 [tilespmem:s13], [sflag:$0x1], $0x80, s17, s15, $0xb8;
	[tilespmem:$0x18280] =	vst v63  }
0x84: {  	_ = 	snop  }
0x85: {  	[spmem:s2] =	stream.indirect.scatter.add.f32 [tilespmem:s13], [sflag:$0x1], $0x80, s18, s15, $0xb8;
	[tilespmem:$0x18280] =	vst v63  }
0x86: {  	_ = 	snop  }
0x87: {  	[spmem:s2] =	stream.indirect.scatter.add.f32 [tilespmem:s13], [sflag:$0x1], $0x80, s19, s15, $0xb8;
	[tilespmem:$0x18280] =	vst v63  }
0x88: {  	_ = 	snop  }
0x89: {  	[spmem:s2] =	stream.indirect.scatter.add.f32 [tilespmem:s13], [sflag:$0x1], $0x80, s20, s15, $0xb8;
	[tilespmem:$0x18280] =	vst v63  }
0x8a: {  	_ = 	snop  }
0x8b: {  	[spmem:s2] =	stream.indirect.scatter.add.f32 [tilespmem:s13], [sflag:$0x1], $0x80, s21, s15, $0xb8;
	[tilespmem:$0x18280] =	vst v63  }
0x8c: {  	_ = 	snop  }
0x8d: {  	[spmem:s2] =	stream.indirect.scatter.add.f32 [tilespmem:s13], [sflag:$0x1], $0x80, s22, s15, $0xb8;
	[tilespmem:$0x18280] =	vst v63  }
0x8e: {  	_ = 	snop  }
0x8f: {  	[spmem:s2] =	stream.indirect.scatter.add.f32 [tilespmem:s13], [sflag:$0x1], $0x80, s23, s15, $0xb8;
	[tilespmem:$0x18280] =	vst v63  }
0x90: {  	_ = 	snop  }
0x91: {  	[spmem:s2] =	stream.indirect.scatter.add.f32 [tilespmem:s13], [sflag:$0x1], $0x80, s24, s15, $0xb8;
	[tilespmem:$0x18280] =	vst v63  }
0x92: {  	_ = 	snop  }
0x93: {  	[spmem:s2] =	stream.indirect.scatter.add.f32 [tilespmem:s13], [sflag:$0x1], $0x80, s25, s15, $0xb8;
	[tilespmem:$0x18280] =	vst v63  }
0x94: {  	_ = 	snop  }
0x95: {  	[spmem:s2] =	stream.indirect.scatter.add.f32 [tilespmem:s13], [sflag:$0x1], $0x80, s26, s15, $0xb8;
	[tilespmem:$0x18280] =	vst v63  }
0x96: {  	_ = 	snop  }
0x97: {  	[spmem:s2] =	stream.indirect.scatter.add.f32 [tilespmem:s13], [sflag:$0x1], $0x80, s28, s15, $0xb8;
	[tilespmem:$0x18280] =	vst v63  }
0x98: {  	_ = 	snop  }
0x99: {  	[spmem:s2] =	stream.indirect.scatter.add.f32 [tilespmem:s13], [sflag:$0x1], $0x80, s29, s15, $0xb8;
	[tilespmem:$0x18280] =	vst v63  }
0x9a: {  	_ = 	snop  }
0x9b: {  	[spmem:s2] =	stream.indirect.scatter.add.f32 [tilespmem:s13], [sflag:$0x1], $0x80, s30, s15, $0xb8;
	[tilespmem:$0x18280] =	vst v63  }
0x9c: {  	_ =	swait.ge [sflag:s31], $0x4000  }
0x9d: {  	[sflag:s31] =	ssyncset.done $0x0  }
0x9e: {  	[sflag:s31] =	ssyncadd.s32 $0xFFFFC000  }
0x9f: {  	_ =	swait.ge [sflag:s31], $0x4000  }
0xa0: {  	[sflag:s31] =	ssyncset.done $0x0  }
0xa1: {  	[sflag:s31] =	ssyncadd.s32 $0xFFFFC000  }
0xa2: {  	_ =	swait.ge [sflag:s31], $0x4000  }
0xa3: {  	[sflag:s31] =	ssyncset.done $0x0  }
0xa4: {  	[sflag:s31] =	ssyncadd.s32 $0xFFFFC000  }
0xa5: {  	_ =	swait.ge [sflag:s31], $0x4000  }
0xa6: {  	[sflag:s31] =	ssyncset.done $0x0  }
0xa7: {  	[sflag:s31] =	ssyncadd.s32 $0xFFFFC000  }
0xa8: {  	_ =	swait.ge [sflag:s31], $0x4000  }
0xa9: {  	[sflag:s31] =	ssyncset.done $0x0  }
0xaa: {  	[sflag:s31] =	ssyncadd.s32 $0xFFFFC000  }
0xab: {  	_ =	swait.ge [sflag:s31], $0x4000  }
0xac: {  	[sflag:s31] =	ssyncset.done $0x0  }
0xad: {  	[sflag:s31] =	ssyncadd.s32 $0xFFFFC000  }
0xae: {  	_ =	swait.ge [sflag:s31], $0x4000  }
0xaf: {  	[sflag:s31] =	ssyncset.done $0x0  }
0xb0: {  	[sflag:s31] =	ssyncadd.s32 $0xFFFFC000  }
0xb1: {  	_ =	swait.ge [sflag:s31], $0x4000  }
0xb2: {  	[sflag:s31] =	ssyncset.done $0x0  }
0xb3: {  	[sflag:s31] =	ssyncadd.s32 $0xFFFFC000  }
0xb4: {  	_ =	swait.ge [sflag:s31], $0x4000  }
0xb5: {  	[sflag:s31] =	ssyncset.done $0x0  }
0xb6: {  	[sflag:s31] =	ssyncadd.s32 $0xFFFFC000  }
0xb7: {  	_ =	swait.ge [sflag:s31], $0x4000  }
0xb8: {  	[sflag:s31] =	ssyncset.done $0x0  }
0xb9: {  	[sflag:s31] =	ssyncadd.s32 $0xFFFFC000  }
0xba: {  	_ =	swait.ge [sflag:s31], $0x4000  }
0xbb: {  	[sflag:s31] =	ssyncset.done $0x0  }
0xbc: {  	[sflag:s31] =	ssyncadd.s32 $0xFFFFC000  }
0xbd: {  	_ =	swait.ge [sflag:s31], $0x4000  }
0xbe: {  	[sflag:s31] =	ssyncset.done $0x0  }
0xbf: {  	[sflag:s31] =	ssyncadd.s32 $0xFFFFC000  }
0xc0: {  	_ =	swait.ge [sflag:s31], $0x4000  }
0xc1: {  	[sflag:s31] =	ssyncset.done $0x0  }
0xc2: {  	[sflag:s31] =	ssyncadd.s32 $0xFFFFC000  }
0xc3: {  	_ =	swait.ge [sflag:s31], $0x4000  }
0xc4: {  	[sflag:s31] =	ssyncset.done $0x0  }
0xc5: {  	[sflag:s31] =	ssyncadd.s32 $0xFFFFC000  }
.Ltmp0:
0xc6: {  	_ =	swait.ge [sflag:s31], $0x4000;
	(pc) =	sbr.rel @p1 .LBB2_2-.Ltmp0, $4  }
0xc7: {  	[sflag:s31] =	ssyncset.done $0x0  }
0xc8: {  	[sflag:s31] =	ssyncadd.s32 $0xFFFFC000  }
0xc9: {  	_ =	swait.ge [sflag:s31], $0x4000  }
0xca: {  	s5 =	smov.u32 s6;
	[sflag:s31] =	ssyncset.done $0x0  }
0xcb: {  	s0 =	sadd.s32 s0, s9;
	[sflag:s31] =	ssyncadd.s32 $0xFFFFC000  }
0xcc: {  	[tilespmem:s3], [sflag:$0x2] =	stream.linear.gather [hbm4b:s0+s3], $0x800, $0x38;
	[tilespmem:$0x18280] =	vst v63  }
0xcd: {  	_ =	swait.ge [sflag:s14], $0x800  }
0xce: {  	[sflag:s14] =	ssyncset.done $0x0  }
0xcf: {  	[sflag:s14] =	ssyncadd.s32 $0xFFFFF800  }
0xd0: {  	[spmem:s2] =	stream.indirect.scatter.add.f32 [tilespmem:s13], [sflag:$0x1], $0x80, s3, s15, $0xb8;
	[tilespmem:$0x18280] =	vst v63  }
0xd1: {  	_ = 	snop  }
0xd2: {  	[spmem:s2] =	stream.indirect.scatter.add.f32 [tilespmem:s13], [sflag:$0x1], $0x80, s15, s15, $0xb8;
	[tilespmem:$0x18280] =	vst v63  }
0xd3: {  	_ = 	snop  }
0xd4: {  	[spmem:s2] =	stream.indirect.scatter.add.f32 [tilespmem:s13], [sflag:$0x1], $0x80, s16, s15, $0xb8;
	[tilespmem:$0x18280] =	vst v63  }
0xd5: {  	_ = 	snop  }
0xd6: {  	[spmem:s2] =	stream.indirect.scatter.add.f32 [tilespmem:s13], [sflag:$0x1], $0x80, s17, s15, $0xb8;
	[tilespmem:$0x18280] =	vst v63  }
0xd7: {  	_ = 	snop  }
0xd8: {  	[spmem:s2] =	stream.indirect.scatter.add.f32 [tilespmem:s13], [sflag:$0x1], $0x80, s18, s15, $0xb8;
	[tilespmem:$0x18280] =	vst v63  }
0xd9: {  	_ = 	snop  }
0xda: {  	[spmem:s2] =	stream.indirect.scatter.add.f32 [tilespmem:s13], [sflag:$0x1], $0x80, s19, s15, $0xb8;
	[tilespmem:$0x18280] =	vst v63  }
0xdb: {  	_ = 	snop  }
0xdc: {  	[spmem:s2] =	stream.indirect.scatter.add.f32 [tilespmem:s13], [sflag:$0x1], $0x80, s20, s15, $0xb8;
	[tilespmem:$0x18280] =	vst v63  }
0xdd: {  	_ = 	snop  }
0xde: {  	[spmem:s2] =	stream.indirect.scatter.add.f32 [tilespmem:s13], [sflag:$0x1], $0x80, s21, s15, $0xb8;
	[tilespmem:$0x18280] =	vst v63  }
0xdf: {  	_ = 	snop  }
0xe0: {  	[spmem:s2] =	stream.indirect.scatter.add.f32 [tilespmem:s13], [sflag:$0x1], $0x80, s22, s15, $0xb8;
	[tilespmem:$0x18280] =	vst v63  }
0xe1: {  	_ = 	snop  }
0xe2: {  	[spmem:s2] =	stream.indirect.scatter.add.f32 [tilespmem:s13], [sflag:$0x1], $0x80, s23, s15, $0xb8;
	[tilespmem:$0x18280] =	vst v63  }
0xe3: {  	_ = 	snop  }
0xe4: {  	[spmem:s2] =	stream.indirect.scatter.add.f32 [tilespmem:s13], [sflag:$0x1], $0x80, s24, s15, $0xb8;
	[tilespmem:$0x18280] =	vst v63  }
0xe5: {  	_ = 	snop  }
0xe6: {  	[spmem:s2] =	stream.indirect.scatter.add.f32 [tilespmem:s13], [sflag:$0x1], $0x80, s25, s15, $0xb8;
	[tilespmem:$0x18280] =	vst v63  }
0xe7: {  	_ = 	snop  }
0xe8: {  	[spmem:s2] =	stream.indirect.scatter.add.f32 [tilespmem:s13], [sflag:$0x1], $0x80, s26, s15, $0xb8;
	[tilespmem:$0x18280] =	vst v63  }
0xe9: {  	_ = 	snop  }
0xea: {  	[spmem:s2] =	stream.indirect.scatter.add.f32 [tilespmem:s13], [sflag:$0x1], $0x80, s28, s15, $0xb8;
	[tilespmem:$0x18280] =	vst v63  }
0xeb: {  	_ = 	snop  }
0xec: {  	[spmem:s2] =	stream.indirect.scatter.add.f32 [tilespmem:s13], [sflag:$0x1], $0x80, s29, s15, $0xb8;
	[tilespmem:$0x18280] =	vst v63  }
0xed: {  	_ = 	snop  }
0xee: {  	[spmem:s2] =	stream.indirect.scatter.add.f32 [tilespmem:s13], [sflag:$0x1], $0x80, s30, s15, $0xb8;
	[tilespmem:$0x18280] =	vst v63  }
0xef: {  	_ =	swait.ge [sflag:s31], $0x4000  }
0xf0: {  	[sflag:s31] =	ssyncset.done $0x0  }
0xf1: {  	[sflag:s31] =	ssyncadd.s32 $0xFFFFC000  }
0xf2: {  	_ =	swait.ge [sflag:s31], $0x4000  }
0xf3: {  	[sflag:s31] =	ssyncset.done $0x0  }
0xf4: {  	[sflag:s31] =	ssyncadd.s32 $0xFFFFC000  }
0xf5: {  	_ =	swait.ge [sflag:s31], $0x4000  }
0xf6: {  	[sflag:s31] =	ssyncset.done $0x0  }
0xf7: {  	[sflag:s31] =	ssyncadd.s32 $0xFFFFC000  }
0xf8: {  	_ =	swait.ge [sflag:s31], $0x4000  }
0xf9: {  	[sflag:s31] =	ssyncset.done $0x0  }
0xfa: {  	[sflag:s31] =	ssyncadd.s32 $0xFFFFC000  }
0xfb: {  	_ =	swait.ge [sflag:s31], $0x4000  }
0xfc: {  	[sflag:s31] =	ssyncset.done $0x0  }
0xfd: {  	[sflag:s31] =	ssyncadd.s32 $0xFFFFC000  }
0xfe: {  	_ =	swait.ge [sflag:s31], $0x4000  }
0xff: {  	[sflag:s31] =	ssyncset.done $0x0  }
0x100: {  	[sflag:s31] =	ssyncadd.s32 $0xFFFFC000  }
0x101: {  	_ =	swait.ge [sflag:s31], $0x4000  }
0x102: {  	[sflag:s31] =	ssyncset.done $0x0  }
0x103: {  	[sflag:s31] =	ssyncadd.s32 $0xFFFFC000  }
0x104: {  	_ =	swait.ge [sflag:s31], $0x4000  }
0x105: {  	[sflag:s31] =	ssyncset.done $0x0  }
0x106: {  	[sflag:s31] =	ssyncadd.s32 $0xFFFFC000  }
0x107: {  	_ =	swait.ge [sflag:s31], $0x4000  }
0x108: {  	[sflag:s31] =	ssyncset.done $0x0  }
0x109: {  	[sflag:s31] =	ssyncadd.s32 $0xFFFFC000  }
0x10a: {  	_ =	swait.ge [sflag:s31], $0x4000  }
0x10b: {  	[sflag:s31] =	ssyncset.done $0x0  }
0x10c: {  	[sflag:s31] =	ssyncadd.s32 $0xFFFFC000  }
0x10d: {  	_ =	swait.ge [sflag:s31], $0x4000  }
0x10e: {  	[sflag:s31] =	ssyncset.done $0x0  }
0x10f: {  	[sflag:s31] =	ssyncadd.s32 $0xFFFFC000  }
0x110: {  	_ =	swait.ge [sflag:s31], $0x4000  }
0x111: {  	[sflag:s31] =	ssyncset.done $0x0  }
0x112: {  	[sflag:s31] =	ssyncadd.s32 $0xFFFFC000  }
0x113: {  	_ =	swait.ge [sflag:s31], $0x4000  }
0x114: {  	[sflag:s31] =	ssyncset.done $0x0  }
0x115: {  	[sflag:s31] =	ssyncadd.s32 $0xFFFFC000  }
0x116: {  	_ =	swait.ge [sflag:s31], $0x4000  }
0x117: {  	[sflag:s31] =	ssyncset.done $0x0  }
0x118: {  	[sflag:s31] =	ssyncadd.s32 $0xFFFFC000  }
0x119: {  	_ =	swait.ge [sflag:s31], $0x4000  }
0x11a: {  	[sflag:s31] =	ssyncset.done $0x0  }
0x11b: {  	[sflag:s31] =	ssyncadd.s32 $0xFFFFC000  }
0x11c: {  	_ =	swait.ge [sflag:s31], $0x4000  }
0x11d: {  	[sflag:s31] =	ssyncset.done $0x0  }
0x11e: {  	[sflag:s31] =	ssyncadd.s32 $0xFFFFC000  }
0x11f: {  	[bflag:$0x0] =	sbarrier.arrive $0xFFFF  }
0x120: {  	s0 =	simm.s32 @p0 $0x1FC2;
	s5 =	rddreg [dreg:$0x5]  }
0x121: {  	[hbm:s5], [sflag:s0] =	dma.local @p0 [spmem:s10], $0x2800  }
0x122: {  	s0 =	simm.s32 @p0 $0x2  }
0x123: {  	_ =	swait.ge @p0 [sflag:s0], $0x2800  }
0x124: {  	s1 =	sadd.s32 $0x1, s1;
	[sflag:s0] =	ssyncset.done @p0 $0x0  }
0x125: {  	p1 =	sne.s32 s1, s8;
	[sflag:s0] =	ssyncadd.s32 @p0 $0xFFFFD800;
	s0 =	rddreg [dreg:$0x4]  }
0x126: {  	[hbm:s0], [sflag:s11] =	dma.local @!p0 [spmem:s12], $0x2700  }
.Ltmp1:
0x127: {  	_ = 	snop;
	(pc) =	sbr.rel @p1 .LBB2_1-.Ltmp1, $4  }
0x128: {  	s0 =	simm.s32 @!p0 $0x2  }
0x129: {  	_ =	swait.ge @!p0 [sflag:s0], $0x2700  }
0x12a: {  	[sflag:s0] =	ssyncset.done @!p0 $0x0  }
0x12b: {  	[sflag:s0] =	ssyncadd.s32 @!p0 $0xFFFFD900  }
0x12c: {  	_ =	sfence.sel $0x180000  }
0x12d: {  	[bflag:$0x0] =	sbarrier.arrive $0xFFFF  }
0x12e: {  	_ =	strace $0x9000004A  }
0x12f: {  	s0 =	stileid.u32;
	[bflag:$0x2] =	sbarrier.arrive $0xFFFF  }
0x130: {  	p0 =	sne.s32 s0, $0x0;
	s0 =	rddreg [dreg:$0x2]  }
0x131: {  	s0 =	sadd.s32 @!p0 $0x100000, s0  }
0x132: {  	[sflag:s0] =	ssyncadd.tile.s32 @!p0 $0x1;
	_ =	shalt  }
.Lfunc_end2:
_tile_overlayer_lowered:
.L_overlay_start_2:
0x133: {  	(tag) =	ssettag $0x2  }
0x134: {  	s0 =	rddreg [dreg:$0x0];
	s2 =	stileid.u32  }
0x135: {  	s1 =	rddreg [dreg:$0x1];
	p0 =	sne.s32 s2, $0x0  }
0x136: {  	s3 =	rddreg [dreg:$0x2];
	[bflag:$0x3] =	sbarrier.arrive $0xFFFF;
	s2 =	simm.s32 @!p0 $0x1C02  }
0x137: {  	[timem:s3], [sflag:s2] =	dma.local @!p0 [hbm:s0], s1  }
0x138: {  	s0 =	simm.s32 @!p0 $0x2  }
0x139: {  	_ =	swait.ge @!p0 [sflag:s0], s1  }
0x13a: {  	s1 =	ssub.s32 @!p0 $0x0, s1;
	[sflag:s0] =	ssyncset.done @!p0 $0x0  }
0x13b: {  	[sflag:s0] =	ssyncadd.s32 @!p0 s1  }
0x13c: {  	[bflag:$0x3] =	sbarrier.arrive $0xFFFF  }
0x13d: {  	_ =	shalt  }

</sc_bundles>
